<compile_context>
chip_gen: v7x
topology: tpu7x:2x2x1
jax: 0.10.2.dev20260603
libtpu: 0.0.44.dev20260713+nightly
codegen_flags: <defaults>
</compile_context>

<pallas_src>
import functools

import jax
import jax.numpy as jnp
from jax import lax
from jax.experimental import pallas as pl
from jax.experimental.pallas import tpu as pltpu
from jax.experimental.pallas import tpu_sc as plsc

VOCAB = 1000000
HIDDEN = 64
B = 16384
L = 50

NUM_CORES = 2
NUM_SUBCORES = 16
NW = NUM_CORES * NUM_SUBCORES
ROWS_W = B // NW
NB = 2
RB = 16
STEPS = ROWS_W // RB
MAIN = (STEPS - NB) // NB

_mesh = plsc.VectorSubcoreMesh(core_axis_name="c", subcore_axis_name="s")


@functools.partial(
    pl.kernel,
    mesh=_mesh,
    out_type=jax.ShapeDtypeStruct((B, L, HIDDEN), jnp.float32),
    scratch_types=[
        pltpu.VMEM((RB, L), jnp.int32),
        pltpu.VMEM((RB, L), jnp.int32),
        pltpu.VMEM((RB, L, HIDDEN), jnp.float32),
        pltpu.VMEM((RB, L, HIDDEN), jnp.float32),
        pltpu.SemaphoreType.DMA,
        pltpu.SemaphoreType.DMA,
        pltpu.SemaphoreType.DMA,
        pltpu.SemaphoreType.DMA,
        pltpu.SemaphoreType.DMA,
        pltpu.SemaphoreType.DMA,
    ],
    compiler_params=pltpu.CompilerParams(use_tc_tiling_on_sc=False),
)
def _gather_kernel(x_hbm, table_hbm, out_hbm,
                   idx0, idx1, rows0, rows1,
                   isem0, isem1, gsem0, gsem1, ssem0, ssem1):
    idx_v = (idx0, idx1)
    rows_v = (rows0, rows1)
    isem = (isem0, isem1)
    gsem = (gsem0, gsem1)
    ssem = (ssem0, ssem1)

    wid = lax.axis_index("s") * NUM_CORES + lax.axis_index("c")
    base = wid * ROWS_W

    def row0(i):
        return pl.multiple_of(base + i * RB, 8)

    def start_gathers(b):
        for j in range(RB):
            pltpu.async_copy(table_hbm.at[idx_v[b].at[j]], rows_v[b].at[j], gsem[b])

    def wait_gathers(b):
        for j in range(RB):
            pltpu.make_async_copy(table_hbm.at[idx_v[b].at[j]], rows_v[b].at[j],
                                  gsem[b]).wait()

    for b in range(NB):
        pltpu.async_copy(x_hbm.at[pl.ds(row0(b), RB), :], idx_v[b], isem[b]).wait()
        start_gathers(b)

    def body(g, carry):
        for b in range(NB):
            i = g * NB + b
            wait_gathers(b)
            dstore = pltpu.async_copy(rows_v[b], out_hbm.at[pl.ds(row0(i), RB)], ssem[b])
            didx = pltpu.async_copy(x_hbm.at[pl.ds(row0(i + NB), RB), :], idx_v[b], isem[b])
            didx.wait()
            dstore.wait()
            start_gathers(b)
        return carry

    lax.fori_loop(0, MAIN, body, 0)

    for b in range(NB):
        i = STEPS - NB + b
        wait_gathers(b)
        pltpu.async_copy(rows_v[b], out_hbm.at[pl.ds(row0(i), RB)], ssem[b]).wait()


def kernel(x, table):
    tlin = _detile(table).reshape(VOCAB, HIDDEN)
    return _gather_kernel(x.astype(jnp.int32), tlin)


DBLK = 320
DNB = VOCAB // DBLK
DVB = 98


@functools.partial(
    pl.kernel,
    mesh=_mesh,
    out_type=jax.ShapeDtypeStruct((VOCAB * HIDDEN,), jnp.float32),
    scratch_types=[
        pltpu.VMEM((DBLK, HIDDEN), jnp.float32),
        pltpu.VMEM((DBLK, HIDDEN), jnp.float32),
        pltpu.VMEM((DBLK * HIDDEN,), jnp.float32),
        pltpu.VMEM((DBLK * HIDDEN,), jnp.float32),
        pltpu.SemaphoreType.DMA,
        pltpu.SemaphoreType.DMA,
        pltpu.SemaphoreType.DMA,
        pltpu.SemaphoreType.DMA,
    ],
    compiler_params=pltpu.CompilerParams(use_tc_tiling_on_sc=True),
)
def _detile(t_hbm, out_hbm, b0, b1, f0, f1, r0, r1, w0, w1):
    wid = lax.axis_index("s") * NUM_CORES + lax.axis_index("c")
    buf = (b0, b1)
    fl = (f0, f1)
    rsem = (r0, r1)
    wsem = (w0, w1)

    def row0(j):
        blk = jnp.minimum(wid + j * NW, DNB - 1)
        return pl.multiple_of(blk * DBLK, 8)

    def start_read(j, s):
        pltpu.async_copy(t_hbm.at[pl.ds(row0(j), DBLK), :], buf[s], rsem[s])

    def wait_read(j, s):
        pltpu.make_async_copy(t_hbm.at[pl.ds(row0(j), DBLK), :], buf[s], rsem[s]).wait()

    def compact(s):
        def body(k, carry):
            base = k * 8
            for u2 in range(0, 8, 2):
                wave = []
                for u in (u2, u2 + 1):
                    r = base + u
                    for cc in range(4):
                        wave.append((r * HIDDEN + cc * 16,
                                     buf[s][r, pl.ds(cc * 16, 16)]))
                for off, vec in wave:
                    fl[s][pl.ds(off, 16)] = vec
            return carry
        lax.fori_loop(0, DBLK // 8, body, 0)

    def start_write(j, s):
        pltpu.async_copy(fl[s], out_hbm.at[pl.ds(row0(j) * HIDDEN, DBLK * HIDDEN)], wsem[s])

    def wait_write(j, s):
        pltpu.make_async_copy(fl[s], out_hbm.at[pl.ds(row0(j) * HIDDEN, DBLK * HIDDEN)],
                              wsem[s]).wait()

    start_read(0, 0)
    wait_read(0, 0)
    start_read(1, 1)
    compact(0)
    start_write(0, 0)
    wait_read(1, 1)
    start_read(2, 0)
    compact(1)
    start_write(1, 1)

    def body(g, carry):
        for u in range(2):
            j = g * 2 + u
            wait_read(j, u)
            start_read(j + 1, 1 - u)
            wait_write(j - 2, u)
            compact(u)
            start_write(j, u)
        return carry

    lax.fori_loop(1, DVB // 2, body, 0)

    wait_write(DVB - 2, 0)
    wait_write(DVB - 1, 1)
    wait_read(DVB, 0)

# --- scband reference (transcript-rebuilt; emitter-appended) ---
"""Pipeline reference for scband-naive-model-63874753626259 (READ-ONLY COPY).

The authoritative reference and input builder live on the scoring server;
editing this copy changes nothing except your own understanding.
"""

import jax, jax.numpy as jnp
import numpy as np

VOCAB = 1000000
HIDDEN = 64
B = 16384
L = 50

def setup_inputs(seed: int = 0) -> dict:
    key = jax.random.key(seed)
    k_idx, k_tab = jax.random.split(key)
    x = jax.random.randint(k_idx, (B, L), 0, VOCAB, dtype=jnp.int64 if jax.config.jax_enable_x64 else jnp.int32)
    table = jax.random.normal(k_tab, (VOCAB, HIDDEN), dtype=jnp.float32)
    return {"x": x, "table": table}

def reference(x, table):
    # nn.Embedding lookup: gather rows of the embedding table
    return jnp.take(table, x, axis=0)

if __name__ == "__main__":
    import jax
    _d = setup_inputs()
    print(jax.jit(kernel)(*tuple(_d.values())))

</pallas_src>

<mosaic_0001>
#map = affine_map<(d0, d1) -> (0, 0)>
#map1 = affine_map<(d0, d1) -> (0, 0, 0)>
module attributes {stable_mosaic.version = 14 : i64} {
  func.func @_gather_kernel(%arg0: i32, %arg1: i32, %arg2: memref<16384x50xi32, #tpu.memory_space<hbm>>, %arg3: memref<1000000x64xf32, #tpu.memory_space<hbm>>, %arg4: memref<16384x50x64xf32, #tpu.memory_space<hbm>>, %arg5: memref<16x50xi32, #tpu.memory_space<vmem>>, %arg6: memref<16x50xi32, #tpu.memory_space<vmem>>, %arg7: memref<16x50x64xf32, #tpu.memory_space<vmem>>, %arg8: memref<16x50x64xf32, #tpu.memory_space<vmem>>, %arg9: memref<!tpu.dma_semaphore, #tpu.memory_space<semaphore_mem>>, %arg10: memref<!tpu.dma_semaphore, #tpu.memory_space<semaphore_mem>>, %arg11: memref<!tpu.dma_semaphore, #tpu.memory_space<semaphore_mem>>, %arg12: memref<!tpu.dma_semaphore, #tpu.memory_space<semaphore_mem>>, %arg13: memref<!tpu.dma_semaphore, #tpu.memory_space<semaphore_mem>>, %arg14: memref<!tpu.dma_semaphore, #tpu.memory_space<semaphore_mem>>) attributes {dimension_semantics = [#tpu.dimension_semantics<core_parallel>, #tpu.dimension_semantics<subcore_parallel>], iteration_bounds = array<i64: 2, 16>, scalar_prefetch = 0 : i64, scratch_operands = 10 : i64, tpu.core_type = #tpu.core_type<sc_vector_subcore>, window_params = [{transform_indices = #map}, {transform_indices = #map}, {transform_indices = #map1}]} {
    %mul3A = arith.constant 2 : i32
    %mul3A_0 = arith.muli %arg1, %mul3A : i32
    %add3A = arith.addi %mul3A_0, %arg0 : i32
    %mul3A_1 = arith.constant 512 : i32
    %mul3A_2 = arith.muli %add3A, %mul3A_1 : i32
    %add3A_3 = arith.constant 0 : i32
    %add3A_4 = arith.addi %mul3A_2, %add3A_3 : i32
    %multiple_of3A = tpu.assume_multiple %add3A_4, 8 : i32
    %dma_start3A = arith.constant 0 : i32
    %dma_start3A_5 = tpu.memref_slice %arg2[%multiple_of3A, %dma_start3A] : memref<16384x50xi32, #tpu.memory_space<hbm>> -> memref<16x50xi32, #tpu.memory_space<hbm>>
    %dma_start3A_6 = arith.constant 0 : i32
    %dma_start3A_7 = tpu.memref_slice %arg2[%multiple_of3A, %dma_start3A_6] : memref<16384x50xi32, #tpu.memory_space<hbm>> -> memref<16x50xi32, #tpu.memory_space<hbm>>
    tpu.enqueue_dma source(%dma_start3A_7 : memref<16x50xi32, #tpu.memory_space<hbm>>) target(%arg5 : memref<16x50xi32, #tpu.memory_space<vmem>>) target_semaphore(%arg9 : memref<!tpu.dma_semaphore, #tpu.memory_space<semaphore_mem>>)
    %dma_wait3A = arith.constant 0 : i32
    %dma_wait3A_8 = tpu.memref_slice %arg2[%multiple_of3A, %dma_wait3A] : memref<16384x50xi32, #tpu.memory_space<hbm>> -> memref<16x50xi32, #tpu.memory_space<hbm>>
    %dma_wait3A_9 = arith.constant 0 : i32
    %dma_wait3A_10 = tpu.memref_slice %arg2[%multiple_of3A, %dma_wait3A_9] : memref<16384x50xi32, #tpu.memory_space<hbm>> -> memref<16x50xi32, #tpu.memory_space<hbm>>
    tpu.wait_dma2 semaphore(%arg9 : memref<!tpu.dma_semaphore, #tpu.memory_space<semaphore_mem>>) src(%dma_wait3A_10 : memref<16x50xi32, #tpu.memory_space<hbm>>) dst(%arg5 : memref<16x50xi32, #tpu.memory_space<vmem>>)
    %dma_start3A_11 = arith.constant 0 : i32
    %dma_start3A_12 = arith.constant 0 : i32
    %dma_start3A_13 = arith.constant 0 : i32
    %dma_start3A_14 = arith.constant 0 : i32
    %dma_start3A_15 = tpu.memref_slice %arg7[%dma_start3A_12, %dma_start3A_13, %dma_start3A_14] : memref<16x50x64xf32, #tpu.memory_space<vmem>> -> memref<1x50x64xf32, #tpu.memory_space<vmem>>
    %dma_start3A_16 = tpu.memref_squeeze %dma_start3A_15 : memref<1x50x64xf32, #tpu.memory_space<vmem>> -> memref<50x64xf32, #tpu.memory_space<vmem>>
    %dma_start3A_17 = arith.constant 0 : i32
    %dma_start3A_18 = tpu.memref_slice %arg5[%dma_start3A_11, %dma_start3A_17] : memref<16x50xi32, #tpu.memory_space<vmem>> -> memref<1x50xi32, #tpu.memory_space<vmem>>
    %dma_start3A_19 = tpu.memref_squeeze %dma_start3A_18 : memref<1x50xi32, #tpu.memory_space<vmem>> -> memref<50xi32, #tpu.memory_space<vmem>>
    %dma_start3A_20 = arith.constant 0 : i32
    %dma_start3A_21 = arith.constant 0 : i32
    %dma_start3A_22 = tpu.memref_slice %arg3[%dma_start3A_20, %dma_start3A_21] : memref<1000000x64xf32, #tpu.memory_space<hbm>> -> memref<1000000x64xf32, #tpu.memory_space<hbm>>
    tpu.enqueue_indirect_dma source(%dma_start3A_22 : memref<1000000x64xf32, #tpu.memory_space<hbm>>) target(%dma_start3A_16 : memref<50x64xf32, #tpu.memory_space<vmem>>) offsets(%dma_start3A_19 : memref<50xi32, #tpu.memory_space<vmem>>) semaphore(%arg11 : memref<!tpu.dma_semaphore, #tpu.memory_space<semaphore_mem>>)
    %dma_start3A_23 = arith.constant 1 : i32
    %dma_start3A_24 = arith.constant 1 : i32
    %dma_start3A_25 = arith.constant 0 : i32
    %dma_start3A_26 = arith.constant 0 : i32
    %dma_start3A_27 = tpu.memref_slice %arg7[%dma_start3A_24, %dma_start3A_25, %dma_start3A_26] : memref<16x50x64xf32, #tpu.memory_space<vmem>> -> memref<1x50x64xf32, #tpu.memory_space<vmem>>
    %dma_start3A_28 = tpu.memref_squeeze %dma_start3A_27 : memref<1x50x64xf32, #tpu.memory_space<vmem>> -> memref<50x64xf32, #tpu.memory_space<vmem>>
    %dma_start3A_29 = arith.constant 0 : i32
    %dma_start3A_30 = tpu.memref_slice %arg5[%dma_start3A_23, %dma_start3A_29] : memref<16x50xi32, #tpu.memory_space<vmem>> -> memref<1x50xi32, #tpu.memory_space<vmem>>
    %dma_start3A_31 = tpu.memref_squeeze %dma_start3A_30 : memref<1x50xi32, #tpu.memory_space<vmem>> -> memref<50xi32, #tpu.memory_space<vmem>>
    %dma_start3A_32 = arith.constant 0 : i32
    %dma_start3A_33 = arith.constant 0 : i32
    %dma_start3A_34 = tpu.memref_slice %arg3[%dma_start3A_32, %dma_start3A_33] : memref<1000000x64xf32, #tpu.memory_space<hbm>> -> memref<1000000x64xf32, #tpu.memory_space<hbm>>
    tpu.enqueue_indirect_dma source(%dma_start3A_34 : memref<1000000x64xf32, #tpu.memory_space<hbm>>) target(%dma_start3A_28 : memref<50x64xf32, #tpu.memory_space<vmem>>) offsets(%dma_start3A_31 : memref<50xi32, #tpu.memory_space<vmem>>) semaphore(%arg11 : memref<!tpu.dma_semaphore, #tpu.memory_space<semaphore_mem>>)
    %dma_start3A_35 = arith.constant 2 : i32
    %dma_start3A_36 = arith.constant 2 : i32
    %dma_start3A_37 = arith.constant 0 : i32
    %dma_start3A_38 = arith.constant 0 : i32
    %dma_start3A_39 = tpu.memref_slice %arg7[%dma_start3A_36, %dma_start3A_37, %dma_start3A_38] : memref<16x50x64xf32, #tpu.memory_space<vmem>> -> memref<1x50x64xf32, #tpu.memory_space<vmem>>
    %dma_start3A_40 = tpu.memref_squeeze %dma_start3A_39 : memref<1x50x64xf32, #tpu.memory_space<vmem>> -> memref<50x64xf32, #tpu.memory_space<vmem>>
    %dma_start3A_41 = arith.constant 0 : i32
    %dma_start3A_42 = tpu.memref_slice %arg5[%dma_start3A_35, %dma_start3A_41] : memref<16x50xi32, #tpu.memory_space<vmem>> -> memref<1x50xi32, #tpu.memory_space<vmem>>
    %dma_start3A_43 = tpu.memref_squeeze %dma_start3A_42 : memref<1x50xi32, #tpu.memory_space<vmem>> -> memref<50xi32, #tpu.memory_space<vmem>>
    %dma_start3A_44 = arith.constant 0 : i32
    %dma_start3A_45 = arith.constant 0 : i32
    %dma_start3A_46 = tpu.memref_slice %arg3[%dma_start3A_44, %dma_start3A_45] : memref<1000000x64xf32, #tpu.memory_space<hbm>> -> memref<1000000x64xf32, #tpu.memory_space<hbm>>
    tpu.enqueue_indirect_dma source(%dma_start3A_46 : memref<1000000x64xf32, #tpu.memory_space<hbm>>) target(%dma_start3A_40 : memref<50x64xf32, #tpu.memory_space<vmem>>) offsets(%dma_start3A_43 : memref<50xi32, #tpu.memory_space<vmem>>) semaphore(%arg11 : memref<!tpu.dma_semaphore, #tpu.memory_space<semaphore_mem>>)
    %dma_start3A_47 = arith.constant 3 : i32
    %dma_start3A_48 = arith.constant 3 : i32
    %dma_start3A_49 = arith.constant 0 : i32
    %dma_start3A_50 = arith.constant 0 : i32
    %dma_start3A_51 = tpu.memref_slice %arg7[%dma_start3A_48, %dma_start3A_49, %dma_start3A_50] : memref<16x50x64xf32, #tpu.memory_space<vmem>> -> memref<1x50x64xf32, #tpu.memory_space<vmem>>
    %dma_start3A_52 = tpu.memref_squeeze %dma_start3A_51 : memref<1x50x64xf32, #tpu.memory_space<vmem>> -> memref<50x64xf32, #tpu.memory_space<vmem>>
    %dma_start3A_53 = arith.constant 0 : i32
    %dma_start3A_54 = tpu.memref_slice %arg5[%dma_start3A_47, %dma_start3A_53] : memref<16x50xi32, #tpu.memory_space<vmem>> -> memref<1x50xi32, #tpu.memory_space<vmem>>
    %dma_start3A_55 = tpu.memref_squeeze %dma_start3A_54 : memref<1x50xi32, #tpu.memory_space<vmem>> -> memref<50xi32, #tpu.memory_space<vmem>>
    %dma_start3A_56 = arith.constant 0 : i32
    %dma_start3A_57 = arith.constant 0 : i32
    %dma_start3A_58 = tpu.memref_slice %arg3[%dma_start3A_56, %dma_start3A_57] : memref<1000000x64xf32, #tpu.memory_space<hbm>> -> memref<1000000x64xf32, #tpu.memory_space<hbm>>
    tpu.enqueue_indirect_dma source(%dma_start3A_58 : memref<1000000x64xf32, #tpu.memory_space<hbm>>) target(%dma_start3A_52 : memref<50x64xf32, #tpu.memory_space<vmem>>) offsets(%dma_start3A_55 : memref<50xi32, #tpu.memory_space<vmem>>) semaphore(%arg11 : memref<!tpu.dma_semaphore, #tpu.memory_space<semaphore_mem>>)
    %dma_start3A_59 = arith.constant 4 : i32
    %dma_start3A_60 = arith.constant 4 : i32
    %dma_start3A_61 = arith.constant 0 : i32
    %dma_start3A_62 = arith.constant 0 : i32
    %dma_start3A_63 = tpu.memref_slice %arg7[%dma_start3A_60, %dma_start3A_61, %dma_start3A_62] : memref<16x50x64xf32, #tpu.memory_space<vmem>> -> memref<1x50x64xf32, #tpu.memory_space<vmem>>
    %dma_start3A_64 = tpu.memref_squeeze %dma_start3A_63 : memref<1x50x64xf32, #tpu.memory_space<vmem>> -> memref<50x64xf32, #tpu.memory_space<vmem>>
    %dma_start3A_65 = arith.constant 0 : i32
    %dma_start3A_66 = tpu.memref_slice %arg5[%dma_start3A_59, %dma_start3A_65] : memref<16x50xi32, #tpu.memory_space<vmem>> -> memref<1x50xi32, #tpu.memory_space<vmem>>
    %dma_start3A_67 = tpu.memref_squeeze %dma_start3A_66 : memref<1x50xi32, #tpu.memory_space<vmem>> -> memref<50xi32, #tpu.memory_space<vmem>>
    %dma_start3A_68 = arith.constant 0 : i32
    %dma_start3A_69 = arith.constant 0 : i32
    %dma_start3A_70 = tpu.memref_slice %arg3[%dma_start3A_68, %dma_start3A_69] : memref<1000000x64xf32, #tpu.memory_space<hbm>> -> memref<1000000x64xf32, #tpu.memory_space<hbm>>
    tpu.enqueue_indirect_dma source(%dma_start3A_70 : memref<1000000x64xf32, #tpu.memory_space<hbm>>) target(%dma_start3A_64 : memref<50x64xf32, #tpu.memory_space<vmem>>) offsets(%dma_start3A_67 : memref<50xi32, #tpu.memory_space<vmem>>) semaphore(%arg11 : memref<!tpu.dma_semaphore, #tpu.memory_space<semaphore_mem>>)
    %dma_start3A_71 = arith.constant 5 : i32
    %dma_start3A_72 = arith.constant 5 : i32
    %dma_start3A_73 = arith.constant 0 : i32
    %dma_start3A_74 = arith.constant 0 : i32
    %dma_start3A_75 = tpu.memref_slice %arg7[%dma_start3A_72, %dma_start3A_73, %dma_start3A_74] : memref<16x50x64xf32, #tpu.memory_space<vmem>> -> memref<1x50x64xf32, #tpu.memory_space<vmem>>
    %dma_start3A_76 = tpu.memref_squeeze %dma_start3A_75 : memref<1x50x64xf32, #tpu.memory_space<vmem>> -> memref<50x64xf32, #tpu.memory_space<vmem>>
    %dma_start3A_77 = arith.constant 0 : i32
    %dma_start3A_78 = tpu.memref_slice %arg5[%dma_start3A_71, %dma_start3A_77] : memref<16x50xi32, #tpu.memory_space<vmem>> -> memref<1x50xi32, #tpu.memory_space<vmem>>
    %dma_start3A_79 = tpu.memref_squeeze %dma_start3A_78 : memref<1x50xi32, #tpu.memory_space<vmem>> -> memref<50xi32, #tpu.memory_space<vmem>>
    %dma_start3A_80 = arith.constant 0 : i32
    %dma_start3A_81 = arith.constant 0 : i32
    %dma_start3A_82 = tpu.memref_slice %arg3[%dma_start3A_80, %dma_start3A_81] : memref<1000000x64xf32, #tpu.memory_space<hbm>> -> memref<1000000x64xf32, #tpu.memory_space<hbm>>
    tpu.enqueue_indirect_dma source(%dma_start3A_82 : memref<1000000x64xf32, #tpu.memory_space<hbm>>) target(%dma_start3A_76 : memref<50x64xf32, #tpu.memory_space<vmem>>) offsets(%dma_start3A_79 : memref<50xi32, #tpu.memory_space<vmem>>) semaphore(%arg11 : memref<!tpu.dma_semaphore, #tpu.memory_space<semaphore_mem>>)
    %dma_start3A_83 = arith.constant 6 : i32
    %dma_start3A_84 = arith.constant 6 : i32
    %dma_start3A_85 = arith.constant 0 : i32
    %dma_start3A_86 = arith.constant 0 : i32
    %dma_start3A_87 = tpu.memref_slice %arg7[%dma_start3A_84, %dma_start3A_85, %dma_start3A_86] : memref<16x50x64xf32, #tpu.memory_space<vmem>> -> memref<1x50x64xf32, #tpu.memory_space<vmem>>
    %dma_start3A_88 = tpu.memref_squeeze %dma_start3A_87 : memref<1x50x64xf32, #tpu.memory_space<vmem>> -> memref<50x64xf32, #tpu.memory_space<vmem>>
    %dma_start3A_89 = arith.constant 0 : i32
    %dma_start3A_90 = tpu.memref_slice %arg5[%dma_start3A_83, %dma_start3A_89] : memref<16x50xi32, #tpu.memory_space<vmem>> -> memref<1x50xi32, #tpu.memory_space<vmem>>
    %dma_start3A_91 = tpu.memref_squeeze %dma_start3A_90 : memref<1x50xi32, #tpu.memory_space<vmem>> -> memref<50xi32, #tpu.memory_space<vmem>>
    %dma_start3A_92 = arith.constant 0 : i32
    %dma_start3A_93 = arith.constant 0 : i32
    %dma_start3A_94 = tpu.memref_slice %arg3[%dma_start3A_92, %dma_start3A_93] : memref<1000000x64xf32, #tpu.memory_space<hbm>> -> memref<1000000x64xf32, #tpu.memory_space<hbm>>
    tpu.enqueue_indirect_dma source(%dma_start3A_94 : memref<1000000x64xf32, #tpu.memory_space<hbm>>) target(%dma_start3A_88 : memref<50x64xf32, #tpu.memory_space<vmem>>) offsets(%dma_start3A_91 : memref<50xi32, #tpu.memory_space<vmem>>) semaphore(%arg11 : memref<!tpu.dma_semaphore, #tpu.memory_space<semaphore_mem>>)
    %dma_start3A_95 = arith.constant 7 : i32
    %dma_start3A_96 = arith.constant 7 : i32
    %dma_start3A_97 = arith.constant 0 : i32
    %dma_start3A_98 = arith.constant 0 : i32
    %dma_start3A_99 = tpu.memref_slice %arg7[%dma_start3A_96, %dma_start3A_97, %dma_start3A_98] : memref<16x50x64xf32, #tpu.memory_space<vmem>> -> memref<1x50x64xf32, #tpu.memory_space<vmem>>
    %dma_start3A_100 = tpu.memref_squeeze %dma_start3A_99 : memref<1x50x64xf32, #tpu.memory_space<vmem>> -> memref<50x64xf32, #tpu.memory_space<vmem>>
    %dma_start3A_101 = arith.constant 0 : i32
    %dma_start3A_102 = tpu.memref_slice %arg5[%dma_start3A_95, %dma_start3A_101] : memref<16x50xi32, #tpu.memory_space<vmem>> -> memref<1x50xi32, #tpu.memory_space<vmem>>
    %dma_start3A_103 = tpu.memref_squeeze %dma_start3A_102 : memref<1x50xi32, #tpu.memory_space<vmem>> -> memref<50xi32, #tpu.memory_space<vmem>>
    %dma_start3A_104 = arith.constant 0 : i32
    %dma_start3A_105 = arith.constant 0 : i32
    %dma_start3A_106 = tpu.memref_slice %arg3[%dma_start3A_104, %dma_start3A_105] : memref<1000000x64xf32, #tpu.memory_space<hbm>> -> memref<1000000x64xf32, #tpu.memory_space<hbm>>
    tpu.enqueue_indirect_dma source(%dma_start3A_106 : memref<1000000x64xf32, #tpu.memory_space<hbm>>) target(%dma_start3A_100 : memref<50x64xf32, #tpu.memory_space<vmem>>) offsets(%dma_start3A_103 : memref<50xi32, #tpu.memory_space<vmem>>) semaphore(%arg11 : memref<!tpu.dma_semaphore, #tpu.memory_space<semaphore_mem>>)
    %dma_start3A_107 = arith.constant 8 : i32
    %dma_start3A_108 = arith.constant 8 : i32
    %dma_start3A_109 = arith.constant 0 : i32
    %dma_start3A_110 = arith.constant 0 : i32
    %dma_start3A_111 = tpu.memref_slice %arg7[%dma_start3A_108, %dma_start3A_109, %dma_start3A_110] : memref<16x50x64xf32, #tpu.memory_space<vmem>> -> memref<1x50x64xf32, #tpu.memory_space<vmem>>
    %dma_start3A_112 = tpu.memref_squeeze %dma_start3A_111 : memref<1x50x64xf32, #tpu.memory_space<vmem>> -> memref<50x64xf32, #tpu.memory_space<vmem>>
    %dma_start3A_113 = arith.constant 0 : i32
    %dma_start3A_114 = tpu.memref_slice %arg5[%dma_start3A_107, %dma_start3A_113] : memref<16x50xi32, #tpu.memory_space<vmem>> -> memref<1x50xi32, #tpu.memory_space<vmem>>
    %dma_start3A_115 = tpu.memref_squeeze %dma_start3A_114 : memref<1x50xi32, #tpu.memory_space<vmem>> -> memref<50xi32, #tpu.memory_space<vmem>>
    %dma_start3A_116 = arith.constant 0 : i32
    %dma_start3A_117 = arith.constant 0 : i32
    %dma_start3A_118 = tpu.memref_slice %arg3[%dma_start3A_116, %dma_start3A_117] : memref<1000000x64xf32, #tpu.memory_space<hbm>> -> memref<1000000x64xf32, #tpu.memory_space<hbm>>
    tpu.enqueue_indirect_dma source(%dma_start3A_118 : memref<1000000x64xf32, #tpu.memory_space<hbm>>) target(%dma_start3A_112 : memref<50x64xf32, #tpu.memory_space<vmem>>) offsets(%dma_start3A_115 : memref<50xi32, #tpu.memory_space<vmem>>) semaphore(%arg11 : memref<!tpu.dma_semaphore, #tpu.memory_space<semaphore_mem>>)
    %dma_start3A_119 = arith.constant 9 : i32
    %dma_start3A_120 = arith.constant 9 : i32
    %dma_start3A_121 = arith.constant 0 : i32
    %dma_start3A_122 = arith.constant 0 : i32
    %dma_start3A_123 = tpu.memref_slice %arg7[%dma_start3A_120, %dma_start3A_121, %dma_start3A_122] : memref<16x50x64xf32, #tpu.memory_space<vmem>> -> memref<1x50x64xf32, #tpu.memory_space<vmem>>
    %dma_start3A_124 = tpu.memref_squeeze %dma_start3A_123 : memref<1x50x64xf32, #tpu.memory_space<vmem>> -> memref<50x64xf32, #tpu.memory_space<vmem>>
    %dma_start3A_125 = arith.constant 0 : i32
    %dma_start3A_126 = tpu.memref_slice %arg5[%dma_start3A_119, %dma_start3A_125] : memref<16x50xi32, #tpu.memory_space<vmem>> -> memref<1x50xi32, #tpu.memory_space<vmem>>
    %dma_start3A_127 = tpu.memref_squeeze %dma_start3A_126 : memref<1x50xi32, #tpu.memory_space<vmem>> -> memref<50xi32, #tpu.memory_space<vmem>>
    %dma_start3A_128 = arith.constant 0 : i32
    %dma_start3A_129 = arith.constant 0 : i32
    %dma_start3A_130 = tpu.memref_slice %arg3[%dma_start3A_128, %dma_start3A_129] : memref<1000000x64xf32, #tpu.memory_space<hbm>> -> memref<1000000x64xf32, #tpu.memory_space<hbm>>
    tpu.enqueue_indirect_dma source(%dma_start3A_130 : memref<1000000x64xf32, #tpu.memory_space<hbm>>) target(%dma_start3A_124 : memref<50x64xf32, #tpu.memory_space<vmem>>) offsets(%dma_start3A_127 : memref<50xi32, #tpu.memory_space<vmem>>) semaphore(%arg11 : memref<!tpu.dma_semaphore, #tpu.memory_space<semaphore_mem>>)
    %dma_start3A_131 = arith.constant 10 : i32
    %dma_start3A_132 = arith.constant 10 : i32
    %dma_start3A_133 = arith.constant 0 : i32
    %dma_start3A_134 = arith.constant 0 : i32
    %dma_start3A_135 = tpu.memref_slice %arg7[%dma_start3A_132, %dma_start3A_133, %dma_start3A_134] : memref<16x50x64xf32, #tpu.memory_space<vmem>> -> memref<1x50x64xf32, #tpu.memory_space<vmem>>
    %dma_start3A_136 = tpu.memref_squeeze %dma_start3A_135 : memref<1x50x64xf32, #tpu.memory_space<vmem>> -> memref<50x64xf32, #tpu.memory_space<vmem>>
    %dma_start3A_137 = arith.constant 0 : i32
    %dma_start3A_138 = tpu.memref_slice %arg5[%dma_start3A_131, %dma_start3A_137] : memref<16x50xi32, #tpu.memory_space<vmem>> -> memref<1x50xi32, #tpu.memory_space<vmem>>
    %dma_start3A_139 = tpu.memref_squeeze %dma_start3A_138 : memref<1x50xi32, #tpu.memory_space<vmem>> -> memref<50xi32, #tpu.memory_space<vmem>>
    %dma_start3A_140 = arith.constant 0 : i32
    %dma_start3A_141 = arith.constant 0 : i32
    %dma_start3A_142 = tpu.memref_slice %arg3[%dma_start3A_140, %dma_start3A_141] : memref<1000000x64xf32, #tpu.memory_space<hbm>> -> memref<1000000x64xf32, #tpu.memory_space<hbm>>
    tpu.enqueue_indirect_dma source(%dma_start3A_142 : memref<1000000x64xf32, #tpu.memory_space<hbm>>) target(%dma_start3A_136 : memref<50x64xf32, #tpu.memory_space<vmem>>) offsets(%dma_start3A_139 : memref<50xi32, #tpu.memory_space<vmem>>) semaphore(%arg11 : memref<!tpu.dma_semaphore, #tpu.memory_space<semaphore_mem>>)
    %dma_start3A_143 = arith.constant 11 : i32
    %dma_start3A_144 = arith.constant 11 : i32
    %dma_start3A_145 = arith.constant 0 : i32
    %dma_start3A_146 = arith.constant 0 : i32
    %dma_start3A_147 = tpu.memref_slice %arg7[%dma_start3A_144, %dma_start3A_145, %dma_start3A_146] : memref<16x50x64xf32, #tpu.memory_space<vmem>> -> memref<1x50x64xf32, #tpu.memory_space<vmem>>
    %dma_start3A_148 = tpu.memref_squeeze %dma_start3A_147 : memref<1x50x64xf32, #tpu.memory_space<vmem>> -> memref<50x64xf32, #tpu.memory_space<vmem>>
    %dma_start3A_149 = arith.constant 0 : i32
    %dma_start3A_150 = tpu.memref_slice %arg5[%dma_start3A_143, %dma_start3A_149] : memref<16x50xi32, #tpu.memory_space<vmem>> -> memref<1x50xi32, #tpu.memory_space<vmem>>
    %dma_start3A_151 = tpu.memref_squeeze %dma_start3A_150 : memref<1x50xi32, #tpu.memory_space<vmem>> -> memref<50xi32, #tpu.memory_space<vmem>>
    %dma_start3A_152 = arith.constant 0 : i32
    %dma_start3A_153 = arith.constant 0 : i32
    %dma_start3A_154 = tpu.memref_slice %arg3[%dma_start3A_152, %dma_start3A_153] : memref<1000000x64xf32, #tpu.memory_space<hbm>> -> memref<1000000x64xf32, #tpu.memory_space<hbm>>
    tpu.enqueue_indirect_dma source(%dma_start3A_154 : memref<1000000x64xf32, #tpu.memory_space<hbm>>) target(%dma_start3A_148 : memref<50x64xf32, #tpu.memory_space<vmem>>) offsets(%dma_start3A_151 : memref<50xi32, #tpu.memory_space<vmem>>) semaphore(%arg11 : memref<!tpu.dma_semaphore, #tpu.memory_space<semaphore_mem>>)
    %dma_start3A_155 = arith.constant 12 : i32
    %dma_start3A_156 = arith.constant 12 : i32
    %dma_start3A_157 = arith.constant 0 : i32
    %dma_start3A_158 = arith.constant 0 : i32
    %dma_start3A_159 = tpu.memref_slice %arg7[%dma_start3A_156, %dma_start3A_157, %dma_start3A_158] : memref<16x50x64xf32, #tpu.memory_space<vmem>> -> memref<1x50x64xf32, #tpu.memory_space<vmem>>
    %dma_start3A_160 = tpu.memref_squeeze %dma_start3A_159 : memref<1x50x64xf32, #tpu.memory_space<vmem>> -> memref<50x64xf32, #tpu.memory_space<vmem>>
    %dma_start3A_161 = arith.constant 0 : i32
    %dma_start3A_162 = tpu.memref_slice %arg5[%dma_start3A_155, %dma_start3A_161] : memref<16x50xi32, #tpu.memory_space<vmem>> -> memref<1x50xi32, #tpu.memory_space<vmem>>
    %dma_start3A_163 = tpu.memref_squeeze %dma_start3A_162 : memref<1x50xi32, #tpu.memory_space<vmem>> -> memref<50xi32, #tpu.memory_space<vmem>>
    %dma_start3A_164 = arith.constant 0 : i32
    %dma_start3A_165 = arith.constant 0 : i32
    %dma_start3A_166 = tpu.memref_slice %arg3[%dma_start3A_164, %dma_start3A_165] : memref<1000000x64xf32, #tpu.memory_space<hbm>> -> memref<1000000x64xf32, #tpu.memory_space<hbm>>
    tpu.enqueue_indirect_dma source(%dma_start3A_166 : memref<1000000x64xf32, #tpu.memory_space<hbm>>) target(%dma_start3A_160 : memref<50x64xf32, #tpu.memory_space<vmem>>) offsets(%dma_start3A_163 : memref<50xi32, #tpu.memory_space<vmem>>) semaphore(%arg11 : memref<!tpu.dma_semaphore, #tpu.memory_space<semaphore_mem>>)
    %dma_start3A_167 = arith.constant 13 : i32
    %dma_start3A_168 = arith.constant 13 : i32
    %dma_start3A_169 = arith.constant 0 : i32
    %dma_start3A_170 = arith.constant 0 : i32
    %dma_start3A_171 = tpu.memref_slice %arg7[%dma_start3A_168, %dma_start3A_169, %dma_start3A_170] : memref<16x50x64xf32, #tpu.memory_space<vmem>> -> memref<1x50x64xf32, #tpu.memory_space<vmem>>
    %dma_start3A_172 = tpu.memref_squeeze %dma_start3A_171 : memref<1x50x64xf32, #tpu.memory_space<vmem>> -> memref<50x64xf32, #tpu.memory_space<vmem>>
    %dma_start3A_173 = arith.constant 0 : i32
    %dma_start3A_174 = tpu.memref_slice %arg5[%dma_start3A_167, %dma_start3A_173] : memref<16x50xi32, #tpu.memory_space<vmem>> -> memref<1x50xi32, #tpu.memory_space<vmem>>
    %dma_start3A_175 = tpu.memref_squeeze %dma_start3A_174 : memref<1x50xi32, #tpu.memory_space<vmem>> -> memref<50xi32, #tpu.memory_space<vmem>>
    %dma_start3A_176 = arith.constant 0 : i32
    %dma_start3A_177 = arith.constant 0 : i32
    %dma_start3A_178 = tpu.memref_slice %arg3[%dma_start3A_176, %dma_start3A_177] : memref<1000000x64xf32, #tpu.memory_space<hbm>> -> memref<1000000x64xf32, #tpu.memory_space<hbm>>
    tpu.enqueue_indirect_dma source(%dma_start3A_178 : memref<1000000x64xf32, #tpu.memory_space<hbm>>) target(%dma_start3A_172 : memref<50x64xf32, #tpu.memory_space<vmem>>) offsets(%dma_start3A_175 : memref<50xi32, #tpu.memory_space<vmem>>) semaphore(%arg11 : memref<!tpu.dma_semaphore, #tpu.memory_space<semaphore_mem>>)
    %dma_start3A_179 = arith.constant 14 : i32
    %dma_start3A_180 = arith.constant 14 : i32
    %dma_start3A_181 = arith.constant 0 : i32
    %dma_start3A_182 = arith.constant 0 : i32
    %dma_start3A_183 = tpu.memref_slice %arg7[%dma_start3A_180, %dma_start3A_181, %dma_start3A_182] : memref<16x50x64xf32, #tpu.memory_space<vmem>> -> memref<1x50x64xf32, #tpu.memory_space<vmem>>
    %dma_start3A_184 = tpu.memref_squeeze %dma_start3A_183 : memref<1x50x64xf32, #tpu.memory_space<vmem>> -> memref<50x64xf32, #tpu.memory_space<vmem>>
    %dma_start3A_185 = arith.constant 0 : i32
    %dma_start3A_186 = tpu.memref_slice %arg5[%dma_start3A_179, %dma_start3A_185] : memref<16x50xi32, #tpu.memory_space<vmem>> -> memref<1x50xi32, #tpu.memory_space<vmem>>
    %dma_start3A_187 = tpu.memref_squeeze %dma_start3A_186 : memref<1x50xi32, #tpu.memory_space<vmem>> -> memref<50xi32, #tpu.memory_space<vmem>>
    %dma_start3A_188 = arith.constant 0 : i32
    %dma_start3A_189 = arith.constant 0 : i32
    %dma_start3A_190 = tpu.memref_slice %arg3[%dma_start3A_188, %dma_start3A_189] : memref<1000000x64xf32, #tpu.memory_space<hbm>> -> memref<1000000x64xf32, #tpu.memory_space<hbm>>
    tpu.enqueue_indirect_dma source(%dma_start3A_190 : memref<1000000x64xf32, #tpu.memory_space<hbm>>) target(%dma_start3A_184 : memref<50x64xf32, #tpu.memory_space<vmem>>) offsets(%dma_start3A_187 : memref<50xi32, #tpu.memory_space<vmem>>) semaphore(%arg11 : memref<!tpu.dma_semaphore, #tpu.memory_space<semaphore_mem>>)
    %dma_start3A_191 = arith.constant 15 : i32
    %dma_start3A_192 = arith.constant 15 : i32
    %dma_start3A_193 = arith.constant 0 : i32
    %dma_start3A_194 = arith.constant 0 : i32
    %dma_start3A_195 = tpu.memref_slice %arg7[%dma_start3A_192, %dma_start3A_193, %dma_start3A_194] : memref<16x50x64xf32, #tpu.memory_space<vmem>> -> memref<1x50x64xf32, #tpu.memory_space<vmem>>
    %dma_start3A_196 = tpu.memref_squeeze %dma_start3A_195 : memref<1x50x64xf32, #tpu.memory_space<vmem>> -> memref<50x64xf32, #tpu.memory_space<vmem>>
    %dma_start3A_197 = arith.constant 0 : i32
    %dma_start3A_198 = tpu.memref_slice %arg5[%dma_start3A_191, %dma_start3A_197] : memref<16x50xi32, #tpu.memory_space<vmem>> -> memref<1x50xi32, #tpu.memory_space<vmem>>
    %dma_start3A_199 = tpu.memref_squeeze %dma_start3A_198 : memref<1x50xi32, #tpu.memory_space<vmem>> -> memref<50xi32, #tpu.memory_space<vmem>>
    %dma_start3A_200 = arith.constant 0 : i32
    %dma_start3A_201 = arith.constant 0 : i32
    %dma_start3A_202 = tpu.memref_slice %arg3[%dma_start3A_200, %dma_start3A_201] : memref<1000000x64xf32, #tpu.memory_space<hbm>> -> memref<1000000x64xf32, #tpu.memory_space<hbm>>
    tpu.enqueue_indirect_dma source(%dma_start3A_202 : memref<1000000x64xf32, #tpu.memory_space<hbm>>) target(%dma_start3A_196 : memref<50x64xf32, #tpu.memory_space<vmem>>) offsets(%dma_start3A_199 : memref<50xi32, #tpu.memory_space<vmem>>) semaphore(%arg11 : memref<!tpu.dma_semaphore, #tpu.memory_space<semaphore_mem>>)
    %add3A_203 = arith.constant 16 : i32
    %add3A_204 = arith.addi %mul3A_2, %add3A_203 : i32
    %multiple_of3A_205 = tpu.assume_multiple %add3A_204, 8 : i32
    %dma_start3A_206 = arith.constant 0 : i32
    %dma_start3A_207 = tpu.memref_slice %arg2[%multiple_of3A_205, %dma_start3A_206] : memref<16384x50xi32, #tpu.memory_space<hbm>> -> memref<16x50xi32, #tpu.memory_space<hbm>>
    %dma_start3A_208 = arith.constant 0 : i32
    %dma_start3A_209 = tpu.memref_slice %arg2[%multiple_of3A_205, %dma_start3A_208] : memref<16384x50xi32, #tpu.memory_space<hbm>> -> memref<16x50xi32, #tpu.memory_space<hbm>>
    tpu.enqueue_dma source(%dma_start3A_209 : memref<16x50xi32, #tpu.memory_space<hbm>>) target(%arg6 : memref<16x50xi32, #tpu.memory_space<vmem>>) target_semaphore(%arg10 : memref<!tpu.dma_semaphore, #tpu.memory_space<semaphore_mem>>)
    %dma_wait3A_210 = arith.constant 0 : i32
    %dma_wait3A_211 = tpu.memref_slice %arg2[%multiple_of3A_205, %dma_wait3A_210] : memref<16384x50xi32, #tpu.memory_space<hbm>> -> memref<16x50xi32, #tpu.memory_space<hbm>>
    %dma_wait3A_212 = arith.constant 0 : i32
    %dma_wait3A_213 = tpu.memref_slice %arg2[%multiple_of3A_205, %dma_wait3A_212] : memref<16384x50xi32, #tpu.memory_space<hbm>> -> memref<16x50xi32, #tpu.memory_space<hbm>>
    tpu.wait_dma2 semaphore(%arg10 : memref<!tpu.dma_semaphore, #tpu.memory_space<semaphore_mem>>) src(%dma_wait3A_213 : memref<16x50xi32, #tpu.memory_space<hbm>>) dst(%arg6 : memref<16x50xi32, #tpu.memory_space<vmem>>)
    %dma_start3A_214 = arith.constant 0 : i32
    %dma_start3A_215 = arith.constant 0 : i32
    %dma_start3A_216 = arith.constant 0 : i32
    %dma_start3A_217 = arith.constant 0 : i32
    %dma_start3A_218 = tpu.memref_slice %arg8[%dma_start3A_215, %dma_start3A_216, %dma_start3A_217] : memref<16x50x64xf32, #tpu.memory_space<vmem>> -> memref<1x50x64xf32, #tpu.memory_space<vmem>>
    %dma_start3A_219 = tpu.memref_squeeze %dma_start3A_218 : memref<1x50x64xf32, #tpu.memory_space<vmem>> -> memref<50x64xf32, #tpu.memory_space<vmem>>
    %dma_start3A_220 = arith.constant 0 : i32
    %dma_start3A_221 = tpu.memref_slice %arg6[%dma_start3A_214, %dma_start3A_220] : memref<16x50xi32, #tpu.memory_space<vmem>> -> memref<1x50xi32, #tpu.memory_space<vmem>>
    %dma_start3A_222 = tpu.memref_squeeze %dma_start3A_221 : memref<1x50xi32, #tpu.memory_space<vmem>> -> memref<50xi32, #tpu.memory_space<vmem>>
    %dma_start3A_223 = arith.constant 0 : i32
    %dma_start3A_224 = arith.constant 0 : i32
    %dma_start3A_225 = tpu.memref_slice %arg3[%dma_start3A_223, %dma_start3A_224] : memref<1000000x64xf32, #tpu.memory_space<hbm>> -> memref<1000000x64xf32, #tpu.memory_space<hbm>>
    tpu.enqueue_indirect_dma source(%dma_start3A_225 : memref<1000000x64xf32, #tpu.memory_space<hbm>>) target(%dma_start3A_219 : memref<50x64xf32, #tpu.memory_space<vmem>>) offsets(%dma_start3A_222 : memref<50xi32, #tpu.memory_space<vmem>>) semaphore(%arg12 : memref<!tpu.dma_semaphore, #tpu.memory_space<semaphore_mem>>)
    %dma_start3A_226 = arith.constant 1 : i32
    %dma_start3A_227 = arith.constant 1 : i32
    %dma_start3A_228 = arith.constant 0 : i32
    %dma_start3A_229 = arith.constant 0 : i32
    %dma_start3A_230 = tpu.memref_slice %arg8[%dma_start3A_227, %dma_start3A_228, %dma_start3A_229] : memref<16x50x64xf32, #tpu.memory_space<vmem>> -> memref<1x50x64xf32, #tpu.memory_space<vmem>>
    %dma_start3A_231 = tpu.memref_squeeze %dma_start3A_230 : memref<1x50x64xf32, #tpu.memory_space<vmem>> -> memref<50x64xf32, #tpu.memory_space<vmem>>
    %dma_start3A_232 = arith.constant 0 : i32
    %dma_start3A_233 = tpu.memref_slice %arg6[%dma_start3A_226, %dma_start3A_232] : memref<16x50xi32, #tpu.memory_space<vmem>> -> memref<1x50xi32, #tpu.memory_space<vmem>>
    %dma_start3A_234 = tpu.memref_squeeze %dma_start3A_233 : memref<1x50xi32, #tpu.memory_space<vmem>> -> memref<50xi32, #tpu.memory_space<vmem>>
    %dma_start3A_235 = arith.constant 0 : i32
    %dma_start3A_236 = arith.constant 0 : i32
    %dma_start3A_237 = tpu.memref_slice %arg3[%dma_start3A_235, %dma_start3A_236] : memref<1000000x64xf32, #tpu.memory_space<hbm>> -> memref<1000000x64xf32, #tpu.memory_space<hbm>>
    tpu.enqueue_indirect_dma source(%dma_start3A_237 : memref<1000000x64xf32, #tpu.memory_space<hbm>>) target(%dma_start3A_231 : memref<50x64xf32, #tpu.memory_space<vmem>>) offsets(%dma_start3A_234 : memref<50xi32, #tpu.memory_space<vmem>>) semaphore(%arg12 : memref<!tpu.dma_semaphore, #tpu.memory_space<semaphore_mem>>)
    %dma_start3A_238 = arith.constant 2 : i32
    %dma_start3A_239 = arith.constant 2 : i32
    %dma_start3A_240 = arith.constant 0 : i32
    %dma_start3A_241 = arith.constant 0 : i32
    %dma_start3A_242 = tpu.memref_slice %arg8[%dma_start3A_239, %dma_start3A_240, %dma_start3A_241] : memref<16x50x64xf32, #tpu.memory_space<vmem>> -> memref<1x50x64xf32, #tpu.memory_space<vmem>>
    %dma_start3A_243 = tpu.memref_squeeze %dma_start3A_242 : memref<1x50x64xf32, #tpu.memory_space<vmem>> -> memref<50x64xf32, #tpu.memory_space<vmem>>
    %dma_start3A_244 = arith.constant 0 : i32
    %dma_start3A_245 = tpu.memref_slice %arg6[%dma_start3A_238, %dma_start3A_244] : memref<16x50xi32, #tpu.memory_space<vmem>> -> memref<1x50xi32, #tpu.memory_space<vmem>>
    %dma_start3A_246 = tpu.memref_squeeze %dma_start3A_245 : memref<1x50xi32, #tpu.memory_space<vmem>> -> memref<50xi32, #tpu.memory_space<vmem>>
    %dma_start3A_247 = arith.constant 0 : i32
    %dma_start3A_248 = arith.constant 0 : i32
    %dma_start3A_249 = tpu.memref_slice %arg3[%dma_start3A_247, %dma_start3A_248] : memref<1000000x64xf32, #tpu.memory_space<hbm>> -> memref<1000000x64xf32, #tpu.memory_space<hbm>>
    tpu.enqueue_indirect_dma source(%dma_start3A_249 : memref<1000000x64xf32, #tpu.memory_space<hbm>>) target(%dma_start3A_243 : memref<50x64xf32, #tpu.memory_space<vmem>>) offsets(%dma_start3A_246 : memref<50xi32, #tpu.memory_space<vmem>>) semaphore(%arg12 : memref<!tpu.dma_semaphore, #tpu.memory_space<semaphore_mem>>)
    %dma_start3A_250 = arith.constant 3 : i32
    %dma_start3A_251 = arith.constant 3 : i32
    %dma_start3A_252 = arith.constant 0 : i32
    %dma_start3A_253 = arith.constant 0 : i32
    %dma_start3A_254 = tpu.memref_slice %arg8[%dma_start3A_251, %dma_start3A_252, %dma_start3A_253] : memref<16x50x64xf32, #tpu.memory_space<vmem>> -> memref<1x50x64xf32, #tpu.memory_space<vmem>>
    %dma_start3A_255 = tpu.memref_squeeze %dma_start3A_254 : memref<1x50x64xf32, #tpu.memory_space<vmem>> -> memref<50x64xf32, #tpu.memory_space<vmem>>
    %dma_start3A_256 = arith.constant 0 : i32
    %dma_start3A_257 = tpu.memref_slice %arg6[%dma_start3A_250, %dma_start3A_256] : memref<16x50xi32, #tpu.memory_space<vmem>> -> memref<1x50xi32, #tpu.memory_space<vmem>>
    %dma_start3A_258 = tpu.memref_squeeze %dma_start3A_257 : memref<1x50xi32, #tpu.memory_space<vmem>> -> memref<50xi32, #tpu.memory_space<vmem>>
    %dma_start3A_259 = arith.constant 0 : i32
    %dma_start3A_260 = arith.constant 0 : i32
    %dma_start3A_261 = tpu.memref_slice %arg3[%dma_start3A_259, %dma_start3A_260] : memref<1000000x64xf32, #tpu.memory_space<hbm>> -> memref<1000000x64xf32, #tpu.memory_space<hbm>>
    tpu.enqueue_indirect_dma source(%dma_start3A_261 : memref<1000000x64xf32, #tpu.memory_space<hbm>>) target(%dma_start3A_255 : memref<50x64xf32, #tpu.memory_space<vmem>>) offsets(%dma_start3A_258 : memref<50xi32, #tpu.memory_space<vmem>>) semaphore(%arg12 : memref<!tpu.dma_semaphore, #tpu.memory_space<semaphore_mem>>)
    %dma_start3A_262 = arith.constant 4 : i32
    %dma_start3A_263 = arith.constant 4 : i32
    %dma_start3A_264 = arith.constant 0 : i32
    %dma_start3A_265 = arith.constant 0 : i32
    %dma_start3A_266 = tpu.memref_slice %arg8[%dma_start3A_263, %dma_start3A_264, %dma_start3A_265] : memref<16x50x64xf32, #tpu.memory_space<vmem>> -> memref<1x50x64xf32, #tpu.memory_space<vmem>>
    %dma_start3A_267 = tpu.memref_squeeze %dma_start3A_266 : memref<1x50x64xf32, #tpu.memory_space<vmem>> -> memref<50x64xf32, #tpu.memory_space<vmem>>
    %dma_start3A_268 = arith.constant 0 : i32
    %dma_start3A_269 = tpu.memref_slice %arg6[%dma_start3A_262, %dma_start3A_268] : memref<16x50xi32, #tpu.memory_space<vmem>> -> memref<1x50xi32, #tpu.memory_space<vmem>>
    %dma_start3A_270 = tpu.memref_squeeze %dma_start3A_269 : memref<1x50xi32, #tpu.memory_space<vmem>> -> memref<50xi32, #tpu.memory_space<vmem>>
    %dma_start3A_271 = arith.constant 0 : i32
    %dma_start3A_272 = arith.constant 0 : i32
    %dma_start3A_273 = tpu.memref_slice %arg3[%dma_start3A_271, %dma_start3A_272] : memref<1000000x64xf32, #tpu.memory_space<hbm>> -> memref<1000000x64xf32, #tpu.memory_space<hbm>>
    tpu.enqueue_indirect_dma source(%dma_start3A_273 : memref<1000000x64xf32, #tpu.memory_space<hbm>>) target(%dma_start3A_267 : memref<50x64xf32, #tpu.memory_space<vmem>>) offsets(%dma_start3A_270 : memref<50xi32, #tpu.memory_space<vmem>>) semaphore(%arg12 : memref<!tpu.dma_semaphore, #tpu.memory_space<semaphore_mem>>)
    %dma_start3A_274 = arith.constant 5 : i32
    %dma_start3A_275 = arith.constant 5 : i32
    %dma_start3A_276 = arith.constant 0 : i32
    %dma_start3A_277 = arith.constant 0 : i32
    %dma_start3A_278 = tpu.memref_slice %arg8[%dma_start3A_275, %dma_start3A_276, %dma_start3A_277] : memref<16x50x64xf32, #tpu.memory_space<vmem>> -> memref<1x50x64xf32, #tpu.memory_space<vmem>>
    %dma_start3A_279 = tpu.memref_squeeze %dma_start3A_278 : memref<1x50x64xf32, #tpu.memory_space<vmem>> -> memref<50x64xf32, #tpu.memory_space<vmem>>
    %dma_start3A_280 = arith.constant 0 : i32
    %dma_start3A_281 = tpu.memref_slice %arg6[%dma_start3A_274, %dma_start3A_280] : memref<16x50xi32, #tpu.memory_space<vmem>> -> memref<1x50xi32, #tpu.memory_space<vmem>>
    %dma_start3A_282 = tpu.memref_squeeze %dma_start3A_281 : memref<1x50xi32, #tpu.memory_space<vmem>> -> memref<50xi32, #tpu.memory_space<vmem>>
    %dma_start3A_283 = arith.constant 0 : i32
    %dma_start3A_284 = arith.constant 0 : i32
    %dma_start3A_285 = tpu.memref_slice %arg3[%dma_start3A_283, %dma_start3A_284] : memref<1000000x64xf32, #tpu.memory_space<hbm>> -> memref<1000000x64xf32, #tpu.memory_space<hbm>>
    tpu.enqueue_indirect_dma source(%dma_start3A_285 : memref<1000000x64xf32, #tpu.memory_space<hbm>>) target(%dma_start3A_279 : memref<50x64xf32, #tpu.memory_space<vmem>>) offsets(%dma_start3A_282 : memref<50xi32, #tpu.memory_space<vmem>>) semaphore(%arg12 : memref<!tpu.dma_semaphore, #tpu.memory_space<semaphore_mem>>)
    %dma_start3A_286 = arith.constant 6 : i32
    %dma_start3A_287 = arith.constant 6 : i32
    %dma_start3A_288 = arith.constant 0 : i32
    %dma_start3A_289 = arith.constant 0 : i32
    %dma_start3A_290 = tpu.memref_slice %arg8[%dma_start3A_287, %dma_start3A_288, %dma_start3A_289] : memref<16x50x64xf32, #tpu.memory_space<vmem>> -> memref<1x50x64xf32, #tpu.memory_space<vmem>>
    %dma_start3A_291 = tpu.memref_squeeze %dma_start3A_290 : memref<1x50x64xf32, #tpu.memory_space<vmem>> -> memref<50x64xf32, #tpu.memory_space<vmem>>
    %dma_start3A_292 = arith.constant 0 : i32
    %dma_start3A_293 = tpu.memref_slice %arg6[%dma_start3A_286, %dma_start3A_292] : memref<16x50xi32, #tpu.memory_space<vmem>> -> memref<1x50xi32, #tpu.memory_space<vmem>>
    %dma_start3A_294 = tpu.memref_squeeze %dma_start3A_293 : memref<1x50xi32, #tpu.memory_space<vmem>> -> memref<50xi32, #tpu.memory_space<vmem>>
    %dma_start3A_295 = arith.constant 0 : i32
    %dma_start3A_296 = arith.constant 0 : i32
    %dma_start3A_297 = tpu.memref_slice %arg3[%dma_start3A_295, %dma_start3A_296] : memref<1000000x64xf32, #tpu.memory_space<hbm>> -> memref<1000000x64xf32, #tpu.memory_space<hbm>>
    tpu.enqueue_indirect_dma source(%dma_start3A_297 : memref<1000000x64xf32, #tpu.memory_space<hbm>>) target(%dma_start3A_291 : memref<50x64xf32, #tpu.memory_space<vmem>>) offsets(%dma_start3A_294 : memref<50xi32, #tpu.memory_space<vmem>>) semaphore(%arg12 : memref<!tpu.dma_semaphore, #tpu.memory_space<semaphore_mem>>)
    %dma_start3A_298 = arith.constant 7 : i32
    %dma_start3A_299 = arith.constant 7 : i32
    %dma_start3A_300 = arith.constant 0 : i32
    %dma_start3A_301 = arith.constant 0 : i32
    %dma_start3A_302 = tpu.memref_slice %arg8[%dma_start3A_299, %dma_start3A_300, %dma_start3A_301] : memref<16x50x64xf32, #tpu.memory_space<vmem>> -> memref<1x50x64xf32, #tpu.memory_space<vmem>>
    %dma_start3A_303 = tpu.memref_squeeze %dma_start3A_302 : memref<1x50x64xf32, #tpu.memory_space<vmem>> -> memref<50x64xf32, #tpu.memory_space<vmem>>
    %dma_start3A_304 = arith.constant 0 : i32
    %dma_start3A_305 = tpu.memref_slice %arg6[%dma_start3A_298, %dma_start3A_304] : memref<16x50xi32, #tpu.memory_space<vmem>> -> memref<1x50xi32, #tpu.memory_space<vmem>>
    %dma_start3A_306 = tpu.memref_squeeze %dma_start3A_305 : memref<1x50xi32, #tpu.memory_space<vmem>> -> memref<50xi32, #tpu.memory_space<vmem>>
    %dma_start3A_307 = arith.constant 0 : i32
    %dma_start3A_308 = arith.constant 0 : i32
    %dma_start3A_309 = tpu.memref_slice %arg3[%dma_start3A_307, %dma_start3A_308] : memref<1000000x64xf32, #tpu.memory_space<hbm>> -> memref<1000000x64xf32, #tpu.memory_space<hbm>>
    tpu.enqueue_indirect_dma source(%dma_start3A_309 : memref<1000000x64xf32, #tpu.memory_space<hbm>>) target(%dma_start3A_303 : memref<50x64xf32, #tpu.memory_space<vmem>>) offsets(%dma_start3A_306 : memref<50xi32, #tpu.memory_space<vmem>>) semaphore(%arg12 : memref<!tpu.dma_semaphore, #tpu.memory_space<semaphore_mem>>)
    %dma_start3A_310 = arith.constant 8 : i32
    %dma_start3A_311 = arith.constant 8 : i32
    %dma_start3A_312 = arith.constant 0 : i32
    %dma_start3A_313 = arith.constant 0 : i32
    %dma_start3A_314 = tpu.memref_slice %arg8[%dma_start3A_311, %dma_start3A_312, %dma_start3A_313] : memref<16x50x64xf32, #tpu.memory_space<vmem>> -> memref<1x50x64xf32, #tpu.memory_space<vmem>>
    %dma_start3A_315 = tpu.memref_squeeze %dma_start3A_314 : memref<1x50x64xf32, #tpu.memory_space<vmem>> -> memref<50x64xf32, #tpu.memory_space<vmem>>
    %dma_start3A_316 = arith.constant 0 : i32
    %dma_start3A_317 = tpu.memref_slice %arg6[%dma_start3A_310, %dma_start3A_316] : memref<16x50xi32, #tpu.memory_space<vmem>> -> memref<1x50xi32, #tpu.memory_space<vmem>>
    %dma_start3A_318 = tpu.memref_squeeze %dma_start3A_317 : memref<1x50xi32, #tpu.memory_space<vmem>> -> memref<50xi32, #tpu.memory_space<vmem>>
    %dma_start3A_319 = arith.constant 0 : i32
    %dma_start3A_320 = arith.constant 0 : i32
    %dma_start3A_321 = tpu.memref_slice %arg3[%dma_start3A_319, %dma_start3A_320] : memref<1000000x64xf32, #tpu.memory_space<hbm>> -> memref<1000000x64xf32, #tpu.memory_space<hbm>>
    tpu.enqueue_indirect_dma source(%dma_start3A_321 : memref<1000000x64xf32, #tpu.memory_space<hbm>>) target(%dma_start3A_315 : memref<50x64xf32, #tpu.memory_space<vmem>>) offsets(%dma_start3A_318 : memref<50xi32, #tpu.memory_space<vmem>>) semaphore(%arg12 : memref<!tpu.dma_semaphore, #tpu.memory_space<semaphore_mem>>)
    %dma_start3A_322 = arith.constant 9 : i32
    %dma_start3A_323 = arith.constant 9 : i32
    %dma_start3A_324 = arith.constant 0 : i32
    %dma_start3A_325 = arith.constant 0 : i32
    %dma_start3A_326 = tpu.memref_slice %arg8[%dma_start3A_323, %dma_start3A_324, %dma_start3A_325] : memref<16x50x64xf32, #tpu.memory_space<vmem>> -> memref<1x50x64xf32, #tpu.memory_space<vmem>>
    %dma_start3A_327 = tpu.memref_squeeze %dma_start3A_326 : memref<1x50x64xf32, #tpu.memory_space<vmem>> -> memref<50x64xf32, #tpu.memory_space<vmem>>
    %dma_start3A_328 = arith.constant 0 : i32
    %dma_start3A_329 = tpu.memref_slice %arg6[%dma_start3A_322, %dma_start3A_328] : memref<16x50xi32, #tpu.memory_space<vmem>> -> memref<1x50xi32, #tpu.memory_space<vmem>>
    %dma_start3A_330 = tpu.memref_squeeze %dma_start3A_329 : memref<1x50xi32, #tpu.memory_space<vmem>> -> memref<50xi32, #tpu.memory_space<vmem>>
    %dma_start3A_331 = arith.constant 0 : i32
    %dma_start3A_332 = arith.constant 0 : i32
    %dma_start3A_333 = tpu.memref_slice %arg3[%dma_start3A_331, %dma_start3A_332] : memref<1000000x64xf32, #tpu.memory_space<hbm>> -> memref<1000000x64xf32, #tpu.memory_space<hbm>>
    tpu.enqueue_indirect_dma source(%dma_start3A_333 : memref<1000000x64xf32, #tpu.memory_space<hbm>>) target(%dma_start3A_327 : memref<50x64xf32, #tpu.memory_space<vmem>>) offsets(%dma_start3A_330 : memref<50xi32, #tpu.memory_space<vmem>>) semaphore(%arg12 : memref<!tpu.dma_semaphore, #tpu.memory_space<semaphore_mem>>)
    %dma_start3A_334 = arith.constant 10 : i32
    %dma_start3A_335 = arith.constant 10 : i32
    %dma_start3A_336 = arith.constant 0 : i32
    %dma_start3A_337 = arith.constant 0 : i32
    %dma_start3A_338 = tpu.memref_slice %arg8[%dma_start3A_335, %dma_start3A_336, %dma_start3A_337] : memref<16x50x64xf32, #tpu.memory_space<vmem>> -> memref<1x50x64xf32, #tpu.memory_space<vmem>>
    %dma_start3A_339 = tpu.memref_squeeze %dma_start3A_338 : memref<1x50x64xf32, #tpu.memory_space<vmem>> -> memref<50x64xf32, #tpu.memory_space<vmem>>
    %dma_start3A_340 = arith.constant 0 : i32
    %dma_start3A_341 = tpu.memref_slice %arg6[%dma_start3A_334, %dma_start3A_340] : memref<16x50xi32, #tpu.memory_space<vmem>> -> memref<1x50xi32, #tpu.memory_space<vmem>>
    %dma_start3A_342 = tpu.memref_squeeze %dma_start3A_341 : memref<1x50xi32, #tpu.memory_space<vmem>> -> memref<50xi32, #tpu.memory_space<vmem>>
    %dma_start3A_343 = arith.constant 0 : i32
    %dma_start3A_344 = arith.constant 0 : i32
    %dma_start3A_345 = tpu.memref_slice %arg3[%dma_start3A_343, %dma_start3A_344] : memref<1000000x64xf32, #tpu.memory_space<hbm>> -> memref<1000000x64xf32, #tpu.memory_space<hbm>>
    tpu.enqueue_indirect_dma source(%dma_start3A_345 : memref<1000000x64xf32, #tpu.memory_space<hbm>>) target(%dma_start3A_339 : memref<50x64xf32, #tpu.memory_space<vmem>>) offsets(%dma_start3A_342 : memref<50xi32, #tpu.memory_space<vmem>>) semaphore(%arg12 : memref<!tpu.dma_semaphore, #tpu.memory_space<semaphore_mem>>)
    %dma_start3A_346 = arith.constant 11 : i32
    %dma_start3A_347 = arith.constant 11 : i32
    %dma_start3A_348 = arith.constant 0 : i32
    %dma_start3A_349 = arith.constant 0 : i32
    %dma_start3A_350 = tpu.memref_slice %arg8[%dma_start3A_347, %dma_start3A_348, %dma_start3A_349] : memref<16x50x64xf32, #tpu.memory_space<vmem>> -> memref<1x50x64xf32, #tpu.memory_space<vmem>>
    %dma_start3A_351 = tpu.memref_squeeze %dma_start3A_350 : memref<1x50x64xf32, #tpu.memory_space<vmem>> -> memref<50x64xf32, #tpu.memory_space<vmem>>
    %dma_start3A_352 = arith.constant 0 : i32
    %dma_start3A_353 = tpu.memref_slice %arg6[%dma_start3A_346, %dma_start3A_352] : memref<16x50xi32, #tpu.memory_space<vmem>> -> memref<1x50xi32, #tpu.memory_space<vmem>>
    %dma_start3A_354 = tpu.memref_squeeze %dma_start3A_353 : memref<1x50xi32, #tpu.memory_space<vmem>> -> memref<50xi32, #tpu.memory_space<vmem>>
    %dma_start3A_355 = arith.constant 0 : i32
    %dma_start3A_356 = arith.constant 0 : i32
    %dma_start3A_357 = tpu.memref_slice %arg3[%dma_start3A_355, %dma_start3A_356] : memref<1000000x64xf32, #tpu.memory_space<hbm>> -> memref<1000000x64xf32, #tpu.memory_space<hbm>>
    tpu.enqueue_indirect_dma source(%dma_start3A_357 : memref<1000000x64xf32, #tpu.memory_space<hbm>>) target(%dma_start3A_351 : memref<50x64xf32, #tpu.memory_space<vmem>>) offsets(%dma_start3A_354 : memref<50xi32, #tpu.memory_space<vmem>>) semaphore(%arg12 : memref<!tpu.dma_semaphore, #tpu.memory_space<semaphore_mem>>)
    %dma_start3A_358 = arith.constant 12 : i32
    %dma_start3A_359 = arith.constant 12 : i32
    %dma_start3A_360 = arith.constant 0 : i32
    %dma_start3A_361 = arith.constant 0 : i32
    %dma_start3A_362 = tpu.memref_slice %arg8[%dma_start3A_359, %dma_start3A_360, %dma_start3A_361] : memref<16x50x64xf32, #tpu.memory_space<vmem>> -> memref<1x50x64xf32, #tpu.memory_space<vmem>>
    %dma_start3A_363 = tpu.memref_squeeze %dma_start3A_362 : memref<1x50x64xf32, #tpu.memory_space<vmem>> -> memref<50x64xf32, #tpu.memory_space<vmem>>
    %dma_start3A_364 = arith.constant 0 : i32
    %dma_start3A_365 = tpu.memref_slice %arg6[%dma_start3A_358, %dma_start3A_364] : memref<16x50xi32, #tpu.memory_space<vmem>> -> memref<1x50xi32, #tpu.memory_space<vmem>>
    %dma_start3A_366 = tpu.memref_squeeze %dma_start3A_365 : memref<1x50xi32, #tpu.memory_space<vmem>> -> memref<50xi32, #tpu.memory_space<vmem>>
    %dma_start3A_367 = arith.constant 0 : i32
    %dma_start3A_368 = arith.constant 0 : i32
    %dma_start3A_369 = tpu.memref_slice %arg3[%dma_start3A_367, %dma_start3A_368] : memref<1000000x64xf32, #tpu.memory_space<hbm>> -> memref<1000000x64xf32, #tpu.memory_space<hbm>>
    tpu.enqueue_indirect_dma source(%dma_start3A_369 : memref<1000000x64xf32, #tpu.memory_space<hbm>>) target(%dma_start3A_363 : memref<50x64xf32, #tpu.memory_space<vmem>>) offsets(%dma_start3A_366 : memref<50xi32, #tpu.memory_space<vmem>>) semaphore(%arg12 : memref<!tpu.dma_semaphore, #tpu.memory_space<semaphore_mem>>)
    %dma_start3A_370 = arith.constant 13 : i32
    %dma_start3A_371 = arith.constant 13 : i32
    %dma_start3A_372 = arith.constant 0 : i32
    %dma_start3A_373 = arith.constant 0 : i32
    %dma_start3A_374 = tpu.memref_slice %arg8[%dma_start3A_371, %dma_start3A_372, %dma_start3A_373] : memref<16x50x64xf32, #tpu.memory_space<vmem>> -> memref<1x50x64xf32, #tpu.memory_space<vmem>>
    %dma_start3A_375 = tpu.memref_squeeze %dma_start3A_374 : memref<1x50x64xf32, #tpu.memory_space<vmem>> -> memref<50x64xf32, #tpu.memory_space<vmem>>
    %dma_start3A_376 = arith.constant 0 : i32
    %dma_start3A_377 = tpu.memref_slice %arg6[%dma_start3A_370, %dma_start3A_376] : memref<16x50xi32, #tpu.memory_space<vmem>> -> memref<1x50xi32, #tpu.memory_space<vmem>>
    %dma_start3A_378 = tpu.memref_squeeze %dma_start3A_377 : memref<1x50xi32, #tpu.memory_space<vmem>> -> memref<50xi32, #tpu.memory_space<vmem>>
    %dma_start3A_379 = arith.constant 0 : i32
    %dma_start3A_380 = arith.constant 0 : i32
    %dma_start3A_381 = tpu.memref_slice %arg3[%dma_start3A_379, %dma_start3A_380] : memref<1000000x64xf32, #tpu.memory_space<hbm>> -> memref<1000000x64xf32, #tpu.memory_space<hbm>>
    tpu.enqueue_indirect_dma source(%dma_start3A_381 : memref<1000000x64xf32, #tpu.memory_space<hbm>>) target(%dma_start3A_375 : memref<50x64xf32, #tpu.memory_space<vmem>>) offsets(%dma_start3A_378 : memref<50xi32, #tpu.memory_space<vmem>>) semaphore(%arg12 : memref<!tpu.dma_semaphore, #tpu.memory_space<semaphore_mem>>)
    %dma_start3A_382 = arith.constant 14 : i32
    %dma_start3A_383 = arith.constant 14 : i32
    %dma_start3A_384 = arith.constant 0 : i32
    %dma_start3A_385 = arith.constant 0 : i32
    %dma_start3A_386 = tpu.memref_slice %arg8[%dma_start3A_383, %dma_start3A_384, %dma_start3A_385] : memref<16x50x64xf32, #tpu.memory_space<vmem>> -> memref<1x50x64xf32, #tpu.memory_space<vmem>>
    %dma_start3A_387 = tpu.memref_squeeze %dma_start3A_386 : memref<1x50x64xf32, #tpu.memory_space<vmem>> -> memref<50x64xf32, #tpu.memory_space<vmem>>
    %dma_start3A_388 = arith.constant 0 : i32
    %dma_start3A_389 = tpu.memref_slice %arg6[%dma_start3A_382, %dma_start3A_388] : memref<16x50xi32, #tpu.memory_space<vmem>> -> memref<1x50xi32, #tpu.memory_space<vmem>>
    %dma_start3A_390 = tpu.memref_squeeze %dma_start3A_389 : memref<1x50xi32, #tpu.memory_space<vmem>> -> memref<50xi32, #tpu.memory_space<vmem>>
    %dma_start3A_391 = arith.constant 0 : i32
    %dma_start3A_392 = arith.constant 0 : i32
    %dma_start3A_393 = tpu.memref_slice %arg3[%dma_start3A_391, %dma_start3A_392] : memref<1000000x64xf32, #tpu.memory_space<hbm>> -> memref<1000000x64xf32, #tpu.memory_space<hbm>>
    tpu.enqueue_indirect_dma source(%dma_start3A_393 : memref<1000000x64xf32, #tpu.memory_space<hbm>>) target(%dma_start3A_387 : memref<50x64xf32, #tpu.memory_space<vmem>>) offsets(%dma_start3A_390 : memref<50xi32, #tpu.memory_space<vmem>>) semaphore(%arg12 : memref<!tpu.dma_semaphore, #tpu.memory_space<semaphore_mem>>)
    %dma_start3A_394 = arith.constant 15 : i32
    %dma_start3A_395 = arith.constant 15 : i32
    %dma_start3A_396 = arith.constant 0 : i32
    %dma_start3A_397 = arith.constant 0 : i32
    %dma_start3A_398 = tpu.memref_slice %arg8[%dma_start3A_395, %dma_start3A_396, %dma_start3A_397] : memref<16x50x64xf32, #tpu.memory_space<vmem>> -> memref<1x50x64xf32, #tpu.memory_space<vmem>>
    %dma_start3A_399 = tpu.memref_squeeze %dma_start3A_398 : memref<1x50x64xf32, #tpu.memory_space<vmem>> -> memref<50x64xf32, #tpu.memory_space<vmem>>
    %dma_start3A_400 = arith.constant 0 : i32
    %dma_start3A_401 = tpu.memref_slice %arg6[%dma_start3A_394, %dma_start3A_400] : memref<16x50xi32, #tpu.memory_space<vmem>> -> memref<1x50xi32, #tpu.memory_space<vmem>>
    %dma_start3A_402 = tpu.memref_squeeze %dma_start3A_401 : memref<1x50xi32, #tpu.memory_space<vmem>> -> memref<50xi32, #tpu.memory_space<vmem>>
    %dma_start3A_403 = arith.constant 0 : i32
    %dma_start3A_404 = arith.constant 0 : i32
    %dma_start3A_405 = tpu.memref_slice %arg3[%dma_start3A_403, %dma_start3A_404] : memref<1000000x64xf32, #tpu.memory_space<hbm>> -> memref<1000000x64xf32, #tpu.memory_space<hbm>>
    tpu.enqueue_indirect_dma source(%dma_start3A_405 : memref<1000000x64xf32, #tpu.memory_space<hbm>>) target(%dma_start3A_399 : memref<50x64xf32, #tpu.memory_space<vmem>>) offsets(%dma_start3A_402 : memref<50xi32, #tpu.memory_space<vmem>>) semaphore(%arg12 : memref<!tpu.dma_semaphore, #tpu.memory_space<semaphore_mem>>)
    %scan3A = arith.constant 0 : i32
    %scan3A_406 = arith.constant 0 : i32
    %scan3A_407 = arith.constant 15 : i32
    %scan3A_408 = arith.addi %scan3A_406, %scan3A_407 : i32
    %scan3A_409 = arith.constant 1 : i32
    scf.for %scan3A_825 = %scan3A_406 to %scan3A_408 step %scan3A_409  : i32 {
      %mul3A_826 = arith.constant 2 : i32
      %mul3A_827 = arith.muli %scan3A_825, %mul3A_826 : i32
      %add3A_828 = arith.constant 0 : i32
      %add3A_829 = arith.addi %mul3A_827, %add3A_828 : i32
      %dma_wait3A_830 = arith.constant 0 : i32
      %dma_wait3A_831 = arith.constant 0 : i32
      %dma_wait3A_832 = arith.constant 0 : i32
      %dma_wait3A_833 = arith.constant 0 : i32
      %dma_wait3A_834 = tpu.memref_slice %arg7[%dma_wait3A_831, %dma_wait3A_832, %dma_wait3A_833] : memref<16x50x64xf32, #tpu.memory_space<vmem>> -> memref<1x50x64xf32, #tpu.memory_space<vmem>>
      %dma_wait3A_835 = tpu.memref_squeeze %dma_wait3A_834 : memref<1x50x64xf32, #tpu.memory_space<vmem>> -> memref<50x64xf32, #tpu.memory_space<vmem>>
      %dma_wait3A_836 = arith.constant 0 : i32
      %dma_wait3A_837 = tpu.memref_slice %arg5[%dma_wait3A_830, %dma_wait3A_836] : memref<16x50xi32, #tpu.memory_space<vmem>> -> memref<1x50xi32, #tpu.memory_space<vmem>>
      %dma_wait3A_838 = tpu.memref_squeeze %dma_wait3A_837 : memref<1x50xi32, #tpu.memory_space<vmem>> -> memref<50xi32, #tpu.memory_space<vmem>>
      %dma_wait3A_839 = arith.constant 0 : i32
      %dma_wait3A_840 = arith.constant 0 : i32
      %dma_wait3A_841 = tpu.memref_slice %arg3[%dma_wait3A_839, %dma_wait3A_840] : memref<1000000x64xf32, #tpu.memory_space<hbm>> -> memref<1000000x64xf32, #tpu.memory_space<hbm>>
      tpu.wait_indirect_dma semaphore(%arg11 : memref<!tpu.dma_semaphore, #tpu.memory_space<semaphore_mem>>) src(%dma_wait3A_841 : memref<1000000x64xf32, #tpu.memory_space<hbm>>) dst(%dma_wait3A_835 : memref<50x64xf32, #tpu.memory_space<vmem>>)
      %dma_wait3A_842 = arith.constant 1 : i32
      %dma_wait3A_843 = arith.constant 1 : i32
      %dma_wait3A_844 = arith.constant 0 : i32
      %dma_wait3A_845 = arith.constant 0 : i32
      %dma_wait3A_846 = tpu.memref_slice %arg7[%dma_wait3A_843, %dma_wait3A_844, %dma_wait3A_845] : memref<16x50x64xf32, #tpu.memory_space<vmem>> -> memref<1x50x64xf32, #tpu.memory_space<vmem>>
      %dma_wait3A_847 = tpu.memref_squeeze %dma_wait3A_846 : memref<1x50x64xf32, #tpu.memory_space<vmem>> -> memref<50x64xf32, #tpu.memory_space<vmem>>
      %dma_wait3A_848 = arith.constant 0 : i32
      %dma_wait3A_849 = tpu.memref_slice %arg5[%dma_wait3A_842, %dma_wait3A_848] : memref<16x50xi32, #tpu.memory_space<vmem>> -> memref<1x50xi32, #tpu.memory_space<vmem>>
      %dma_wait3A_850 = tpu.memref_squeeze %dma_wait3A_849 : memref<1x50xi32, #tpu.memory_space<vmem>> -> memref<50xi32, #tpu.memory_space<vmem>>
      %dma_wait3A_851 = arith.constant 0 : i32
      %dma_wait3A_852 = arith.constant 0 : i32
      %dma_wait3A_853 = tpu.memref_slice %arg3[%dma_wait3A_851, %dma_wait3A_852] : memref<1000000x64xf32, #tpu.memory_space<hbm>> -> memref<1000000x64xf32, #tpu.memory_space<hbm>>
      tpu.wait_indirect_dma semaphore(%arg11 : memref<!tpu.dma_semaphore, #tpu.memory_space<semaphore_mem>>) src(%dma_wait3A_853 : memref<1000000x64xf32, #tpu.memory_space<hbm>>) dst(%dma_wait3A_847 : memref<50x64xf32, #tpu.memory_space<vmem>>)
      %dma_wait3A_854 = arith.constant 2 : i32
      %dma_wait3A_855 = arith.constant 2 : i32
      %dma_wait3A_856 = arith.constant 0 : i32
      %dma_wait3A_857 = arith.constant 0 : i32
      %dma_wait3A_858 = tpu.memref_slice %arg7[%dma_wait3A_855, %dma_wait3A_856, %dma_wait3A_857] : memref<16x50x64xf32, #tpu.memory_space<vmem>> -> memref<1x50x64xf32, #tpu.memory_space<vmem>>
      %dma_wait3A_859 = tpu.memref_squeeze %dma_wait3A_858 : memref<1x50x64xf32, #tpu.memory_space<vmem>> -> memref<50x64xf32, #tpu.memory_space<vmem>>
      %dma_wait3A_860 = arith.constant 0 : i32
      %dma_wait3A_861 = tpu.memref_slice %arg5[%dma_wait3A_854, %dma_wait3A_860] : memref<16x50xi32, #tpu.memory_space<vmem>> -> memref<1x50xi32, #tpu.memory_space<vmem>>
      %dma_wait3A_862 = tpu.memref_squeeze %dma_wait3A_861 : memref<1x50xi32, #tpu.memory_space<vmem>> -> memref<50xi32, #tpu.memory_space<vmem>>
      %dma_wait3A_863 = arith.constant 0 : i32
      %dma_wait3A_864 = arith.constant 0 : i32
      %dma_wait3A_865 = tpu.memref_slice %arg3[%dma_wait3A_863, %dma_wait3A_864] : memref<1000000x64xf32, #tpu.memory_space<hbm>> -> memref<1000000x64xf32, #tpu.memory_space<hbm>>
      tpu.wait_indirect_dma semaphore(%arg11 : memref<!tpu.dma_semaphore, #tpu.memory_space<semaphore_mem>>) src(%dma_wait3A_865 : memref<1000000x64xf32, #tpu.memory_space<hbm>>) dst(%dma_wait3A_859 : memref<50x64xf32, #tpu.memory_space<vmem>>)
      %dma_wait3A_866 = arith.constant 3 : i32
      %dma_wait3A_867 = arith.constant 3 : i32
      %dma_wait3A_868 = arith.constant 0 : i32
      %dma_wait3A_869 = arith.constant 0 : i32
      %dma_wait3A_870 = tpu.memref_slice %arg7[%dma_wait3A_867, %dma_wait3A_868, %dma_wait3A_869] : memref<16x50x64xf32, #tpu.memory_space<vmem>> -> memref<1x50x64xf32, #tpu.memory_space<vmem>>
      %dma_wait3A_871 = tpu.memref_squeeze %dma_wait3A_870 : memref<1x50x64xf32, #tpu.memory_space<vmem>> -> memref<50x64xf32, #tpu.memory_space<vmem>>
      %dma_wait3A_872 = arith.constant 0 : i32
      %dma_wait3A_873 = tpu.memref_slice %arg5[%dma_wait3A_866, %dma_wait3A_872] : memref<16x50xi32, #tpu.memory_space<vmem>> -> memref<1x50xi32, #tpu.memory_space<vmem>>
      %dma_wait3A_874 = tpu.memref_squeeze %dma_wait3A_873 : memref<1x50xi32, #tpu.memory_space<vmem>> -> memref<50xi32, #tpu.memory_space<vmem>>
      %dma_wait3A_875 = arith.constant 0 : i32
      %dma_wait3A_876 = arith.constant 0 : i32
      %dma_wait3A_877 = tpu.memref_slice %arg3[%dma_wait3A_875, %dma_wait3A_876] : memref<1000000x64xf32, #tpu.memory_space<hbm>> -> memref<1000000x64xf32, #tpu.memory_space<hbm>>
      tpu.wait_indirect_dma semaphore(%arg11 : memref<!tpu.dma_semaphore, #tpu.memory_space<semaphore_mem>>) src(%dma_wait3A_877 : memref<1000000x64xf32, #tpu.memory_space<hbm>>) dst(%dma_wait3A_871 : memref<50x64xf32, #tpu.memory_space<vmem>>)
      %dma_wait3A_878 = arith.constant 4 : i32
      %dma_wait3A_879 = arith.constant 4 : i32
      %dma_wait3A_880 = arith.constant 0 : i32
      %dma_wait3A_881 = arith.constant 0 : i32
      %dma_wait3A_882 = tpu.memref_slice %arg7[%dma_wait3A_879, %dma_wait3A_880, %dma_wait3A_881] : memref<16x50x64xf32, #tpu.memory_space<vmem>> -> memref<1x50x64xf32, #tpu.memory_space<vmem>>
      %dma_wait3A_883 = tpu.memref_squeeze %dma_wait3A_882 : memref<1x50x64xf32, #tpu.memory_space<vmem>> -> memref<50x64xf32, #tpu.memory_space<vmem>>
      %dma_wait3A_884 = arith.constant 0 : i32
      %dma_wait3A_885 = tpu.memref_slice %arg5[%dma_wait3A_878, %dma_wait3A_884] : memref<16x50xi32, #tpu.memory_space<vmem>> -> memref<1x50xi32, #tpu.memory_space<vmem>>
      %dma_wait3A_886 = tpu.memref_squeeze %dma_wait3A_885 : memref<1x50xi32, #tpu.memory_space<vmem>> -> memref<50xi32, #tpu.memory_space<vmem>>
      %dma_wait3A_887 = arith.constant 0 : i32
      %dma_wait3A_888 = arith.constant 0 : i32
      %dma_wait3A_889 = tpu.memref_slice %arg3[%dma_wait3A_887, %dma_wait3A_888] : memref<1000000x64xf32, #tpu.memory_space<hbm>> -> memref<1000000x64xf32, #tpu.memory_space<hbm>>
      tpu.wait_indirect_dma semaphore(%arg11 : memref<!tpu.dma_semaphore, #tpu.memory_space<semaphore_mem>>) src(%dma_wait3A_889 : memref<1000000x64xf32, #tpu.memory_space<hbm>>) dst(%dma_wait3A_883 : memref<50x64xf32, #tpu.memory_space<vmem>>)
      %dma_wait3A_890 = arith.constant 5 : i32
      %dma_wait3A_891 = arith.constant 5 : i32
      %dma_wait3A_892 = arith.constant 0 : i32
      %dma_wait3A_893 = arith.constant 0 : i32
      %dma_wait3A_894 = tpu.memref_slice %arg7[%dma_wait3A_891, %dma_wait3A_892, %dma_wait3A_893] : memref<16x50x64xf32, #tpu.memory_space<vmem>> -> memref<1x50x64xf32, #tpu.memory_space<vmem>>
      %dma_wait3A_895 = tpu.memref_squeeze %dma_wait3A_894 : memref<1x50x64xf32, #tpu.memory_space<vmem>> -> memref<50x64xf32, #tpu.memory_space<vmem>>
      %dma_wait3A_896 = arith.constant 0 : i32
      %dma_wait3A_897 = tpu.memref_slice %arg5[%dma_wait3A_890, %dma_wait3A_896] : memref<16x50xi32, #tpu.memory_space<vmem>> -> memref<1x50xi32, #tpu.memory_space<vmem>>
      %dma_wait3A_898 = tpu.memref_squeeze %dma_wait3A_897 : memref<1x50xi32, #tpu.memory_space<vmem>> -> memref<50xi32, #tpu.memory_space<vmem>>
      %dma_wait3A_899 = arith.constant 0 : i32
      %dma_wait3A_900 = arith.constant 0 : i32
      %dma_wait3A_901 = tpu.memref_slice %arg3[%dma_wait3A_899, %dma_wait3A_900] : memref<1000000x64xf32, #tpu.memory_space<hbm>> -> memref<1000000x64xf32, #tpu.memory_space<hbm>>
      tpu.wait_indirect_dma semaphore(%arg11 : memref<!tpu.dma_semaphore, #tpu.memory_space<semaphore_mem>>) src(%dma_wait3A_901 : memref<1000000x64xf32, #tpu.memory_space<hbm>>) dst(%dma_wait3A_895 : memref<50x64xf32, #tpu.memory_space<vmem>>)
      %dma_wait3A_902 = arith.constant 6 : i32
      %dma_wait3A_903 = arith.constant 6 : i32
      %dma_wait3A_904 = arith.constant 0 : i32
      %dma_wait3A_905 = arith.constant 0 : i32
      %dma_wait3A_906 = tpu.memref_slice %arg7[%dma_wait3A_903, %dma_wait3A_904, %dma_wait3A_905] : memref<16x50x64xf32, #tpu.memory_space<vmem>> -> memref<1x50x64xf32, #tpu.memory_space<vmem>>
      %dma_wait3A_907 = tpu.memref_squeeze %dma_wait3A_906 : memref<1x50x64xf32, #tpu.memory_space<vmem>> -> memref<50x64xf32, #tpu.memory_space<vmem>>
      %dma_wait3A_908 = arith.constant 0 : i32
      %dma_wait3A_909 = tpu.memref_slice %arg5[%dma_wait3A_902, %dma_wait3A_908] : memref<16x50xi32, #tpu.memory_space<vmem>> -> memref<1x50xi32, #tpu.memory_space<vmem>>
      %dma_wait3A_910 = tpu.memref_squeeze %dma_wait3A_909 : memref<1x50xi32, #tpu.memory_space<vmem>> -> memref<50xi32, #tpu.memory_space<vmem>>
      %dma_wait3A_911 = arith.constant 0 : i32
      %dma_wait3A_912 = arith.constant 0 : i32
      %dma_wait3A_913 = tpu.memref_slice %arg3[%dma_wait3A_911, %dma_wait3A_912] : memref<1000000x64xf32, #tpu.memory_space<hbm>> -> memref<1000000x64xf32, #tpu.memory_space<hbm>>
      tpu.wait_indirect_dma semaphore(%arg11 : memref<!tpu.dma_semaphore, #tpu.memory_space<semaphore_mem>>) src(%dma_wait3A_913 : memref<1000000x64xf32, #tpu.memory_space<hbm>>) dst(%dma_wait3A_907 : memref<50x64xf32, #tpu.memory_space<vmem>>)
      %dma_wait3A_914 = arith.constant 7 : i32
      %dma_wait3A_915 = arith.constant 7 : i32
      %dma_wait3A_916 = arith.constant 0 : i32
      %dma_wait3A_917 = arith.constant 0 : i32
      %dma_wait3A_918 = tpu.memref_slice %arg7[%dma_wait3A_915, %dma_wait3A_916, %dma_wait3A_917] : memref<16x50x64xf32, #tpu.memory_space<vmem>> -> memref<1x50x64xf32, #tpu.memory_space<vmem>>
      %dma_wait3A_919 = tpu.memref_squeeze %dma_wait3A_918 : memref<1x50x64xf32, #tpu.memory_space<vmem>> -> memref<50x64xf32, #tpu.memory_space<vmem>>
      %dma_wait3A_920 = arith.constant 0 : i32
      %dma_wait3A_921 = tpu.memref_slice %arg5[%dma_wait3A_914, %dma_wait3A_920] : memref<16x50xi32, #tpu.memory_space<vmem>> -> memref<1x50xi32, #tpu.memory_space<vmem>>
      %dma_wait3A_922 = tpu.memref_squeeze %dma_wait3A_921 : memref<1x50xi32, #tpu.memory_space<vmem>> -> memref<50xi32, #tpu.memory_space<vmem>>
      %dma_wait3A_923 = arith.constant 0 : i32
      %dma_wait3A_924 = arith.constant 0 : i32
      %dma_wait3A_925 = tpu.memref_slice %arg3[%dma_wait3A_923, %dma_wait3A_924] : memref<1000000x64xf32, #tpu.memory_space<hbm>> -> memref<1000000x64xf32, #tpu.memory_space<hbm>>
      tpu.wait_indirect_dma semaphore(%arg11 : memref<!tpu.dma_semaphore, #tpu.memory_space<semaphore_mem>>) src(%dma_wait3A_925 : memref<1000000x64xf32, #tpu.memory_space<hbm>>) dst(%dma_wait3A_919 : memref<50x64xf32, #tpu.memory_space<vmem>>)
      %dma_wait3A_926 = arith.constant 8 : i32
      %dma_wait3A_927 = arith.constant 8 : i32
      %dma_wait3A_928 = arith.constant 0 : i32
      %dma_wait3A_929 = arith.constant 0 : i32
      %dma_wait3A_930 = tpu.memref_slice %arg7[%dma_wait3A_927, %dma_wait3A_928, %dma_wait3A_929] : memref<16x50x64xf32, #tpu.memory_space<vmem>> -> memref<1x50x64xf32, #tpu.memory_space<vmem>>
      %dma_wait3A_931 = tpu.memref_squeeze %dma_wait3A_930 : memref<1x50x64xf32, #tpu.memory_space<vmem>> -> memref<50x64xf32, #tpu.memory_space<vmem>>
      %dma_wait3A_932 = arith.constant 0 : i32
      %dma_wait3A_933 = tpu.memref_slice %arg5[%dma_wait3A_926, %dma_wait3A_932] : memref<16x50xi32, #tpu.memory_space<vmem>> -> memref<1x50xi32, #tpu.memory_space<vmem>>
      %dma_wait3A_934 = tpu.memref_squeeze %dma_wait3A_933 : memref<1x50xi32, #tpu.memory_space<vmem>> -> memref<50xi32, #tpu.memory_space<vmem>>
      %dma_wait3A_935 = arith.constant 0 : i32
      %dma_wait3A_936 = arith.constant 0 : i32
      %dma_wait3A_937 = tpu.memref_slice %arg3[%dma_wait3A_935, %dma_wait3A_936] : memref<1000000x64xf32, #tpu.memory_space<hbm>> -> memref<1000000x64xf32, #tpu.memory_space<hbm>>
      tpu.wait_indirect_dma semaphore(%arg11 : memref<!tpu.dma_semaphore, #tpu.memory_space<semaphore_mem>>) src(%dma_wait3A_937 : memref<1000000x64xf32, #tpu.memory_space<hbm>>) dst(%dma_wait3A_931 : memref<50x64xf32, #tpu.memory_space<vmem>>)
      %dma_wait3A_938 = arith.constant 9 : i32
      %dma_wait3A_939 = arith.constant 9 : i32
      %dma_wait3A_940 = arith.constant 0 : i32
      %dma_wait3A_941 = arith.constant 0 : i32
      %dma_wait3A_942 = tpu.memref_slice %arg7[%dma_wait3A_939, %dma_wait3A_940, %dma_wait3A_941] : memref<16x50x64xf32, #tpu.memory_space<vmem>> -> memref<1x50x64xf32, #tpu.memory_space<vmem>>
      %dma_wait3A_943 = tpu.memref_squeeze %dma_wait3A_942 : memref<1x50x64xf32, #tpu.memory_space<vmem>> -> memref<50x64xf32, #tpu.memory_space<vmem>>
      %dma_wait3A_944 = arith.constant 0 : i32
      %dma_wait3A_945 = tpu.memref_slice %arg5[%dma_wait3A_938, %dma_wait3A_944] : memref<16x50xi32, #tpu.memory_space<vmem>> -> memref<1x50xi32, #tpu.memory_space<vmem>>
      %dma_wait3A_946 = tpu.memref_squeeze %dma_wait3A_945 : memref<1x50xi32, #tpu.memory_space<vmem>> -> memref<50xi32, #tpu.memory_space<vmem>>
      %dma_wait3A_947 = arith.constant 0 : i32
      %dma_wait3A_948 = arith.constant 0 : i32
      %dma_wait3A_949 = tpu.memref_slice %arg3[%dma_wait3A_947, %dma_wait3A_948] : memref<1000000x64xf32, #tpu.memory_space<hbm>> -> memref<1000000x64xf32, #tpu.memory_space<hbm>>
      tpu.wait_indirect_dma semaphore(%arg11 : memref<!tpu.dma_semaphore, #tpu.memory_space<semaphore_mem>>) src(%dma_wait3A_949 : memref<1000000x64xf32, #tpu.memory_space<hbm>>) dst(%dma_wait3A_943 : memref<50x64xf32, #tpu.memory_space<vmem>>)
      %dma_wait3A_950 = arith.constant 10 : i32
      %dma_wait3A_951 = arith.constant 10 : i32
      %dma_wait3A_952 = arith.constant 0 : i32
      %dma_wait3A_953 = arith.constant 0 : i32
      %dma_wait3A_954 = tpu.memref_slice %arg7[%dma_wait3A_951, %dma_wait3A_952, %dma_wait3A_953] : memref<16x50x64xf32, #tpu.memory_space<vmem>> -> memref<1x50x64xf32, #tpu.memory_space<vmem>>
      %dma_wait3A_955 = tpu.memref_squeeze %dma_wait3A_954 : memref<1x50x64xf32, #tpu.memory_space<vmem>> -> memref<50x64xf32, #tpu.memory_space<vmem>>
      %dma_wait3A_956 = arith.constant 0 : i32
      %dma_wait3A_957 = tpu.memref_slice %arg5[%dma_wait3A_950, %dma_wait3A_956] : memref<16x50xi32, #tpu.memory_space<vmem>> -> memref<1x50xi32, #tpu.memory_space<vmem>>
      %dma_wait3A_958 = tpu.memref_squeeze %dma_wait3A_957 : memref<1x50xi32, #tpu.memory_space<vmem>> -> memref<50xi32, #tpu.memory_space<vmem>>
      %dma_wait3A_959 = arith.constant 0 : i32
      %dma_wait3A_960 = arith.constant 0 : i32
      %dma_wait3A_961 = tpu.memref_slice %arg3[%dma_wait3A_959, %dma_wait3A_960] : memref<1000000x64xf32, #tpu.memory_space<hbm>> -> memref<1000000x64xf32, #tpu.memory_space<hbm>>
      tpu.wait_indirect_dma semaphore(%arg11 : memref<!tpu.dma_semaphore, #tpu.memory_space<semaphore_mem>>) src(%dma_wait3A_961 : memref<1000000x64xf32, #tpu.memory_space<hbm>>) dst(%dma_wait3A_955 : memref<50x64xf32, #tpu.memory_space<vmem>>)
      %dma_wait3A_962 = arith.constant 11 : i32
      %dma_wait3A_963 = arith.constant 11 : i32
      %dma_wait3A_964 = arith.constant 0 : i32
      %dma_wait3A_965 = arith.constant 0 : i32
      %dma_wait3A_966 = tpu.memref_slice %arg7[%dma_wait3A_963, %dma_wait3A_964, %dma_wait3A_965] : memref<16x50x64xf32, #tpu.memory_space<vmem>> -> memref<1x50x64xf32, #tpu.memory_space<vmem>>
      %dma_wait3A_967 = tpu.memref_squeeze %dma_wait3A_966 : memref<1x50x64xf32, #tpu.memory_space<vmem>> -> memref<50x64xf32, #tpu.memory_space<vmem>>
      %dma_wait3A_968 = arith.constant 0 : i32
      %dma_wait3A_969 = tpu.memref_slice %arg5[%dma_wait3A_962, %dma_wait3A_968] : memref<16x50xi32, #tpu.memory_space<vmem>> -> memref<1x50xi32, #tpu.memory_space<vmem>>
      %dma_wait3A_970 = tpu.memref_squeeze %dma_wait3A_969 : memref<1x50xi32, #tpu.memory_space<vmem>> -> memref<50xi32, #tpu.memory_space<vmem>>
      %dma_wait3A_971 = arith.constant 0 : i32
      %dma_wait3A_972 = arith.constant 0 : i32
      %dma_wait3A_973 = tpu.memref_slice %arg3[%dma_wait3A_971, %dma_wait3A_972] : memref<1000000x64xf32, #tpu.memory_space<hbm>> -> memref<1000000x64xf32, #tpu.memory_space<hbm>>
      tpu.wait_indirect_dma semaphore(%arg11 : memref<!tpu.dma_semaphore, #tpu.memory_space<semaphore_mem>>) src(%dma_wait3A_973 : memref<1000000x64xf32, #tpu.memory_space<hbm>>) dst(%dma_wait3A_967 : memref<50x64xf32, #tpu.memory_space<vmem>>)
      %dma_wait3A_974 = arith.constant 12 : i32
      %dma_wait3A_975 = arith.constant 12 : i32
      %dma_wait3A_976 = arith.constant 0 : i32
      %dma_wait3A_977 = arith.constant 0 : i32
      %dma_wait3A_978 = tpu.memref_slice %arg7[%dma_wait3A_975, %dma_wait3A_976, %dma_wait3A_977] : memref<16x50x64xf32, #tpu.memory_space<vmem>> -> memref<1x50x64xf32, #tpu.memory_space<vmem>>
      %dma_wait3A_979 = tpu.memref_squeeze %dma_wait3A_978 : memref<1x50x64xf32, #tpu.memory_space<vmem>> -> memref<50x64xf32, #tpu.memory_space<vmem>>
      %dma_wait3A_980 = arith.constant 0 : i32
      %dma_wait3A_981 = tpu.memref_slice %arg5[%dma_wait3A_974, %dma_wait3A_980] : memref<16x50xi32, #tpu.memory_space<vmem>> -> memref<1x50xi32, #tpu.memory_space<vmem>>
      %dma_wait3A_982 = tpu.memref_squeeze %dma_wait3A_981 : memref<1x50xi32, #tpu.memory_space<vmem>> -> memref<50xi32, #tpu.memory_space<vmem>>
      %dma_wait3A_983 = arith.constant 0 : i32
      %dma_wait3A_984 = arith.constant 0 : i32
      %dma_wait3A_985 = tpu.memref_slice %arg3[%dma_wait3A_983, %dma_wait3A_984] : memref<1000000x64xf32, #tpu.memory_space<hbm>> -> memref<1000000x64xf32, #tpu.memory_space<hbm>>
      tpu.wait_indirect_dma semaphore(%arg11 : memref<!tpu.dma_semaphore, #tpu.memory_space<semaphore_mem>>) src(%dma_wait3A_985 : memref<1000000x64xf32, #tpu.memory_space<hbm>>) dst(%dma_wait3A_979 : memref<50x64xf32, #tpu.memory_space<vmem>>)
      %dma_wait3A_986 = arith.constant 13 : i32
      %dma_wait3A_987 = arith.constant 13 : i32
      %dma_wait3A_988 = arith.constant 0 : i32
      %dma_wait3A_989 = arith.constant 0 : i32
      %dma_wait3A_990 = tpu.memref_slice %arg7[%dma_wait3A_987, %dma_wait3A_988, %dma_wait3A_989] : memref<16x50x64xf32, #tpu.memory_space<vmem>> -> memref<1x50x64xf32, #tpu.memory_space<vmem>>
      %dma_wait3A_991 = tpu.memref_squeeze %dma_wait3A_990 : memref<1x50x64xf32, #tpu.memory_space<vmem>> -> memref<50x64xf32, #tpu.memory_space<vmem>>
      %dma_wait3A_992 = arith.constant 0 : i32
      %dma_wait3A_993 = tpu.memref_slice %arg5[%dma_wait3A_986, %dma_wait3A_992] : memref<16x50xi32, #tpu.memory_space<vmem>> -> memref<1x50xi32, #tpu.memory_space<vmem>>
      %dma_wait3A_994 = tpu.memref_squeeze %dma_wait3A_993 : memref<1x50xi32, #tpu.memory_space<vmem>> -> memref<50xi32, #tpu.memory_space<vmem>>
      %dma_wait3A_995 = arith.constant 0 : i32
      %dma_wait3A_996 = arith.constant 0 : i32
      %dma_wait3A_997 = tpu.memref_slice %arg3[%dma_wait3A_995, %dma_wait3A_996] : memref<1000000x64xf32, #tpu.memory_space<hbm>> -> memref<1000000x64xf32, #tpu.memory_space<hbm>>
      tpu.wait_indirect_dma semaphore(%arg11 : memref<!tpu.dma_semaphore, #tpu.memory_space<semaphore_mem>>) src(%dma_wait3A_997 : memref<1000000x64xf32, #tpu.memory_space<hbm>>) dst(%dma_wait3A_991 : memref<50x64xf32, #tpu.memory_space<vmem>>)
      %dma_wait3A_998 = arith.constant 14 : i32
      %dma_wait3A_999 = arith.constant 14 : i32
      %dma_wait3A_1000 = arith.constant 0 : i32
      %dma_wait3A_1001 = arith.constant 0 : i32
      %dma_wait3A_1002 = tpu.memref_slice %arg7[%dma_wait3A_999, %dma_wait3A_1000, %dma_wait3A_1001] : memref<16x50x64xf32, #tpu.memory_space<vmem>> -> memref<1x50x64xf32, #tpu.memory_space<vmem>>
      %dma_wait3A_1003 = tpu.memref_squeeze %dma_wait3A_1002 : memref<1x50x64xf32, #tpu.memory_space<vmem>> -> memref<50x64xf32, #tpu.memory_space<vmem>>
      %dma_wait3A_1004 = arith.constant 0 : i32
      %dma_wait3A_1005 = tpu.memref_slice %arg5[%dma_wait3A_998, %dma_wait3A_1004] : memref<16x50xi32, #tpu.memory_space<vmem>> -> memref<1x50xi32, #tpu.memory_space<vmem>>
      %dma_wait3A_1006 = tpu.memref_squeeze %dma_wait3A_1005 : memref<1x50xi32, #tpu.memory_space<vmem>> -> memref<50xi32, #tpu.memory_space<vmem>>
      %dma_wait3A_1007 = arith.constant 0 : i32
      %dma_wait3A_1008 = arith.constant 0 : i32
      %dma_wait3A_1009 = tpu.memref_slice %arg3[%dma_wait3A_1007, %dma_wait3A_1008] : memref<1000000x64xf32, #tpu.memory_space<hbm>> -> memref<1000000x64xf32, #tpu.memory_space<hbm>>
      tpu.wait_indirect_dma semaphore(%arg11 : memref<!tpu.dma_semaphore, #tpu.memory_space<semaphore_mem>>) src(%dma_wait3A_1009 : memref<1000000x64xf32, #tpu.memory_space<hbm>>) dst(%dma_wait3A_1003 : memref<50x64xf32, #tpu.memory_space<vmem>>)
      %dma_wait3A_1010 = arith.constant 15 : i32
      %dma_wait3A_1011 = arith.constant 15 : i32
      %dma_wait3A_1012 = arith.constant 0 : i32
      %dma_wait3A_1013 = arith.constant 0 : i32
      %dma_wait3A_1014 = tpu.memref_slice %arg7[%dma_wait3A_1011, %dma_wait3A_1012, %dma_wait3A_1013] : memref<16x50x64xf32, #tpu.memory_space<vmem>> -> memref<1x50x64xf32, #tpu.memory_space<vmem>>
      %dma_wait3A_1015 = tpu.memref_squeeze %dma_wait3A_1014 : memref<1x50x64xf32, #tpu.memory_space<vmem>> -> memref<50x64xf32, #tpu.memory_space<vmem>>
      %dma_wait3A_1016 = arith.constant 0 : i32
      %dma_wait3A_1017 = tpu.memref_slice %arg5[%dma_wait3A_1010, %dma_wait3A_1016] : memref<16x50xi32, #tpu.memory_space<vmem>> -> memref<1x50xi32, #tpu.memory_space<vmem>>
      %dma_wait3A_1018 = tpu.memref_squeeze %dma_wait3A_1017 : memref<1x50xi32, #tpu.memory_space<vmem>> -> memref<50xi32, #tpu.memory_space<vmem>>
      %dma_wait3A_1019 = arith.constant 0 : i32
      %dma_wait3A_1020 = arith.constant 0 : i32
      %dma_wait3A_1021 = tpu.memref_slice %arg3[%dma_wait3A_1019, %dma_wait3A_1020] : memref<1000000x64xf32, #tpu.memory_space<hbm>> -> memref<1000000x64xf32, #tpu.memory_space<hbm>>
      tpu.wait_indirect_dma semaphore(%arg11 : memref<!tpu.dma_semaphore, #tpu.memory_space<semaphore_mem>>) src(%dma_wait3A_1021 : memref<1000000x64xf32, #tpu.memory_space<hbm>>) dst(%dma_wait3A_1015 : memref<50x64xf32, #tpu.memory_space<vmem>>)
      %mul3A_1022 = arith.constant 16 : i32
      %mul3A_1023 = arith.muli %add3A_829, %mul3A_1022 : i32
      %add3A_1024 = arith.addi %mul3A_2, %mul3A_1023 : i32
      %multiple_of3A_1025 = tpu.assume_multiple %add3A_1024, 8 : i32
      %dma_start3A_1026 = arith.constant 0 : i32
      %dma_start3A_1027 = arith.constant 0 : i32
      %dma_start3A_1028 = tpu.memref_slice %arg4[%multiple_of3A_1025, %dma_start3A_1026, %dma_start3A_1027] : memref<16384x50x64xf32, #tpu.memory_space<hbm>> -> memref<16x50x64xf32, #tpu.memory_space<hbm>>
      %dma_start3A_1029 = arith.constant 0 : i32
      %dma_start3A_1030 = arith.constant 0 : i32
      %dma_start3A_1031 = tpu.memref_slice %arg4[%multiple_of3A_1025, %dma_start3A_1029, %dma_start3A_1030] : memref<16384x50x64xf32, #tpu.memory_space<hbm>> -> memref<16x50x64xf32, #tpu.memory_space<hbm>>
      tpu.enqueue_dma source(%arg7 : memref<16x50x64xf32, #tpu.memory_space<vmem>>) target(%dma_start3A_1031 : memref<16x50x64xf32, #tpu.memory_space<hbm>>) target_semaphore(%arg13 : memref<!tpu.dma_semaphore, #tpu.memory_space<semaphore_mem>>)
      %add3A_1032 = arith.constant 2 : i32
      %add3A_1033 = arith.addi %add3A_829, %add3A_1032 : i32
      %mul3A_1034 = arith.constant 16 : i32
      %mul3A_1035 = arith.muli %add3A_1033, %mul3A_1034 : i32
      %add3A_1036 = arith.addi %mul3A_2, %mul3A_1035 : i32
      %multiple_of3A_1037 = tpu.assume_multiple %add3A_1036, 8 : i32
      %dma_start3A_1038 = arith.constant 0 : i32
      %dma_start3A_1039 = tpu.memref_slice %arg2[%multiple_of3A_1037, %dma_start3A_1038] : memref<16384x50xi32, #tpu.memory_space<hbm>> -> memref<16x50xi32, #tpu.memory_space<hbm>>
      %dma_start3A_1040 = arith.constant 0 : i32
      %dma_start3A_1041 = tpu.memref_slice %arg2[%multiple_of3A_1037, %dma_start3A_1040] : memref<16384x50xi32, #tpu.memory_space<hbm>> -> memref<16x50xi32, #tpu.memory_space<hbm>>
      tpu.enqueue_dma source(%dma_start3A_1041 : memref<16x50xi32, #tpu.memory_space<hbm>>) target(%arg5 : memref<16x50xi32, #tpu.memory_space<vmem>>) target_semaphore(%arg9 : memref<!tpu.dma_semaphore, #tpu.memory_space<semaphore_mem>>)
      %dma_wait3A_1042 = arith.constant 0 : i32
      %dma_wait3A_1043 = tpu.memref_slice %arg2[%multiple_of3A_1037, %dma_wait3A_1042] : memref<16384x50xi32, #tpu.memory_space<hbm>> -> memref<16x50xi32, #tpu.memory_space<hbm>>
      %dma_wait3A_1044 = arith.constant 0 : i32
      %dma_wait3A_1045 = tpu.memref_slice %arg2[%multiple_of3A_1037, %dma_wait3A_1044] : memref<16384x50xi32, #tpu.memory_space<hbm>> -> memref<16x50xi32, #tpu.memory_space<hbm>>
      tpu.wait_dma2 semaphore(%arg9 : memref<!tpu.dma_semaphore, #tpu.memory_space<semaphore_mem>>) src(%dma_wait3A_1045 : memref<16x50xi32, #tpu.memory_space<hbm>>) dst(%arg5 : memref<16x50xi32, #tpu.memory_space<vmem>>)
      %dma_wait3A_1046 = arith.constant 0 : i32
      %dma_wait3A_1047 = arith.constant 0 : i32
      %dma_wait3A_1048 = tpu.memref_slice %arg4[%multiple_of3A_1025, %dma_wait3A_1046, %dma_wait3A_1047] : memref<16384x50x64xf32, #tpu.memory_space<hbm>> -> memref<16x50x64xf32, #tpu.memory_space<hbm>>
      %dma_wait3A_1049 = arith.constant 0 : i32
      %dma_wait3A_1050 = arith.constant 0 : i32
      %dma_wait3A_1051 = tpu.memref_slice %arg4[%multiple_of3A_1025, %dma_wait3A_1049, %dma_wait3A_1050] : memref<16384x50x64xf32, #tpu.memory_space<hbm>> -> memref<16x50x64xf32, #tpu.memory_space<hbm>>
      tpu.wait_dma2 semaphore(%arg13 : memref<!tpu.dma_semaphore, #tpu.memory_space<semaphore_mem>>) src(%arg7 : memref<16x50x64xf32, #tpu.memory_space<vmem>>) dst(%dma_wait3A_1051 : memref<16x50x64xf32, #tpu.memory_space<hbm>>)
      %dma_start3A_1052 = arith.constant 0 : i32
      %dma_start3A_1053 = arith.constant 0 : i32
      %dma_start3A_1054 = arith.constant 0 : i32
      %dma_start3A_1055 = arith.constant 0 : i32
      %dma_start3A_1056 = tpu.memref_slice %arg7[%dma_start3A_1053, %dma_start3A_1054, %dma_start3A_1055] : memref<16x50x64xf32, #tpu.memory_space<vmem>> -> memref<1x50x64xf32, #tpu.memory_space<vmem>>
      %dma_start3A_1057 = tpu.memref_squeeze %dma_start3A_1056 : memref<1x50x64xf32, #tpu.memory_space<vmem>> -> memref<50x64xf32, #tpu.memory_space<vmem>>
      %dma_start3A_1058 = arith.constant 0 : i32
      %dma_start3A_1059 = tpu.memref_slice %arg5[%dma_start3A_1052, %dma_start3A_1058] : memref<16x50xi32, #tpu.memory_space<vmem>> -> memref<1x50xi32, #tpu.memory_space<vmem>>
      %dma_start3A_1060 = tpu.memref_squeeze %dma_start3A_1059 : memref<1x50xi32, #tpu.memory_space<vmem>> -> memref<50xi32, #tpu.memory_space<vmem>>
      %dma_start3A_1061 = arith.constant 0 : i32
      %dma_start3A_1062 = arith.constant 0 : i32
      %dma_start3A_1063 = tpu.memref_slice %arg3[%dma_start3A_1061, %dma_start3A_1062] : memref<1000000x64xf32, #tpu.memory_space<hbm>> -> memref<1000000x64xf32, #tpu.memory_space<hbm>>
      tpu.enqueue_indirect_dma source(%dma_start3A_1063 : memref<1000000x64xf32, #tpu.memory_space<hbm>>) target(%dma_start3A_1057 : memref<50x64xf32, #tpu.memory_space<vmem>>) offsets(%dma_start3A_1060 : memref<50xi32, #tpu.memory_space<vmem>>) semaphore(%arg11 : memref<!tpu.dma_semaphore, #tpu.memory_space<semaphore_mem>>)
      %dma_start3A_1064 = arith.constant 1 : i32
      %dma_start3A_1065 = arith.constant 1 : i32
      %dma_start3A_1066 = arith.constant 0 : i32
      %dma_start3A_1067 = arith.constant 0 : i32
      %dma_start3A_1068 = tpu.memref_slice %arg7[%dma_start3A_1065, %dma_start3A_1066, %dma_start3A_1067] : memref<16x50x64xf32, #tpu.memory_space<vmem>> -> memref<1x50x64xf32, #tpu.memory_space<vmem>>
      %dma_start3A_1069 = tpu.memref_squeeze %dma_start3A_1068 : memref<1x50x64xf32, #tpu.memory_space<vmem>> -> memref<50x64xf32, #tpu.memory_space<vmem>>
      %dma_start3A_1070 = arith.constant 0 : i32
      %dma_start3A_1071 = tpu.memref_slice %arg5[%dma_start3A_1064, %dma_start3A_1070] : memref<16x50xi32, #tpu.memory_space<vmem>> -> memref<1x50xi32, #tpu.memory_space<vmem>>
      %dma_start3A_1072 = tpu.memref_squeeze %dma_start3A_1071 : memref<1x50xi32, #tpu.memory_space<vmem>> -> memref<50xi32, #tpu.memory_space<vmem>>
      %dma_start3A_1073 = arith.constant 0 : i32
      %dma_start3A_1074 = arith.constant 0 : i32
      %dma_start3A_1075 = tpu.memref_slice %arg3[%dma_start3A_1073, %dma_start3A_1074] : memref<1000000x64xf32, #tpu.memory_space<hbm>> -> memref<1000000x64xf32, #tpu.memory_space<hbm>>
      tpu.enqueue_indirect_dma source(%dma_start3A_1075 : memref<1000000x64xf32, #tpu.memory_space<hbm>>) target(%dma_start3A_1069 : memref<50x64xf32, #tpu.memory_space<vmem>>) offsets(%dma_start3A_1072 : memref<50xi32, #tpu.memory_space<vmem>>) semaphore(%arg11 : memref<!tpu.dma_semaphore, #tpu.memory_space<semaphore_mem>>)
      %dma_start3A_1076 = arith.constant 2 : i32
      %dma_start3A_1077 = arith.constant 2 : i32
      %dma_start3A_1078 = arith.constant 0 : i32
      %dma_start3A_1079 = arith.constant 0 : i32
      %dma_start3A_1080 = tpu.memref_slice %arg7[%dma_start3A_1077, %dma_start3A_1078, %dma_start3A_1079] : memref<16x50x64xf32, #tpu.memory_space<vmem>> -> memref<1x50x64xf32, #tpu.memory_space<vmem>>
      %dma_start3A_1081 = tpu.memref_squeeze %dma_start3A_1080 : memref<1x50x64xf32, #tpu.memory_space<vmem>> -> memref<50x64xf32, #tpu.memory_space<vmem>>
      %dma_start3A_1082 = arith.constant 0 : i32
      %dma_start3A_1083 = tpu.memref_slice %arg5[%dma_start3A_1076, %dma_start3A_1082] : memref<16x50xi32, #tpu.memory_space<vmem>> -> memref<1x50xi32, #tpu.memory_space<vmem>>
      %dma_start3A_1084 = tpu.memref_squeeze %dma_start3A_1083 : memref<1x50xi32, #tpu.memory_space<vmem>> -> memref<50xi32, #tpu.memory_space<vmem>>
      %dma_start3A_1085 = arith.constant 0 : i32
      %dma_start3A_1086 = arith.constant 0 : i32
      %dma_start3A_1087 = tpu.memref_slice %arg3[%dma_start3A_1085, %dma_start3A_1086] : memref<1000000x64xf32, #tpu.memory_space<hbm>> -> memref<1000000x64xf32, #tpu.memory_space<hbm>>
      tpu.enqueue_indirect_dma source(%dma_start3A_1087 : memref<1000000x64xf32, #tpu.memory_space<hbm>>) target(%dma_start3A_1081 : memref<50x64xf32, #tpu.memory_space<vmem>>) offsets(%dma_start3A_1084 : memref<50xi32, #tpu.memory_space<vmem>>) semaphore(%arg11 : memref<!tpu.dma_semaphore, #tpu.memory_space<semaphore_mem>>)
      %dma_start3A_1088 = arith.constant 3 : i32
      %dma_start3A_1089 = arith.constant 3 : i32
      %dma_start3A_1090 = arith.constant 0 : i32
      %dma_start3A_1091 = arith.constant 0 : i32
      %dma_start3A_1092 = tpu.memref_slice %arg7[%dma_start3A_1089, %dma_start3A_1090, %dma_start3A_1091] : memref<16x50x64xf32, #tpu.memory_space<vmem>> -> memref<1x50x64xf32, #tpu.memory_space<vmem>>
      %dma_start3A_1093 = tpu.memref_squeeze %dma_start3A_1092 : memref<1x50x64xf32, #tpu.memory_space<vmem>> -> memref<50x64xf32, #tpu.memory_space<vmem>>
      %dma_start3A_1094 = arith.constant 0 : i32
      %dma_start3A_1095 = tpu.memref_slice %arg5[%dma_start3A_1088, %dma_start3A_1094] : memref<16x50xi32, #tpu.memory_space<vmem>> -> memref<1x50xi32, #tpu.memory_space<vmem>>
      %dma_start3A_1096 = tpu.memref_squeeze %dma_start3A_1095 : memref<1x50xi32, #tpu.memory_space<vmem>> -> memref<50xi32, #tpu.memory_space<vmem>>
      %dma_start3A_1097 = arith.constant 0 : i32
      %dma_start3A_1098 = arith.constant 0 : i32
      %dma_start3A_1099 = tpu.memref_slice %arg3[%dma_start3A_1097, %dma_start3A_1098] : memref<1000000x64xf32, #tpu.memory_space<hbm>> -> memref<1000000x64xf32, #tpu.memory_space<hbm>>
      tpu.enqueue_indirect_dma source(%dma_start3A_1099 : memref<1000000x64xf32, #tpu.memory_space<hbm>>) target(%dma_start3A_1093 : memref<50x64xf32, #tpu.memory_space<vmem>>) offsets(%dma_start3A_1096 : memref<50xi32, #tpu.memory_space<vmem>>) semaphore(%arg11 : memref<!tpu.dma_semaphore, #tpu.memory_space<semaphore_mem>>)
      %dma_start3A_1100 = arith.constant 4 : i32
      %dma_start3A_1101 = arith.constant 4 : i32
      %dma_start3A_1102 = arith.constant 0 : i32
      %dma_start3A_1103 = arith.constant 0 : i32
      %dma_start3A_1104 = tpu.memref_slice %arg7[%dma_start3A_1101, %dma_start3A_1102, %dma_start3A_1103] : memref<16x50x64xf32, #tpu.memory_space<vmem>> -> memref<1x50x64xf32, #tpu.memory_space<vmem>>
      %dma_start3A_1105 = tpu.memref_squeeze %dma_start3A_1104 : memref<1x50x64xf32, #tpu.memory_space<vmem>> -> memref<50x64xf32, #tpu.memory_space<vmem>>
      %dma_start3A_1106 = arith.constant 0 : i32
      %dma_start3A_1107 = tpu.memref_slice %arg5[%dma_start3A_1100, %dma_start3A_1106] : memref<16x50xi32, #tpu.memory_space<vmem>> -> memref<1x50xi32, #tpu.memory_space<vmem>>
      %dma_start3A_1108 = tpu.memref_squeeze %dma_start3A_1107 : memref<1x50xi32, #tpu.memory_space<vmem>> -> memref<50xi32, #tpu.memory_space<vmem>>
      %dma_start3A_1109 = arith.constant 0 : i32
      %dma_start3A_1110 = arith.constant 0 : i32
      %dma_start3A_1111 = tpu.memref_slice %arg3[%dma_start3A_1109, %dma_start3A_1110] : memref<1000000x64xf32, #tpu.memory_space<hbm>> -> memref<1000000x64xf32, #tpu.memory_space<hbm>>
      tpu.enqueue_indirect_dma source(%dma_start3A_1111 : memref<1000000x64xf32, #tpu.memory_space<hbm>>) target(%dma_start3A_1105 : memref<50x64xf32, #tpu.memory_space<vmem>>) offsets(%dma_start3A_1108 : memref<50xi32, #tpu.memory_space<vmem>>) semaphore(%arg11 : memref<!tpu.dma_semaphore, #tpu.memory_space<semaphore_mem>>)
      %dma_start3A_1112 = arith.constant 5 : i32
      %dma_start3A_1113 = arith.constant 5 : i32
      %dma_start3A_1114 = arith.constant 0 : i32
      %dma_start3A_1115 = arith.constant 0 : i32
      %dma_start3A_1116 = tpu.memref_slice %arg7[%dma_start3A_1113, %dma_start3A_1114, %dma_start3A_1115] : memref<16x50x64xf32, #tpu.memory_space<vmem>> -> memref<1x50x64xf32, #tpu.memory_space<vmem>>
      %dma_start3A_1117 = tpu.memref_squeeze %dma_start3A_1116 : memref<1x50x64xf32, #tpu.memory_space<vmem>> -> memref<50x64xf32, #tpu.memory_space<vmem>>
      %dma_start3A_1118 = arith.constant 0 : i32
      %dma_start3A_1119 = tpu.memref_slice %arg5[%dma_start3A_1112, %dma_start3A_1118] : memref<16x50xi32, #tpu.memory_space<vmem>> -> memref<1x50xi32, #tpu.memory_space<vmem>>
      %dma_start3A_1120 = tpu.memref_squeeze %dma_start3A_1119 : memref<1x50xi32, #tpu.memory_space<vmem>> -> memref<50xi32, #tpu.memory_space<vmem>>
      %dma_start3A_1121 = arith.constant 0 : i32
      %dma_start3A_1122 = arith.constant 0 : i32
      %dma_start3A_1123 = tpu.memref_slice %arg3[%dma_start3A_1121, %dma_start3A_1122] : memref<1000000x64xf32, #tpu.memory_space<hbm>> -> memref<1000000x64xf32, #tpu.memory_space<hbm>>
      tpu.enqueue_indirect_dma source(%dma_start3A_1123 : memref<1000000x64xf32, #tpu.memory_space<hbm>>) target(%dma_start3A_1117 : memref<50x64xf32, #tpu.memory_space<vmem>>) offsets(%dma_start3A_1120 : memref<50xi32, #tpu.memory_space<vmem>>) semaphore(%arg11 : memref<!tpu.dma_semaphore, #tpu.memory_space<semaphore_mem>>)
      %dma_start3A_1124 = arith.constant 6 : i32
      %dma_start3A_1125 = arith.constant 6 : i32
      %dma_start3A_1126 = arith.constant 0 : i32
      %dma_start3A_1127 = arith.constant 0 : i32
      %dma_start3A_1128 = tpu.memref_slice %arg7[%dma_start3A_1125, %dma_start3A_1126, %dma_start3A_1127] : memref<16x50x64xf32, #tpu.memory_space<vmem>> -> memref<1x50x64xf32, #tpu.memory_space<vmem>>
      %dma_start3A_1129 = tpu.memref_squeeze %dma_start3A_1128 : memref<1x50x64xf32, #tpu.memory_space<vmem>> -> memref<50x64xf32, #tpu.memory_space<vmem>>
      %dma_start3A_1130 = arith.constant 0 : i32
      %dma_start3A_1131 = tpu.memref_slice %arg5[%dma_start3A_1124, %dma_start3A_1130] : memref<16x50xi32, #tpu.memory_space<vmem>> -> memref<1x50xi32, #tpu.memory_space<vmem>>
      %dma_start3A_1132 = tpu.memref_squeeze %dma_start3A_1131 : memref<1x50xi32, #tpu.memory_space<vmem>> -> memref<50xi32, #tpu.memory_space<vmem>>
      %dma_start3A_1133 = arith.constant 0 : i32
      %dma_start3A_1134 = arith.constant 0 : i32
      %dma_start3A_1135 = tpu.memref_slice %arg3[%dma_start3A_1133, %dma_start3A_1134] : memref<1000000x64xf32, #tpu.memory_space<hbm>> -> memref<1000000x64xf32, #tpu.memory_space<hbm>>
      tpu.enqueue_indirect_dma source(%dma_start3A_1135 : memref<1000000x64xf32, #tpu.memory_space<hbm>>) target(%dma_start3A_1129 : memref<50x64xf32, #tpu.memory_space<vmem>>) offsets(%dma_start3A_1132 : memref<50xi32, #tpu.memory_space<vmem>>) semaphore(%arg11 : memref<!tpu.dma_semaphore, #tpu.memory_space<semaphore_mem>>)
      %dma_start3A_1136 = arith.constant 7 : i32
      %dma_start3A_1137 = arith.constant 7 : i32
      %dma_start3A_1138 = arith.constant 0 : i32
      %dma_start3A_1139 = arith.constant 0 : i32
      %dma_start3A_1140 = tpu.memref_slice %arg7[%dma_start3A_1137, %dma_start3A_1138, %dma_start3A_1139] : memref<16x50x64xf32, #tpu.memory_space<vmem>> -> memref<1x50x64xf32, #tpu.memory_space<vmem>>
      %dma_start3A_1141 = tpu.memref_squeeze %dma_start3A_1140 : memref<1x50x64xf32, #tpu.memory_space<vmem>> -> memref<50x64xf32, #tpu.memory_space<vmem>>
      %dma_start3A_1142 = arith.constant 0 : i32
      %dma_start3A_1143 = tpu.memref_slice %arg5[%dma_start3A_1136, %dma_start3A_1142] : memref<16x50xi32, #tpu.memory_space<vmem>> -> memref<1x50xi32, #tpu.memory_space<vmem>>
      %dma_start3A_1144 = tpu.memref_squeeze %dma_start3A_1143 : memref<1x50xi32, #tpu.memory_space<vmem>> -> memref<50xi32, #tpu.memory_space<vmem>>
      %dma_start3A_1145 = arith.constant 0 : i32
      %dma_start3A_1146 = arith.constant 0 : i32
      %dma_start3A_1147 = tpu.memref_slice %arg3[%dma_start3A_1145, %dma_start3A_1146] : memref<1000000x64xf32, #tpu.memory_space<hbm>> -> memref<1000000x64xf32, #tpu.memory_space<hbm>>
      tpu.enqueue_indirect_dma source(%dma_start3A_1147 : memref<1000000x64xf32, #tpu.memory_space<hbm>>) target(%dma_start3A_1141 : memref<50x64xf32, #tpu.memory_space<vmem>>) offsets(%dma_start3A_1144 : memref<50xi32, #tpu.memory_space<vmem>>) semaphore(%arg11 : memref<!tpu.dma_semaphore, #tpu.memory_space<semaphore_mem>>)
      %dma_start3A_1148 = arith.constant 8 : i32
      %dma_start3A_1149 = arith.constant 8 : i32
      %dma_start3A_1150 = arith.constant 0 : i32
      %dma_start3A_1151 = arith.constant 0 : i32
      %dma_start3A_1152 = tpu.memref_slice %arg7[%dma_start3A_1149, %dma_start3A_1150, %dma_start3A_1151] : memref<16x50x64xf32, #tpu.memory_space<vmem>> -> memref<1x50x64xf32, #tpu.memory_space<vmem>>
      %dma_start3A_1153 = tpu.memref_squeeze %dma_start3A_1152 : memref<1x50x64xf32, #tpu.memory_space<vmem>> -> memref<50x64xf32, #tpu.memory_space<vmem>>
      %dma_start3A_1154 = arith.constant 0 : i32
      %dma_start3A_1155 = tpu.memref_slice %arg5[%dma_start3A_1148, %dma_start3A_1154] : memref<16x50xi32, #tpu.memory_space<vmem>> -> memref<1x50xi32, #tpu.memory_space<vmem>>
      %dma_start3A_1156 = tpu.memref_squeeze %dma_start3A_1155 : memref<1x50xi32, #tpu.memory_space<vmem>> -> memref<50xi32, #tpu.memory_space<vmem>>
      %dma_start3A_1157 = arith.constant 0 : i32
      %dma_start3A_1158 = arith.constant 0 : i32
      %dma_start3A_1159 = tpu.memref_slice %arg3[%dma_start3A_1157, %dma_start3A_1158] : memref<1000000x64xf32, #tpu.memory_space<hbm>> -> memref<1000000x64xf32, #tpu.memory_space<hbm>>
      tpu.enqueue_indirect_dma source(%dma_start3A_1159 : memref<1000000x64xf32, #tpu.memory_space<hbm>>) target(%dma_start3A_1153 : memref<50x64xf32, #tpu.memory_space<vmem>>) offsets(%dma_start3A_1156 : memref<50xi32, #tpu.memory_space<vmem>>) semaphore(%arg11 : memref<!tpu.dma_semaphore, #tpu.memory_space<semaphore_mem>>)
      %dma_start3A_1160 = arith.constant 9 : i32
      %dma_start3A_1161 = arith.constant 9 : i32
      %dma_start3A_1162 = arith.constant 0 : i32
      %dma_start3A_1163 = arith.constant 0 : i32
      %dma_start3A_1164 = tpu.memref_slice %arg7[%dma_start3A_1161, %dma_start3A_1162, %dma_start3A_1163] : memref<16x50x64xf32, #tpu.memory_space<vmem>> -> memref<1x50x64xf32, #tpu.memory_space<vmem>>
      %dma_start3A_1165 = tpu.memref_squeeze %dma_start3A_1164 : memref<1x50x64xf32, #tpu.memory_space<vmem>> -> memref<50x64xf32, #tpu.memory_space<vmem>>
      %dma_start3A_1166 = arith.constant 0 : i32
      %dma_start3A_1167 = tpu.memref_slice %arg5[%dma_start3A_1160, %dma_start3A_1166] : memref<16x50xi32, #tpu.memory_space<vmem>> -> memref<1x50xi32, #tpu.memory_space<vmem>>
      %dma_start3A_1168 = tpu.memref_squeeze %dma_start3A_1167 : memref<1x50xi32, #tpu.memory_space<vmem>> -> memref<50xi32, #tpu.memory_space<vmem>>
      %dma_start3A_1169 = arith.constant 0 : i32
      %dma_start3A_1170 = arith.constant 0 : i32
      %dma_start3A_1171 = tpu.memref_slice %arg3[%dma_start3A_1169, %dma_start3A_1170] : memref<1000000x64xf32, #tpu.memory_space<hbm>> -> memref<1000000x64xf32, #tpu.memory_space<hbm>>
      tpu.enqueue_indirect_dma source(%dma_start3A_1171 : memref<1000000x64xf32, #tpu.memory_space<hbm>>) target(%dma_start3A_1165 : memref<50x64xf32, #tpu.memory_space<vmem>>) offsets(%dma_start3A_1168 : memref<50xi32, #tpu.memory_space<vmem>>) semaphore(%arg11 : memref<!tpu.dma_semaphore, #tpu.memory_space<semaphore_mem>>)
      %dma_start3A_1172 = arith.constant 10 : i32
      %dma_start3A_1173 = arith.constant 10 : i32
      %dma_start3A_1174 = arith.constant 0 : i32
      %dma_start3A_1175 = arith.constant 0 : i32
      %dma_start3A_1176 = tpu.memref_slice %arg7[%dma_start3A_1173, %dma_start3A_1174, %dma_start3A_1175] : memref<16x50x64xf32, #tpu.memory_space<vmem>> -> memref<1x50x64xf32, #tpu.memory_space<vmem>>
      %dma_start3A_1177 = tpu.memref_squeeze %dma_start3A_1176 : memref<1x50x64xf32, #tpu.memory_space<vmem>> -> memref<50x64xf32, #tpu.memory_space<vmem>>
      %dma_start3A_1178 = arith.constant 0 : i32
      %dma_start3A_1179 = tpu.memref_slice %arg5[%dma_start3A_1172, %dma_start3A_1178] : memref<16x50xi32, #tpu.memory_space<vmem>> -> memref<1x50xi32, #tpu.memory_space<vmem>>
      %dma_start3A_1180 = tpu.memref_squeeze %dma_start3A_1179 : memref<1x50xi32, #tpu.memory_space<vmem>> -> memref<50xi32, #tpu.memory_space<vmem>>
      %dma_start3A_1181 = arith.constant 0 : i32
      %dma_start3A_1182 = arith.constant 0 : i32
      %dma_start3A_1183 = tpu.memref_slice %arg3[%dma_start3A_1181, %dma_start3A_1182] : memref<1000000x64xf32, #tpu.memory_space<hbm>> -> memref<1000000x64xf32, #tpu.memory_space<hbm>>
      tpu.enqueue_indirect_dma source(%dma_start3A_1183 : memref<1000000x64xf32, #tpu.memory_space<hbm>>) target(%dma_start3A_1177 : memref<50x64xf32, #tpu.memory_space<vmem>>) offsets(%dma_start3A_1180 : memref<50xi32, #tpu.memory_space<vmem>>) semaphore(%arg11 : memref<!tpu.dma_semaphore, #tpu.memory_space<semaphore_mem>>)
      %dma_start3A_1184 = arith.constant 11 : i32
      %dma_start3A_1185 = arith.constant 11 : i32
      %dma_start3A_1186 = arith.constant 0 : i32
      %dma_start3A_1187 = arith.constant 0 : i32
      %dma_start3A_1188 = tpu.memref_slice %arg7[%dma_start3A_1185, %dma_start3A_1186, %dma_start3A_1187] : memref<16x50x64xf32, #tpu.memory_space<vmem>> -> memref<1x50x64xf32, #tpu.memory_space<vmem>>
      %dma_start3A_1189 = tpu.memref_squeeze %dma_start3A_1188 : memref<1x50x64xf32, #tpu.memory_space<vmem>> -> memref<50x64xf32, #tpu.memory_space<vmem>>
      %dma_start3A_1190 = arith.constant 0 : i32
      %dma_start3A_1191 = tpu.memref_slice %arg5[%dma_start3A_1184, %dma_start3A_1190] : memref<16x50xi32, #tpu.memory_space<vmem>> -> memref<1x50xi32, #tpu.memory_space<vmem>>
      %dma_start3A_1192 = tpu.memref_squeeze %dma_start3A_1191 : memref<1x50xi32, #tpu.memory_space<vmem>> -> memref<50xi32, #tpu.memory_space<vmem>>
      %dma_start3A_1193 = arith.constant 0 : i32
      %dma_start3A_1194 = arith.constant 0 : i32
      %dma_start3A_1195 = tpu.memref_slice %arg3[%dma_start3A_1193, %dma_start3A_1194] : memref<1000000x64xf32, #tpu.memory_space<hbm>> -> memref<1000000x64xf32, #tpu.memory_space<hbm>>
      tpu.enqueue_indirect_dma source(%dma_start3A_1195 : memref<1000000x64xf32, #tpu.memory_space<hbm>>) target(%dma_start3A_1189 : memref<50x64xf32, #tpu.memory_space<vmem>>) offsets(%dma_start3A_1192 : memref<50xi32, #tpu.memory_space<vmem>>) semaphore(%arg11 : memref<!tpu.dma_semaphore, #tpu.memory_space<semaphore_mem>>)
      %dma_start3A_1196 = arith.constant 12 : i32
      %dma_start3A_1197 = arith.constant 12 : i32
      %dma_start3A_1198 = arith.constant 0 : i32
      %dma_start3A_1199 = arith.constant 0 : i32
      %dma_start3A_1200 = tpu.memref_slice %arg7[%dma_start3A_1197, %dma_start3A_1198, %dma_start3A_1199] : memref<16x50x64xf32, #tpu.memory_space<vmem>> -> memref<1x50x64xf32, #tpu.memory_space<vmem>>
      %dma_start3A_1201 = tpu.memref_squeeze %dma_start3A_1200 : memref<1x50x64xf32, #tpu.memory_space<vmem>> -> memref<50x64xf32, #tpu.memory_space<vmem>>
      %dma_start3A_1202 = arith.constant 0 : i32
      %dma_start3A_1203 = tpu.memref_slice %arg5[%dma_start3A_1196, %dma_start3A_1202] : memref<16x50xi32, #tpu.memory_space<vmem>> -> memref<1x50xi32, #tpu.memory_space<vmem>>
      %dma_start3A_1204 = tpu.memref_squeeze %dma_start3A_1203 : memref<1x50xi32, #tpu.memory_space<vmem>> -> memref<50xi32, #tpu.memory_space<vmem>>
      %dma_start3A_1205 = arith.constant 0 : i32
      %dma_start3A_1206 = arith.constant 0 : i32
      %dma_start3A_1207 = tpu.memref_slice %arg3[%dma_start3A_1205, %dma_start3A_1206] : memref<1000000x64xf32, #tpu.memory_space<hbm>> -> memref<1000000x64xf32, #tpu.memory_space<hbm>>
      tpu.enqueue_indirect_dma source(%dma_start3A_1207 : memref<1000000x64xf32, #tpu.memory_space<hbm>>) target(%dma_start3A_1201 : memref<50x64xf32, #tpu.memory_space<vmem>>) offsets(%dma_start3A_1204 : memref<50xi32, #tpu.memory_space<vmem>>) semaphore(%arg11 : memref<!tpu.dma_semaphore, #tpu.memory_space<semaphore_mem>>)
      %dma_start3A_1208 = arith.constant 13 : i32
      %dma_start3A_1209 = arith.constant 13 : i32
      %dma_start3A_1210 = arith.constant 0 : i32
      %dma_start3A_1211 = arith.constant 0 : i32
      %dma_start3A_1212 = tpu.memref_slice %arg7[%dma_start3A_1209, %dma_start3A_1210, %dma_start3A_1211] : memref<16x50x64xf32, #tpu.memory_space<vmem>> -> memref<1x50x64xf32, #tpu.memory_space<vmem>>
      %dma_start3A_1213 = tpu.memref_squeeze %dma_start3A_1212 : memref<1x50x64xf32, #tpu.memory_space<vmem>> -> memref<50x64xf32, #tpu.memory_space<vmem>>
      %dma_start3A_1214 = arith.constant 0 : i32
      %dma_start3A_1215 = tpu.memref_slice %arg5[%dma_start3A_1208, %dma_start3A_1214] : memref<16x50xi32, #tpu.memory_space<vmem>> -> memref<1x50xi32, #tpu.memory_space<vmem>>
      %dma_start3A_1216 = tpu.memref_squeeze %dma_start3A_1215 : memref<1x50xi32, #tpu.memory_space<vmem>> -> memref<50xi32, #tpu.memory_space<vmem>>
      %dma_start3A_1217 = arith.constant 0 : i32
      %dma_start3A_1218 = arith.constant 0 : i32
      %dma_start3A_1219 = tpu.memref_slice %arg3[%dma_start3A_1217, %dma_start3A_1218] : memref<1000000x64xf32, #tpu.memory_space<hbm>> -> memref<1000000x64xf32, #tpu.memory_space<hbm>>
      tpu.enqueue_indirect_dma source(%dma_start3A_1219 : memref<1000000x64xf32, #tpu.memory_space<hbm>>) target(%dma_start3A_1213 : memref<50x64xf32, #tpu.memory_space<vmem>>) offsets(%dma_start3A_1216 : memref<50xi32, #tpu.memory_space<vmem>>) semaphore(%arg11 : memref<!tpu.dma_semaphore, #tpu.memory_space<semaphore_mem>>)
      %dma_start3A_1220 = arith.constant 14 : i32
      %dma_start3A_1221 = arith.constant 14 : i32
      %dma_start3A_1222 = arith.constant 0 : i32
      %dma_start3A_1223 = arith.constant 0 : i32
      %dma_start3A_1224 = tpu.memref_slice %arg7[%dma_start3A_1221, %dma_start3A_1222, %dma_start3A_1223] : memref<16x50x64xf32, #tpu.memory_space<vmem>> -> memref<1x50x64xf32, #tpu.memory_space<vmem>>
      %dma_start3A_1225 = tpu.memref_squeeze %dma_start3A_1224 : memref<1x50x64xf32, #tpu.memory_space<vmem>> -> memref<50x64xf32, #tpu.memory_space<vmem>>
      %dma_start3A_1226 = arith.constant 0 : i32
      %dma_start3A_1227 = tpu.memref_slice %arg5[%dma_start3A_1220, %dma_start3A_1226] : memref<16x50xi32, #tpu.memory_space<vmem>> -> memref<1x50xi32, #tpu.memory_space<vmem>>
      %dma_start3A_1228 = tpu.memref_squeeze %dma_start3A_1227 : memref<1x50xi32, #tpu.memory_space<vmem>> -> memref<50xi32, #tpu.memory_space<vmem>>
      %dma_start3A_1229 = arith.constant 0 : i32
      %dma_start3A_1230 = arith.constant 0 : i32
      %dma_start3A_1231 = tpu.memref_slice %arg3[%dma_start3A_1229, %dma_start3A_1230] : memref<1000000x64xf32, #tpu.memory_space<hbm>> -> memref<1000000x64xf32, #tpu.memory_space<hbm>>
      tpu.enqueue_indirect_dma source(%dma_start3A_1231 : memref<1000000x64xf32, #tpu.memory_space<hbm>>) target(%dma_start3A_1225 : memref<50x64xf32, #tpu.memory_space<vmem>>) offsets(%dma_start3A_1228 : memref<50xi32, #tpu.memory_space<vmem>>) semaphore(%arg11 : memref<!tpu.dma_semaphore, #tpu.memory_space<semaphore_mem>>)
      %dma_start3A_1232 = arith.constant 15 : i32
      %dma_start3A_1233 = arith.constant 15 : i32
      %dma_start3A_1234 = arith.constant 0 : i32
      %dma_start3A_1235 = arith.constant 0 : i32
      %dma_start3A_1236 = tpu.memref_slice %arg7[%dma_start3A_1233, %dma_start3A_1234, %dma_start3A_1235] : memref<16x50x64xf32, #tpu.memory_space<vmem>> -> memref<1x50x64xf32, #tpu.memory_space<vmem>>
      %dma_start3A_1237 = tpu.memref_squeeze %dma_start3A_1236 : memref<1x50x64xf32, #tpu.memory_space<vmem>> -> memref<50x64xf32, #tpu.memory_space<vmem>>
      %dma_start3A_1238 = arith.constant 0 : i32
      %dma_start3A_1239 = tpu.memref_slice %arg5[%dma_start3A_1232, %dma_start3A_1238] : memref<16x50xi32, #tpu.memory_space<vmem>> -> memref<1x50xi32, #tpu.memory_space<vmem>>
      %dma_start3A_1240 = tpu.memref_squeeze %dma_start3A_1239 : memref<1x50xi32, #tpu.memory_space<vmem>> -> memref<50xi32, #tpu.memory_space<vmem>>
      %dma_start3A_1241 = arith.constant 0 : i32
      %dma_start3A_1242 = arith.constant 0 : i32
      %dma_start3A_1243 = tpu.memref_slice %arg3[%dma_start3A_1241, %dma_start3A_1242] : memref<1000000x64xf32, #tpu.memory_space<hbm>> -> memref<1000000x64xf32, #tpu.memory_space<hbm>>
      tpu.enqueue_indirect_dma source(%dma_start3A_1243 : memref<1000000x64xf32, #tpu.memory_space<hbm>>) target(%dma_start3A_1237 : memref<50x64xf32, #tpu.memory_space<vmem>>) offsets(%dma_start3A_1240 : memref<50xi32, #tpu.memory_space<vmem>>) semaphore(%arg11 : memref<!tpu.dma_semaphore, #tpu.memory_space<semaphore_mem>>)
      %mul3A_1244 = arith.constant 2 : i32
      %mul3A_1245 = arith.muli %scan3A_825, %mul3A_1244 : i32
      %add3A_1246 = arith.constant 1 : i32
      %add3A_1247 = arith.addi %mul3A_1245, %add3A_1246 : i32
      %dma_wait3A_1248 = arith.constant 0 : i32
      %dma_wait3A_1249 = arith.constant 0 : i32
      %dma_wait3A_1250 = arith.constant 0 : i32
      %dma_wait3A_1251 = arith.constant 0 : i32
      %dma_wait3A_1252 = tpu.memref_slice %arg8[%dma_wait3A_1249, %dma_wait3A_1250, %dma_wait3A_1251] : memref<16x50x64xf32, #tpu.memory_space<vmem>> -> memref<1x50x64xf32, #tpu.memory_space<vmem>>
      %dma_wait3A_1253 = tpu.memref_squeeze %dma_wait3A_1252 : memref<1x50x64xf32, #tpu.memory_space<vmem>> -> memref<50x64xf32, #tpu.memory_space<vmem>>
      %dma_wait3A_1254 = arith.constant 0 : i32
      %dma_wait3A_1255 = tpu.memref_slice %arg6[%dma_wait3A_1248, %dma_wait3A_1254] : memref<16x50xi32, #tpu.memory_space<vmem>> -> memref<1x50xi32, #tpu.memory_space<vmem>>
      %dma_wait3A_1256 = tpu.memref_squeeze %dma_wait3A_1255 : memref<1x50xi32, #tpu.memory_space<vmem>> -> memref<50xi32, #tpu.memory_space<vmem>>
      %dma_wait3A_1257 = arith.constant 0 : i32
      %dma_wait3A_1258 = arith.constant 0 : i32
      %dma_wait3A_1259 = tpu.memref_slice %arg3[%dma_wait3A_1257, %dma_wait3A_1258] : memref<1000000x64xf32, #tpu.memory_space<hbm>> -> memref<1000000x64xf32, #tpu.memory_space<hbm>>
      tpu.wait_indirect_dma semaphore(%arg12 : memref<!tpu.dma_semaphore, #tpu.memory_space<semaphore_mem>>) src(%dma_wait3A_1259 : memref<1000000x64xf32, #tpu.memory_space<hbm>>) dst(%dma_wait3A_1253 : memref<50x64xf32, #tpu.memory_space<vmem>>)
      %dma_wait3A_1260 = arith.constant 1 : i32
      %dma_wait3A_1261 = arith.constant 1 : i32
      %dma_wait3A_1262 = arith.constant 0 : i32
      %dma_wait3A_1263 = arith.constant 0 : i32
      %dma_wait3A_1264 = tpu.memref_slice %arg8[%dma_wait3A_1261, %dma_wait3A_1262, %dma_wait3A_1263] : memref<16x50x64xf32, #tpu.memory_space<vmem>> -> memref<1x50x64xf32, #tpu.memory_space<vmem>>
      %dma_wait3A_1265 = tpu.memref_squeeze %dma_wait3A_1264 : memref<1x50x64xf32, #tpu.memory_space<vmem>> -> memref<50x64xf32, #tpu.memory_space<vmem>>
      %dma_wait3A_1266 = arith.constant 0 : i32
      %dma_wait3A_1267 = tpu.memref_slice %arg6[%dma_wait3A_1260, %dma_wait3A_1266] : memref<16x50xi32, #tpu.memory_space<vmem>> -> memref<1x50xi32, #tpu.memory_space<vmem>>
      %dma_wait3A_1268 = tpu.memref_squeeze %dma_wait3A_1267 : memref<1x50xi32, #tpu.memory_space<vmem>> -> memref<50xi32, #tpu.memory_space<vmem>>
      %dma_wait3A_1269 = arith.constant 0 : i32
      %dma_wait3A_1270 = arith.constant 0 : i32
      %dma_wait3A_1271 = tpu.memref_slice %arg3[%dma_wait3A_1269, %dma_wait3A_1270] : memref<1000000x64xf32, #tpu.memory_space<hbm>> -> memref<1000000x64xf32, #tpu.memory_space<hbm>>
      tpu.wait_indirect_dma semaphore(%arg12 : memref<!tpu.dma_semaphore, #tpu.memory_space<semaphore_mem>>) src(%dma_wait3A_1271 : memref<1000000x64xf32, #tpu.memory_space<hbm>>) dst(%dma_wait3A_1265 : memref<50x64xf32, #tpu.memory_space<vmem>>)
      %dma_wait3A_1272 = arith.constant 2 : i32
      %dma_wait3A_1273 = arith.constant 2 : i32
      %dma_wait3A_1274 = arith.constant 0 : i32
      %dma_wait3A_1275 = arith.constant 0 : i32
      %dma_wait3A_1276 = tpu.memref_slice %arg8[%dma_wait3A_1273, %dma_wait3A_1274, %dma_wait3A_1275] : memref<16x50x64xf32, #tpu.memory_space<vmem>> -> memref<1x50x64xf32, #tpu.memory_space<vmem>>
      %dma_wait3A_1277 = tpu.memref_squeeze %dma_wait3A_1276 : memref<1x50x64xf32, #tpu.memory_space<vmem>> -> memref<50x64xf32, #tpu.memory_space<vmem>>
      %dma_wait3A_1278 = arith.constant 0 : i32
      %dma_wait3A_1279 = tpu.memref_slice %arg6[%dma_wait3A_1272, %dma_wait3A_1278] : memref<16x50xi32, #tpu.memory_space<vmem>> -> memref<1x50xi32, #tpu.memory_space<vmem>>
      %dma_wait3A_1280 = tpu.memref_squeeze %dma_wait3A_1279 : memref<1x50xi32, #tpu.memory_space<vmem>> -> memref<50xi32, #tpu.memory_space<vmem>>
      %dma_wait3A_1281 = arith.constant 0 : i32
      %dma_wait3A_1282 = arith.constant 0 : i32
      %dma_wait3A_1283 = tpu.memref_slice %arg3[%dma_wait3A_1281, %dma_wait3A_1282] : memref<1000000x64xf32, #tpu.memory_space<hbm>> -> memref<1000000x64xf32, #tpu.memory_space<hbm>>
      tpu.wait_indirect_dma semaphore(%arg12 : memref<!tpu.dma_semaphore, #tpu.memory_space<semaphore_mem>>) src(%dma_wait3A_1283 : memref<1000000x64xf32, #tpu.memory_space<hbm>>) dst(%dma_wait3A_1277 : memref<50x64xf32, #tpu.memory_space<vmem>>)
      %dma_wait3A_1284 = arith.constant 3 : i32
      %dma_wait3A_1285 = arith.constant 3 : i32
      %dma_wait3A_1286 = arith.constant 0 : i32
      %dma_wait3A_1287 = arith.constant 0 : i32
      %dma_wait3A_1288 = tpu.memref_slice %arg8[%dma_wait3A_1285, %dma_wait3A_1286, %dma_wait3A_1287] : memref<16x50x64xf32, #tpu.memory_space<vmem>> -> memref<1x50x64xf32, #tpu.memory_space<vmem>>
      %dma_wait3A_1289 = tpu.memref_squeeze %dma_wait3A_1288 : memref<1x50x64xf32, #tpu.memory_space<vmem>> -> memref<50x64xf32, #tpu.memory_space<vmem>>
      %dma_wait3A_1290 = arith.constant 0 : i32
      %dma_wait3A_1291 = tpu.memref_slice %arg6[%dma_wait3A_1284, %dma_wait3A_1290] : memref<16x50xi32, #tpu.memory_space<vmem>> -> memref<1x50xi32, #tpu.memory_space<vmem>>
      %dma_wait3A_1292 = tpu.memref_squeeze %dma_wait3A_1291 : memref<1x50xi32, #tpu.memory_space<vmem>> -> memref<50xi32, #tpu.memory_space<vmem>>
      %dma_wait3A_1293 = arith.constant 0 : i32
      %dma_wait3A_1294 = arith.constant 0 : i32
      %dma_wait3A_1295 = tpu.memref_slice %arg3[%dma_wait3A_1293, %dma_wait3A_1294] : memref<1000000x64xf32, #tpu.memory_space<hbm>> -> memref<1000000x64xf32, #tpu.memory_space<hbm>>
      tpu.wait_indirect_dma semaphore(%arg12 : memref<!tpu.dma_semaphore, #tpu.memory_space<semaphore_mem>>) src(%dma_wait3A_1295 : memref<1000000x64xf32, #tpu.memory_space<hbm>>) dst(%dma_wait3A_1289 : memref<50x64xf32, #tpu.memory_space<vmem>>)
      %dma_wait3A_1296 = arith.constant 4 : i32
      %dma_wait3A_1297 = arith.constant 4 : i32
      %dma_wait3A_1298 = arith.constant 0 : i32
      %dma_wait3A_1299 = arith.constant 0 : i32
      %dma_wait3A_1300 = tpu.memref_slice %arg8[%dma_wait3A_1297, %dma_wait3A_1298, %dma_wait3A_1299] : memref<16x50x64xf32, #tpu.memory_space<vmem>> -> memref<1x50x64xf32, #tpu.memory_space<vmem>>
      %dma_wait3A_1301 = tpu.memref_squeeze %dma_wait3A_1300 : memref<1x50x64xf32, #tpu.memory_space<vmem>> -> memref<50x64xf32, #tpu.memory_space<vmem>>
      %dma_wait3A_1302 = arith.constant 0 : i32
      %dma_wait3A_1303 = tpu.memref_slice %arg6[%dma_wait3A_1296, %dma_wait3A_1302] : memref<16x50xi32, #tpu.memory_space<vmem>> -> memref<1x50xi32, #tpu.memory_space<vmem>>
      %dma_wait3A_1304 = tpu.memref_squeeze %dma_wait3A_1303 : memref<1x50xi32, #tpu.memory_space<vmem>> -> memref<50xi32, #tpu.memory_space<vmem>>
      %dma_wait3A_1305 = arith.constant 0 : i32
      %dma_wait3A_1306 = arith.constant 0 : i32
      %dma_wait3A_1307 = tpu.memref_slice %arg3[%dma_wait3A_1305, %dma_wait3A_1306] : memref<1000000x64xf32, #tpu.memory_space<hbm>> -> memref<1000000x64xf32, #tpu.memory_space<hbm>>
      tpu.wait_indirect_dma semaphore(%arg12 : memref<!tpu.dma_semaphore, #tpu.memory_space<semaphore_mem>>) src(%dma_wait3A_1307 : memref<1000000x64xf32, #tpu.memory_space<hbm>>) dst(%dma_wait3A_1301 : memref<50x64xf32, #tpu.memory_space<vmem>>)
      %dma_wait3A_1308 = arith.constant 5 : i32
      %dma_wait3A_1309 = arith.constant 5 : i32
      %dma_wait3A_1310 = arith.constant 0 : i32
      %dma_wait3A_1311 = arith.constant 0 : i32
      %dma_wait3A_1312 = tpu.memref_slice %arg8[%dma_wait3A_1309, %dma_wait3A_1310, %dma_wait3A_1311] : memref<16x50x64xf32, #tpu.memory_space<vmem>> -> memref<1x50x64xf32, #tpu.memory_space<vmem>>
      %dma_wait3A_1313 = tpu.memref_squeeze %dma_wait3A_1312 : memref<1x50x64xf32, #tpu.memory_space<vmem>> -> memref<50x64xf32, #tpu.memory_space<vmem>>
      %dma_wait3A_1314 = arith.constant 0 : i32
      %dma_wait3A_1315 = tpu.memref_slice %arg6[%dma_wait3A_1308, %dma_wait3A_1314] : memref<16x50xi32, #tpu.memory_space<vmem>> -> memref<1x50xi32, #tpu.memory_space<vmem>>
      %dma_wait3A_1316 = tpu.memref_squeeze %dma_wait3A_1315 : memref<1x50xi32, #tpu.memory_space<vmem>> -> memref<50xi32, #tpu.memory_space<vmem>>
      %dma_wait3A_1317 = arith.constant 0 : i32
      %dma_wait3A_1318 = arith.constant 0 : i32
      %dma_wait3A_1319 = tpu.memref_slice %arg3[%dma_wait3A_1317, %dma_wait3A_1318] : memref<1000000x64xf32, #tpu.memory_space<hbm>> -> memref<1000000x64xf32, #tpu.memory_space<hbm>>
      tpu.wait_indirect_dma semaphore(%arg12 : memref<!tpu.dma_semaphore, #tpu.memory_space<semaphore_mem>>) src(%dma_wait3A_1319 : memref<1000000x64xf32, #tpu.memory_space<hbm>>) dst(%dma_wait3A_1313 : memref<50x64xf32, #tpu.memory_space<vmem>>)
      %dma_wait3A_1320 = arith.constant 6 : i32
      %dma_wait3A_1321 = arith.constant 6 : i32
      %dma_wait3A_1322 = arith.constant 0 : i32
      %dma_wait3A_1323 = arith.constant 0 : i32
      %dma_wait3A_1324 = tpu.memref_slice %arg8[%dma_wait3A_1321, %dma_wait3A_1322, %dma_wait3A_1323] : memref<16x50x64xf32, #tpu.memory_space<vmem>> -> memref<1x50x64xf32, #tpu.memory_space<vmem>>
      %dma_wait3A_1325 = tpu.memref_squeeze %dma_wait3A_1324 : memref<1x50x64xf32, #tpu.memory_space<vmem>> -> memref<50x64xf32, #tpu.memory_space<vmem>>
      %dma_wait3A_1326 = arith.constant 0 : i32
      %dma_wait3A_1327 = tpu.memref_slice %arg6[%dma_wait3A_1320, %dma_wait3A_1326] : memref<16x50xi32, #tpu.memory_space<vmem>> -> memref<1x50xi32, #tpu.memory_space<vmem>>
      %dma_wait3A_1328 = tpu.memref_squeeze %dma_wait3A_1327 : memref<1x50xi32, #tpu.memory_space<vmem>> -> memref<50xi32, #tpu.memory_space<vmem>>
      %dma_wait3A_1329 = arith.constant 0 : i32
      %dma_wait3A_1330 = arith.constant 0 : i32
      %dma_wait3A_1331 = tpu.memref_slice %arg3[%dma_wait3A_1329, %dma_wait3A_1330] : memref<1000000x64xf32, #tpu.memory_space<hbm>> -> memref<1000000x64xf32, #tpu.memory_space<hbm>>
      tpu.wait_indirect_dma semaphore(%arg12 : memref<!tpu.dma_semaphore, #tpu.memory_space<semaphore_mem>>) src(%dma_wait3A_1331 : memref<1000000x64xf32, #tpu.memory_space<hbm>>) dst(%dma_wait3A_1325 : memref<50x64xf32, #tpu.memory_space<vmem>>)
      %dma_wait3A_1332 = arith.constant 7 : i32
      %dma_wait3A_1333 = arith.constant 7 : i32
      %dma_wait3A_1334 = arith.constant 0 : i32
      %dma_wait3A_1335 = arith.constant 0 : i32
      %dma_wait3A_1336 = tpu.memref_slice %arg8[%dma_wait3A_1333, %dma_wait3A_1334, %dma_wait3A_1335] : memref<16x50x64xf32, #tpu.memory_space<vmem>> -> memref<1x50x64xf32, #tpu.memory_space<vmem>>
      %dma_wait3A_1337 = tpu.memref_squeeze %dma_wait3A_1336 : memref<1x50x64xf32, #tpu.memory_space<vmem>> -> memref<50x64xf32, #tpu.memory_space<vmem>>
      %dma_wait3A_1338 = arith.constant 0 : i32
      %dma_wait3A_1339 = tpu.memref_slice %arg6[%dma_wait3A_1332, %dma_wait3A_1338] : memref<16x50xi32, #tpu.memory_space<vmem>> -> memref<1x50xi32, #tpu.memory_space<vmem>>
      %dma_wait3A_1340 = tpu.memref_squeeze %dma_wait3A_1339 : memref<1x50xi32, #tpu.memory_space<vmem>> -> memref<50xi32, #tpu.memory_space<vmem>>
      %dma_wait3A_1341 = arith.constant 0 : i32
      %dma_wait3A_1342 = arith.constant 0 : i32
      %dma_wait3A_1343 = tpu.memref_slice %arg3[%dma_wait3A_1341, %dma_wait3A_1342] : memref<1000000x64xf32, #tpu.memory_space<hbm>> -> memref<1000000x64xf32, #tpu.memory_space<hbm>>
      tpu.wait_indirect_dma semaphore(%arg12 : memref<!tpu.dma_semaphore, #tpu.memory_space<semaphore_mem>>) src(%dma_wait3A_1343 : memref<1000000x64xf32, #tpu.memory_space<hbm>>) dst(%dma_wait3A_1337 : memref<50x64xf32, #tpu.memory_space<vmem>>)
      %dma_wait3A_1344 = arith.constant 8 : i32
      %dma_wait3A_1345 = arith.constant 8 : i32
      %dma_wait3A_1346 = arith.constant 0 : i32
      %dma_wait3A_1347 = arith.constant 0 : i32
      %dma_wait3A_1348 = tpu.memref_slice %arg8[%dma_wait3A_1345, %dma_wait3A_1346, %dma_wait3A_1347] : memref<16x50x64xf32, #tpu.memory_space<vmem>> -> memref<1x50x64xf32, #tpu.memory_space<vmem>>
      %dma_wait3A_1349 = tpu.memref_squeeze %dma_wait3A_1348 : memref<1x50x64xf32, #tpu.memory_space<vmem>> -> memref<50x64xf32, #tpu.memory_space<vmem>>
      %dma_wait3A_1350 = arith.constant 0 : i32
      %dma_wait3A_1351 = tpu.memref_slice %arg6[%dma_wait3A_1344, %dma_wait3A_1350] : memref<16x50xi32, #tpu.memory_space<vmem>> -> memref<1x50xi32, #tpu.memory_space<vmem>>
      %dma_wait3A_1352 = tpu.memref_squeeze %dma_wait3A_1351 : memref<1x50xi32, #tpu.memory_space<vmem>> -> memref<50xi32, #tpu.memory_space<vmem>>
      %dma_wait3A_1353 = arith.constant 0 : i32
      %dma_wait3A_1354 = arith.constant 0 : i32
      %dma_wait3A_1355 = tpu.memref_slice %arg3[%dma_wait3A_1353, %dma_wait3A_1354] : memref<1000000x64xf32, #tpu.memory_space<hbm>> -> memref<1000000x64xf32, #tpu.memory_space<hbm>>
      tpu.wait_indirect_dma semaphore(%arg12 : memref<!tpu.dma_semaphore, #tpu.memory_space<semaphore_mem>>) src(%dma_wait3A_1355 : memref<1000000x64xf32, #tpu.memory_space<hbm>>) dst(%dma_wait3A_1349 : memref<50x64xf32, #tpu.memory_space<vmem>>)
      %dma_wait3A_1356 = arith.constant 9 : i32
      %dma_wait3A_1357 = arith.constant 9 : i32
      %dma_wait3A_1358 = arith.constant 0 : i32
      %dma_wait3A_1359 = arith.constant 0 : i32
      %dma_wait3A_1360 = tpu.memref_slice %arg8[%dma_wait3A_1357, %dma_wait3A_1358, %dma_wait3A_1359] : memref<16x50x64xf32, #tpu.memory_space<vmem>> -> memref<1x50x64xf32, #tpu.memory_space<vmem>>
      %dma_wait3A_1361 = tpu.memref_squeeze %dma_wait3A_1360 : memref<1x50x64xf32, #tpu.memory_space<vmem>> -> memref<50x64xf32, #tpu.memory_space<vmem>>
      %dma_wait3A_1362 = arith.constant 0 : i32
      %dma_wait3A_1363 = tpu.memref_slice %arg6[%dma_wait3A_1356, %dma_wait3A_1362] : memref<16x50xi32, #tpu.memory_space<vmem>> -> memref<1x50xi32, #tpu.memory_space<vmem>>
      %dma_wait3A_1364 = tpu.memref_squeeze %dma_wait3A_1363 : memref<1x50xi32, #tpu.memory_space<vmem>> -> memref<50xi32, #tpu.memory_space<vmem>>
      %dma_wait3A_1365 = arith.constant 0 : i32
      %dma_wait3A_1366 = arith.constant 0 : i32
      %dma_wait3A_1367 = tpu.memref_slice %arg3[%dma_wait3A_1365, %dma_wait3A_1366] : memref<1000000x64xf32, #tpu.memory_space<hbm>> -> memref<1000000x64xf32, #tpu.memory_space<hbm>>
      tpu.wait_indirect_dma semaphore(%arg12 : memref<!tpu.dma_semaphore, #tpu.memory_space<semaphore_mem>>) src(%dma_wait3A_1367 : memref<1000000x64xf32, #tpu.memory_space<hbm>>) dst(%dma_wait3A_1361 : memref<50x64xf32, #tpu.memory_space<vmem>>)
      %dma_wait3A_1368 = arith.constant 10 : i32
      %dma_wait3A_1369 = arith.constant 10 : i32
      %dma_wait3A_1370 = arith.constant 0 : i32
      %dma_wait3A_1371 = arith.constant 0 : i32
      %dma_wait3A_1372 = tpu.memref_slice %arg8[%dma_wait3A_1369, %dma_wait3A_1370, %dma_wait3A_1371] : memref<16x50x64xf32, #tpu.memory_space<vmem>> -> memref<1x50x64xf32, #tpu.memory_space<vmem>>
      %dma_wait3A_1373 = tpu.memref_squeeze %dma_wait3A_1372 : memref<1x50x64xf32, #tpu.memory_space<vmem>> -> memref<50x64xf32, #tpu.memory_space<vmem>>
      %dma_wait3A_1374 = arith.constant 0 : i32
      %dma_wait3A_1375 = tpu.memref_slice %arg6[%dma_wait3A_1368, %dma_wait3A_1374] : memref<16x50xi32, #tpu.memory_space<vmem>> -> memref<1x50xi32, #tpu.memory_space<vmem>>
      %dma_wait3A_1376 = tpu.memref_squeeze %dma_wait3A_1375 : memref<1x50xi32, #tpu.memory_space<vmem>> -> memref<50xi32, #tpu.memory_space<vmem>>
      %dma_wait3A_1377 = arith.constant 0 : i32
      %dma_wait3A_1378 = arith.constant 0 : i32
      %dma_wait3A_1379 = tpu.memref_slice %arg3[%dma_wait3A_1377, %dma_wait3A_1378] : memref<1000000x64xf32, #tpu.memory_space<hbm>> -> memref<1000000x64xf32, #tpu.memory_space<hbm>>
      tpu.wait_indirect_dma semaphore(%arg12 : memref<!tpu.dma_semaphore, #tpu.memory_space<semaphore_mem>>) src(%dma_wait3A_1379 : memref<1000000x64xf32, #tpu.memory_space<hbm>>) dst(%dma_wait3A_1373 : memref<50x64xf32, #tpu.memory_space<vmem>>)
      %dma_wait3A_1380 = arith.constant 11 : i32
      %dma_wait3A_1381 = arith.constant 11 : i32
      %dma_wait3A_1382 = arith.constant 0 : i32
      %dma_wait3A_1383 = arith.constant 0 : i32
      %dma_wait3A_1384 = tpu.memref_slice %arg8[%dma_wait3A_1381, %dma_wait3A_1382, %dma_wait3A_1383] : memref<16x50x64xf32, #tpu.memory_space<vmem>> -> memref<1x50x64xf32, #tpu.memory_space<vmem>>
      %dma_wait3A_1385 = tpu.memref_squeeze %dma_wait3A_1384 : memref<1x50x64xf32, #tpu.memory_space<vmem>> -> memref<50x64xf32, #tpu.memory_space<vmem>>
      %dma_wait3A_1386 = arith.constant 0 : i32
      %dma_wait3A_1387 = tpu.memref_slice %arg6[%dma_wait3A_1380, %dma_wait3A_1386] : memref<16x50xi32, #tpu.memory_space<vmem>> -> memref<1x50xi32, #tpu.memory_space<vmem>>
      %dma_wait3A_1388 = tpu.memref_squeeze %dma_wait3A_1387 : memref<1x50xi32, #tpu.memory_space<vmem>> -> memref<50xi32, #tpu.memory_space<vmem>>
      %dma_wait3A_1389 = arith.constant 0 : i32
      %dma_wait3A_1390 = arith.constant 0 : i32
      %dma_wait3A_1391 = tpu.memref_slice %arg3[%dma_wait3A_1389, %dma_wait3A_1390] : memref<1000000x64xf32, #tpu.memory_space<hbm>> -> memref<1000000x64xf32, #tpu.memory_space<hbm>>
      tpu.wait_indirect_dma semaphore(%arg12 : memref<!tpu.dma_semaphore, #tpu.memory_space<semaphore_mem>>) src(%dma_wait3A_1391 : memref<1000000x64xf32, #tpu.memory_space<hbm>>) dst(%dma_wait3A_1385 : memref<50x64xf32, #tpu.memory_space<vmem>>)
      %dma_wait3A_1392 = arith.constant 12 : i32
      %dma_wait3A_1393 = arith.constant 12 : i32
      %dma_wait3A_1394 = arith.constant 0 : i32
      %dma_wait3A_1395 = arith.constant 0 : i32
      %dma_wait3A_1396 = tpu.memref_slice %arg8[%dma_wait3A_1393, %dma_wait3A_1394, %dma_wait3A_1395] : memref<16x50x64xf32, #tpu.memory_space<vmem>> -> memref<1x50x64xf32, #tpu.memory_space<vmem>>
      %dma_wait3A_1397 = tpu.memref_squeeze %dma_wait3A_1396 : memref<1x50x64xf32, #tpu.memory_space<vmem>> -> memref<50x64xf32, #tpu.memory_space<vmem>>
      %dma_wait3A_1398 = arith.constant 0 : i32
      %dma_wait3A_1399 = tpu.memref_slice %arg6[%dma_wait3A_1392, %dma_wait3A_1398] : memref<16x50xi32, #tpu.memory_space<vmem>> -> memref<1x50xi32, #tpu.memory_space<vmem>>
      %dma_wait3A_1400 = tpu.memref_squeeze %dma_wait3A_1399 : memref<1x50xi32, #tpu.memory_space<vmem>> -> memref<50xi32, #tpu.memory_space<vmem>>
      %dma_wait3A_1401 = arith.constant 0 : i32
      %dma_wait3A_1402 = arith.constant 0 : i32
      %dma_wait3A_1403 = tpu.memref_slice %arg3[%dma_wait3A_1401, %dma_wait3A_1402] : memref<1000000x64xf32, #tpu.memory_space<hbm>> -> memref<1000000x64xf32, #tpu.memory_space<hbm>>
      tpu.wait_indirect_dma semaphore(%arg12 : memref<!tpu.dma_semaphore, #tpu.memory_space<semaphore_mem>>) src(%dma_wait3A_1403 : memref<1000000x64xf32, #tpu.memory_space<hbm>>) dst(%dma_wait3A_1397 : memref<50x64xf32, #tpu.memory_space<vmem>>)
      %dma_wait3A_1404 = arith.constant 13 : i32
      %dma_wait3A_1405 = arith.constant 13 : i32
      %dma_wait3A_1406 = arith.constant 0 : i32
      %dma_wait3A_1407 = arith.constant 0 : i32
      %dma_wait3A_1408 = tpu.memref_slice %arg8[%dma_wait3A_1405, %dma_wait3A_1406, %dma_wait3A_1407] : memref<16x50x64xf32, #tpu.memory_space<vmem>> -> memref<1x50x64xf32, #tpu.memory_space<vmem>>
      %dma_wait3A_1409 = tpu.memref_squeeze %dma_wait3A_1408 : memref<1x50x64xf32, #tpu.memory_space<vmem>> -> memref<50x64xf32, #tpu.memory_space<vmem>>
      %dma_wait3A_1410 = arith.constant 0 : i32
      %dma_wait3A_1411 = tpu.memref_slice %arg6[%dma_wait3A_1404, %dma_wait3A_1410] : memref<16x50xi32, #tpu.memory_space<vmem>> -> memref<1x50xi32, #tpu.memory_space<vmem>>
      %dma_wait3A_1412 = tpu.memref_squeeze %dma_wait3A_1411 : memref<1x50xi32, #tpu.memory_space<vmem>> -> memref<50xi32, #tpu.memory_space<vmem>>
      %dma_wait3A_1413 = arith.constant 0 : i32
      %dma_wait3A_1414 = arith.constant 0 : i32
      %dma_wait3A_1415 = tpu.memref_slice %arg3[%dma_wait3A_1413, %dma_wait3A_1414] : memref<1000000x64xf32, #tpu.memory_space<hbm>> -> memref<1000000x64xf32, #tpu.memory_space<hbm>>
      tpu.wait_indirect_dma semaphore(%arg12 : memref<!tpu.dma_semaphore, #tpu.memory_space<semaphore_mem>>) src(%dma_wait3A_1415 : memref<1000000x64xf32, #tpu.memory_space<hbm>>) dst(%dma_wait3A_1409 : memref<50x64xf32, #tpu.memory_space<vmem>>)
      %dma_wait3A_1416 = arith.constant 14 : i32
      %dma_wait3A_1417 = arith.constant 14 : i32
      %dma_wait3A_1418 = arith.constant 0 : i32
      %dma_wait3A_1419 = arith.constant 0 : i32
      %dma_wait3A_1420 = tpu.memref_slice %arg8[%dma_wait3A_1417, %dma_wait3A_1418, %dma_wait3A_1419] : memref<16x50x64xf32, #tpu.memory_space<vmem>> -> memref<1x50x64xf32, #tpu.memory_space<vmem>>
      %dma_wait3A_1421 = tpu.memref_squeeze %dma_wait3A_1420 : memref<1x50x64xf32, #tpu.memory_space<vmem>> -> memref<50x64xf32, #tpu.memory_space<vmem>>
      %dma_wait3A_1422 = arith.constant 0 : i32
      %dma_wait3A_1423 = tpu.memref_slice %arg6[%dma_wait3A_1416, %dma_wait3A_1422] : memref<16x50xi32, #tpu.memory_space<vmem>> -> memref<1x50xi32, #tpu.memory_space<vmem>>
      %dma_wait3A_1424 = tpu.memref_squeeze %dma_wait3A_1423 : memref<1x50xi32, #tpu.memory_space<vmem>> -> memref<50xi32, #tpu.memory_space<vmem>>
      %dma_wait3A_1425 = arith.constant 0 : i32
      %dma_wait3A_1426 = arith.constant 0 : i32
      %dma_wait3A_1427 = tpu.memref_slice %arg3[%dma_wait3A_1425, %dma_wait3A_1426] : memref<1000000x64xf32, #tpu.memory_space<hbm>> -> memref<1000000x64xf32, #tpu.memory_space<hbm>>
      tpu.wait_indirect_dma semaphore(%arg12 : memref<!tpu.dma_semaphore, #tpu.memory_space<semaphore_mem>>) src(%dma_wait3A_1427 : memref<1000000x64xf32, #tpu.memory_space<hbm>>) dst(%dma_wait3A_1421 : memref<50x64xf32, #tpu.memory_space<vmem>>)
      %dma_wait3A_1428 = arith.constant 15 : i32
      %dma_wait3A_1429 = arith.constant 15 : i32
      %dma_wait3A_1430 = arith.constant 0 : i32
      %dma_wait3A_1431 = arith.constant 0 : i32
      %dma_wait3A_1432 = tpu.memref_slice %arg8[%dma_wait3A_1429, %dma_wait3A_1430, %dma_wait3A_1431] : memref<16x50x64xf32, #tpu.memory_space<vmem>> -> memref<1x50x64xf32, #tpu.memory_space<vmem>>
      %dma_wait3A_1433 = tpu.memref_squeeze %dma_wait3A_1432 : memref<1x50x64xf32, #tpu.memory_space<vmem>> -> memref<50x64xf32, #tpu.memory_space<vmem>>
      %dma_wait3A_1434 = arith.constant 0 : i32
      %dma_wait3A_1435 = tpu.memref_slice %arg6[%dma_wait3A_1428, %dma_wait3A_1434] : memref<16x50xi32, #tpu.memory_space<vmem>> -> memref<1x50xi32, #tpu.memory_space<vmem>>
      %dma_wait3A_1436 = tpu.memref_squeeze %dma_wait3A_1435 : memref<1x50xi32, #tpu.memory_space<vmem>> -> memref<50xi32, #tpu.memory_space<vmem>>
      %dma_wait3A_1437 = arith.constant 0 : i32
      %dma_wait3A_1438 = arith.constant 0 : i32
      %dma_wait3A_1439 = tpu.memref_slice %arg3[%dma_wait3A_1437, %dma_wait3A_1438] : memref<1000000x64xf32, #tpu.memory_space<hbm>> -> memref<1000000x64xf32, #tpu.memory_space<hbm>>
      tpu.wait_indirect_dma semaphore(%arg12 : memref<!tpu.dma_semaphore, #tpu.memory_space<semaphore_mem>>) src(%dma_wait3A_1439 : memref<1000000x64xf32, #tpu.memory_space<hbm>>) dst(%dma_wait3A_1433 : memref<50x64xf32, #tpu.memory_space<vmem>>)
      %mul3A_1440 = arith.constant 16 : i32
      %mul3A_1441 = arith.muli %add3A_1247, %mul3A_1440 : i32
      %add3A_1442 = arith.addi %mul3A_2, %mul3A_1441 : i32
      %multiple_of3A_1443 = tpu.assume_multiple %add3A_1442, 8 : i32
      %dma_start3A_1444 = arith.constant 0 : i32
      %dma_start3A_1445 = arith.constant 0 : i32
      %dma_start3A_1446 = tpu.memref_slice %arg4[%multiple_of3A_1443, %dma_start3A_1444, %dma_start3A_1445] : memref<16384x50x64xf32, #tpu.memory_space<hbm>> -> memref<16x50x64xf32, #tpu.memory_space<hbm>>
      %dma_start3A_1447 = arith.constant 0 : i32
      %dma_start3A_1448 = arith.constant 0 : i32
      %dma_start3A_1449 = tpu.memref_slice %arg4[%multiple_of3A_1443, %dma_start3A_1447, %dma_start3A_1448] : memref<16384x50x64xf32, #tpu.memory_space<hbm>> -> memref<16x50x64xf32, #tpu.memory_space<hbm>>
      tpu.enqueue_dma source(%arg8 : memref<16x50x64xf32, #tpu.memory_space<vmem>>) target(%dma_start3A_1449 : memref<16x50x64xf32, #tpu.memory_space<hbm>>) target_semaphore(%arg14 : memref<!tpu.dma_semaphore, #tpu.memory_space<semaphore_mem>>)
      %add3A_1450 = arith.constant 2 : i32
      %add3A_1451 = arith.addi %add3A_1247, %add3A_1450 : i32
      %mul3A_1452 = arith.constant 16 : i32
      %mul3A_1453 = arith.muli %add3A_1451, %mul3A_1452 : i32
      %add3A_1454 = arith.addi %mul3A_2, %mul3A_1453 : i32
      %multiple_of3A_1455 = tpu.assume_multiple %add3A_1454, 8 : i32
      %dma_start3A_1456 = arith.constant 0 : i32
      %dma_start3A_1457 = tpu.memref_slice %arg2[%multiple_of3A_1455, %dma_start3A_1456] : memref<16384x50xi32, #tpu.memory_space<hbm>> -> memref<16x50xi32, #tpu.memory_space<hbm>>
      %dma_start3A_1458 = arith.constant 0 : i32
      %dma_start3A_1459 = tpu.memref_slice %arg2[%multiple_of3A_1455, %dma_start3A_1458] : memref<16384x50xi32, #tpu.memory_space<hbm>> -> memref<16x50xi32, #tpu.memory_space<hbm>>
      tpu.enqueue_dma source(%dma_start3A_1459 : memref<16x50xi32, #tpu.memory_space<hbm>>) target(%arg6 : memref<16x50xi32, #tpu.memory_space<vmem>>) target_semaphore(%arg10 : memref<!tpu.dma_semaphore, #tpu.memory_space<semaphore_mem>>)
      %dma_wait3A_1460 = arith.constant 0 : i32
      %dma_wait3A_1461 = tpu.memref_slice %arg2[%multiple_of3A_1455, %dma_wait3A_1460] : memref<16384x50xi32, #tpu.memory_space<hbm>> -> memref<16x50xi32, #tpu.memory_space<hbm>>
      %dma_wait3A_1462 = arith.constant 0 : i32
      %dma_wait3A_1463 = tpu.memref_slice %arg2[%multiple_of3A_1455, %dma_wait3A_1462] : memref<16384x50xi32, #tpu.memory_space<hbm>> -> memref<16x50xi32, #tpu.memory_space<hbm>>
      tpu.wait_dma2 semaphore(%arg10 : memref<!tpu.dma_semaphore, #tpu.memory_space<semaphore_mem>>) src(%dma_wait3A_1463 : memref<16x50xi32, #tpu.memory_space<hbm>>) dst(%arg6 : memref<16x50xi32, #tpu.memory_space<vmem>>)
      %dma_wait3A_1464 = arith.constant 0 : i32
      %dma_wait3A_1465 = arith.constant 0 : i32
      %dma_wait3A_1466 = tpu.memref_slice %arg4[%multiple_of3A_1443, %dma_wait3A_1464, %dma_wait3A_1465] : memref<16384x50x64xf32, #tpu.memory_space<hbm>> -> memref<16x50x64xf32, #tpu.memory_space<hbm>>
      %dma_wait3A_1467 = arith.constant 0 : i32
      %dma_wait3A_1468 = arith.constant 0 : i32
      %dma_wait3A_1469 = tpu.memref_slice %arg4[%multiple_of3A_1443, %dma_wait3A_1467, %dma_wait3A_1468] : memref<16384x50x64xf32, #tpu.memory_space<hbm>> -> memref<16x50x64xf32, #tpu.memory_space<hbm>>
      tpu.wait_dma2 semaphore(%arg14 : memref<!tpu.dma_semaphore, #tpu.memory_space<semaphore_mem>>) src(%arg8 : memref<16x50x64xf32, #tpu.memory_space<vmem>>) dst(%dma_wait3A_1469 : memref<16x50x64xf32, #tpu.memory_space<hbm>>)
      %dma_start3A_1470 = arith.constant 0 : i32
      %dma_start3A_1471 = arith.constant 0 : i32
      %dma_start3A_1472 = arith.constant 0 : i32
      %dma_start3A_1473 = arith.constant 0 : i32
      %dma_start3A_1474 = tpu.memref_slice %arg8[%dma_start3A_1471, %dma_start3A_1472, %dma_start3A_1473] : memref<16x50x64xf32, #tpu.memory_space<vmem>> -> memref<1x50x64xf32, #tpu.memory_space<vmem>>
      %dma_start3A_1475 = tpu.memref_squeeze %dma_start3A_1474 : memref<1x50x64xf32, #tpu.memory_space<vmem>> -> memref<50x64xf32, #tpu.memory_space<vmem>>
      %dma_start3A_1476 = arith.constant 0 : i32
      %dma_start3A_1477 = tpu.memref_slice %arg6[%dma_start3A_1470, %dma_start3A_1476] : memref<16x50xi32, #tpu.memory_space<vmem>> -> memref<1x50xi32, #tpu.memory_space<vmem>>
      %dma_start3A_1478 = tpu.memref_squeeze %dma_start3A_1477 : memref<1x50xi32, #tpu.memory_space<vmem>> -> memref<50xi32, #tpu.memory_space<vmem>>
      %dma_start3A_1479 = arith.constant 0 : i32
      %dma_start3A_1480 = arith.constant 0 : i32
      %dma_start3A_1481 = tpu.memref_slice %arg3[%dma_start3A_1479, %dma_start3A_1480] : memref<1000000x64xf32, #tpu.memory_space<hbm>> -> memref<1000000x64xf32, #tpu.memory_space<hbm>>
      tpu.enqueue_indirect_dma source(%dma_start3A_1481 : memref<1000000x64xf32, #tpu.memory_space<hbm>>) target(%dma_start3A_1475 : memref<50x64xf32, #tpu.memory_space<vmem>>) offsets(%dma_start3A_1478 : memref<50xi32, #tpu.memory_space<vmem>>) semaphore(%arg12 : memref<!tpu.dma_semaphore, #tpu.memory_space<semaphore_mem>>)
      %dma_start3A_1482 = arith.constant 1 : i32
      %dma_start3A_1483 = arith.constant 1 : i32
      %dma_start3A_1484 = arith.constant 0 : i32
      %dma_start3A_1485 = arith.constant 0 : i32
      %dma_start3A_1486 = tpu.memref_slice %arg8[%dma_start3A_1483, %dma_start3A_1484, %dma_start3A_1485] : memref<16x50x64xf32, #tpu.memory_space<vmem>> -> memref<1x50x64xf32, #tpu.memory_space<vmem>>
      %dma_start3A_1487 = tpu.memref_squeeze %dma_start3A_1486 : memref<1x50x64xf32, #tpu.memory_space<vmem>> -> memref<50x64xf32, #tpu.memory_space<vmem>>
      %dma_start3A_1488 = arith.constant 0 : i32
      %dma_start3A_1489 = tpu.memref_slice %arg6[%dma_start3A_1482, %dma_start3A_1488] : memref<16x50xi32, #tpu.memory_space<vmem>> -> memref<1x50xi32, #tpu.memory_space<vmem>>
      %dma_start3A_1490 = tpu.memref_squeeze %dma_start3A_1489 : memref<1x50xi32, #tpu.memory_space<vmem>> -> memref<50xi32, #tpu.memory_space<vmem>>
      %dma_start3A_1491 = arith.constant 0 : i32
      %dma_start3A_1492 = arith.constant 0 : i32
      %dma_start3A_1493 = tpu.memref_slice %arg3[%dma_start3A_1491, %dma_start3A_1492] : memref<1000000x64xf32, #tpu.memory_space<hbm>> -> memref<1000000x64xf32, #tpu.memory_space<hbm>>
      tpu.enqueue_indirect_dma source(%dma_start3A_1493 : memref<1000000x64xf32, #tpu.memory_space<hbm>>) target(%dma_start3A_1487 : memref<50x64xf32, #tpu.memory_space<vmem>>) offsets(%dma_start3A_1490 : memref<50xi32, #tpu.memory_space<vmem>>) semaphore(%arg12 : memref<!tpu.dma_semaphore, #tpu.memory_space<semaphore_mem>>)
      %dma_start3A_1494 = arith.constant 2 : i32
      %dma_start3A_1495 = arith.constant 2 : i32
      %dma_start3A_1496 = arith.constant 0 : i32
      %dma_start3A_1497 = arith.constant 0 : i32
      %dma_start3A_1498 = tpu.memref_slice %arg8[%dma_start3A_1495, %dma_start3A_1496, %dma_start3A_1497] : memref<16x50x64xf32, #tpu.memory_space<vmem>> -> memref<1x50x64xf32, #tpu.memory_space<vmem>>
      %dma_start3A_1499 = tpu.memref_squeeze %dma_start3A_1498 : memref<1x50x64xf32, #tpu.memory_space<vmem>> -> memref<50x64xf32, #tpu.memory_space<vmem>>
      %dma_start3A_1500 = arith.constant 0 : i32
      %dma_start3A_1501 = tpu.memref_slice %arg6[%dma_start3A_1494, %dma_start3A_1500] : memref<16x50xi32, #tpu.memory_space<vmem>> -> memref<1x50xi32, #tpu.memory_space<vmem>>
      %dma_start3A_1502 = tpu.memref_squeeze %dma_start3A_1501 : memref<1x50xi32, #tpu.memory_space<vmem>> -> memref<50xi32, #tpu.memory_space<vmem>>
      %dma_start3A_1503 = arith.constant 0 : i32
      %dma_start3A_1504 = arith.constant 0 : i32
      %dma_start3A_1505 = tpu.memref_slice %arg3[%dma_start3A_1503, %dma_start3A_1504] : memref<1000000x64xf32, #tpu.memory_space<hbm>> -> memref<1000000x64xf32, #tpu.memory_space<hbm>>
      tpu.enqueue_indirect_dma source(%dma_start3A_1505 : memref<1000000x64xf32, #tpu.memory_space<hbm>>) target(%dma_start3A_1499 : memref<50x64xf32, #tpu.memory_space<vmem>>) offsets(%dma_start3A_1502 : memref<50xi32, #tpu.memory_space<vmem>>) semaphore(%arg12 : memref<!tpu.dma_semaphore, #tpu.memory_space<semaphore_mem>>)
      %dma_start3A_1506 = arith.constant 3 : i32
      %dma_start3A_1507 = arith.constant 3 : i32
      %dma_start3A_1508 = arith.constant 0 : i32
      %dma_start3A_1509 = arith.constant 0 : i32
      %dma_start3A_1510 = tpu.memref_slice %arg8[%dma_start3A_1507, %dma_start3A_1508, %dma_start3A_1509] : memref<16x50x64xf32, #tpu.memory_space<vmem>> -> memref<1x50x64xf32, #tpu.memory_space<vmem>>
      %dma_start3A_1511 = tpu.memref_squeeze %dma_start3A_1510 : memref<1x50x64xf32, #tpu.memory_space<vmem>> -> memref<50x64xf32, #tpu.memory_space<vmem>>
      %dma_start3A_1512 = arith.constant 0 : i32
      %dma_start3A_1513 = tpu.memref_slice %arg6[%dma_start3A_1506, %dma_start3A_1512] : memref<16x50xi32, #tpu.memory_space<vmem>> -> memref<1x50xi32, #tpu.memory_space<vmem>>
      %dma_start3A_1514 = tpu.memref_squeeze %dma_start3A_1513 : memref<1x50xi32, #tpu.memory_space<vmem>> -> memref<50xi32, #tpu.memory_space<vmem>>
      %dma_start3A_1515 = arith.constant 0 : i32
      %dma_start3A_1516 = arith.constant 0 : i32
      %dma_start3A_1517 = tpu.memref_slice %arg3[%dma_start3A_1515, %dma_start3A_1516] : memref<1000000x64xf32, #tpu.memory_space<hbm>> -> memref<1000000x64xf32, #tpu.memory_space<hbm>>
      tpu.enqueue_indirect_dma source(%dma_start3A_1517 : memref<1000000x64xf32, #tpu.memory_space<hbm>>) target(%dma_start3A_1511 : memref<50x64xf32, #tpu.memory_space<vmem>>) offsets(%dma_start3A_1514 : memref<50xi32, #tpu.memory_space<vmem>>) semaphore(%arg12 : memref<!tpu.dma_semaphore, #tpu.memory_space<semaphore_mem>>)
      %dma_start3A_1518 = arith.constant 4 : i32
      %dma_start3A_1519 = arith.constant 4 : i32
      %dma_start3A_1520 = arith.constant 0 : i32
      %dma_start3A_1521 = arith.constant 0 : i32
      %dma_start3A_1522 = tpu.memref_slice %arg8[%dma_start3A_1519, %dma_start3A_1520, %dma_start3A_1521] : memref<16x50x64xf32, #tpu.memory_space<vmem>> -> memref<1x50x64xf32, #tpu.memory_space<vmem>>
      %dma_start3A_1523 = tpu.memref_squeeze %dma_start3A_1522 : memref<1x50x64xf32, #tpu.memory_space<vmem>> -> memref<50x64xf32, #tpu.memory_space<vmem>>
      %dma_start3A_1524 = arith.constant 0 : i32
      %dma_start3A_1525 = tpu.memref_slice %arg6[%dma_start3A_1518, %dma_start3A_1524] : memref<16x50xi32, #tpu.memory_space<vmem>> -> memref<1x50xi32, #tpu.memory_space<vmem>>
      %dma_start3A_1526 = tpu.memref_squeeze %dma_start3A_1525 : memref<1x50xi32, #tpu.memory_space<vmem>> -> memref<50xi32, #tpu.memory_space<vmem>>
      %dma_start3A_1527 = arith.constant 0 : i32
      %dma_start3A_1528 = arith.constant 0 : i32
      %dma_start3A_1529 = tpu.memref_slice %arg3[%dma_start3A_1527, %dma_start3A_1528] : memref<1000000x64xf32, #tpu.memory_space<hbm>> -> memref<1000000x64xf32, #tpu.memory_space<hbm>>
      tpu.enqueue_indirect_dma source(%dma_start3A_1529 : memref<1000000x64xf32, #tpu.memory_space<hbm>>) target(%dma_start3A_1523 : memref<50x64xf32, #tpu.memory_space<vmem>>) offsets(%dma_start3A_1526 : memref<50xi32, #tpu.memory_space<vmem>>) semaphore(%arg12 : memref<!tpu.dma_semaphore, #tpu.memory_space<semaphore_mem>>)
      %dma_start3A_1530 = arith.constant 5 : i32
      %dma_start3A_1531 = arith.constant 5 : i32
      %dma_start3A_1532 = arith.constant 0 : i32
      %dma_start3A_1533 = arith.constant 0 : i32
      %dma_start3A_1534 = tpu.memref_slice %arg8[%dma_start3A_1531, %dma_start3A_1532, %dma_start3A_1533] : memref<16x50x64xf32, #tpu.memory_space<vmem>> -> memref<1x50x64xf32, #tpu.memory_space<vmem>>
      %dma_start3A_1535 = tpu.memref_squeeze %dma_start3A_1534 : memref<1x50x64xf32, #tpu.memory_space<vmem>> -> memref<50x64xf32, #tpu.memory_space<vmem>>
      %dma_start3A_1536 = arith.constant 0 : i32
      %dma_start3A_1537 = tpu.memref_slice %arg6[%dma_start3A_1530, %dma_start3A_1536] : memref<16x50xi32, #tpu.memory_space<vmem>> -> memref<1x50xi32, #tpu.memory_space<vmem>>
      %dma_start3A_1538 = tpu.memref_squeeze %dma_start3A_1537 : memref<1x50xi32, #tpu.memory_space<vmem>> -> memref<50xi32, #tpu.memory_space<vmem>>
      %dma_start3A_1539 = arith.constant 0 : i32
      %dma_start3A_1540 = arith.constant 0 : i32
      %dma_start3A_1541 = tpu.memref_slice %arg3[%dma_start3A_1539, %dma_start3A_1540] : memref<1000000x64xf32, #tpu.memory_space<hbm>> -> memref<1000000x64xf32, #tpu.memory_space<hbm>>
      tpu.enqueue_indirect_dma source(%dma_start3A_1541 : memref<1000000x64xf32, #tpu.memory_space<hbm>>) target(%dma_start3A_1535 : memref<50x64xf32, #tpu.memory_space<vmem>>) offsets(%dma_start3A_1538 : memref<50xi32, #tpu.memory_space<vmem>>) semaphore(%arg12 : memref<!tpu.dma_semaphore, #tpu.memory_space<semaphore_mem>>)
      %dma_start3A_1542 = arith.constant 6 : i32
      %dma_start3A_1543 = arith.constant 6 : i32
      %dma_start3A_1544 = arith.constant 0 : i32
      %dma_start3A_1545 = arith.constant 0 : i32
      %dma_start3A_1546 = tpu.memref_slice %arg8[%dma_start3A_1543, %dma_start3A_1544, %dma_start3A_1545] : memref<16x50x64xf32, #tpu.memory_space<vmem>> -> memref<1x50x64xf32, #tpu.memory_space<vmem>>
      %dma_start3A_1547 = tpu.memref_squeeze %dma_start3A_1546 : memref<1x50x64xf32, #tpu.memory_space<vmem>> -> memref<50x64xf32, #tpu.memory_space<vmem>>
      %dma_start3A_1548 = arith.constant 0 : i32
      %dma_start3A_1549 = tpu.memref_slice %arg6[%dma_start3A_1542, %dma_start3A_1548] : memref<16x50xi32, #tpu.memory_space<vmem>> -> memref<1x50xi32, #tpu.memory_space<vmem>>
      %dma_start3A_1550 = tpu.memref_squeeze %dma_start3A_1549 : memref<1x50xi32, #tpu.memory_space<vmem>> -> memref<50xi32, #tpu.memory_space<vmem>>
      %dma_start3A_1551 = arith.constant 0 : i32
      %dma_start3A_1552 = arith.constant 0 : i32
      %dma_start3A_1553 = tpu.memref_slice %arg3[%dma_start3A_1551, %dma_start3A_1552] : memref<1000000x64xf32, #tpu.memory_space<hbm>> -> memref<1000000x64xf32, #tpu.memory_space<hbm>>
      tpu.enqueue_indirect_dma source(%dma_start3A_1553 : memref<1000000x64xf32, #tpu.memory_space<hbm>>) target(%dma_start3A_1547 : memref<50x64xf32, #tpu.memory_space<vmem>>) offsets(%dma_start3A_1550 : memref<50xi32, #tpu.memory_space<vmem>>) semaphore(%arg12 : memref<!tpu.dma_semaphore, #tpu.memory_space<semaphore_mem>>)
      %dma_start3A_1554 = arith.constant 7 : i32
      %dma_start3A_1555 = arith.constant 7 : i32
      %dma_start3A_1556 = arith.constant 0 : i32
      %dma_start3A_1557 = arith.constant 0 : i32
      %dma_start3A_1558 = tpu.memref_slice %arg8[%dma_start3A_1555, %dma_start3A_1556, %dma_start3A_1557] : memref<16x50x64xf32, #tpu.memory_space<vmem>> -> memref<1x50x64xf32, #tpu.memory_space<vmem>>
      %dma_start3A_1559 = tpu.memref_squeeze %dma_start3A_1558 : memref<1x50x64xf32, #tpu.memory_space<vmem>> -> memref<50x64xf32, #tpu.memory_space<vmem>>
      %dma_start3A_1560 = arith.constant 0 : i32
      %dma_start3A_1561 = tpu.memref_slice %arg6[%dma_start3A_1554, %dma_start3A_1560] : memref<16x50xi32, #tpu.memory_space<vmem>> -> memref<1x50xi32, #tpu.memory_space<vmem>>
      %dma_start3A_1562 = tpu.memref_squeeze %dma_start3A_1561 : memref<1x50xi32, #tpu.memory_space<vmem>> -> memref<50xi32, #tpu.memory_space<vmem>>
      %dma_start3A_1563 = arith.constant 0 : i32
      %dma_start3A_1564 = arith.constant 0 : i32
      %dma_start3A_1565 = tpu.memref_slice %arg3[%dma_start3A_1563, %dma_start3A_1564] : memref<1000000x64xf32, #tpu.memory_space<hbm>> -> memref<1000000x64xf32, #tpu.memory_space<hbm>>
      tpu.enqueue_indirect_dma source(%dma_start3A_1565 : memref<1000000x64xf32, #tpu.memory_space<hbm>>) target(%dma_start3A_1559 : memref<50x64xf32, #tpu.memory_space<vmem>>) offsets(%dma_start3A_1562 : memref<50xi32, #tpu.memory_space<vmem>>) semaphore(%arg12 : memref<!tpu.dma_semaphore, #tpu.memory_space<semaphore_mem>>)
      %dma_start3A_1566 = arith.constant 8 : i32
      %dma_start3A_1567 = arith.constant 8 : i32
      %dma_start3A_1568 = arith.constant 0 : i32
      %dma_start3A_1569 = arith.constant 0 : i32
      %dma_start3A_1570 = tpu.memref_slice %arg8[%dma_start3A_1567, %dma_start3A_1568, %dma_start3A_1569] : memref<16x50x64xf32, #tpu.memory_space<vmem>> -> memref<1x50x64xf32, #tpu.memory_space<vmem>>
      %dma_start3A_1571 = tpu.memref_squeeze %dma_start3A_1570 : memref<1x50x64xf32, #tpu.memory_space<vmem>> -> memref<50x64xf32, #tpu.memory_space<vmem>>
      %dma_start3A_1572 = arith.constant 0 : i32
      %dma_start3A_1573 = tpu.memref_slice %arg6[%dma_start3A_1566, %dma_start3A_1572] : memref<16x50xi32, #tpu.memory_space<vmem>> -> memref<1x50xi32, #tpu.memory_space<vmem>>
      %dma_start3A_1574 = tpu.memref_squeeze %dma_start3A_1573 : memref<1x50xi32, #tpu.memory_space<vmem>> -> memref<50xi32, #tpu.memory_space<vmem>>
      %dma_start3A_1575 = arith.constant 0 : i32
      %dma_start3A_1576 = arith.constant 0 : i32
      %dma_start3A_1577 = tpu.memref_slice %arg3[%dma_start3A_1575, %dma_start3A_1576] : memref<1000000x64xf32, #tpu.memory_space<hbm>> -> memref<1000000x64xf32, #tpu.memory_space<hbm>>
      tpu.enqueue_indirect_dma source(%dma_start3A_1577 : memref<1000000x64xf32, #tpu.memory_space<hbm>>) target(%dma_start3A_1571 : memref<50x64xf32, #tpu.memory_space<vmem>>) offsets(%dma_start3A_1574 : memref<50xi32, #tpu.memory_space<vmem>>) semaphore(%arg12 : memref<!tpu.dma_semaphore, #tpu.memory_space<semaphore_mem>>)
      %dma_start3A_1578 = arith.constant 9 : i32
      %dma_start3A_1579 = arith.constant 9 : i32
      %dma_start3A_1580 = arith.constant 0 : i32
      %dma_start3A_1581 = arith.constant 0 : i32
      %dma_start3A_1582 = tpu.memref_slice %arg8[%dma_start3A_1579, %dma_start3A_1580, %dma_start3A_1581] : memref<16x50x64xf32, #tpu.memory_space<vmem>> -> memref<1x50x64xf32, #tpu.memory_space<vmem>>
      %dma_start3A_1583 = tpu.memref_squeeze %dma_start3A_1582 : memref<1x50x64xf32, #tpu.memory_space<vmem>> -> memref<50x64xf32, #tpu.memory_space<vmem>>
      %dma_start3A_1584 = arith.constant 0 : i32
      %dma_start3A_1585 = tpu.memref_slice %arg6[%dma_start3A_1578, %dma_start3A_1584] : memref<16x50xi32, #tpu.memory_space<vmem>> -> memref<1x50xi32, #tpu.memory_space<vmem>>
      %dma_start3A_1586 = tpu.memref_squeeze %dma_start3A_1585 : memref<1x50xi32, #tpu.memory_space<vmem>> -> memref<50xi32, #tpu.memory_space<vmem>>
      %dma_start3A_1587 = arith.constant 0 : i32
      %dma_start3A_1588 = arith.constant 0 : i32
      %dma_start3A_1589 = tpu.memref_slice %arg3[%dma_start3A_1587, %dma_start3A_1588] : memref<1000000x64xf32, #tpu.memory_space<hbm>> -> memref<1000000x64xf32, #tpu.memory_space<hbm>>
      tpu.enqueue_indirect_dma source(%dma_start3A_1589 : memref<1000000x64xf32, #tpu.memory_space<hbm>>) target(%dma_start3A_1583 : memref<50x64xf32, #tpu.memory_space<vmem>>) offsets(%dma_start3A_1586 : memref<50xi32, #tpu.memory_space<vmem>>) semaphore(%arg12 : memref<!tpu.dma_semaphore, #tpu.memory_space<semaphore_mem>>)
      %dma_start3A_1590 = arith.constant 10 : i32
      %dma_start3A_1591 = arith.constant 10 : i32
      %dma_start3A_1592 = arith.constant 0 : i32
      %dma_start3A_1593 = arith.constant 0 : i32
      %dma_start3A_1594 = tpu.memref_slice %arg8[%dma_start3A_1591, %dma_start3A_1592, %dma_start3A_1593] : memref<16x50x64xf32, #tpu.memory_space<vmem>> -> memref<1x50x64xf32, #tpu.memory_space<vmem>>
      %dma_start3A_1595 = tpu.memref_squeeze %dma_start3A_1594 : memref<1x50x64xf32, #tpu.memory_space<vmem>> -> memref<50x64xf32, #tpu.memory_space<vmem>>
      %dma_start3A_1596 = arith.constant 0 : i32
      %dma_start3A_1597 = tpu.memref_slice %arg6[%dma_start3A_1590, %dma_start3A_1596] : memref<16x50xi32, #tpu.memory_space<vmem>> -> memref<1x50xi32, #tpu.memory_space<vmem>>
      %dma_start3A_1598 = tpu.memref_squeeze %dma_start3A_1597 : memref<1x50xi32, #tpu.memory_space<vmem>> -> memref<50xi32, #tpu.memory_space<vmem>>
      %dma_start3A_1599 = arith.constant 0 : i32
      %dma_start3A_1600 = arith.constant 0 : i32
      %dma_start3A_1601 = tpu.memref_slice %arg3[%dma_start3A_1599, %dma_start3A_1600] : memref<1000000x64xf32, #tpu.memory_space<hbm>> -> memref<1000000x64xf32, #tpu.memory_space<hbm>>
      tpu.enqueue_indirect_dma source(%dma_start3A_1601 : memref<1000000x64xf32, #tpu.memory_space<hbm>>) target(%dma_start3A_1595 : memref<50x64xf32, #tpu.memory_space<vmem>>) offsets(%dma_start3A_1598 : memref<50xi32, #tpu.memory_space<vmem>>) semaphore(%arg12 : memref<!tpu.dma_semaphore, #tpu.memory_space<semaphore_mem>>)
      %dma_start3A_1602 = arith.constant 11 : i32
      %dma_start3A_1603 = arith.constant 11 : i32
      %dma_start3A_1604 = arith.constant 0 : i32
      %dma_start3A_1605 = arith.constant 0 : i32
      %dma_start3A_1606 = tpu.memref_slice %arg8[%dma_start3A_1603, %dma_start3A_1604, %dma_start3A_1605] : memref<16x50x64xf32, #tpu.memory_space<vmem>> -> memref<1x50x64xf32, #tpu.memory_space<vmem>>
      %dma_start3A_1607 = tpu.memref_squeeze %dma_start3A_1606 : memref<1x50x64xf32, #tpu.memory_space<vmem>> -> memref<50x64xf32, #tpu.memory_space<vmem>>
      %dma_start3A_1608 = arith.constant 0 : i32
      %dma_start3A_1609 = tpu.memref_slice %arg6[%dma_start3A_1602, %dma_start3A_1608] : memref<16x50xi32, #tpu.memory_space<vmem>> -> memref<1x50xi32, #tpu.memory_space<vmem>>
      %dma_start3A_1610 = tpu.memref_squeeze %dma_start3A_1609 : memref<1x50xi32, #tpu.memory_space<vmem>> -> memref<50xi32, #tpu.memory_space<vmem>>
      %dma_start3A_1611 = arith.constant 0 : i32
      %dma_start3A_1612 = arith.constant 0 : i32
      %dma_start3A_1613 = tpu.memref_slice %arg3[%dma_start3A_1611, %dma_start3A_1612] : memref<1000000x64xf32, #tpu.memory_space<hbm>> -> memref<1000000x64xf32, #tpu.memory_space<hbm>>
      tpu.enqueue_indirect_dma source(%dma_start3A_1613 : memref<1000000x64xf32, #tpu.memory_space<hbm>>) target(%dma_start3A_1607 : memref<50x64xf32, #tpu.memory_space<vmem>>) offsets(%dma_start3A_1610 : memref<50xi32, #tpu.memory_space<vmem>>) semaphore(%arg12 : memref<!tpu.dma_semaphore, #tpu.memory_space<semaphore_mem>>)
      %dma_start3A_1614 = arith.constant 12 : i32
      %dma_start3A_1615 = arith.constant 12 : i32
      %dma_start3A_1616 = arith.constant 0 : i32
      %dma_start3A_1617 = arith.constant 0 : i32
      %dma_start3A_1618 = tpu.memref_slice %arg8[%dma_start3A_1615, %dma_start3A_1616, %dma_start3A_1617] : memref<16x50x64xf32, #tpu.memory_space<vmem>> -> memref<1x50x64xf32, #tpu.memory_space<vmem>>
      %dma_start3A_1619 = tpu.memref_squeeze %dma_start3A_1618 : memref<1x50x64xf32, #tpu.memory_space<vmem>> -> memref<50x64xf32, #tpu.memory_space<vmem>>
      %dma_start3A_1620 = arith.constant 0 : i32
      %dma_start3A_1621 = tpu.memref_slice %arg6[%dma_start3A_1614, %dma_start3A_1620] : memref<16x50xi32, #tpu.memory_space<vmem>> -> memref<1x50xi32, #tpu.memory_space<vmem>>
      %dma_start3A_1622 = tpu.memref_squeeze %dma_start3A_1621 : memref<1x50xi32, #tpu.memory_space<vmem>> -> memref<50xi32, #tpu.memory_space<vmem>>
      %dma_start3A_1623 = arith.constant 0 : i32
      %dma_start3A_1624 = arith.constant 0 : i32
      %dma_start3A_1625 = tpu.memref_slice %arg3[%dma_start3A_1623, %dma_start3A_1624] : memref<1000000x64xf32, #tpu.memory_space<hbm>> -> memref<1000000x64xf32, #tpu.memory_space<hbm>>
      tpu.enqueue_indirect_dma source(%dma_start3A_1625 : memref<1000000x64xf32, #tpu.memory_space<hbm>>) target(%dma_start3A_1619 : memref<50x64xf32, #tpu.memory_space<vmem>>) offsets(%dma_start3A_1622 : memref<50xi32, #tpu.memory_space<vmem>>) semaphore(%arg12 : memref<!tpu.dma_semaphore, #tpu.memory_space<semaphore_mem>>)
      %dma_start3A_1626 = arith.constant 13 : i32
      %dma_start3A_1627 = arith.constant 13 : i32
      %dma_start3A_1628 = arith.constant 0 : i32
      %dma_start3A_1629 = arith.constant 0 : i32
      %dma_start3A_1630 = tpu.memref_slice %arg8[%dma_start3A_1627, %dma_start3A_1628, %dma_start3A_1629] : memref<16x50x64xf32, #tpu.memory_space<vmem>> -> memref<1x50x64xf32, #tpu.memory_space<vmem>>
      %dma_start3A_1631 = tpu.memref_squeeze %dma_start3A_1630 : memref<1x50x64xf32, #tpu.memory_space<vmem>> -> memref<50x64xf32, #tpu.memory_space<vmem>>
      %dma_start3A_1632 = arith.constant 0 : i32
      %dma_start3A_1633 = tpu.memref_slice %arg6[%dma_start3A_1626, %dma_start3A_1632] : memref<16x50xi32, #tpu.memory_space<vmem>> -> memref<1x50xi32, #tpu.memory_space<vmem>>
      %dma_start3A_1634 = tpu.memref_squeeze %dma_start3A_1633 : memref<1x50xi32, #tpu.memory_space<vmem>> -> memref<50xi32, #tpu.memory_space<vmem>>
      %dma_start3A_1635 = arith.constant 0 : i32
      %dma_start3A_1636 = arith.constant 0 : i32
      %dma_start3A_1637 = tpu.memref_slice %arg3[%dma_start3A_1635, %dma_start3A_1636] : memref<1000000x64xf32, #tpu.memory_space<hbm>> -> memref<1000000x64xf32, #tpu.memory_space<hbm>>
      tpu.enqueue_indirect_dma source(%dma_start3A_1637 : memref<1000000x64xf32, #tpu.memory_space<hbm>>) target(%dma_start3A_1631 : memref<50x64xf32, #tpu.memory_space<vmem>>) offsets(%dma_start3A_1634 : memref<50xi32, #tpu.memory_space<vmem>>) semaphore(%arg12 : memref<!tpu.dma_semaphore, #tpu.memory_space<semaphore_mem>>)
      %dma_start3A_1638 = arith.constant 14 : i32
      %dma_start3A_1639 = arith.constant 14 : i32
      %dma_start3A_1640 = arith.constant 0 : i32
      %dma_start3A_1641 = arith.constant 0 : i32
      %dma_start3A_1642 = tpu.memref_slice %arg8[%dma_start3A_1639, %dma_start3A_1640, %dma_start3A_1641] : memref<16x50x64xf32, #tpu.memory_space<vmem>> -> memref<1x50x64xf32, #tpu.memory_space<vmem>>
      %dma_start3A_1643 = tpu.memref_squeeze %dma_start3A_1642 : memref<1x50x64xf32, #tpu.memory_space<vmem>> -> memref<50x64xf32, #tpu.memory_space<vmem>>
      %dma_start3A_1644 = arith.constant 0 : i32
      %dma_start3A_1645 = tpu.memref_slice %arg6[%dma_start3A_1638, %dma_start3A_1644] : memref<16x50xi32, #tpu.memory_space<vmem>> -> memref<1x50xi32, #tpu.memory_space<vmem>>
      %dma_start3A_1646 = tpu.memref_squeeze %dma_start3A_1645 : memref<1x50xi32, #tpu.memory_space<vmem>> -> memref<50xi32, #tpu.memory_space<vmem>>
      %dma_start3A_1647 = arith.constant 0 : i32
      %dma_start3A_1648 = arith.constant 0 : i32
      %dma_start3A_1649 = tpu.memref_slice %arg3[%dma_start3A_1647, %dma_start3A_1648] : memref<1000000x64xf32, #tpu.memory_space<hbm>> -> memref<1000000x64xf32, #tpu.memory_space<hbm>>
      tpu.enqueue_indirect_dma source(%dma_start3A_1649 : memref<1000000x64xf32, #tpu.memory_space<hbm>>) target(%dma_start3A_1643 : memref<50x64xf32, #tpu.memory_space<vmem>>) offsets(%dma_start3A_1646 : memref<50xi32, #tpu.memory_space<vmem>>) semaphore(%arg12 : memref<!tpu.dma_semaphore, #tpu.memory_space<semaphore_mem>>)
      %dma_start3A_1650 = arith.constant 15 : i32
      %dma_start3A_1651 = arith.constant 15 : i32
      %dma_start3A_1652 = arith.constant 0 : i32
      %dma_start3A_1653 = arith.constant 0 : i32
      %dma_start3A_1654 = tpu.memref_slice %arg8[%dma_start3A_1651, %dma_start3A_1652, %dma_start3A_1653] : memref<16x50x64xf32, #tpu.memory_space<vmem>> -> memref<1x50x64xf32, #tpu.memory_space<vmem>>
      %dma_start3A_1655 = tpu.memref_squeeze %dma_start3A_1654 : memref<1x50x64xf32, #tpu.memory_space<vmem>> -> memref<50x64xf32, #tpu.memory_space<vmem>>
      %dma_start3A_1656 = arith.constant 0 : i32
      %dma_start3A_1657 = tpu.memref_slice %arg6[%dma_start3A_1650, %dma_start3A_1656] : memref<16x50xi32, #tpu.memory_space<vmem>> -> memref<1x50xi32, #tpu.memory_space<vmem>>
      %dma_start3A_1658 = tpu.memref_squeeze %dma_start3A_1657 : memref<1x50xi32, #tpu.memory_space<vmem>> -> memref<50xi32, #tpu.memory_space<vmem>>
      %dma_start3A_1659 = arith.constant 0 : i32
      %dma_start3A_1660 = arith.constant 0 : i32
      %dma_start3A_1661 = tpu.memref_slice %arg3[%dma_start3A_1659, %dma_start3A_1660] : memref<1000000x64xf32, #tpu.memory_space<hbm>> -> memref<1000000x64xf32, #tpu.memory_space<hbm>>
      tpu.enqueue_indirect_dma source(%dma_start3A_1661 : memref<1000000x64xf32, #tpu.memory_space<hbm>>) target(%dma_start3A_1655 : memref<50x64xf32, #tpu.memory_space<vmem>>) offsets(%dma_start3A_1658 : memref<50xi32, #tpu.memory_space<vmem>>) semaphore(%arg12 : memref<!tpu.dma_semaphore, #tpu.memory_space<semaphore_mem>>)
    }
    %scan3A_410 = arith.constant 15 : i32
    %dma_wait3A_411 = arith.constant 0 : i32
    %dma_wait3A_412 = arith.constant 0 : i32
    %dma_wait3A_413 = arith.constant 0 : i32
    %dma_wait3A_414 = arith.constant 0 : i32
    %dma_wait3A_415 = tpu.memref_slice %arg7[%dma_wait3A_412, %dma_wait3A_413, %dma_wait3A_414] : memref<16x50x64xf32, #tpu.memory_space<vmem>> -> memref<1x50x64xf32, #tpu.memory_space<vmem>>
    %dma_wait3A_416 = tpu.memref_squeeze %dma_wait3A_415 : memref<1x50x64xf32, #tpu.memory_space<vmem>> -> memref<50x64xf32, #tpu.memory_space<vmem>>
    %dma_wait3A_417 = arith.constant 0 : i32
    %dma_wait3A_418 = tpu.memref_slice %arg5[%dma_wait3A_411, %dma_wait3A_417] : memref<16x50xi32, #tpu.memory_space<vmem>> -> memref<1x50xi32, #tpu.memory_space<vmem>>
    %dma_wait3A_419 = tpu.memref_squeeze %dma_wait3A_418 : memref<1x50xi32, #tpu.memory_space<vmem>> -> memref<50xi32, #tpu.memory_space<vmem>>
    %dma_wait3A_420 = arith.constant 0 : i32
    %dma_wait3A_421 = arith.constant 0 : i32
    %dma_wait3A_422 = tpu.memref_slice %arg3[%dma_wait3A_420, %dma_wait3A_421] : memref<1000000x64xf32, #tpu.memory_space<hbm>> -> memref<1000000x64xf32, #tpu.memory_space<hbm>>
    tpu.wait_indirect_dma semaphore(%arg11 : memref<!tpu.dma_semaphore, #tpu.memory_space<semaphore_mem>>) src(%dma_wait3A_422 : memref<1000000x64xf32, #tpu.memory_space<hbm>>) dst(%dma_wait3A_416 : memref<50x64xf32, #tpu.memory_space<vmem>>)
    %dma_wait3A_423 = arith.constant 1 : i32
    %dma_wait3A_424 = arith.constant 1 : i32
    %dma_wait3A_425 = arith.constant 0 : i32
    %dma_wait3A_426 = arith.constant 0 : i32
    %dma_wait3A_427 = tpu.memref_slice %arg7[%dma_wait3A_424, %dma_wait3A_425, %dma_wait3A_426] : memref<16x50x64xf32, #tpu.memory_space<vmem>> -> memref<1x50x64xf32, #tpu.memory_space<vmem>>
    %dma_wait3A_428 = tpu.memref_squeeze %dma_wait3A_427 : memref<1x50x64xf32, #tpu.memory_space<vmem>> -> memref<50x64xf32, #tpu.memory_space<vmem>>
    %dma_wait3A_429 = arith.constant 0 : i32
    %dma_wait3A_430 = tpu.memref_slice %arg5[%dma_wait3A_423, %dma_wait3A_429] : memref<16x50xi32, #tpu.memory_space<vmem>> -> memref<1x50xi32, #tpu.memory_space<vmem>>
    %dma_wait3A_431 = tpu.memref_squeeze %dma_wait3A_430 : memref<1x50xi32, #tpu.memory_space<vmem>> -> memref<50xi32, #tpu.memory_space<vmem>>
    %dma_wait3A_432 = arith.constant 0 : i32
    %dma_wait3A_433 = arith.constant 0 : i32
    %dma_wait3A_434 = tpu.memref_slice %arg3[%dma_wait3A_432, %dma_wait3A_433] : memref<1000000x64xf32, #tpu.memory_space<hbm>> -> memref<1000000x64xf32, #tpu.memory_space<hbm>>
    tpu.wait_indirect_dma semaphore(%arg11 : memref<!tpu.dma_semaphore, #tpu.memory_space<semaphore_mem>>) src(%dma_wait3A_434 : memref<1000000x64xf32, #tpu.memory_space<hbm>>) dst(%dma_wait3A_428 : memref<50x64xf32, #tpu.memory_space<vmem>>)
    %dma_wait3A_435 = arith.constant 2 : i32
    %dma_wait3A_436 = arith.constant 2 : i32
    %dma_wait3A_437 = arith.constant 0 : i32
    %dma_wait3A_438 = arith.constant 0 : i32
    %dma_wait3A_439 = tpu.memref_slice %arg7[%dma_wait3A_436, %dma_wait3A_437, %dma_wait3A_438] : memref<16x50x64xf32, #tpu.memory_space<vmem>> -> memref<1x50x64xf32, #tpu.memory_space<vmem>>
    %dma_wait3A_440 = tpu.memref_squeeze %dma_wait3A_439 : memref<1x50x64xf32, #tpu.memory_space<vmem>> -> memref<50x64xf32, #tpu.memory_space<vmem>>
    %dma_wait3A_441 = arith.constant 0 : i32
    %dma_wait3A_442 = tpu.memref_slice %arg5[%dma_wait3A_435, %dma_wait3A_441] : memref<16x50xi32, #tpu.memory_space<vmem>> -> memref<1x50xi32, #tpu.memory_space<vmem>>
    %dma_wait3A_443 = tpu.memref_squeeze %dma_wait3A_442 : memref<1x50xi32, #tpu.memory_space<vmem>> -> memref<50xi32, #tpu.memory_space<vmem>>
    %dma_wait3A_444 = arith.constant 0 : i32
    %dma_wait3A_445 = arith.constant 0 : i32
    %dma_wait3A_446 = tpu.memref_slice %arg3[%dma_wait3A_444, %dma_wait3A_445] : memref<1000000x64xf32, #tpu.memory_space<hbm>> -> memref<1000000x64xf32, #tpu.memory_space<hbm>>
    tpu.wait_indirect_dma semaphore(%arg11 : memref<!tpu.dma_semaphore, #tpu.memory_space<semaphore_mem>>) src(%dma_wait3A_446 : memref<1000000x64xf32, #tpu.memory_space<hbm>>) dst(%dma_wait3A_440 : memref<50x64xf32, #tpu.memory_space<vmem>>)
    %dma_wait3A_447 = arith.constant 3 : i32
    %dma_wait3A_448 = arith.constant 3 : i32
    %dma_wait3A_449 = arith.constant 0 : i32
    %dma_wait3A_450 = arith.constant 0 : i32
    %dma_wait3A_451 = tpu.memref_slice %arg7[%dma_wait3A_448, %dma_wait3A_449, %dma_wait3A_450] : memref<16x50x64xf32, #tpu.memory_space<vmem>> -> memref<1x50x64xf32, #tpu.memory_space<vmem>>
    %dma_wait3A_452 = tpu.memref_squeeze %dma_wait3A_451 : memref<1x50x64xf32, #tpu.memory_space<vmem>> -> memref<50x64xf32, #tpu.memory_space<vmem>>
    %dma_wait3A_453 = arith.constant 0 : i32
    %dma_wait3A_454 = tpu.memref_slice %arg5[%dma_wait3A_447, %dma_wait3A_453] : memref<16x50xi32, #tpu.memory_space<vmem>> -> memref<1x50xi32, #tpu.memory_space<vmem>>
    %dma_wait3A_455 = tpu.memref_squeeze %dma_wait3A_454 : memref<1x50xi32, #tpu.memory_space<vmem>> -> memref<50xi32, #tpu.memory_space<vmem>>
    %dma_wait3A_456 = arith.constant 0 : i32
    %dma_wait3A_457 = arith.constant 0 : i32
    %dma_wait3A_458 = tpu.memref_slice %arg3[%dma_wait3A_456, %dma_wait3A_457] : memref<1000000x64xf32, #tpu.memory_space<hbm>> -> memref<1000000x64xf32, #tpu.memory_space<hbm>>
    tpu.wait_indirect_dma semaphore(%arg11 : memref<!tpu.dma_semaphore, #tpu.memory_space<semaphore_mem>>) src(%dma_wait3A_458 : memref<1000000x64xf32, #tpu.memory_space<hbm>>) dst(%dma_wait3A_452 : memref<50x64xf32, #tpu.memory_space<vmem>>)
    %dma_wait3A_459 = arith.constant 4 : i32
    %dma_wait3A_460 = arith.constant 4 : i32
    %dma_wait3A_461 = arith.constant 0 : i32
    %dma_wait3A_462 = arith.constant 0 : i32
    %dma_wait3A_463 = tpu.memref_slice %arg7[%dma_wait3A_460, %dma_wait3A_461, %dma_wait3A_462] : memref<16x50x64xf32, #tpu.memory_space<vmem>> -> memref<1x50x64xf32, #tpu.memory_space<vmem>>
    %dma_wait3A_464 = tpu.memref_squeeze %dma_wait3A_463 : memref<1x50x64xf32, #tpu.memory_space<vmem>> -> memref<50x64xf32, #tpu.memory_space<vmem>>
    %dma_wait3A_465 = arith.constant 0 : i32
    %dma_wait3A_466 = tpu.memref_slice %arg5[%dma_wait3A_459, %dma_wait3A_465] : memref<16x50xi32, #tpu.memory_space<vmem>> -> memref<1x50xi32, #tpu.memory_space<vmem>>
    %dma_wait3A_467 = tpu.memref_squeeze %dma_wait3A_466 : memref<1x50xi32, #tpu.memory_space<vmem>> -> memref<50xi32, #tpu.memory_space<vmem>>
    %dma_wait3A_468 = arith.constant 0 : i32
    %dma_wait3A_469 = arith.constant 0 : i32
    %dma_wait3A_470 = tpu.memref_slice %arg3[%dma_wait3A_468, %dma_wait3A_469] : memref<1000000x64xf32, #tpu.memory_space<hbm>> -> memref<1000000x64xf32, #tpu.memory_space<hbm>>
    tpu.wait_indirect_dma semaphore(%arg11 : memref<!tpu.dma_semaphore, #tpu.memory_space<semaphore_mem>>) src(%dma_wait3A_470 : memref<1000000x64xf32, #tpu.memory_space<hbm>>) dst(%dma_wait3A_464 : memref<50x64xf32, #tpu.memory_space<vmem>>)
    %dma_wait3A_471 = arith.constant 5 : i32
    %dma_wait3A_472 = arith.constant 5 : i32
    %dma_wait3A_473 = arith.constant 0 : i32
    %dma_wait3A_474 = arith.constant 0 : i32
    %dma_wait3A_475 = tpu.memref_slice %arg7[%dma_wait3A_472, %dma_wait3A_473, %dma_wait3A_474] : memref<16x50x64xf32, #tpu.memory_space<vmem>> -> memref<1x50x64xf32, #tpu.memory_space<vmem>>
    %dma_wait3A_476 = tpu.memref_squeeze %dma_wait3A_475 : memref<1x50x64xf32, #tpu.memory_space<vmem>> -> memref<50x64xf32, #tpu.memory_space<vmem>>
    %dma_wait3A_477 = arith.constant 0 : i32
    %dma_wait3A_478 = tpu.memref_slice %arg5[%dma_wait3A_471, %dma_wait3A_477] : memref<16x50xi32, #tpu.memory_space<vmem>> -> memref<1x50xi32, #tpu.memory_space<vmem>>
    %dma_wait3A_479 = tpu.memref_squeeze %dma_wait3A_478 : memref<1x50xi32, #tpu.memory_space<vmem>> -> memref<50xi32, #tpu.memory_space<vmem>>
    %dma_wait3A_480 = arith.constant 0 : i32
    %dma_wait3A_481 = arith.constant 0 : i32
    %dma_wait3A_482 = tpu.memref_slice %arg3[%dma_wait3A_480, %dma_wait3A_481] : memref<1000000x64xf32, #tpu.memory_space<hbm>> -> memref<1000000x64xf32, #tpu.memory_space<hbm>>
    tpu.wait_indirect_dma semaphore(%arg11 : memref<!tpu.dma_semaphore, #tpu.memory_space<semaphore_mem>>) src(%dma_wait3A_482 : memref<1000000x64xf32, #tpu.memory_space<hbm>>) dst(%dma_wait3A_476 : memref<50x64xf32, #tpu.memory_space<vmem>>)
    %dma_wait3A_483 = arith.constant 6 : i32
    %dma_wait3A_484 = arith.constant 6 : i32
    %dma_wait3A_485 = arith.constant 0 : i32
    %dma_wait3A_486 = arith.constant 0 : i32
    %dma_wait3A_487 = tpu.memref_slice %arg7[%dma_wait3A_484, %dma_wait3A_485, %dma_wait3A_486] : memref<16x50x64xf32, #tpu.memory_space<vmem>> -> memref<1x50x64xf32, #tpu.memory_space<vmem>>
    %dma_wait3A_488 = tpu.memref_squeeze %dma_wait3A_487 : memref<1x50x64xf32, #tpu.memory_space<vmem>> -> memref<50x64xf32, #tpu.memory_space<vmem>>
    %dma_wait3A_489 = arith.constant 0 : i32
    %dma_wait3A_490 = tpu.memref_slice %arg5[%dma_wait3A_483, %dma_wait3A_489] : memref<16x50xi32, #tpu.memory_space<vmem>> -> memref<1x50xi32, #tpu.memory_space<vmem>>
    %dma_wait3A_491 = tpu.memref_squeeze %dma_wait3A_490 : memref<1x50xi32, #tpu.memory_space<vmem>> -> memref<50xi32, #tpu.memory_space<vmem>>
    %dma_wait3A_492 = arith.constant 0 : i32
    %dma_wait3A_493 = arith.constant 0 : i32
    %dma_wait3A_494 = tpu.memref_slice %arg3[%dma_wait3A_492, %dma_wait3A_493] : memref<1000000x64xf32, #tpu.memory_space<hbm>> -> memref<1000000x64xf32, #tpu.memory_space<hbm>>
    tpu.wait_indirect_dma semaphore(%arg11 : memref<!tpu.dma_semaphore, #tpu.memory_space<semaphore_mem>>) src(%dma_wait3A_494 : memref<1000000x64xf32, #tpu.memory_space<hbm>>) dst(%dma_wait3A_488 : memref<50x64xf32, #tpu.memory_space<vmem>>)
    %dma_wait3A_495 = arith.constant 7 : i32
    %dma_wait3A_496 = arith.constant 7 : i32
    %dma_wait3A_497 = arith.constant 0 : i32
    %dma_wait3A_498 = arith.constant 0 : i32
    %dma_wait3A_499 = tpu.memref_slice %arg7[%dma_wait3A_496, %dma_wait3A_497, %dma_wait3A_498] : memref<16x50x64xf32, #tpu.memory_space<vmem>> -> memref<1x50x64xf32, #tpu.memory_space<vmem>>
    %dma_wait3A_500 = tpu.memref_squeeze %dma_wait3A_499 : memref<1x50x64xf32, #tpu.memory_space<vmem>> -> memref<50x64xf32, #tpu.memory_space<vmem>>
    %dma_wait3A_501 = arith.constant 0 : i32
    %dma_wait3A_502 = tpu.memref_slice %arg5[%dma_wait3A_495, %dma_wait3A_501] : memref<16x50xi32, #tpu.memory_space<vmem>> -> memref<1x50xi32, #tpu.memory_space<vmem>>
    %dma_wait3A_503 = tpu.memref_squeeze %dma_wait3A_502 : memref<1x50xi32, #tpu.memory_space<vmem>> -> memref<50xi32, #tpu.memory_space<vmem>>
    %dma_wait3A_504 = arith.constant 0 : i32
    %dma_wait3A_505 = arith.constant 0 : i32
    %dma_wait3A_506 = tpu.memref_slice %arg3[%dma_wait3A_504, %dma_wait3A_505] : memref<1000000x64xf32, #tpu.memory_space<hbm>> -> memref<1000000x64xf32, #tpu.memory_space<hbm>>
    tpu.wait_indirect_dma semaphore(%arg11 : memref<!tpu.dma_semaphore, #tpu.memory_space<semaphore_mem>>) src(%dma_wait3A_506 : memref<1000000x64xf32, #tpu.memory_space<hbm>>) dst(%dma_wait3A_500 : memref<50x64xf32, #tpu.memory_space<vmem>>)
    %dma_wait3A_507 = arith.constant 8 : i32
    %dma_wait3A_508 = arith.constant 8 : i32
    %dma_wait3A_509 = arith.constant 0 : i32
    %dma_wait3A_510 = arith.constant 0 : i32
    %dma_wait3A_511 = tpu.memref_slice %arg7[%dma_wait3A_508, %dma_wait3A_509, %dma_wait3A_510] : memref<16x50x64xf32, #tpu.memory_space<vmem>> -> memref<1x50x64xf32, #tpu.memory_space<vmem>>
    %dma_wait3A_512 = tpu.memref_squeeze %dma_wait3A_511 : memref<1x50x64xf32, #tpu.memory_space<vmem>> -> memref<50x64xf32, #tpu.memory_space<vmem>>
    %dma_wait3A_513 = arith.constant 0 : i32
    %dma_wait3A_514 = tpu.memref_slice %arg5[%dma_wait3A_507, %dma_wait3A_513] : memref<16x50xi32, #tpu.memory_space<vmem>> -> memref<1x50xi32, #tpu.memory_space<vmem>>
    %dma_wait3A_515 = tpu.memref_squeeze %dma_wait3A_514 : memref<1x50xi32, #tpu.memory_space<vmem>> -> memref<50xi32, #tpu.memory_space<vmem>>
    %dma_wait3A_516 = arith.constant 0 : i32
    %dma_wait3A_517 = arith.constant 0 : i32
    %dma_wait3A_518 = tpu.memref_slice %arg3[%dma_wait3A_516, %dma_wait3A_517] : memref<1000000x64xf32, #tpu.memory_space<hbm>> -> memref<1000000x64xf32, #tpu.memory_space<hbm>>
    tpu.wait_indirect_dma semaphore(%arg11 : memref<!tpu.dma_semaphore, #tpu.memory_space<semaphore_mem>>) src(%dma_wait3A_518 : memref<1000000x64xf32, #tpu.memory_space<hbm>>) dst(%dma_wait3A_512 : memref<50x64xf32, #tpu.memory_space<vmem>>)
    %dma_wait3A_519 = arith.constant 9 : i32
    %dma_wait3A_520 = arith.constant 9 : i32
    %dma_wait3A_521 = arith.constant 0 : i32
    %dma_wait3A_522 = arith.constant 0 : i32
    %dma_wait3A_523 = tpu.memref_slice %arg7[%dma_wait3A_520, %dma_wait3A_521, %dma_wait3A_522] : memref<16x50x64xf32, #tpu.memory_space<vmem>> -> memref<1x50x64xf32, #tpu.memory_space<vmem>>
    %dma_wait3A_524 = tpu.memref_squeeze %dma_wait3A_523 : memref<1x50x64xf32, #tpu.memory_space<vmem>> -> memref<50x64xf32, #tpu.memory_space<vmem>>
    %dma_wait3A_525 = arith.constant 0 : i32
    %dma_wait3A_526 = tpu.memref_slice %arg5[%dma_wait3A_519, %dma_wait3A_525] : memref<16x50xi32, #tpu.memory_space<vmem>> -> memref<1x50xi32, #tpu.memory_space<vmem>>
    %dma_wait3A_527 = tpu.memref_squeeze %dma_wait3A_526 : memref<1x50xi32, #tpu.memory_space<vmem>> -> memref<50xi32, #tpu.memory_space<vmem>>
    %dma_wait3A_528 = arith.constant 0 : i32
    %dma_wait3A_529 = arith.constant 0 : i32
    %dma_wait3A_530 = tpu.memref_slice %arg3[%dma_wait3A_528, %dma_wait3A_529] : memref<1000000x64xf32, #tpu.memory_space<hbm>> -> memref<1000000x64xf32, #tpu.memory_space<hbm>>
    tpu.wait_indirect_dma semaphore(%arg11 : memref<!tpu.dma_semaphore, #tpu.memory_space<semaphore_mem>>) src(%dma_wait3A_530 : memref<1000000x64xf32, #tpu.memory_space<hbm>>) dst(%dma_wait3A_524 : memref<50x64xf32, #tpu.memory_space<vmem>>)
    %dma_wait3A_531 = arith.constant 10 : i32
    %dma_wait3A_532 = arith.constant 10 : i32
    %dma_wait3A_533 = arith.constant 0 : i32
    %dma_wait3A_534 = arith.constant 0 : i32
    %dma_wait3A_535 = tpu.memref_slice %arg7[%dma_wait3A_532, %dma_wait3A_533, %dma_wait3A_534] : memref<16x50x64xf32, #tpu.memory_space<vmem>> -> memref<1x50x64xf32, #tpu.memory_space<vmem>>
    %dma_wait3A_536 = tpu.memref_squeeze %dma_wait3A_535 : memref<1x50x64xf32, #tpu.memory_space<vmem>> -> memref<50x64xf32, #tpu.memory_space<vmem>>
    %dma_wait3A_537 = arith.constant 0 : i32
    %dma_wait3A_538 = tpu.memref_slice %arg5[%dma_wait3A_531, %dma_wait3A_537] : memref<16x50xi32, #tpu.memory_space<vmem>> -> memref<1x50xi32, #tpu.memory_space<vmem>>
    %dma_wait3A_539 = tpu.memref_squeeze %dma_wait3A_538 : memref<1x50xi32, #tpu.memory_space<vmem>> -> memref<50xi32, #tpu.memory_space<vmem>>
    %dma_wait3A_540 = arith.constant 0 : i32
    %dma_wait3A_541 = arith.constant 0 : i32
    %dma_wait3A_542 = tpu.memref_slice %arg3[%dma_wait3A_540, %dma_wait3A_541] : memref<1000000x64xf32, #tpu.memory_space<hbm>> -> memref<1000000x64xf32, #tpu.memory_space<hbm>>
    tpu.wait_indirect_dma semaphore(%arg11 : memref<!tpu.dma_semaphore, #tpu.memory_space<semaphore_mem>>) src(%dma_wait3A_542 : memref<1000000x64xf32, #tpu.memory_space<hbm>>) dst(%dma_wait3A_536 : memref<50x64xf32, #tpu.memory_space<vmem>>)
    %dma_wait3A_543 = arith.constant 11 : i32
    %dma_wait3A_544 = arith.constant 11 : i32
    %dma_wait3A_545 = arith.constant 0 : i32
    %dma_wait3A_546 = arith.constant 0 : i32
    %dma_wait3A_547 = tpu.memref_slice %arg7[%dma_wait3A_544, %dma_wait3A_545, %dma_wait3A_546] : memref<16x50x64xf32, #tpu.memory_space<vmem>> -> memref<1x50x64xf32, #tpu.memory_space<vmem>>
    %dma_wait3A_548 = tpu.memref_squeeze %dma_wait3A_547 : memref<1x50x64xf32, #tpu.memory_space<vmem>> -> memref<50x64xf32, #tpu.memory_space<vmem>>
    %dma_wait3A_549 = arith.constant 0 : i32
    %dma_wait3A_550 = tpu.memref_slice %arg5[%dma_wait3A_543, %dma_wait3A_549] : memref<16x50xi32, #tpu.memory_space<vmem>> -> memref<1x50xi32, #tpu.memory_space<vmem>>
    %dma_wait3A_551 = tpu.memref_squeeze %dma_wait3A_550 : memref<1x50xi32, #tpu.memory_space<vmem>> -> memref<50xi32, #tpu.memory_space<vmem>>
    %dma_wait3A_552 = arith.constant 0 : i32
    %dma_wait3A_553 = arith.constant 0 : i32
    %dma_wait3A_554 = tpu.memref_slice %arg3[%dma_wait3A_552, %dma_wait3A_553] : memref<1000000x64xf32, #tpu.memory_space<hbm>> -> memref<1000000x64xf32, #tpu.memory_space<hbm>>
    tpu.wait_indirect_dma semaphore(%arg11 : memref<!tpu.dma_semaphore, #tpu.memory_space<semaphore_mem>>) src(%dma_wait3A_554 : memref<1000000x64xf32, #tpu.memory_space<hbm>>) dst(%dma_wait3A_548 : memref<50x64xf32, #tpu.memory_space<vmem>>)
    %dma_wait3A_555 = arith.constant 12 : i32
    %dma_wait3A_556 = arith.constant 12 : i32
    %dma_wait3A_557 = arith.constant 0 : i32
    %dma_wait3A_558 = arith.constant 0 : i32
    %dma_wait3A_559 = tpu.memref_slice %arg7[%dma_wait3A_556, %dma_wait3A_557, %dma_wait3A_558] : memref<16x50x64xf32, #tpu.memory_space<vmem>> -> memref<1x50x64xf32, #tpu.memory_space<vmem>>
    %dma_wait3A_560 = tpu.memref_squeeze %dma_wait3A_559 : memref<1x50x64xf32, #tpu.memory_space<vmem>> -> memref<50x64xf32, #tpu.memory_space<vmem>>
    %dma_wait3A_561 = arith.constant 0 : i32
    %dma_wait3A_562 = tpu.memref_slice %arg5[%dma_wait3A_555, %dma_wait3A_561] : memref<16x50xi32, #tpu.memory_space<vmem>> -> memref<1x50xi32, #tpu.memory_space<vmem>>
    %dma_wait3A_563 = tpu.memref_squeeze %dma_wait3A_562 : memref<1x50xi32, #tpu.memory_space<vmem>> -> memref<50xi32, #tpu.memory_space<vmem>>
    %dma_wait3A_564 = arith.constant 0 : i32
    %dma_wait3A_565 = arith.constant 0 : i32
    %dma_wait3A_566 = tpu.memref_slice %arg3[%dma_wait3A_564, %dma_wait3A_565] : memref<1000000x64xf32, #tpu.memory_space<hbm>> -> memref<1000000x64xf32, #tpu.memory_space<hbm>>
    tpu.wait_indirect_dma semaphore(%arg11 : memref<!tpu.dma_semaphore, #tpu.memory_space<semaphore_mem>>) src(%dma_wait3A_566 : memref<1000000x64xf32, #tpu.memory_space<hbm>>) dst(%dma_wait3A_560 : memref<50x64xf32, #tpu.memory_space<vmem>>)
    %dma_wait3A_567 = arith.constant 13 : i32
    %dma_wait3A_568 = arith.constant 13 : i32
    %dma_wait3A_569 = arith.constant 0 : i32
    %dma_wait3A_570 = arith.constant 0 : i32
    %dma_wait3A_571 = tpu.memref_slice %arg7[%dma_wait3A_568, %dma_wait3A_569, %dma_wait3A_570] : memref<16x50x64xf32, #tpu.memory_space<vmem>> -> memref<1x50x64xf32, #tpu.memory_space<vmem>>
    %dma_wait3A_572 = tpu.memref_squeeze %dma_wait3A_571 : memref<1x50x64xf32, #tpu.memory_space<vmem>> -> memref<50x64xf32, #tpu.memory_space<vmem>>
    %dma_wait3A_573 = arith.constant 0 : i32
    %dma_wait3A_574 = tpu.memref_slice %arg5[%dma_wait3A_567, %dma_wait3A_573] : memref<16x50xi32, #tpu.memory_space<vmem>> -> memref<1x50xi32, #tpu.memory_space<vmem>>
    %dma_wait3A_575 = tpu.memref_squeeze %dma_wait3A_574 : memref<1x50xi32, #tpu.memory_space<vmem>> -> memref<50xi32, #tpu.memory_space<vmem>>
    %dma_wait3A_576 = arith.constant 0 : i32
    %dma_wait3A_577 = arith.constant 0 : i32
    %dma_wait3A_578 = tpu.memref_slice %arg3[%dma_wait3A_576, %dma_wait3A_577] : memref<1000000x64xf32, #tpu.memory_space<hbm>> -> memref<1000000x64xf32, #tpu.memory_space<hbm>>
    tpu.wait_indirect_dma semaphore(%arg11 : memref<!tpu.dma_semaphore, #tpu.memory_space<semaphore_mem>>) src(%dma_wait3A_578 : memref<1000000x64xf32, #tpu.memory_space<hbm>>) dst(%dma_wait3A_572 : memref<50x64xf32, #tpu.memory_space<vmem>>)
    %dma_wait3A_579 = arith.constant 14 : i32
    %dma_wait3A_580 = arith.constant 14 : i32
    %dma_wait3A_581 = arith.constant 0 : i32
    %dma_wait3A_582 = arith.constant 0 : i32
    %dma_wait3A_583 = tpu.memref_slice %arg7[%dma_wait3A_580, %dma_wait3A_581, %dma_wait3A_582] : memref<16x50x64xf32, #tpu.memory_space<vmem>> -> memref<1x50x64xf32, #tpu.memory_space<vmem>>
    %dma_wait3A_584 = tpu.memref_squeeze %dma_wait3A_583 : memref<1x50x64xf32, #tpu.memory_space<vmem>> -> memref<50x64xf32, #tpu.memory_space<vmem>>
    %dma_wait3A_585 = arith.constant 0 : i32
    %dma_wait3A_586 = tpu.memref_slice %arg5[%dma_wait3A_579, %dma_wait3A_585] : memref<16x50xi32, #tpu.memory_space<vmem>> -> memref<1x50xi32, #tpu.memory_space<vmem>>
    %dma_wait3A_587 = tpu.memref_squeeze %dma_wait3A_586 : memref<1x50xi32, #tpu.memory_space<vmem>> -> memref<50xi32, #tpu.memory_space<vmem>>
    %dma_wait3A_588 = arith.constant 0 : i32
    %dma_wait3A_589 = arith.constant 0 : i32
    %dma_wait3A_590 = tpu.memref_slice %arg3[%dma_wait3A_588, %dma_wait3A_589] : memref<1000000x64xf32, #tpu.memory_space<hbm>> -> memref<1000000x64xf32, #tpu.memory_space<hbm>>
    tpu.wait_indirect_dma semaphore(%arg11 : memref<!tpu.dma_semaphore, #tpu.memory_space<semaphore_mem>>) src(%dma_wait3A_590 : memref<1000000x64xf32, #tpu.memory_space<hbm>>) dst(%dma_wait3A_584 : memref<50x64xf32, #tpu.memory_space<vmem>>)
    %dma_wait3A_591 = arith.constant 15 : i32
    %dma_wait3A_592 = arith.constant 15 : i32
    %dma_wait3A_593 = arith.constant 0 : i32
    %dma_wait3A_594 = arith.constant 0 : i32
    %dma_wait3A_595 = tpu.memref_slice %arg7[%dma_wait3A_592, %dma_wait3A_593, %dma_wait3A_594] : memref<16x50x64xf32, #tpu.memory_space<vmem>> -> memref<1x50x64xf32, #tpu.memory_space<vmem>>
    %dma_wait3A_596 = tpu.memref_squeeze %dma_wait3A_595 : memref<1x50x64xf32, #tpu.memory_space<vmem>> -> memref<50x64xf32, #tpu.memory_space<vmem>>
    %dma_wait3A_597 = arith.constant 0 : i32
    %dma_wait3A_598 = tpu.memref_slice %arg5[%dma_wait3A_591, %dma_wait3A_597] : memref<16x50xi32, #tpu.memory_space<vmem>> -> memref<1x50xi32, #tpu.memory_space<vmem>>
    %dma_wait3A_599 = tpu.memref_squeeze %dma_wait3A_598 : memref<1x50xi32, #tpu.memory_space<vmem>> -> memref<50xi32, #tpu.memory_space<vmem>>
    %dma_wait3A_600 = arith.constant 0 : i32
    %dma_wait3A_601 = arith.constant 0 : i32
    %dma_wait3A_602 = tpu.memref_slice %arg3[%dma_wait3A_600, %dma_wait3A_601] : memref<1000000x64xf32, #tpu.memory_space<hbm>> -> memref<1000000x64xf32, #tpu.memory_space<hbm>>
    tpu.wait_indirect_dma semaphore(%arg11 : memref<!tpu.dma_semaphore, #tpu.memory_space<semaphore_mem>>) src(%dma_wait3A_602 : memref<1000000x64xf32, #tpu.memory_space<hbm>>) dst(%dma_wait3A_596 : memref<50x64xf32, #tpu.memory_space<vmem>>)
    %add3A_603 = arith.constant 480 : i32
    %add3A_604 = arith.addi %mul3A_2, %add3A_603 : i32
    %multiple_of3A_605 = tpu.assume_multiple %add3A_604, 8 : i32
    %dma_start3A_606 = arith.constant 0 : i32
    %dma_start3A_607 = arith.constant 0 : i32
    %dma_start3A_608 = tpu.memref_slice %arg4[%multiple_of3A_605, %dma_start3A_606, %dma_start3A_607] : memref<16384x50x64xf32, #tpu.memory_space<hbm>> -> memref<16x50x64xf32, #tpu.memory_space<hbm>>
    %dma_start3A_609 = arith.constant 0 : i32
    %dma_start3A_610 = arith.constant 0 : i32
    %dma_start3A_611 = tpu.memref_slice %arg4[%multiple_of3A_605, %dma_start3A_609, %dma_start3A_610] : memref<16384x50x64xf32, #tpu.memory_space<hbm>> -> memref<16x50x64xf32, #tpu.memory_space<hbm>>
    tpu.enqueue_dma source(%arg7 : memref<16x50x64xf32, #tpu.memory_space<vmem>>) target(%dma_start3A_611 : memref<16x50x64xf32, #tpu.memory_space<hbm>>) target_semaphore(%arg13 : memref<!tpu.dma_semaphore, #tpu.memory_space<semaphore_mem>>)
    %dma_wait3A_612 = arith.constant 0 : i32
    %dma_wait3A_613 = arith.constant 0 : i32
    %dma_wait3A_614 = tpu.memref_slice %arg4[%multiple_of3A_605, %dma_wait3A_612, %dma_wait3A_613] : memref<16384x50x64xf32, #tpu.memory_space<hbm>> -> memref<16x50x64xf32, #tpu.memory_space<hbm>>
    %dma_wait3A_615 = arith.constant 0 : i32
    %dma_wait3A_616 = arith.constant 0 : i32
    %dma_wait3A_617 = tpu.memref_slice %arg4[%multiple_of3A_605, %dma_wait3A_615, %dma_wait3A_616] : memref<16384x50x64xf32, #tpu.memory_space<hbm>> -> memref<16x50x64xf32, #tpu.memory_space<hbm>>
    tpu.wait_dma2 semaphore(%arg13 : memref<!tpu.dma_semaphore, #tpu.memory_space<semaphore_mem>>) src(%arg7 : memref<16x50x64xf32, #tpu.memory_space<vmem>>) dst(%dma_wait3A_617 : memref<16x50x64xf32, #tpu.memory_space<hbm>>)
    %dma_wait3A_618 = arith.constant 0 : i32
    %dma_wait3A_619 = arith.constant 0 : i32
    %dma_wait3A_620 = arith.constant 0 : i32
    %dma_wait3A_621 = arith.constant 0 : i32
    %dma_wait3A_622 = tpu.memref_slice %arg8[%dma_wait3A_619, %dma_wait3A_620, %dma_wait3A_621] : memref<16x50x64xf32, #tpu.memory_space<vmem>> -> memref<1x50x64xf32, #tpu.memory_space<vmem>>
    %dma_wait3A_623 = tpu.memref_squeeze %dma_wait3A_622 : memref<1x50x64xf32, #tpu.memory_space<vmem>> -> memref<50x64xf32, #tpu.memory_space<vmem>>
    %dma_wait3A_624 = arith.constant 0 : i32
    %dma_wait3A_625 = tpu.memref_slice %arg6[%dma_wait3A_618, %dma_wait3A_624] : memref<16x50xi32, #tpu.memory_space<vmem>> -> memref<1x50xi32, #tpu.memory_space<vmem>>
    %dma_wait3A_626 = tpu.memref_squeeze %dma_wait3A_625 : memref<1x50xi32, #tpu.memory_space<vmem>> -> memref<50xi32, #tpu.memory_space<vmem>>
    %dma_wait3A_627 = arith.constant 0 : i32
    %dma_wait3A_628 = arith.constant 0 : i32
    %dma_wait3A_629 = tpu.memref_slice %arg3[%dma_wait3A_627, %dma_wait3A_628] : memref<1000000x64xf32, #tpu.memory_space<hbm>> -> memref<1000000x64xf32, #tpu.memory_space<hbm>>
    tpu.wait_indirect_dma semaphore(%arg12 : memref<!tpu.dma_semaphore, #tpu.memory_space<semaphore_mem>>) src(%dma_wait3A_629 : memref<1000000x64xf32, #tpu.memory_space<hbm>>) dst(%dma_wait3A_623 : memref<50x64xf32, #tpu.memory_space<vmem>>)
    %dma_wait3A_630 = arith.constant 1 : i32
    %dma_wait3A_631 = arith.constant 1 : i32
    %dma_wait3A_632 = arith.constant 0 : i32
    %dma_wait3A_633 = arith.constant 0 : i32
    %dma_wait3A_634 = tpu.memref_slice %arg8[%dma_wait3A_631, %dma_wait3A_632, %dma_wait3A_633] : memref<16x50x64xf32, #tpu.memory_space<vmem>> -> memref<1x50x64xf32, #tpu.memory_space<vmem>>
    %dma_wait3A_635 = tpu.memref_squeeze %dma_wait3A_634 : memref<1x50x64xf32, #tpu.memory_space<vmem>> -> memref<50x64xf32, #tpu.memory_space<vmem>>
    %dma_wait3A_636 = arith.constant 0 : i32
    %dma_wait3A_637 = tpu.memref_slice %arg6[%dma_wait3A_630, %dma_wait3A_636] : memref<16x50xi32, #tpu.memory_space<vmem>> -> memref<1x50xi32, #tpu.memory_space<vmem>>
    %dma_wait3A_638 = tpu.memref_squeeze %dma_wait3A_637 : memref<1x50xi32, #tpu.memory_space<vmem>> -> memref<50xi32, #tpu.memory_space<vmem>>
    %dma_wait3A_639 = arith.constant 0 : i32
    %dma_wait3A_640 = arith.constant 0 : i32
    %dma_wait3A_641 = tpu.memref_slice %arg3[%dma_wait3A_639, %dma_wait3A_640] : memref<1000000x64xf32, #tpu.memory_space<hbm>> -> memref<1000000x64xf32, #tpu.memory_space<hbm>>
    tpu.wait_indirect_dma semaphore(%arg12 : memref<!tpu.dma_semaphore, #tpu.memory_space<semaphore_mem>>) src(%dma_wait3A_641 : memref<1000000x64xf32, #tpu.memory_space<hbm>>) dst(%dma_wait3A_635 : memref<50x64xf32, #tpu.memory_space<vmem>>)
    %dma_wait3A_642 = arith.constant 2 : i32
    %dma_wait3A_643 = arith.constant 2 : i32
    %dma_wait3A_644 = arith.constant 0 : i32
    %dma_wait3A_645 = arith.constant 0 : i32
    %dma_wait3A_646 = tpu.memref_slice %arg8[%dma_wait3A_643, %dma_wait3A_644, %dma_wait3A_645] : memref<16x50x64xf32, #tpu.memory_space<vmem>> -> memref<1x50x64xf32, #tpu.memory_space<vmem>>
    %dma_wait3A_647 = tpu.memref_squeeze %dma_wait3A_646 : memref<1x50x64xf32, #tpu.memory_space<vmem>> -> memref<50x64xf32, #tpu.memory_space<vmem>>
    %dma_wait3A_648 = arith.constant 0 : i32
    %dma_wait3A_649 = tpu.memref_slice %arg6[%dma_wait3A_642, %dma_wait3A_648] : memref<16x50xi32, #tpu.memory_space<vmem>> -> memref<1x50xi32, #tpu.memory_space<vmem>>
    %dma_wait3A_650 = tpu.memref_squeeze %dma_wait3A_649 : memref<1x50xi32, #tpu.memory_space<vmem>> -> memref<50xi32, #tpu.memory_space<vmem>>
    %dma_wait3A_651 = arith.constant 0 : i32
    %dma_wait3A_652 = arith.constant 0 : i32
    %dma_wait3A_653 = tpu.memref_slice %arg3[%dma_wait3A_651, %dma_wait3A_652] : memref<1000000x64xf32, #tpu.memory_space<hbm>> -> memref<1000000x64xf32, #tpu.memory_space<hbm>>
    tpu.wait_indirect_dma semaphore(%arg12 : memref<!tpu.dma_semaphore, #tpu.memory_space<semaphore_mem>>) src(%dma_wait3A_653 : memref<1000000x64xf32, #tpu.memory_space<hbm>>) dst(%dma_wait3A_647 : memref<50x64xf32, #tpu.memory_space<vmem>>)
    %dma_wait3A_654 = arith.constant 3 : i32
    %dma_wait3A_655 = arith.constant 3 : i32
    %dma_wait3A_656 = arith.constant 0 : i32
    %dma_wait3A_657 = arith.constant 0 : i32
    %dma_wait3A_658 = tpu.memref_slice %arg8[%dma_wait3A_655, %dma_wait3A_656, %dma_wait3A_657] : memref<16x50x64xf32, #tpu.memory_space<vmem>> -> memref<1x50x64xf32, #tpu.memory_space<vmem>>
    %dma_wait3A_659 = tpu.memref_squeeze %dma_wait3A_658 : memref<1x50x64xf32, #tpu.memory_space<vmem>> -> memref<50x64xf32, #tpu.memory_space<vmem>>
    %dma_wait3A_660 = arith.constant 0 : i32
    %dma_wait3A_661 = tpu.memref_slice %arg6[%dma_wait3A_654, %dma_wait3A_660] : memref<16x50xi32, #tpu.memory_space<vmem>> -> memref<1x50xi32, #tpu.memory_space<vmem>>
    %dma_wait3A_662 = tpu.memref_squeeze %dma_wait3A_661 : memref<1x50xi32, #tpu.memory_space<vmem>> -> memref<50xi32, #tpu.memory_space<vmem>>
    %dma_wait3A_663 = arith.constant 0 : i32
    %dma_wait3A_664 = arith.constant 0 : i32
    %dma_wait3A_665 = tpu.memref_slice %arg3[%dma_wait3A_663, %dma_wait3A_664] : memref<1000000x64xf32, #tpu.memory_space<hbm>> -> memref<1000000x64xf32, #tpu.memory_space<hbm>>
    tpu.wait_indirect_dma semaphore(%arg12 : memref<!tpu.dma_semaphore, #tpu.memory_space<semaphore_mem>>) src(%dma_wait3A_665 : memref<1000000x64xf32, #tpu.memory_space<hbm>>) dst(%dma_wait3A_659 : memref<50x64xf32, #tpu.memory_space<vmem>>)
    %dma_wait3A_666 = arith.constant 4 : i32
    %dma_wait3A_667 = arith.constant 4 : i32
    %dma_wait3A_668 = arith.constant 0 : i32
    %dma_wait3A_669 = arith.constant 0 : i32
    %dma_wait3A_670 = tpu.memref_slice %arg8[%dma_wait3A_667, %dma_wait3A_668, %dma_wait3A_669] : memref<16x50x64xf32, #tpu.memory_space<vmem>> -> memref<1x50x64xf32, #tpu.memory_space<vmem>>
    %dma_wait3A_671 = tpu.memref_squeeze %dma_wait3A_670 : memref<1x50x64xf32, #tpu.memory_space<vmem>> -> memref<50x64xf32, #tpu.memory_space<vmem>>
    %dma_wait3A_672 = arith.constant 0 : i32
    %dma_wait3A_673 = tpu.memref_slice %arg6[%dma_wait3A_666, %dma_wait3A_672] : memref<16x50xi32, #tpu.memory_space<vmem>> -> memref<1x50xi32, #tpu.memory_space<vmem>>
    %dma_wait3A_674 = tpu.memref_squeeze %dma_wait3A_673 : memref<1x50xi32, #tpu.memory_space<vmem>> -> memref<50xi32, #tpu.memory_space<vmem>>
    %dma_wait3A_675 = arith.constant 0 : i32
    %dma_wait3A_676 = arith.constant 0 : i32
    %dma_wait3A_677 = tpu.memref_slice %arg3[%dma_wait3A_675, %dma_wait3A_676] : memref<1000000x64xf32, #tpu.memory_space<hbm>> -> memref<1000000x64xf32, #tpu.memory_space<hbm>>
    tpu.wait_indirect_dma semaphore(%arg12 : memref<!tpu.dma_semaphore, #tpu.memory_space<semaphore_mem>>) src(%dma_wait3A_677 : memref<1000000x64xf32, #tpu.memory_space<hbm>>) dst(%dma_wait3A_671 : memref<50x64xf32, #tpu.memory_space<vmem>>)
    %dma_wait3A_678 = arith.constant 5 : i32
    %dma_wait3A_679 = arith.constant 5 : i32
    %dma_wait3A_680 = arith.constant 0 : i32
    %dma_wait3A_681 = arith.constant 0 : i32
    %dma_wait3A_682 = tpu.memref_slice %arg8[%dma_wait3A_679, %dma_wait3A_680, %dma_wait3A_681] : memref<16x50x64xf32, #tpu.memory_space<vmem>> -> memref<1x50x64xf32, #tpu.memory_space<vmem>>
    %dma_wait3A_683 = tpu.memref_squeeze %dma_wait3A_682 : memref<1x50x64xf32, #tpu.memory_space<vmem>> -> memref<50x64xf32, #tpu.memory_space<vmem>>
    %dma_wait3A_684 = arith.constant 0 : i32
    %dma_wait3A_685 = tpu.memref_slice %arg6[%dma_wait3A_678, %dma_wait3A_684] : memref<16x50xi32, #tpu.memory_space<vmem>> -> memref<1x50xi32, #tpu.memory_space<vmem>>
    %dma_wait3A_686 = tpu.memref_squeeze %dma_wait3A_685 : memref<1x50xi32, #tpu.memory_space<vmem>> -> memref<50xi32, #tpu.memory_space<vmem>>
    %dma_wait3A_687 = arith.constant 0 : i32
    %dma_wait3A_688 = arith.constant 0 : i32
    %dma_wait3A_689 = tpu.memref_slice %arg3[%dma_wait3A_687, %dma_wait3A_688] : memref<1000000x64xf32, #tpu.memory_space<hbm>> -> memref<1000000x64xf32, #tpu.memory_space<hbm>>
    tpu.wait_indirect_dma semaphore(%arg12 : memref<!tpu.dma_semaphore, #tpu.memory_space<semaphore_mem>>) src(%dma_wait3A_689 : memref<1000000x64xf32, #tpu.memory_space<hbm>>) dst(%dma_wait3A_683 : memref<50x64xf32, #tpu.memory_space<vmem>>)
    %dma_wait3A_690 = arith.constant 6 : i32
    %dma_wait3A_691 = arith.constant 6 : i32
    %dma_wait3A_692 = arith.constant 0 : i32
    %dma_wait3A_693 = arith.constant 0 : i32
    %dma_wait3A_694 = tpu.memref_slice %arg8[%dma_wait3A_691, %dma_wait3A_692, %dma_wait3A_693] : memref<16x50x64xf32, #tpu.memory_space<vmem>> -> memref<1x50x64xf32, #tpu.memory_space<vmem>>
    %dma_wait3A_695 = tpu.memref_squeeze %dma_wait3A_694 : memref<1x50x64xf32, #tpu.memory_space<vmem>> -> memref<50x64xf32, #tpu.memory_space<vmem>>
    %dma_wait3A_696 = arith.constant 0 : i32
    %dma_wait3A_697 = tpu.memref_slice %arg6[%dma_wait3A_690, %dma_wait3A_696] : memref<16x50xi32, #tpu.memory_space<vmem>> -> memref<1x50xi32, #tpu.memory_space<vmem>>
    %dma_wait3A_698 = tpu.memref_squeeze %dma_wait3A_697 : memref<1x50xi32, #tpu.memory_space<vmem>> -> memref<50xi32, #tpu.memory_space<vmem>>
    %dma_wait3A_699 = arith.constant 0 : i32
    %dma_wait3A_700 = arith.constant 0 : i32
    %dma_wait3A_701 = tpu.memref_slice %arg3[%dma_wait3A_699, %dma_wait3A_700] : memref<1000000x64xf32, #tpu.memory_space<hbm>> -> memref<1000000x64xf32, #tpu.memory_space<hbm>>
    tpu.wait_indirect_dma semaphore(%arg12 : memref<!tpu.dma_semaphore, #tpu.memory_space<semaphore_mem>>) src(%dma_wait3A_701 : memref<1000000x64xf32, #tpu.memory_space<hbm>>) dst(%dma_wait3A_695 : memref<50x64xf32, #tpu.memory_space<vmem>>)
    %dma_wait3A_702 = arith.constant 7 : i32
    %dma_wait3A_703 = arith.constant 7 : i32
    %dma_wait3A_704 = arith.constant 0 : i32
    %dma_wait3A_705 = arith.constant 0 : i32
    %dma_wait3A_706 = tpu.memref_slice %arg8[%dma_wait3A_703, %dma_wait3A_704, %dma_wait3A_705] : memref<16x50x64xf32, #tpu.memory_space<vmem>> -> memref<1x50x64xf32, #tpu.memory_space<vmem>>
    %dma_wait3A_707 = tpu.memref_squeeze %dma_wait3A_706 : memref<1x50x64xf32, #tpu.memory_space<vmem>> -> memref<50x64xf32, #tpu.memory_space<vmem>>
    %dma_wait3A_708 = arith.constant 0 : i32
    %dma_wait3A_709 = tpu.memref_slice %arg6[%dma_wait3A_702, %dma_wait3A_708] : memref<16x50xi32, #tpu.memory_space<vmem>> -> memref<1x50xi32, #tpu.memory_space<vmem>>
    %dma_wait3A_710 = tpu.memref_squeeze %dma_wait3A_709 : memref<1x50xi32, #tpu.memory_space<vmem>> -> memref<50xi32, #tpu.memory_space<vmem>>
    %dma_wait3A_711 = arith.constant 0 : i32
    %dma_wait3A_712 = arith.constant 0 : i32
    %dma_wait3A_713 = tpu.memref_slice %arg3[%dma_wait3A_711, %dma_wait3A_712] : memref<1000000x64xf32, #tpu.memory_space<hbm>> -> memref<1000000x64xf32, #tpu.memory_space<hbm>>
    tpu.wait_indirect_dma semaphore(%arg12 : memref<!tpu.dma_semaphore, #tpu.memory_space<semaphore_mem>>) src(%dma_wait3A_713 : memref<1000000x64xf32, #tpu.memory_space<hbm>>) dst(%dma_wait3A_707 : memref<50x64xf32, #tpu.memory_space<vmem>>)
    %dma_wait3A_714 = arith.constant 8 : i32
    %dma_wait3A_715 = arith.constant 8 : i32
    %dma_wait3A_716 = arith.constant 0 : i32
    %dma_wait3A_717 = arith.constant 0 : i32
    %dma_wait3A_718 = tpu.memref_slice %arg8[%dma_wait3A_715, %dma_wait3A_716, %dma_wait3A_717] : memref<16x50x64xf32, #tpu.memory_space<vmem>> -> memref<1x50x64xf32, #tpu.memory_space<vmem>>
    %dma_wait3A_719 = tpu.memref_squeeze %dma_wait3A_718 : memref<1x50x64xf32, #tpu.memory_space<vmem>> -> memref<50x64xf32, #tpu.memory_space<vmem>>
    %dma_wait3A_720 = arith.constant 0 : i32
    %dma_wait3A_721 = tpu.memref_slice %arg6[%dma_wait3A_714, %dma_wait3A_720] : memref<16x50xi32, #tpu.memory_space<vmem>> -> memref<1x50xi32, #tpu.memory_space<vmem>>
    %dma_wait3A_722 = tpu.memref_squeeze %dma_wait3A_721 : memref<1x50xi32, #tpu.memory_space<vmem>> -> memref<50xi32, #tpu.memory_space<vmem>>
    %dma_wait3A_723 = arith.constant 0 : i32
    %dma_wait3A_724 = arith.constant 0 : i32
    %dma_wait3A_725 = tpu.memref_slice %arg3[%dma_wait3A_723, %dma_wait3A_724] : memref<1000000x64xf32, #tpu.memory_space<hbm>> -> memref<1000000x64xf32, #tpu.memory_space<hbm>>
    tpu.wait_indirect_dma semaphore(%arg12 : memref<!tpu.dma_semaphore, #tpu.memory_space<semaphore_mem>>) src(%dma_wait3A_725 : memref<1000000x64xf32, #tpu.memory_space<hbm>>) dst(%dma_wait3A_719 : memref<50x64xf32, #tpu.memory_space<vmem>>)
    %dma_wait3A_726 = arith.constant 9 : i32
    %dma_wait3A_727 = arith.constant 9 : i32
    %dma_wait3A_728 = arith.constant 0 : i32
    %dma_wait3A_729 = arith.constant 0 : i32
    %dma_wait3A_730 = tpu.memref_slice %arg8[%dma_wait3A_727, %dma_wait3A_728, %dma_wait3A_729] : memref<16x50x64xf32, #tpu.memory_space<vmem>> -> memref<1x50x64xf32, #tpu.memory_space<vmem>>
    %dma_wait3A_731 = tpu.memref_squeeze %dma_wait3A_730 : memref<1x50x64xf32, #tpu.memory_space<vmem>> -> memref<50x64xf32, #tpu.memory_space<vmem>>
    %dma_wait3A_732 = arith.constant 0 : i32
    %dma_wait3A_733 = tpu.memref_slice %arg6[%dma_wait3A_726, %dma_wait3A_732] : memref<16x50xi32, #tpu.memory_space<vmem>> -> memref<1x50xi32, #tpu.memory_space<vmem>>
    %dma_wait3A_734 = tpu.memref_squeeze %dma_wait3A_733 : memref<1x50xi32, #tpu.memory_space<vmem>> -> memref<50xi32, #tpu.memory_space<vmem>>
    %dma_wait3A_735 = arith.constant 0 : i32
    %dma_wait3A_736 = arith.constant 0 : i32
    %dma_wait3A_737 = tpu.memref_slice %arg3[%dma_wait3A_735, %dma_wait3A_736] : memref<1000000x64xf32, #tpu.memory_space<hbm>> -> memref<1000000x64xf32, #tpu.memory_space<hbm>>
    tpu.wait_indirect_dma semaphore(%arg12 : memref<!tpu.dma_semaphore, #tpu.memory_space<semaphore_mem>>) src(%dma_wait3A_737 : memref<1000000x64xf32, #tpu.memory_space<hbm>>) dst(%dma_wait3A_731 : memref<50x64xf32, #tpu.memory_space<vmem>>)
    %dma_wait3A_738 = arith.constant 10 : i32
    %dma_wait3A_739 = arith.constant 10 : i32
    %dma_wait3A_740 = arith.constant 0 : i32
    %dma_wait3A_741 = arith.constant 0 : i32
    %dma_wait3A_742 = tpu.memref_slice %arg8[%dma_wait3A_739, %dma_wait3A_740, %dma_wait3A_741] : memref<16x50x64xf32, #tpu.memory_space<vmem>> -> memref<1x50x64xf32, #tpu.memory_space<vmem>>
    %dma_wait3A_743 = tpu.memref_squeeze %dma_wait3A_742 : memref<1x50x64xf32, #tpu.memory_space<vmem>> -> memref<50x64xf32, #tpu.memory_space<vmem>>
    %dma_wait3A_744 = arith.constant 0 : i32
    %dma_wait3A_745 = tpu.memref_slice %arg6[%dma_wait3A_738, %dma_wait3A_744] : memref<16x50xi32, #tpu.memory_space<vmem>> -> memref<1x50xi32, #tpu.memory_space<vmem>>
    %dma_wait3A_746 = tpu.memref_squeeze %dma_wait3A_745 : memref<1x50xi32, #tpu.memory_space<vmem>> -> memref<50xi32, #tpu.memory_space<vmem>>
    %dma_wait3A_747 = arith.constant 0 : i32
    %dma_wait3A_748 = arith.constant 0 : i32
    %dma_wait3A_749 = tpu.memref_slice %arg3[%dma_wait3A_747, %dma_wait3A_748] : memref<1000000x64xf32, #tpu.memory_space<hbm>> -> memref<1000000x64xf32, #tpu.memory_space<hbm>>
    tpu.wait_indirect_dma semaphore(%arg12 : memref<!tpu.dma_semaphore, #tpu.memory_space<semaphore_mem>>) src(%dma_wait3A_749 : memref<1000000x64xf32, #tpu.memory_space<hbm>>) dst(%dma_wait3A_743 : memref<50x64xf32, #tpu.memory_space<vmem>>)
    %dma_wait3A_750 = arith.constant 11 : i32
    %dma_wait3A_751 = arith.constant 11 : i32
    %dma_wait3A_752 = arith.constant 0 : i32
    %dma_wait3A_753 = arith.constant 0 : i32
    %dma_wait3A_754 = tpu.memref_slice %arg8[%dma_wait3A_751, %dma_wait3A_752, %dma_wait3A_753] : memref<16x50x64xf32, #tpu.memory_space<vmem>> -> memref<1x50x64xf32, #tpu.memory_space<vmem>>
    %dma_wait3A_755 = tpu.memref_squeeze %dma_wait3A_754 : memref<1x50x64xf32, #tpu.memory_space<vmem>> -> memref<50x64xf32, #tpu.memory_space<vmem>>
    %dma_wait3A_756 = arith.constant 0 : i32
    %dma_wait3A_757 = tpu.memref_slice %arg6[%dma_wait3A_750, %dma_wait3A_756] : memref<16x50xi32, #tpu.memory_space<vmem>> -> memref<1x50xi32, #tpu.memory_space<vmem>>
    %dma_wait3A_758 = tpu.memref_squeeze %dma_wait3A_757 : memref<1x50xi32, #tpu.memory_space<vmem>> -> memref<50xi32, #tpu.memory_space<vmem>>
    %dma_wait3A_759 = arith.constant 0 : i32
    %dma_wait3A_760 = arith.constant 0 : i32
    %dma_wait3A_761 = tpu.memref_slice %arg3[%dma_wait3A_759, %dma_wait3A_760] : memref<1000000x64xf32, #tpu.memory_space<hbm>> -> memref<1000000x64xf32, #tpu.memory_space<hbm>>
    tpu.wait_indirect_dma semaphore(%arg12 : memref<!tpu.dma_semaphore, #tpu.memory_space<semaphore_mem>>) src(%dma_wait3A_761 : memref<1000000x64xf32, #tpu.memory_space<hbm>>) dst(%dma_wait3A_755 : memref<50x64xf32, #tpu.memory_space<vmem>>)
    %dma_wait3A_762 = arith.constant 12 : i32
    %dma_wait3A_763 = arith.constant 12 : i32
    %dma_wait3A_764 = arith.constant 0 : i32
    %dma_wait3A_765 = arith.constant 0 : i32
    %dma_wait3A_766 = tpu.memref_slice %arg8[%dma_wait3A_763, %dma_wait3A_764, %dma_wait3A_765] : memref<16x50x64xf32, #tpu.memory_space<vmem>> -> memref<1x50x64xf32, #tpu.memory_space<vmem>>
    %dma_wait3A_767 = tpu.memref_squeeze %dma_wait3A_766 : memref<1x50x64xf32, #tpu.memory_space<vmem>> -> memref<50x64xf32, #tpu.memory_space<vmem>>
    %dma_wait3A_768 = arith.constant 0 : i32
    %dma_wait3A_769 = tpu.memref_slice %arg6[%dma_wait3A_762, %dma_wait3A_768] : memref<16x50xi32, #tpu.memory_space<vmem>> -> memref<1x50xi32, #tpu.memory_space<vmem>>
    %dma_wait3A_770 = tpu.memref_squeeze %dma_wait3A_769 : memref<1x50xi32, #tpu.memory_space<vmem>> -> memref<50xi32, #tpu.memory_space<vmem>>
    %dma_wait3A_771 = arith.constant 0 : i32
    %dma_wait3A_772 = arith.constant 0 : i32
    %dma_wait3A_773 = tpu.memref_slice %arg3[%dma_wait3A_771, %dma_wait3A_772] : memref<1000000x64xf32, #tpu.memory_space<hbm>> -> memref<1000000x64xf32, #tpu.memory_space<hbm>>
    tpu.wait_indirect_dma semaphore(%arg12 : memref<!tpu.dma_semaphore, #tpu.memory_space<semaphore_mem>>) src(%dma_wait3A_773 : memref<1000000x64xf32, #tpu.memory_space<hbm>>) dst(%dma_wait3A_767 : memref<50x64xf32, #tpu.memory_space<vmem>>)
    %dma_wait3A_774 = arith.constant 13 : i32
    %dma_wait3A_775 = arith.constant 13 : i32
    %dma_wait3A_776 = arith.constant 0 : i32
    %dma_wait3A_777 = arith.constant 0 : i32
    %dma_wait3A_778 = tpu.memref_slice %arg8[%dma_wait3A_775, %dma_wait3A_776, %dma_wait3A_777] : memref<16x50x64xf32, #tpu.memory_space<vmem>> -> memref<1x50x64xf32, #tpu.memory_space<vmem>>
    %dma_wait3A_779 = tpu.memref_squeeze %dma_wait3A_778 : memref<1x50x64xf32, #tpu.memory_space<vmem>> -> memref<50x64xf32, #tpu.memory_space<vmem>>
    %dma_wait3A_780 = arith.constant 0 : i32
    %dma_wait3A_781 = tpu.memref_slice %arg6[%dma_wait3A_774, %dma_wait3A_780] : memref<16x50xi32, #tpu.memory_space<vmem>> -> memref<1x50xi32, #tpu.memory_space<vmem>>
    %dma_wait3A_782 = tpu.memref_squeeze %dma_wait3A_781 : memref<1x50xi32, #tpu.memory_space<vmem>> -> memref<50xi32, #tpu.memory_space<vmem>>
    %dma_wait3A_783 = arith.constant 0 : i32
    %dma_wait3A_784 = arith.constant 0 : i32
    %dma_wait3A_785 = tpu.memref_slice %arg3[%dma_wait3A_783, %dma_wait3A_784] : memref<1000000x64xf32, #tpu.memory_space<hbm>> -> memref<1000000x64xf32, #tpu.memory_space<hbm>>
    tpu.wait_indirect_dma semaphore(%arg12 : memref<!tpu.dma_semaphore, #tpu.memory_space<semaphore_mem>>) src(%dma_wait3A_785 : memref<1000000x64xf32, #tpu.memory_space<hbm>>) dst(%dma_wait3A_779 : memref<50x64xf32, #tpu.memory_space<vmem>>)
    %dma_wait3A_786 = arith.constant 14 : i32
    %dma_wait3A_787 = arith.constant 14 : i32
    %dma_wait3A_788 = arith.constant 0 : i32
    %dma_wait3A_789 = arith.constant 0 : i32
    %dma_wait3A_790 = tpu.memref_slice %arg8[%dma_wait3A_787, %dma_wait3A_788, %dma_wait3A_789] : memref<16x50x64xf32, #tpu.memory_space<vmem>> -> memref<1x50x64xf32, #tpu.memory_space<vmem>>
    %dma_wait3A_791 = tpu.memref_squeeze %dma_wait3A_790 : memref<1x50x64xf32, #tpu.memory_space<vmem>> -> memref<50x64xf32, #tpu.memory_space<vmem>>
    %dma_wait3A_792 = arith.constant 0 : i32
    %dma_wait3A_793 = tpu.memref_slice %arg6[%dma_wait3A_786, %dma_wait3A_792] : memref<16x50xi32, #tpu.memory_space<vmem>> -> memref<1x50xi32, #tpu.memory_space<vmem>>
    %dma_wait3A_794 = tpu.memref_squeeze %dma_wait3A_793 : memref<1x50xi32, #tpu.memory_space<vmem>> -> memref<50xi32, #tpu.memory_space<vmem>>
    %dma_wait3A_795 = arith.constant 0 : i32
    %dma_wait3A_796 = arith.constant 0 : i32
    %dma_wait3A_797 = tpu.memref_slice %arg3[%dma_wait3A_795, %dma_wait3A_796] : memref<1000000x64xf32, #tpu.memory_space<hbm>> -> memref<1000000x64xf32, #tpu.memory_space<hbm>>
    tpu.wait_indirect_dma semaphore(%arg12 : memref<!tpu.dma_semaphore, #tpu.memory_space<semaphore_mem>>) src(%dma_wait3A_797 : memref<1000000x64xf32, #tpu.memory_space<hbm>>) dst(%dma_wait3A_791 : memref<50x64xf32, #tpu.memory_space<vmem>>)
    %dma_wait3A_798 = arith.constant 15 : i32
    %dma_wait3A_799 = arith.constant 15 : i32
    %dma_wait3A_800 = arith.constant 0 : i32
    %dma_wait3A_801 = arith.constant 0 : i32
    %dma_wait3A_802 = tpu.memref_slice %arg8[%dma_wait3A_799, %dma_wait3A_800, %dma_wait3A_801] : memref<16x50x64xf32, #tpu.memory_space<vmem>> -> memref<1x50x64xf32, #tpu.memory_space<vmem>>
    %dma_wait3A_803 = tpu.memref_squeeze %dma_wait3A_802 : memref<1x50x64xf32, #tpu.memory_space<vmem>> -> memref<50x64xf32, #tpu.memory_space<vmem>>
    %dma_wait3A_804 = arith.constant 0 : i32
    %dma_wait3A_805 = tpu.memref_slice %arg6[%dma_wait3A_798, %dma_wait3A_804] : memref<16x50xi32, #tpu.memory_space<vmem>> -> memref<1x50xi32, #tpu.memory_space<vmem>>
    %dma_wait3A_806 = tpu.memref_squeeze %dma_wait3A_805 : memref<1x50xi32, #tpu.memory_space<vmem>> -> memref<50xi32, #tpu.memory_space<vmem>>
    %dma_wait3A_807 = arith.constant 0 : i32
    %dma_wait3A_808 = arith.constant 0 : i32
    %dma_wait3A_809 = tpu.memref_slice %arg3[%dma_wait3A_807, %dma_wait3A_808] : memref<1000000x64xf32, #tpu.memory_space<hbm>> -> memref<1000000x64xf32, #tpu.memory_space<hbm>>
    tpu.wait_indirect_dma semaphore(%arg12 : memref<!tpu.dma_semaphore, #tpu.memory_space<semaphore_mem>>) src(%dma_wait3A_809 : memref<1000000x64xf32, #tpu.memory_space<hbm>>) dst(%dma_wait3A_803 : memref<50x64xf32, #tpu.memory_space<vmem>>)
    %add3A_810 = arith.constant 496 : i32
    %add3A_811 = arith.addi %mul3A_2, %add3A_810 : i32
    %multiple_of3A_812 = tpu.assume_multiple %add3A_811, 8 : i32
    %dma_start3A_813 = arith.constant 0 : i32
    %dma_start3A_814 = arith.constant 0 : i32
    %dma_start3A_815 = tpu.memref_slice %arg4[%multiple_of3A_812, %dma_start3A_813, %dma_start3A_814] : memref<16384x50x64xf32, #tpu.memory_space<hbm>> -> memref<16x50x64xf32, #tpu.memory_space<hbm>>
    %dma_start3A_816 = arith.constant 0 : i32
    %dma_start3A_817 = arith.constant 0 : i32
    %dma_start3A_818 = tpu.memref_slice %arg4[%multiple_of3A_812, %dma_start3A_816, %dma_start3A_817] : memref<16384x50x64xf32, #tpu.memory_space<hbm>> -> memref<16x50x64xf32, #tpu.memory_space<hbm>>
    tpu.enqueue_dma source(%arg8 : memref<16x50x64xf32, #tpu.memory_space<vmem>>) target(%dma_start3A_818 : memref<16x50x64xf32, #tpu.memory_space<hbm>>) target_semaphore(%arg14 : memref<!tpu.dma_semaphore, #tpu.memory_space<semaphore_mem>>)
    %dma_wait3A_819 = arith.constant 0 : i32
    %dma_wait3A_820 = arith.constant 0 : i32
    %dma_wait3A_821 = tpu.memref_slice %arg4[%multiple_of3A_812, %dma_wait3A_819, %dma_wait3A_820] : memref<16384x50x64xf32, #tpu.memory_space<hbm>> -> memref<16x50x64xf32, #tpu.memory_space<hbm>>
    %dma_wait3A_822 = arith.constant 0 : i32
    %dma_wait3A_823 = arith.constant 0 : i32
    %dma_wait3A_824 = tpu.memref_slice %arg4[%multiple_of3A_812, %dma_wait3A_822, %dma_wait3A_823] : memref<16384x50x64xf32, #tpu.memory_space<hbm>> -> memref<16x50x64xf32, #tpu.memory_space<hbm>>
    tpu.wait_dma2 semaphore(%arg14 : memref<!tpu.dma_semaphore, #tpu.memory_space<semaphore_mem>>) src(%arg8 : memref<16x50x64xf32, #tpu.memory_space<vmem>>) dst(%dma_wait3A_824 : memref<16x50x64xf32, #tpu.memory_space<hbm>>)
    return
  }
}

#map = affine_map<(d0, d1) -> (0, 0)>
#map1 = affine_map<(d0, d1) -> (0)>
module attributes {stable_mosaic.version = 14 : i64} {
  func.func @_detile(%arg0: i32, %arg1: i32, %arg2: memref<1000000x64xf32, #tpu.memory_space<hbm>>, %arg3: memref<64000000xf32, #tpu.memory_space<hbm>>, %arg4: memref<320x64xf32, #tpu.memory_space<vmem>>, %arg5: memref<320x64xf32, #tpu.memory_space<vmem>>, %arg6: memref<20480xf32, #tpu.memory_space<vmem>>, %arg7: memref<20480xf32, #tpu.memory_space<vmem>>, %arg8: memref<!tpu.dma_semaphore, #tpu.memory_space<semaphore_mem>>, %arg9: memref<!tpu.dma_semaphore, #tpu.memory_space<semaphore_mem>>, %arg10: memref<!tpu.dma_semaphore, #tpu.memory_space<semaphore_mem>>, %arg11: memref<!tpu.dma_semaphore, #tpu.memory_space<semaphore_mem>>) attributes {dimension_semantics = [#tpu.dimension_semantics<core_parallel>, #tpu.dimension_semantics<subcore_parallel>], iteration_bounds = array<i64: 2, 16>, scalar_prefetch = 0 : i64, scratch_operands = 8 : i64, tpu.core_type = #tpu.core_type<sc_vector_subcore>, window_params = [{transform_indices = #map}, {transform_indices = #map1}]} {
    %mul3A = arith.constant 2 : i32
    %mul3A_0 = arith.muli %arg1, %mul3A : i32
    %add3A = arith.addi %mul3A_0, %arg0 : i32
    %add3A_1 = arith.constant 0 : i32
    %add3A_2 = arith.addi %add3A, %add3A_1 : i32
    %min3A = arith.constant 3124 : i32
    %min3A_3 = arith.minsi %add3A_2, %min3A : i32
    %mul3A_4 = arith.constant 320 : i32
    %mul3A_5 = arith.muli %min3A_3, %mul3A_4 : i32
    %multiple_of3A = tpu.assume_multiple %mul3A_5, 8 : i32
    %dma_start3A = arith.constant 0 : i32
    %dma_start3A_6 = tpu.memref_slice %arg2[%multiple_of3A, %dma_start3A] : memref<1000000x64xf32, #tpu.memory_space<hbm>> -> memref<320x64xf32, #tpu.memory_space<hbm>>
    %dma_start3A_7 = arith.constant 0 : i32
    %dma_start3A_8 = tpu.memref_slice %arg2[%multiple_of3A, %dma_start3A_7] : memref<1000000x64xf32, #tpu.memory_space<hbm>> -> memref<320x64xf32, #tpu.memory_space<hbm>>
    tpu.enqueue_dma source(%dma_start3A_8 : memref<320x64xf32, #tpu.memory_space<hbm>>) target(%arg4 : memref<320x64xf32, #tpu.memory_space<vmem>>) target_semaphore(%arg8 : memref<!tpu.dma_semaphore, #tpu.memory_space<semaphore_mem>>)
    %add3A_9 = arith.constant 0 : i32
    %add3A_10 = arith.addi %add3A, %add3A_9 : i32
    %min3A_11 = arith.constant 3124 : i32
    %min3A_12 = arith.minsi %add3A_10, %min3A_11 : i32
    %mul3A_13 = arith.constant 320 : i32
    %mul3A_14 = arith.muli %min3A_12, %mul3A_13 : i32
    %multiple_of3A_15 = tpu.assume_multiple %mul3A_14, 8 : i32
    %dma_wait3A = arith.constant 0 : i32
    %dma_wait3A_16 = tpu.memref_slice %arg2[%multiple_of3A_15, %dma_wait3A] : memref<1000000x64xf32, #tpu.memory_space<hbm>> -> memref<320x64xf32, #tpu.memory_space<hbm>>
    %dma_wait3A_17 = arith.constant 0 : i32
    %dma_wait3A_18 = tpu.memref_slice %arg2[%multiple_of3A_15, %dma_wait3A_17] : memref<1000000x64xf32, #tpu.memory_space<hbm>> -> memref<320x64xf32, #tpu.memory_space<hbm>>
    tpu.wait_dma2 semaphore(%arg8 : memref<!tpu.dma_semaphore, #tpu.memory_space<semaphore_mem>>) src(%dma_wait3A_18 : memref<320x64xf32, #tpu.memory_space<hbm>>) dst(%arg4 : memref<320x64xf32, #tpu.memory_space<vmem>>)
    %add3A_19 = arith.constant 32 : i32
    %add3A_20 = arith.addi %add3A, %add3A_19 : i32
    %min3A_21 = arith.constant 3124 : i32
    %min3A_22 = arith.minsi %add3A_20, %min3A_21 : i32
    %mul3A_23 = arith.constant 320 : i32
    %mul3A_24 = arith.muli %min3A_22, %mul3A_23 : i32
    %multiple_of3A_25 = tpu.assume_multiple %mul3A_24, 8 : i32
    %dma_start3A_26 = arith.constant 0 : i32
    %dma_start3A_27 = tpu.memref_slice %arg2[%multiple_of3A_25, %dma_start3A_26] : memref<1000000x64xf32, #tpu.memory_space<hbm>> -> memref<320x64xf32, #tpu.memory_space<hbm>>
    %dma_start3A_28 = arith.constant 0 : i32
    %dma_start3A_29 = tpu.memref_slice %arg2[%multiple_of3A_25, %dma_start3A_28] : memref<1000000x64xf32, #tpu.memory_space<hbm>> -> memref<320x64xf32, #tpu.memory_space<hbm>>
    tpu.enqueue_dma source(%dma_start3A_29 : memref<320x64xf32, #tpu.memory_space<hbm>>) target(%arg5 : memref<320x64xf32, #tpu.memory_space<vmem>>) target_semaphore(%arg9 : memref<!tpu.dma_semaphore, #tpu.memory_space<semaphore_mem>>)
    %scan3A = arith.constant 0 : i32
    %scan3A_30 = arith.constant 0 : i32
    %scan3A_31 = arith.constant 40 : i32
    %scan3A_32 = arith.addi %scan3A_30, %scan3A_31 : i32
    %scan3A_33 = arith.constant 1 : i32
    scf.for %scan3A_124 = %scan3A_30 to %scan3A_32 step %scan3A_33  : i32 {
      %mul3A_125 = arith.constant 8 : i32
      %mul3A_126 = arith.muli %scan3A_124, %mul3A_125 : i32
      %add3A_127 = arith.constant 0 : i32
      %add3A_128 = arith.addi %mul3A_126, %add3A_127 : i32
      %mul3A_129 = arith.constant 64 : i32
      %mul3A_130 = arith.muli %add3A_128, %mul3A_129 : i32
      %add3A_131 = arith.constant 0 : i32
      %add3A_132 = arith.addi %mul3A_130, %add3A_131 : i32
      %get3A = arith.index_cast %add3A_128 : i32 to index
      %get3A_133 = arith.constant 0 : index
      %get3A_134 = tpu.vector_load %arg4[%get3A, %get3A_133] {strides = array<i32>} : memref<320x64xf32, #tpu.memory_space<vmem>>, vector<1x16xf32>,
      %get3A_135 = vector.shape_cast %get3A_134 : vector<1x16xf32> to vector<16xf32>
      %mul3A_136 = arith.constant 64 : i32
      %mul3A_137 = arith.muli %add3A_128, %mul3A_136 : i32
      %add3A_138 = arith.constant 16 : i32
      %add3A_139 = arith.addi %mul3A_137, %add3A_138 : i32
      %get3A_140 = arith.index_cast %add3A_128 : i32 to index
      %get3A_141 = arith.constant 16 : index
      %get3A_142 = tpu.vector_load %arg4[%get3A_140, %get3A_141] {strides = array<i32>} : memref<320x64xf32, #tpu.memory_space<vmem>>, vector<1x16xf32>,
      %get3A_143 = vector.shape_cast %get3A_142 : vector<1x16xf32> to vector<16xf32>
      %mul3A_144 = arith.constant 64 : i32
      %mul3A_145 = arith.muli %add3A_128, %mul3A_144 : i32
      %add3A_146 = arith.constant 32 : i32
      %add3A_147 = arith.addi %mul3A_145, %add3A_146 : i32
      %get3A_148 = arith.index_cast %add3A_128 : i32 to index
      %get3A_149 = arith.constant 32 : index
      %get3A_150 = tpu.vector_load %arg4[%get3A_148, %get3A_149] {strides = array<i32>} : memref<320x64xf32, #tpu.memory_space<vmem>>, vector<1x16xf32>,
      %get3A_151 = vector.shape_cast %get3A_150 : vector<1x16xf32> to vector<16xf32>
      %mul3A_152 = arith.constant 64 : i32
      %mul3A_153 = arith.muli %add3A_128, %mul3A_152 : i32
      %add3A_154 = arith.constant 48 : i32
      %add3A_155 = arith.addi %mul3A_153, %add3A_154 : i32
      %get3A_156 = arith.index_cast %add3A_128 : i32 to index
      %get3A_157 = arith.constant 48 : index
      %get3A_158 = tpu.vector_load %arg4[%get3A_156, %get3A_157] {strides = array<i32>} : memref<320x64xf32, #tpu.memory_space<vmem>>, vector<1x16xf32>,
      %get3A_159 = vector.shape_cast %get3A_158 : vector<1x16xf32> to vector<16xf32>
      %add3A_160 = arith.constant 1 : i32
      %add3A_161 = arith.addi %mul3A_126, %add3A_160 : i32
      %mul3A_162 = arith.constant 64 : i32
      %mul3A_163 = arith.muli %add3A_161, %mul3A_162 : i32
      %add3A_164 = arith.constant 0 : i32
      %add3A_165 = arith.addi %mul3A_163, %add3A_164 : i32
      %get3A_166 = arith.index_cast %add3A_161 : i32 to index
      %get3A_167 = arith.constant 0 : index
      %get3A_168 = tpu.vector_load %arg4[%get3A_166, %get3A_167] {strides = array<i32>} : memref<320x64xf32, #tpu.memory_space<vmem>>, vector<1x16xf32>,
      %get3A_169 = vector.shape_cast %get3A_168 : vector<1x16xf32> to vector<16xf32>
      %mul3A_170 = arith.constant 64 : i32
      %mul3A_171 = arith.muli %add3A_161, %mul3A_170 : i32
      %add3A_172 = arith.constant 16 : i32
      %add3A_173 = arith.addi %mul3A_171, %add3A_172 : i32
      %get3A_174 = arith.index_cast %add3A_161 : i32 to index
      %get3A_175 = arith.constant 16 : index
      %get3A_176 = tpu.vector_load %arg4[%get3A_174, %get3A_175] {strides = array<i32>} : memref<320x64xf32, #tpu.memory_space<vmem>>, vector<1x16xf32>,
      %get3A_177 = vector.shape_cast %get3A_176 : vector<1x16xf32> to vector<16xf32>
      %mul3A_178 = arith.constant 64 : i32
      %mul3A_179 = arith.muli %add3A_161, %mul3A_178 : i32
      %add3A_180 = arith.constant 32 : i32
      %add3A_181 = arith.addi %mul3A_179, %add3A_180 : i32
      %get3A_182 = arith.index_cast %add3A_161 : i32 to index
      %get3A_183 = arith.constant 32 : index
      %get3A_184 = tpu.vector_load %arg4[%get3A_182, %get3A_183] {strides = array<i32>} : memref<320x64xf32, #tpu.memory_space<vmem>>, vector<1x16xf32>,
      %get3A_185 = vector.shape_cast %get3A_184 : vector<1x16xf32> to vector<16xf32>
      %mul3A_186 = arith.constant 64 : i32
      %mul3A_187 = arith.muli %add3A_161, %mul3A_186 : i32
      %add3A_188 = arith.constant 48 : i32
      %add3A_189 = arith.addi %mul3A_187, %add3A_188 : i32
      %get3A_190 = arith.index_cast %add3A_161 : i32 to index
      %get3A_191 = arith.constant 48 : index
      %get3A_192 = tpu.vector_load %arg4[%get3A_190, %get3A_191] {strides = array<i32>} : memref<320x64xf32, #tpu.memory_space<vmem>>, vector<1x16xf32>,
      %get3A_193 = vector.shape_cast %get3A_192 : vector<1x16xf32> to vector<16xf32>
      %swap3A = arith.index_cast %add3A_132 : i32 to index
      %swap3A_194 = tpu.vector_load %arg6[%swap3A] {strides = array<i32>} : memref<20480xf32, #tpu.memory_space<vmem>>, vector<16xf32>,
      %swap3A_195 = vector.shape_cast %swap3A_194 : vector<16xf32> to vector<16xf32>
      %swap3A_196 = vector.shape_cast %get3A_135 : vector<16xf32> to vector<16xf32>
      tpu.vector_store %arg6[%swap3A], %swap3A_196 {strides = array<i32>} : memref<20480xf32, #tpu.memory_space<vmem>>, vector<16xf32>,
      %swap3A_197 = arith.index_cast %add3A_139 : i32 to index
      %swap3A_198 = tpu.vector_load %arg6[%swap3A_197] {strides = array<i32>} : memref<20480xf32, #tpu.memory_space<vmem>>, vector<16xf32>,
      %swap3A_199 = vector.shape_cast %swap3A_198 : vector<16xf32> to vector<16xf32>
      %swap3A_200 = vector.shape_cast %get3A_143 : vector<16xf32> to vector<16xf32>
      tpu.vector_store %arg6[%swap3A_197], %swap3A_200 {strides = array<i32>} : memref<20480xf32, #tpu.memory_space<vmem>>, vector<16xf32>,
      %swap3A_201 = arith.index_cast %add3A_147 : i32 to index
      %swap3A_202 = tpu.vector_load %arg6[%swap3A_201] {strides = array<i32>} : memref<20480xf32, #tpu.memory_space<vmem>>, vector<16xf32>,
      %swap3A_203 = vector.shape_cast %swap3A_202 : vector<16xf32> to vector<16xf32>
      %swap3A_204 = vector.shape_cast %get3A_151 : vector<16xf32> to vector<16xf32>
      tpu.vector_store %arg6[%swap3A_201], %swap3A_204 {strides = array<i32>} : memref<20480xf32, #tpu.memory_space<vmem>>, vector<16xf32>,
      %swap3A_205 = arith.index_cast %add3A_155 : i32 to index
      %swap3A_206 = tpu.vector_load %arg6[%swap3A_205] {strides = array<i32>} : memref<20480xf32, #tpu.memory_space<vmem>>, vector<16xf32>,
      %swap3A_207 = vector.shape_cast %swap3A_206 : vector<16xf32> to vector<16xf32>
      %swap3A_208 = vector.shape_cast %get3A_159 : vector<16xf32> to vector<16xf32>
      tpu.vector_store %arg6[%swap3A_205], %swap3A_208 {strides = array<i32>} : memref<20480xf32, #tpu.memory_space<vmem>>, vector<16xf32>,
      %swap3A_209 = arith.index_cast %add3A_165 : i32 to index
      %swap3A_210 = tpu.vector_load %arg6[%swap3A_209] {strides = array<i32>} : memref<20480xf32, #tpu.memory_space<vmem>>, vector<16xf32>,
      %swap3A_211 = vector.shape_cast %swap3A_210 : vector<16xf32> to vector<16xf32>
      %swap3A_212 = vector.shape_cast %get3A_169 : vector<16xf32> to vector<16xf32>
      tpu.vector_store %arg6[%swap3A_209], %swap3A_212 {strides = array<i32>} : memref<20480xf32, #tpu.memory_space<vmem>>, vector<16xf32>,
      %swap3A_213 = arith.index_cast %add3A_173 : i32 to index
      %swap3A_214 = tpu.vector_load %arg6[%swap3A_213] {strides = array<i32>} : memref<20480xf32, #tpu.memory_space<vmem>>, vector<16xf32>,
      %swap3A_215 = vector.shape_cast %swap3A_214 : vector<16xf32> to vector<16xf32>
      %swap3A_216 = vector.shape_cast %get3A_177 : vector<16xf32> to vector<16xf32>
      tpu.vector_store %arg6[%swap3A_213], %swap3A_216 {strides = array<i32>} : memref<20480xf32, #tpu.memory_space<vmem>>, vector<16xf32>,
      %swap3A_217 = arith.index_cast %add3A_181 : i32 to index
      %swap3A_218 = tpu.vector_load %arg6[%swap3A_217] {strides = array<i32>} : memref<20480xf32, #tpu.memory_space<vmem>>, vector<16xf32>,
      %swap3A_219 = vector.shape_cast %swap3A_218 : vector<16xf32> to vector<16xf32>
      %swap3A_220 = vector.shape_cast %get3A_185 : vector<16xf32> to vector<16xf32>
      tpu.vector_store %arg6[%swap3A_217], %swap3A_220 {strides = array<i32>} : memref<20480xf32, #tpu.memory_space<vmem>>, vector<16xf32>,
      %swap3A_221 = arith.index_cast %add3A_189 : i32 to index
      %swap3A_222 = tpu.vector_load %arg6[%swap3A_221] {strides = array<i32>} : memref<20480xf32, #tpu.memory_space<vmem>>, vector<16xf32>,
      %swap3A_223 = vector.shape_cast %swap3A_222 : vector<16xf32> to vector<16xf32>
      %swap3A_224 = vector.shape_cast %get3A_193 : vector<16xf32> to vector<16xf32>
      tpu.vector_store %arg6[%swap3A_221], %swap3A_224 {strides = array<i32>} : memref<20480xf32, #tpu.memory_space<vmem>>, vector<16xf32>,
      %add3A_225 = arith.constant 2 : i32
      %add3A_226 = arith.addi %mul3A_126, %add3A_225 : i32
      %mul3A_227 = arith.constant 64 : i32
      %mul3A_228 = arith.muli %add3A_226, %mul3A_227 : i32
      %add3A_229 = arith.constant 0 : i32
      %add3A_230 = arith.addi %mul3A_228, %add3A_229 : i32
      %get3A_231 = arith.index_cast %add3A_226 : i32 to index
      %get3A_232 = arith.constant 0 : index
      %get3A_233 = tpu.vector_load %arg4[%get3A_231, %get3A_232] {strides = array<i32>} : memref<320x64xf32, #tpu.memory_space<vmem>>, vector<1x16xf32>,
      %get3A_234 = vector.shape_cast %get3A_233 : vector<1x16xf32> to vector<16xf32>
      %mul3A_235 = arith.constant 64 : i32
      %mul3A_236 = arith.muli %add3A_226, %mul3A_235 : i32
      %add3A_237 = arith.constant 16 : i32
      %add3A_238 = arith.addi %mul3A_236, %add3A_237 : i32
      %get3A_239 = arith.index_cast %add3A_226 : i32 to index
      %get3A_240 = arith.constant 16 : index
      %get3A_241 = tpu.vector_load %arg4[%get3A_239, %get3A_240] {strides = array<i32>} : memref<320x64xf32, #tpu.memory_space<vmem>>, vector<1x16xf32>,
      %get3A_242 = vector.shape_cast %get3A_241 : vector<1x16xf32> to vector<16xf32>
      %mul3A_243 = arith.constant 64 : i32
      %mul3A_244 = arith.muli %add3A_226, %mul3A_243 : i32
      %add3A_245 = arith.constant 32 : i32
      %add3A_246 = arith.addi %mul3A_244, %add3A_245 : i32
      %get3A_247 = arith.index_cast %add3A_226 : i32 to index
      %get3A_248 = arith.constant 32 : index
      %get3A_249 = tpu.vector_load %arg4[%get3A_247, %get3A_248] {strides = array<i32>} : memref<320x64xf32, #tpu.memory_space<vmem>>, vector<1x16xf32>,
      %get3A_250 = vector.shape_cast %get3A_249 : vector<1x16xf32> to vector<16xf32>
      %mul3A_251 = arith.constant 64 : i32
      %mul3A_252 = arith.muli %add3A_226, %mul3A_251 : i32
      %add3A_253 = arith.constant 48 : i32
      %add3A_254 = arith.addi %mul3A_252, %add3A_253 : i32
      %get3A_255 = arith.index_cast %add3A_226 : i32 to index
      %get3A_256 = arith.constant 48 : index
      %get3A_257 = tpu.vector_load %arg4[%get3A_255, %get3A_256] {strides = array<i32>} : memref<320x64xf32, #tpu.memory_space<vmem>>, vector<1x16xf32>,
      %get3A_258 = vector.shape_cast %get3A_257 : vector<1x16xf32> to vector<16xf32>
      %add3A_259 = arith.constant 3 : i32
      %add3A_260 = arith.addi %mul3A_126, %add3A_259 : i32
      %mul3A_261 = arith.constant 64 : i32
      %mul3A_262 = arith.muli %add3A_260, %mul3A_261 : i32
      %add3A_263 = arith.constant 0 : i32
      %add3A_264 = arith.addi %mul3A_262, %add3A_263 : i32
      %get3A_265 = arith.index_cast %add3A_260 : i32 to index
      %get3A_266 = arith.constant 0 : index
      %get3A_267 = tpu.vector_load %arg4[%get3A_265, %get3A_266] {strides = array<i32>} : memref<320x64xf32, #tpu.memory_space<vmem>>, vector<1x16xf32>,
      %get3A_268 = vector.shape_cast %get3A_267 : vector<1x16xf32> to vector<16xf32>
      %mul3A_269 = arith.constant 64 : i32
      %mul3A_270 = arith.muli %add3A_260, %mul3A_269 : i32
      %add3A_271 = arith.constant 16 : i32
      %add3A_272 = arith.addi %mul3A_270, %add3A_271 : i32
      %get3A_273 = arith.index_cast %add3A_260 : i32 to index
      %get3A_274 = arith.constant 16 : index
      %get3A_275 = tpu.vector_load %arg4[%get3A_273, %get3A_274] {strides = array<i32>} : memref<320x64xf32, #tpu.memory_space<vmem>>, vector<1x16xf32>,
      %get3A_276 = vector.shape_cast %get3A_275 : vector<1x16xf32> to vector<16xf32>
      %mul3A_277 = arith.constant 64 : i32
      %mul3A_278 = arith.muli %add3A_260, %mul3A_277 : i32
      %add3A_279 = arith.constant 32 : i32
      %add3A_280 = arith.addi %mul3A_278, %add3A_279 : i32
      %get3A_281 = arith.index_cast %add3A_260 : i32 to index
      %get3A_282 = arith.constant 32 : index
      %get3A_283 = tpu.vector_load %arg4[%get3A_281, %get3A_282] {strides = array<i32>} : memref<320x64xf32, #tpu.memory_space<vmem>>, vector<1x16xf32>,
      %get3A_284 = vector.shape_cast %get3A_283 : vector<1x16xf32> to vector<16xf32>
      %mul3A_285 = arith.constant 64 : i32
      %mul3A_286 = arith.muli %add3A_260, %mul3A_285 : i32
      %add3A_287 = arith.constant 48 : i32
      %add3A_288 = arith.addi %mul3A_286, %add3A_287 : i32
      %get3A_289 = arith.index_cast %add3A_260 : i32 to index
      %get3A_290 = arith.constant 48 : index
      %get3A_291 = tpu.vector_load %arg4[%get3A_289, %get3A_290] {strides = array<i32>} : memref<320x64xf32, #tpu.memory_space<vmem>>, vector<1x16xf32>,
      %get3A_292 = vector.shape_cast %get3A_291 : vector<1x16xf32> to vector<16xf32>
      %swap3A_293 = arith.index_cast %add3A_230 : i32 to index
      %swap3A_294 = tpu.vector_load %arg6[%swap3A_293] {strides = array<i32>} : memref<20480xf32, #tpu.memory_space<vmem>>, vector<16xf32>,
      %swap3A_295 = vector.shape_cast %swap3A_294 : vector<16xf32> to vector<16xf32>
      %swap3A_296 = vector.shape_cast %get3A_234 : vector<16xf32> to vector<16xf32>
      tpu.vector_store %arg6[%swap3A_293], %swap3A_296 {strides = array<i32>} : memref<20480xf32, #tpu.memory_space<vmem>>, vector<16xf32>,
      %swap3A_297 = arith.index_cast %add3A_238 : i32 to index
      %swap3A_298 = tpu.vector_load %arg6[%swap3A_297] {strides = array<i32>} : memref<20480xf32, #tpu.memory_space<vmem>>, vector<16xf32>,
      %swap3A_299 = vector.shape_cast %swap3A_298 : vector<16xf32> to vector<16xf32>
      %swap3A_300 = vector.shape_cast %get3A_242 : vector<16xf32> to vector<16xf32>
      tpu.vector_store %arg6[%swap3A_297], %swap3A_300 {strides = array<i32>} : memref<20480xf32, #tpu.memory_space<vmem>>, vector<16xf32>,
      %swap3A_301 = arith.index_cast %add3A_246 : i32 to index
      %swap3A_302 = tpu.vector_load %arg6[%swap3A_301] {strides = array<i32>} : memref<20480xf32, #tpu.memory_space<vmem>>, vector<16xf32>,
      %swap3A_303 = vector.shape_cast %swap3A_302 : vector<16xf32> to vector<16xf32>
      %swap3A_304 = vector.shape_cast %get3A_250 : vector<16xf32> to vector<16xf32>
      tpu.vector_store %arg6[%swap3A_301], %swap3A_304 {strides = array<i32>} : memref<20480xf32, #tpu.memory_space<vmem>>, vector<16xf32>,
      %swap3A_305 = arith.index_cast %add3A_254 : i32 to index
      %swap3A_306 = tpu.vector_load %arg6[%swap3A_305] {strides = array<i32>} : memref<20480xf32, #tpu.memory_space<vmem>>, vector<16xf32>,
      %swap3A_307 = vector.shape_cast %swap3A_306 : vector<16xf32> to vector<16xf32>
      %swap3A_308 = vector.shape_cast %get3A_258 : vector<16xf32> to vector<16xf32>
      tpu.vector_store %arg6[%swap3A_305], %swap3A_308 {strides = array<i32>} : memref<20480xf32, #tpu.memory_space<vmem>>, vector<16xf32>,
      %swap3A_309 = arith.index_cast %add3A_264 : i32 to index
      %swap3A_310 = tpu.vector_load %arg6[%swap3A_309] {strides = array<i32>} : memref<20480xf32, #tpu.memory_space<vmem>>, vector<16xf32>,
      %swap3A_311 = vector.shape_cast %swap3A_310 : vector<16xf32> to vector<16xf32>
      %swap3A_312 = vector.shape_cast %get3A_268 : vector<16xf32> to vector<16xf32>
      tpu.vector_store %arg6[%swap3A_309], %swap3A_312 {strides = array<i32>} : memref<20480xf32, #tpu.memory_space<vmem>>, vector<16xf32>,
      %swap3A_313 = arith.index_cast %add3A_272 : i32 to index
      %swap3A_314 = tpu.vector_load %arg6[%swap3A_313] {strides = array<i32>} : memref<20480xf32, #tpu.memory_space<vmem>>, vector<16xf32>,
      %swap3A_315 = vector.shape_cast %swap3A_314 : vector<16xf32> to vector<16xf32>
      %swap3A_316 = vector.shape_cast %get3A_276 : vector<16xf32> to vector<16xf32>
      tpu.vector_store %arg6[%swap3A_313], %swap3A_316 {strides = array<i32>} : memref<20480xf32, #tpu.memory_space<vmem>>, vector<16xf32>,
      %swap3A_317 = arith.index_cast %add3A_280 : i32 to index
      %swap3A_318 = tpu.vector_load %arg6[%swap3A_317] {strides = array<i32>} : memref<20480xf32, #tpu.memory_space<vmem>>, vector<16xf32>,
      %swap3A_319 = vector.shape_cast %swap3A_318 : vector<16xf32> to vector<16xf32>
      %swap3A_320 = vector.shape_cast %get3A_284 : vector<16xf32> to vector<16xf32>
      tpu.vector_store %arg6[%swap3A_317], %swap3A_320 {strides = array<i32>} : memref<20480xf32, #tpu.memory_space<vmem>>, vector<16xf32>,
      %swap3A_321 = arith.index_cast %add3A_288 : i32 to index
      %swap3A_322 = tpu.vector_load %arg6[%swap3A_321] {strides = array<i32>} : memref<20480xf32, #tpu.memory_space<vmem>>, vector<16xf32>,
      %swap3A_323 = vector.shape_cast %swap3A_322 : vector<16xf32> to vector<16xf32>
      %swap3A_324 = vector.shape_cast %get3A_292 : vector<16xf32> to vector<16xf32>
      tpu.vector_store %arg6[%swap3A_321], %swap3A_324 {strides = array<i32>} : memref<20480xf32, #tpu.memory_space<vmem>>, vector<16xf32>,
      %add3A_325 = arith.constant 4 : i32
      %add3A_326 = arith.addi %mul3A_126, %add3A_325 : i32
      %mul3A_327 = arith.constant 64 : i32
      %mul3A_328 = arith.muli %add3A_326, %mul3A_327 : i32
      %add3A_329 = arith.constant 0 : i32
      %add3A_330 = arith.addi %mul3A_328, %add3A_329 : i32
      %get3A_331 = arith.index_cast %add3A_326 : i32 to index
      %get3A_332 = arith.constant 0 : index
      %get3A_333 = tpu.vector_load %arg4[%get3A_331, %get3A_332] {strides = array<i32>} : memref<320x64xf32, #tpu.memory_space<vmem>>, vector<1x16xf32>,
      %get3A_334 = vector.shape_cast %get3A_333 : vector<1x16xf32> to vector<16xf32>
      %mul3A_335 = arith.constant 64 : i32
      %mul3A_336 = arith.muli %add3A_326, %mul3A_335 : i32
      %add3A_337 = arith.constant 16 : i32
      %add3A_338 = arith.addi %mul3A_336, %add3A_337 : i32
      %get3A_339 = arith.index_cast %add3A_326 : i32 to index
      %get3A_340 = arith.constant 16 : index
      %get3A_341 = tpu.vector_load %arg4[%get3A_339, %get3A_340] {strides = array<i32>} : memref<320x64xf32, #tpu.memory_space<vmem>>, vector<1x16xf32>,
      %get3A_342 = vector.shape_cast %get3A_341 : vector<1x16xf32> to vector<16xf32>
      %mul3A_343 = arith.constant 64 : i32
      %mul3A_344 = arith.muli %add3A_326, %mul3A_343 : i32
      %add3A_345 = arith.constant 32 : i32
      %add3A_346 = arith.addi %mul3A_344, %add3A_345 : i32
      %get3A_347 = arith.index_cast %add3A_326 : i32 to index
      %get3A_348 = arith.constant 32 : index
      %get3A_349 = tpu.vector_load %arg4[%get3A_347, %get3A_348] {strides = array<i32>} : memref<320x64xf32, #tpu.memory_space<vmem>>, vector<1x16xf32>,
      %get3A_350 = vector.shape_cast %get3A_349 : vector<1x16xf32> to vector<16xf32>
      %mul3A_351 = arith.constant 64 : i32
      %mul3A_352 = arith.muli %add3A_326, %mul3A_351 : i32
      %add3A_353 = arith.constant 48 : i32
      %add3A_354 = arith.addi %mul3A_352, %add3A_353 : i32
      %get3A_355 = arith.index_cast %add3A_326 : i32 to index
      %get3A_356 = arith.constant 48 : index
      %get3A_357 = tpu.vector_load %arg4[%get3A_355, %get3A_356] {strides = array<i32>} : memref<320x64xf32, #tpu.memory_space<vmem>>, vector<1x16xf32>,
      %get3A_358 = vector.shape_cast %get3A_357 : vector<1x16xf32> to vector<16xf32>
      %add3A_359 = arith.constant 5 : i32
      %add3A_360 = arith.addi %mul3A_126, %add3A_359 : i32
      %mul3A_361 = arith.constant 64 : i32
      %mul3A_362 = arith.muli %add3A_360, %mul3A_361 : i32
      %add3A_363 = arith.constant 0 : i32
      %add3A_364 = arith.addi %mul3A_362, %add3A_363 : i32
      %get3A_365 = arith.index_cast %add3A_360 : i32 to index
      %get3A_366 = arith.constant 0 : index
      %get3A_367 = tpu.vector_load %arg4[%get3A_365, %get3A_366] {strides = array<i32>} : memref<320x64xf32, #tpu.memory_space<vmem>>, vector<1x16xf32>,
      %get3A_368 = vector.shape_cast %get3A_367 : vector<1x16xf32> to vector<16xf32>
      %mul3A_369 = arith.constant 64 : i32
      %mul3A_370 = arith.muli %add3A_360, %mul3A_369 : i32
      %add3A_371 = arith.constant 16 : i32
      %add3A_372 = arith.addi %mul3A_370, %add3A_371 : i32
      %get3A_373 = arith.index_cast %add3A_360 : i32 to index
      %get3A_374 = arith.constant 16 : index
      %get3A_375 = tpu.vector_load %arg4[%get3A_373, %get3A_374] {strides = array<i32>} : memref<320x64xf32, #tpu.memory_space<vmem>>, vector<1x16xf32>,
      %get3A_376 = vector.shape_cast %get3A_375 : vector<1x16xf32> to vector<16xf32>
      %mul3A_377 = arith.constant 64 : i32
      %mul3A_378 = arith.muli %add3A_360, %mul3A_377 : i32
      %add3A_379 = arith.constant 32 : i32
      %add3A_380 = arith.addi %mul3A_378, %add3A_379 : i32
      %get3A_381 = arith.index_cast %add3A_360 : i32 to index
      %get3A_382 = arith.constant 32 : index
      %get3A_383 = tpu.vector_load %arg4[%get3A_381, %get3A_382] {strides = array<i32>} : memref<320x64xf32, #tpu.memory_space<vmem>>, vector<1x16xf32>,
      %get3A_384 = vector.shape_cast %get3A_383 : vector<1x16xf32> to vector<16xf32>
      %mul3A_385 = arith.constant 64 : i32
      %mul3A_386 = arith.muli %add3A_360, %mul3A_385 : i32
      %add3A_387 = arith.constant 48 : i32
      %add3A_388 = arith.addi %mul3A_386, %add3A_387 : i32
      %get3A_389 = arith.index_cast %add3A_360 : i32 to index
      %get3A_390 = arith.constant 48 : index
      %get3A_391 = tpu.vector_load %arg4[%get3A_389, %get3A_390] {strides = array<i32>} : memref<320x64xf32, #tpu.memory_space<vmem>>, vector<1x16xf32>,
      %get3A_392 = vector.shape_cast %get3A_391 : vector<1x16xf32> to vector<16xf32>
      %swap3A_393 = arith.index_cast %add3A_330 : i32 to index
      %swap3A_394 = tpu.vector_load %arg6[%swap3A_393] {strides = array<i32>} : memref<20480xf32, #tpu.memory_space<vmem>>, vector<16xf32>,
      %swap3A_395 = vector.shape_cast %swap3A_394 : vector<16xf32> to vector<16xf32>
      %swap3A_396 = vector.shape_cast %get3A_334 : vector<16xf32> to vector<16xf32>
      tpu.vector_store %arg6[%swap3A_393], %swap3A_396 {strides = array<i32>} : memref<20480xf32, #tpu.memory_space<vmem>>, vector<16xf32>,
      %swap3A_397 = arith.index_cast %add3A_338 : i32 to index
      %swap3A_398 = tpu.vector_load %arg6[%swap3A_397] {strides = array<i32>} : memref<20480xf32, #tpu.memory_space<vmem>>, vector<16xf32>,
      %swap3A_399 = vector.shape_cast %swap3A_398 : vector<16xf32> to vector<16xf32>
      %swap3A_400 = vector.shape_cast %get3A_342 : vector<16xf32> to vector<16xf32>
      tpu.vector_store %arg6[%swap3A_397], %swap3A_400 {strides = array<i32>} : memref<20480xf32, #tpu.memory_space<vmem>>, vector<16xf32>,
      %swap3A_401 = arith.index_cast %add3A_346 : i32 to index
      %swap3A_402 = tpu.vector_load %arg6[%swap3A_401] {strides = array<i32>} : memref<20480xf32, #tpu.memory_space<vmem>>, vector<16xf32>,
      %swap3A_403 = vector.shape_cast %swap3A_402 : vector<16xf32> to vector<16xf32>
      %swap3A_404 = vector.shape_cast %get3A_350 : vector<16xf32> to vector<16xf32>
      tpu.vector_store %arg6[%swap3A_401], %swap3A_404 {strides = array<i32>} : memref<20480xf32, #tpu.memory_space<vmem>>, vector<16xf32>,
      %swap3A_405 = arith.index_cast %add3A_354 : i32 to index
      %swap3A_406 = tpu.vector_load %arg6[%swap3A_405] {strides = array<i32>} : memref<20480xf32, #tpu.memory_space<vmem>>, vector<16xf32>,
      %swap3A_407 = vector.shape_cast %swap3A_406 : vector<16xf32> to vector<16xf32>
      %swap3A_408 = vector.shape_cast %get3A_358 : vector<16xf32> to vector<16xf32>
      tpu.vector_store %arg6[%swap3A_405], %swap3A_408 {strides = array<i32>} : memref<20480xf32, #tpu.memory_space<vmem>>, vector<16xf32>,
      %swap3A_409 = arith.index_cast %add3A_364 : i32 to index
      %swap3A_410 = tpu.vector_load %arg6[%swap3A_409] {strides = array<i32>} : memref<20480xf32, #tpu.memory_space<vmem>>, vector<16xf32>,
      %swap3A_411 = vector.shape_cast %swap3A_410 : vector<16xf32> to vector<16xf32>
      %swap3A_412 = vector.shape_cast %get3A_368 : vector<16xf32> to vector<16xf32>
      tpu.vector_store %arg6[%swap3A_409], %swap3A_412 {strides = array<i32>} : memref<20480xf32, #tpu.memory_space<vmem>>, vector<16xf32>,
      %swap3A_413 = arith.index_cast %add3A_372 : i32 to index
      %swap3A_414 = tpu.vector_load %arg6[%swap3A_413] {strides = array<i32>} : memref<20480xf32, #tpu.memory_space<vmem>>, vector<16xf32>,
      %swap3A_415 = vector.shape_cast %swap3A_414 : vector<16xf32> to vector<16xf32>
      %swap3A_416 = vector.shape_cast %get3A_376 : vector<16xf32> to vector<16xf32>
      tpu.vector_store %arg6[%swap3A_413], %swap3A_416 {strides = array<i32>} : memref<20480xf32, #tpu.memory_space<vmem>>, vector<16xf32>,
      %swap3A_417 = arith.index_cast %add3A_380 : i32 to index
      %swap3A_418 = tpu.vector_load %arg6[%swap3A_417] {strides = array<i32>} : memref<20480xf32, #tpu.memory_space<vmem>>, vector<16xf32>,
      %swap3A_419 = vector.shape_cast %swap3A_418 : vector<16xf32> to vector<16xf32>
      %swap3A_420 = vector.shape_cast %get3A_384 : vector<16xf32> to vector<16xf32>
      tpu.vector_store %arg6[%swap3A_417], %swap3A_420 {strides = array<i32>} : memref<20480xf32, #tpu.memory_space<vmem>>, vector<16xf32>,
      %swap3A_421 = arith.index_cast %add3A_388 : i32 to index
      %swap3A_422 = tpu.vector_load %arg6[%swap3A_421] {strides = array<i32>} : memref<20480xf32, #tpu.memory_space<vmem>>, vector<16xf32>,
      %swap3A_423 = vector.shape_cast %swap3A_422 : vector<16xf32> to vector<16xf32>
      %swap3A_424 = vector.shape_cast %get3A_392 : vector<16xf32> to vector<16xf32>
      tpu.vector_store %arg6[%swap3A_421], %swap3A_424 {strides = array<i32>} : memref<20480xf32, #tpu.memory_space<vmem>>, vector<16xf32>,
      %add3A_425 = arith.constant 6 : i32
      %add3A_426 = arith.addi %mul3A_126, %add3A_425 : i32
      %mul3A_427 = arith.constant 64 : i32
      %mul3A_428 = arith.muli %add3A_426, %mul3A_427 : i32
      %add3A_429 = arith.constant 0 : i32
      %add3A_430 = arith.addi %mul3A_428, %add3A_429 : i32
      %get3A_431 = arith.index_cast %add3A_426 : i32 to index
      %get3A_432 = arith.constant 0 : index
      %get3A_433 = tpu.vector_load %arg4[%get3A_431, %get3A_432] {strides = array<i32>} : memref<320x64xf32, #tpu.memory_space<vmem>>, vector<1x16xf32>,
      %get3A_434 = vector.shape_cast %get3A_433 : vector<1x16xf32> to vector<16xf32>
      %mul3A_435 = arith.constant 64 : i32
      %mul3A_436 = arith.muli %add3A_426, %mul3A_435 : i32
      %add3A_437 = arith.constant 16 : i32
      %add3A_438 = arith.addi %mul3A_436, %add3A_437 : i32
      %get3A_439 = arith.index_cast %add3A_426 : i32 to index
      %get3A_440 = arith.constant 16 : index
      %get3A_441 = tpu.vector_load %arg4[%get3A_439, %get3A_440] {strides = array<i32>} : memref<320x64xf32, #tpu.memory_space<vmem>>, vector<1x16xf32>,
      %get3A_442 = vector.shape_cast %get3A_441 : vector<1x16xf32> to vector<16xf32>
      %mul3A_443 = arith.constant 64 : i32
      %mul3A_444 = arith.muli %add3A_426, %mul3A_443 : i32
      %add3A_445 = arith.constant 32 : i32
      %add3A_446 = arith.addi %mul3A_444, %add3A_445 : i32
      %get3A_447 = arith.index_cast %add3A_426 : i32 to index
      %get3A_448 = arith.constant 32 : index
      %get3A_449 = tpu.vector_load %arg4[%get3A_447, %get3A_448] {strides = array<i32>} : memref<320x64xf32, #tpu.memory_space<vmem>>, vector<1x16xf32>,
      %get3A_450 = vector.shape_cast %get3A_449 : vector<1x16xf32> to vector<16xf32>
      %mul3A_451 = arith.constant 64 : i32
      %mul3A_452 = arith.muli %add3A_426, %mul3A_451 : i32
      %add3A_453 = arith.constant 48 : i32
      %add3A_454 = arith.addi %mul3A_452, %add3A_453 : i32
      %get3A_455 = arith.index_cast %add3A_426 : i32 to index
      %get3A_456 = arith.constant 48 : index
      %get3A_457 = tpu.vector_load %arg4[%get3A_455, %get3A_456] {strides = array<i32>} : memref<320x64xf32, #tpu.memory_space<vmem>>, vector<1x16xf32>,
      %get3A_458 = vector.shape_cast %get3A_457 : vector<1x16xf32> to vector<16xf32>
      %add3A_459 = arith.constant 7 : i32
      %add3A_460 = arith.addi %mul3A_126, %add3A_459 : i32
      %mul3A_461 = arith.constant 64 : i32
      %mul3A_462 = arith.muli %add3A_460, %mul3A_461 : i32
      %add3A_463 = arith.constant 0 : i32
      %add3A_464 = arith.addi %mul3A_462, %add3A_463 : i32
      %get3A_465 = arith.index_cast %add3A_460 : i32 to index
      %get3A_466 = arith.constant 0 : index
      %get3A_467 = tpu.vector_load %arg4[%get3A_465, %get3A_466] {strides = array<i32>} : memref<320x64xf32, #tpu.memory_space<vmem>>, vector<1x16xf32>,
      %get3A_468 = vector.shape_cast %get3A_467 : vector<1x16xf32> to vector<16xf32>
      %mul3A_469 = arith.constant 64 : i32
      %mul3A_470 = arith.muli %add3A_460, %mul3A_469 : i32
      %add3A_471 = arith.constant 16 : i32
      %add3A_472 = arith.addi %mul3A_470, %add3A_471 : i32
      %get3A_473 = arith.index_cast %add3A_460 : i32 to index
      %get3A_474 = arith.constant 16 : index
      %get3A_475 = tpu.vector_load %arg4[%get3A_473, %get3A_474] {strides = array<i32>} : memref<320x64xf32, #tpu.memory_space<vmem>>, vector<1x16xf32>,
      %get3A_476 = vector.shape_cast %get3A_475 : vector<1x16xf32> to vector<16xf32>
      %mul3A_477 = arith.constant 64 : i32
      %mul3A_478 = arith.muli %add3A_460, %mul3A_477 : i32
      %add3A_479 = arith.constant 32 : i32
      %add3A_480 = arith.addi %mul3A_478, %add3A_479 : i32
      %get3A_481 = arith.index_cast %add3A_460 : i32 to index
      %get3A_482 = arith.constant 32 : index
      %get3A_483 = tpu.vector_load %arg4[%get3A_481, %get3A_482] {strides = array<i32>} : memref<320x64xf32, #tpu.memory_space<vmem>>, vector<1x16xf32>,
      %get3A_484 = vector.shape_cast %get3A_483 : vector<1x16xf32> to vector<16xf32>
      %mul3A_485 = arith.constant 64 : i32
      %mul3A_486 = arith.muli %add3A_460, %mul3A_485 : i32
      %add3A_487 = arith.constant 48 : i32
      %add3A_488 = arith.addi %mul3A_486, %add3A_487 : i32
      %get3A_489 = arith.index_cast %add3A_460 : i32 to index
      %get3A_490 = arith.constant 48 : index
      %get3A_491 = tpu.vector_load %arg4[%get3A_489, %get3A_490] {strides = array<i32>} : memref<320x64xf32, #tpu.memory_space<vmem>>, vector<1x16xf32>,
      %get3A_492 = vector.shape_cast %get3A_491 : vector<1x16xf32> to vector<16xf32>
      %swap3A_493 = arith.index_cast %add3A_430 : i32 to index
      %swap3A_494 = tpu.vector_load %arg6[%swap3A_493] {strides = array<i32>} : memref<20480xf32, #tpu.memory_space<vmem>>, vector<16xf32>,
      %swap3A_495 = vector.shape_cast %swap3A_494 : vector<16xf32> to vector<16xf32>
      %swap3A_496 = vector.shape_cast %get3A_434 : vector<16xf32> to vector<16xf32>
      tpu.vector_store %arg6[%swap3A_493], %swap3A_496 {strides = array<i32>} : memref<20480xf32, #tpu.memory_space<vmem>>, vector<16xf32>,
      %swap3A_497 = arith.index_cast %add3A_438 : i32 to index
      %swap3A_498 = tpu.vector_load %arg6[%swap3A_497] {strides = array<i32>} : memref<20480xf32, #tpu.memory_space<vmem>>, vector<16xf32>,
      %swap3A_499 = vector.shape_cast %swap3A_498 : vector<16xf32> to vector<16xf32>
      %swap3A_500 = vector.shape_cast %get3A_442 : vector<16xf32> to vector<16xf32>
      tpu.vector_store %arg6[%swap3A_497], %swap3A_500 {strides = array<i32>} : memref<20480xf32, #tpu.memory_space<vmem>>, vector<16xf32>,
      %swap3A_501 = arith.index_cast %add3A_446 : i32 to index
      %swap3A_502 = tpu.vector_load %arg6[%swap3A_501] {strides = array<i32>} : memref<20480xf32, #tpu.memory_space<vmem>>, vector<16xf32>,
      %swap3A_503 = vector.shape_cast %swap3A_502 : vector<16xf32> to vector<16xf32>
      %swap3A_504 = vector.shape_cast %get3A_450 : vector<16xf32> to vector<16xf32>
      tpu.vector_store %arg6[%swap3A_501], %swap3A_504 {strides = array<i32>} : memref<20480xf32, #tpu.memory_space<vmem>>, vector<16xf32>,
      %swap3A_505 = arith.index_cast %add3A_454 : i32 to index
      %swap3A_506 = tpu.vector_load %arg6[%swap3A_505] {strides = array<i32>} : memref<20480xf32, #tpu.memory_space<vmem>>, vector<16xf32>,
      %swap3A_507 = vector.shape_cast %swap3A_506 : vector<16xf32> to vector<16xf32>
      %swap3A_508 = vector.shape_cast %get3A_458 : vector<16xf32> to vector<16xf32>
      tpu.vector_store %arg6[%swap3A_505], %swap3A_508 {strides = array<i32>} : memref<20480xf32, #tpu.memory_space<vmem>>, vector<16xf32>,
      %swap3A_509 = arith.index_cast %add3A_464 : i32 to index
      %swap3A_510 = tpu.vector_load %arg6[%swap3A_509] {strides = array<i32>} : memref<20480xf32, #tpu.memory_space<vmem>>, vector<16xf32>,
      %swap3A_511 = vector.shape_cast %swap3A_510 : vector<16xf32> to vector<16xf32>
      %swap3A_512 = vector.shape_cast %get3A_468 : vector<16xf32> to vector<16xf32>
      tpu.vector_store %arg6[%swap3A_509], %swap3A_512 {strides = array<i32>} : memref<20480xf32, #tpu.memory_space<vmem>>, vector<16xf32>,
      %swap3A_513 = arith.index_cast %add3A_472 : i32 to index
      %swap3A_514 = tpu.vector_load %arg6[%swap3A_513] {strides = array<i32>} : memref<20480xf32, #tpu.memory_space<vmem>>, vector<16xf32>,
      %swap3A_515 = vector.shape_cast %swap3A_514 : vector<16xf32> to vector<16xf32>
      %swap3A_516 = vector.shape_cast %get3A_476 : vector<16xf32> to vector<16xf32>
      tpu.vector_store %arg6[%swap3A_513], %swap3A_516 {strides = array<i32>} : memref<20480xf32, #tpu.memory_space<vmem>>, vector<16xf32>,
      %swap3A_517 = arith.index_cast %add3A_480 : i32 to index
      %swap3A_518 = tpu.vector_load %arg6[%swap3A_517] {strides = array<i32>} : memref<20480xf32, #tpu.memory_space<vmem>>, vector<16xf32>,
      %swap3A_519 = vector.shape_cast %swap3A_518 : vector<16xf32> to vector<16xf32>
      %swap3A_520 = vector.shape_cast %get3A_484 : vector<16xf32> to vector<16xf32>
      tpu.vector_store %arg6[%swap3A_517], %swap3A_520 {strides = array<i32>} : memref<20480xf32, #tpu.memory_space<vmem>>, vector<16xf32>,
      %swap3A_521 = arith.index_cast %add3A_488 : i32 to index
      %swap3A_522 = tpu.vector_load %arg6[%swap3A_521] {strides = array<i32>} : memref<20480xf32, #tpu.memory_space<vmem>>, vector<16xf32>,
      %swap3A_523 = vector.shape_cast %swap3A_522 : vector<16xf32> to vector<16xf32>
      %swap3A_524 = vector.shape_cast %get3A_492 : vector<16xf32> to vector<16xf32>
      tpu.vector_store %arg6[%swap3A_521], %swap3A_524 {strides = array<i32>} : memref<20480xf32, #tpu.memory_space<vmem>>, vector<16xf32>,
    }
    %scan3A_34 = arith.constant 40 : i32
    %add3A_35 = arith.constant 0 : i32
    %add3A_36 = arith.addi %add3A, %add3A_35 : i32
    %min3A_37 = arith.constant 3124 : i32
    %min3A_38 = arith.minsi %add3A_36, %min3A_37 : i32
    %mul3A_39 = arith.constant 320 : i32
    %mul3A_40 = arith.muli %min3A_38, %mul3A_39 : i32
    %multiple_of3A_41 = tpu.assume_multiple %mul3A_40, 8 : i32
    %mul3A_42 = arith.constant 64 : i32
    %mul3A_43 = arith.muli %multiple_of3A_41, %mul3A_42 : i32
    %dma_start3A_44 = tpu.memref_slice %arg3[%mul3A_43] : memref<64000000xf32, #tpu.memory_space<hbm>> -> memref<20480xf32, #tpu.memory_space<hbm>>
    %dma_start3A_45 = tpu.memref_slice %arg3[%mul3A_43] : memref<64000000xf32, #tpu.memory_space<hbm>> -> memref<20480xf32, #tpu.memory_space<hbm>>
    tpu.enqueue_dma source(%arg6 : memref<20480xf32, #tpu.memory_space<vmem>>) target(%dma_start3A_45 : memref<20480xf32, #tpu.memory_space<hbm>>) target_semaphore(%arg10 : memref<!tpu.dma_semaphore, #tpu.memory_space<semaphore_mem>>)
    %add3A_46 = arith.constant 32 : i32
    %add3A_47 = arith.addi %add3A, %add3A_46 : i32
    %min3A_48 = arith.constant 3124 : i32
    %min3A_49 = arith.minsi %add3A_47, %min3A_48 : i32
    %mul3A_50 = arith.constant 320 : i32
    %mul3A_51 = arith.muli %min3A_49, %mul3A_50 : i32
    %multiple_of3A_52 = tpu.assume_multiple %mul3A_51, 8 : i32
    %dma_wait3A_53 = arith.constant 0 : i32
    %dma_wait3A_54 = tpu.memref_slice %arg2[%multiple_of3A_52, %dma_wait3A_53] : memref<1000000x64xf32, #tpu.memory_space<hbm>> -> memref<320x64xf32, #tpu.memory_space<hbm>>
    %dma_wait3A_55 = arith.constant 0 : i32
    %dma_wait3A_56 = tpu.memref_slice %arg2[%multiple_of3A_52, %dma_wait3A_55] : memref<1000000x64xf32, #tpu.memory_space<hbm>> -> memref<320x64xf32, #tpu.memory_space<hbm>>
    tpu.wait_dma2 semaphore(%arg9 : memref<!tpu.dma_semaphore, #tpu.memory_space<semaphore_mem>>) src(%dma_wait3A_56 : memref<320x64xf32, #tpu.memory_space<hbm>>) dst(%arg5 : memref<320x64xf32, #tpu.memory_space<vmem>>)
    %add3A_57 = arith.constant 64 : i32
    %add3A_58 = arith.addi %add3A, %add3A_57 : i32
    %min3A_59 = arith.constant 3124 : i32
    %min3A_60 = arith.minsi %add3A_58, %min3A_59 : i32
    %mul3A_61 = arith.constant 320 : i32
    %mul3A_62 = arith.muli %min3A_60, %mul3A_61 : i32
    %multiple_of3A_63 = tpu.assume_multiple %mul3A_62, 8 : i32
    %dma_start3A_64 = arith.constant 0 : i32
    %dma_start3A_65 = tpu.memref_slice %arg2[%multiple_of3A_63, %dma_start3A_64] : memref<1000000x64xf32, #tpu.memory_space<hbm>> -> memref<320x64xf32, #tpu.memory_space<hbm>>
    %dma_start3A_66 = arith.constant 0 : i32
    %dma_start3A_67 = tpu.memref_slice %arg2[%multiple_of3A_63, %dma_start3A_66] : memref<1000000x64xf32, #tpu.memory_space<hbm>> -> memref<320x64xf32, #tpu.memory_space<hbm>>
    tpu.enqueue_dma source(%dma_start3A_67 : memref<320x64xf32, #tpu.memory_space<hbm>>) target(%arg4 : memref<320x64xf32, #tpu.memory_space<vmem>>) target_semaphore(%arg8 : memref<!tpu.dma_semaphore, #tpu.memory_space<semaphore_mem>>)
    %scan3A_68 = arith.constant 0 : i32
    %scan3A_69 = arith.constant 0 : i32
    %scan3A_70 = arith.constant 40 : i32
    %scan3A_71 = arith.addi %scan3A_69, %scan3A_70 : i32
    %scan3A_72 = arith.constant 1 : i32
    scf.for %scan3A_124 = %scan3A_69 to %scan3A_71 step %scan3A_72  : i32 {
      %mul3A_125 = arith.constant 8 : i32
      %mul3A_126 = arith.muli %scan3A_124, %mul3A_125 : i32
      %add3A_127 = arith.constant 0 : i32
      %add3A_128 = arith.addi %mul3A_126, %add3A_127 : i32
      %mul3A_129 = arith.constant 64 : i32
      %mul3A_130 = arith.muli %add3A_128, %mul3A_129 : i32
      %add3A_131 = arith.constant 0 : i32
      %add3A_132 = arith.addi %mul3A_130, %add3A_131 : i32
      %get3A = arith.index_cast %add3A_128 : i32 to index
      %get3A_133 = arith.constant 0 : index
      %get3A_134 = tpu.vector_load %arg5[%get3A, %get3A_133] {strides = array<i32>} : memref<320x64xf32, #tpu.memory_space<vmem>>, vector<1x16xf32>,
      %get3A_135 = vector.shape_cast %get3A_134 : vector<1x16xf32> to vector<16xf32>
      %mul3A_136 = arith.constant 64 : i32
      %mul3A_137 = arith.muli %add3A_128, %mul3A_136 : i32
      %add3A_138 = arith.constant 16 : i32
      %add3A_139 = arith.addi %mul3A_137, %add3A_138 : i32
      %get3A_140 = arith.index_cast %add3A_128 : i32 to index
      %get3A_141 = arith.constant 16 : index
      %get3A_142 = tpu.vector_load %arg5[%get3A_140, %get3A_141] {strides = array<i32>} : memref<320x64xf32, #tpu.memory_space<vmem>>, vector<1x16xf32>,
      %get3A_143 = vector.shape_cast %get3A_142 : vector<1x16xf32> to vector<16xf32>
      %mul3A_144 = arith.constant 64 : i32
      %mul3A_145 = arith.muli %add3A_128, %mul3A_144 : i32
      %add3A_146 = arith.constant 32 : i32
      %add3A_147 = arith.addi %mul3A_145, %add3A_146 : i32
      %get3A_148 = arith.index_cast %add3A_128 : i32 to index
      %get3A_149 = arith.constant 32 : index
      %get3A_150 = tpu.vector_load %arg5[%get3A_148, %get3A_149] {strides = array<i32>} : memref<320x64xf32, #tpu.memory_space<vmem>>, vector<1x16xf32>,
      %get3A_151 = vector.shape_cast %get3A_150 : vector<1x16xf32> to vector<16xf32>
      %mul3A_152 = arith.constant 64 : i32
      %mul3A_153 = arith.muli %add3A_128, %mul3A_152 : i32
      %add3A_154 = arith.constant 48 : i32
      %add3A_155 = arith.addi %mul3A_153, %add3A_154 : i32
      %get3A_156 = arith.index_cast %add3A_128 : i32 to index
      %get3A_157 = arith.constant 48 : index
      %get3A_158 = tpu.vector_load %arg5[%get3A_156, %get3A_157] {strides = array<i32>} : memref<320x64xf32, #tpu.memory_space<vmem>>, vector<1x16xf32>,
      %get3A_159 = vector.shape_cast %get3A_158 : vector<1x16xf32> to vector<16xf32>
      %add3A_160 = arith.constant 1 : i32
      %add3A_161 = arith.addi %mul3A_126, %add3A_160 : i32
      %mul3A_162 = arith.constant 64 : i32
      %mul3A_163 = arith.muli %add3A_161, %mul3A_162 : i32
      %add3A_164 = arith.constant 0 : i32
      %add3A_165 = arith.addi %mul3A_163, %add3A_164 : i32
      %get3A_166 = arith.index_cast %add3A_161 : i32 to index
      %get3A_167 = arith.constant 0 : index
      %get3A_168 = tpu.vector_load %arg5[%get3A_166, %get3A_167] {strides = array<i32>} : memref<320x64xf32, #tpu.memory_space<vmem>>, vector<1x16xf32>,
      %get3A_169 = vector.shape_cast %get3A_168 : vector<1x16xf32> to vector<16xf32>
      %mul3A_170 = arith.constant 64 : i32
      %mul3A_171 = arith.muli %add3A_161, %mul3A_170 : i32
      %add3A_172 = arith.constant 16 : i32
      %add3A_173 = arith.addi %mul3A_171, %add3A_172 : i32
      %get3A_174 = arith.index_cast %add3A_161 : i32 to index
      %get3A_175 = arith.constant 16 : index
      %get3A_176 = tpu.vector_load %arg5[%get3A_174, %get3A_175] {strides = array<i32>} : memref<320x64xf32, #tpu.memory_space<vmem>>, vector<1x16xf32>,
      %get3A_177 = vector.shape_cast %get3A_176 : vector<1x16xf32> to vector<16xf32>
      %mul3A_178 = arith.constant 64 : i32
      %mul3A_179 = arith.muli %add3A_161, %mul3A_178 : i32
      %add3A_180 = arith.constant 32 : i32
      %add3A_181 = arith.addi %mul3A_179, %add3A_180 : i32
      %get3A_182 = arith.index_cast %add3A_161 : i32 to index
      %get3A_183 = arith.constant 32 : index
      %get3A_184 = tpu.vector_load %arg5[%get3A_182, %get3A_183] {strides = array<i32>} : memref<320x64xf32, #tpu.memory_space<vmem>>, vector<1x16xf32>,
      %get3A_185 = vector.shape_cast %get3A_184 : vector<1x16xf32> to vector<16xf32>
      %mul3A_186 = arith.constant 64 : i32
      %mul3A_187 = arith.muli %add3A_161, %mul3A_186 : i32
      %add3A_188 = arith.constant 48 : i32
      %add3A_189 = arith.addi %mul3A_187, %add3A_188 : i32
      %get3A_190 = arith.index_cast %add3A_161 : i32 to index
      %get3A_191 = arith.constant 48 : index
      %get3A_192 = tpu.vector_load %arg5[%get3A_190, %get3A_191] {strides = array<i32>} : memref<320x64xf32, #tpu.memory_space<vmem>>, vector<1x16xf32>,
      %get3A_193 = vector.shape_cast %get3A_192 : vector<1x16xf32> to vector<16xf32>
      %swap3A = arith.index_cast %add3A_132 : i32 to index
      %swap3A_194 = tpu.vector_load %arg7[%swap3A] {strides = array<i32>} : memref<20480xf32, #tpu.memory_space<vmem>>, vector<16xf32>,
      %swap3A_195 = vector.shape_cast %swap3A_194 : vector<16xf32> to vector<16xf32>
      %swap3A_196 = vector.shape_cast %get3A_135 : vector<16xf32> to vector<16xf32>
      tpu.vector_store %arg7[%swap3A], %swap3A_196 {strides = array<i32>} : memref<20480xf32, #tpu.memory_space<vmem>>, vector<16xf32>,
      %swap3A_197 = arith.index_cast %add3A_139 : i32 to index
      %swap3A_198 = tpu.vector_load %arg7[%swap3A_197] {strides = array<i32>} : memref<20480xf32, #tpu.memory_space<vmem>>, vector<16xf32>,
      %swap3A_199 = vector.shape_cast %swap3A_198 : vector<16xf32> to vector<16xf32>
      %swap3A_200 = vector.shape_cast %get3A_143 : vector<16xf32> to vector<16xf32>
      tpu.vector_store %arg7[%swap3A_197], %swap3A_200 {strides = array<i32>} : memref<20480xf32, #tpu.memory_space<vmem>>, vector<16xf32>,
      %swap3A_201 = arith.index_cast %add3A_147 : i32 to index
      %swap3A_202 = tpu.vector_load %arg7[%swap3A_201] {strides = array<i32>} : memref<20480xf32, #tpu.memory_space<vmem>>, vector<16xf32>,
      %swap3A_203 = vector.shape_cast %swap3A_202 : vector<16xf32> to vector<16xf32>
      %swap3A_204 = vector.shape_cast %get3A_151 : vector<16xf32> to vector<16xf32>
      tpu.vector_store %arg7[%swap3A_201], %swap3A_204 {strides = array<i32>} : memref<20480xf32, #tpu.memory_space<vmem>>, vector<16xf32>,
      %swap3A_205 = arith.index_cast %add3A_155 : i32 to index
      %swap3A_206 = tpu.vector_load %arg7[%swap3A_205] {strides = array<i32>} : memref<20480xf32, #tpu.memory_space<vmem>>, vector<16xf32>,
      %swap3A_207 = vector.shape_cast %swap3A_206 : vector<16xf32> to vector<16xf32>
      %swap3A_208 = vector.shape_cast %get3A_159 : vector<16xf32> to vector<16xf32>
      tpu.vector_store %arg7[%swap3A_205], %swap3A_208 {strides = array<i32>} : memref<20480xf32, #tpu.memory_space<vmem>>, vector<16xf32>,
      %swap3A_209 = arith.index_cast %add3A_165 : i32 to index
      %swap3A_210 = tpu.vector_load %arg7[%swap3A_209] {strides = array<i32>} : memref<20480xf32, #tpu.memory_space<vmem>>, vector<16xf32>,
      %swap3A_211 = vector.shape_cast %swap3A_210 : vector<16xf32> to vector<16xf32>
      %swap3A_212 = vector.shape_cast %get3A_169 : vector<16xf32> to vector<16xf32>
      tpu.vector_store %arg7[%swap3A_209], %swap3A_212 {strides = array<i32>} : memref<20480xf32, #tpu.memory_space<vmem>>, vector<16xf32>,
      %swap3A_213 = arith.index_cast %add3A_173 : i32 to index
      %swap3A_214 = tpu.vector_load %arg7[%swap3A_213] {strides = array<i32>} : memref<20480xf32, #tpu.memory_space<vmem>>, vector<16xf32>,
      %swap3A_215 = vector.shape_cast %swap3A_214 : vector<16xf32> to vector<16xf32>
      %swap3A_216 = vector.shape_cast %get3A_177 : vector<16xf32> to vector<16xf32>
      tpu.vector_store %arg7[%swap3A_213], %swap3A_216 {strides = array<i32>} : memref<20480xf32, #tpu.memory_space<vmem>>, vector<16xf32>,
      %swap3A_217 = arith.index_cast %add3A_181 : i32 to index
      %swap3A_218 = tpu.vector_load %arg7[%swap3A_217] {strides = array<i32>} : memref<20480xf32, #tpu.memory_space<vmem>>, vector<16xf32>,
      %swap3A_219 = vector.shape_cast %swap3A_218 : vector<16xf32> to vector<16xf32>
      %swap3A_220 = vector.shape_cast %get3A_185 : vector<16xf32> to vector<16xf32>
      tpu.vector_store %arg7[%swap3A_217], %swap3A_220 {strides = array<i32>} : memref<20480xf32, #tpu.memory_space<vmem>>, vector<16xf32>,
      %swap3A_221 = arith.index_cast %add3A_189 : i32 to index
      %swap3A_222 = tpu.vector_load %arg7[%swap3A_221] {strides = array<i32>} : memref<20480xf32, #tpu.memory_space<vmem>>, vector<16xf32>,
      %swap3A_223 = vector.shape_cast %swap3A_222 : vector<16xf32> to vector<16xf32>
      %swap3A_224 = vector.shape_cast %get3A_193 : vector<16xf32> to vector<16xf32>
      tpu.vector_store %arg7[%swap3A_221], %swap3A_224 {strides = array<i32>} : memref<20480xf32, #tpu.memory_space<vmem>>, vector<16xf32>,
      %add3A_225 = arith.constant 2 : i32
      %add3A_226 = arith.addi %mul3A_126, %add3A_225 : i32
      %mul3A_227 = arith.constant 64 : i32
      %mul3A_228 = arith.muli %add3A_226, %mul3A_227 : i32
      %add3A_229 = arith.constant 0 : i32
      %add3A_230 = arith.addi %mul3A_228, %add3A_229 : i32
      %get3A_231 = arith.index_cast %add3A_226 : i32 to index
      %get3A_232 = arith.constant 0 : index
      %get3A_233 = tpu.vector_load %arg5[%get3A_231, %get3A_232] {strides = array<i32>} : memref<320x64xf32, #tpu.memory_space<vmem>>, vector<1x16xf32>,
      %get3A_234 = vector.shape_cast %get3A_233 : vector<1x16xf32> to vector<16xf32>
      %mul3A_235 = arith.constant 64 : i32
      %mul3A_236 = arith.muli %add3A_226, %mul3A_235 : i32
      %add3A_237 = arith.constant 16 : i32
      %add3A_238 = arith.addi %mul3A_236, %add3A_237 : i32
      %get3A_239 = arith.index_cast %add3A_226 : i32 to index
      %get3A_240 = arith.constant 16 : index
      %get3A_241 = tpu.vector_load %arg5[%get3A_239, %get3A_240] {strides = array<i32>} : memref<320x64xf32, #tpu.memory_space<vmem>>, vector<1x16xf32>,
      %get3A_242 = vector.shape_cast %get3A_241 : vector<1x16xf32> to vector<16xf32>
      %mul3A_243 = arith.constant 64 : i32
      %mul3A_244 = arith.muli %add3A_226, %mul3A_243 : i32
      %add3A_245 = arith.constant 32 : i32
      %add3A_246 = arith.addi %mul3A_244, %add3A_245 : i32
      %get3A_247 = arith.index_cast %add3A_226 : i32 to index
      %get3A_248 = arith.constant 32 : index
      %get3A_249 = tpu.vector_load %arg5[%get3A_247, %get3A_248] {strides = array<i32>} : memref<320x64xf32, #tpu.memory_space<vmem>>, vector<1x16xf32>,
      %get3A_250 = vector.shape_cast %get3A_249 : vector<1x16xf32> to vector<16xf32>
      %mul3A_251 = arith.constant 64 : i32
      %mul3A_252 = arith.muli %add3A_226, %mul3A_251 : i32
      %add3A_253 = arith.constant 48 : i32
      %add3A_254 = arith.addi %mul3A_252, %add3A_253 : i32
      %get3A_255 = arith.index_cast %add3A_226 : i32 to index
      %get3A_256 = arith.constant 48 : index
      %get3A_257 = tpu.vector_load %arg5[%get3A_255, %get3A_256] {strides = array<i32>} : memref<320x64xf32, #tpu.memory_space<vmem>>, vector<1x16xf32>,
      %get3A_258 = vector.shape_cast %get3A_257 : vector<1x16xf32> to vector<16xf32>
      %add3A_259 = arith.constant 3 : i32
      %add3A_260 = arith.addi %mul3A_126, %add3A_259 : i32
      %mul3A_261 = arith.constant 64 : i32
      %mul3A_262 = arith.muli %add3A_260, %mul3A_261 : i32
      %add3A_263 = arith.constant 0 : i32
      %add3A_264 = arith.addi %mul3A_262, %add3A_263 : i32
      %get3A_265 = arith.index_cast %add3A_260 : i32 to index
      %get3A_266 = arith.constant 0 : index
      %get3A_267 = tpu.vector_load %arg5[%get3A_265, %get3A_266] {strides = array<i32>} : memref<320x64xf32, #tpu.memory_space<vmem>>, vector<1x16xf32>,
      %get3A_268 = vector.shape_cast %get3A_267 : vector<1x16xf32> to vector<16xf32>
      %mul3A_269 = arith.constant 64 : i32
      %mul3A_270 = arith.muli %add3A_260, %mul3A_269 : i32
      %add3A_271 = arith.constant 16 : i32
      %add3A_272 = arith.addi %mul3A_270, %add3A_271 : i32
      %get3A_273 = arith.index_cast %add3A_260 : i32 to index
      %get3A_274 = arith.constant 16 : index
      %get3A_275 = tpu.vector_load %arg5[%get3A_273, %get3A_274] {strides = array<i32>} : memref<320x64xf32, #tpu.memory_space<vmem>>, vector<1x16xf32>,
      %get3A_276 = vector.shape_cast %get3A_275 : vector<1x16xf32> to vector<16xf32>
      %mul3A_277 = arith.constant 64 : i32
      %mul3A_278 = arith.muli %add3A_260, %mul3A_277 : i32
      %add3A_279 = arith.constant 32 : i32
      %add3A_280 = arith.addi %mul3A_278, %add3A_279 : i32
      %get3A_281 = arith.index_cast %add3A_260 : i32 to index
      %get3A_282 = arith.constant 32 : index
      %get3A_283 = tpu.vector_load %arg5[%get3A_281, %get3A_282] {strides = array<i32>} : memref<320x64xf32, #tpu.memory_space<vmem>>, vector<1x16xf32>,
      %get3A_284 = vector.shape_cast %get3A_283 : vector<1x16xf32> to vector<16xf32>
      %mul3A_285 = arith.constant 64 : i32
      %mul3A_286 = arith.muli %add3A_260, %mul3A_285 : i32
      %add3A_287 = arith.constant 48 : i32
      %add3A_288 = arith.addi %mul3A_286, %add3A_287 : i32
      %get3A_289 = arith.index_cast %add3A_260 : i32 to index
      %get3A_290 = arith.constant 48 : index
      %get3A_291 = tpu.vector_load %arg5[%get3A_289, %get3A_290] {strides = array<i32>} : memref<320x64xf32, #tpu.memory_space<vmem>>, vector<1x16xf32>,
      %get3A_292 = vector.shape_cast %get3A_291 : vector<1x16xf32> to vector<16xf32>
      %swap3A_293 = arith.index_cast %add3A_230 : i32 to index
      %swap3A_294 = tpu.vector_load %arg7[%swap3A_293] {strides = array<i32>} : memref<20480xf32, #tpu.memory_space<vmem>>, vector<16xf32>,
      %swap3A_295 = vector.shape_cast %swap3A_294 : vector<16xf32> to vector<16xf32>
      %swap3A_296 = vector.shape_cast %get3A_234 : vector<16xf32> to vector<16xf32>
      tpu.vector_store %arg7[%swap3A_293], %swap3A_296 {strides = array<i32>} : memref<20480xf32, #tpu.memory_space<vmem>>, vector<16xf32>,
      %swap3A_297 = arith.index_cast %add3A_238 : i32 to index
      %swap3A_298 = tpu.vector_load %arg7[%swap3A_297] {strides = array<i32>} : memref<20480xf32, #tpu.memory_space<vmem>>, vector<16xf32>,
      %swap3A_299 = vector.shape_cast %swap3A_298 : vector<16xf32> to vector<16xf32>
      %swap3A_300 = vector.shape_cast %get3A_242 : vector<16xf32> to vector<16xf32>
      tpu.vector_store %arg7[%swap3A_297], %swap3A_300 {strides = array<i32>} : memref<20480xf32, #tpu.memory_space<vmem>>, vector<16xf32>,
      %swap3A_301 = arith.index_cast %add3A_246 : i32 to index
      %swap3A_302 = tpu.vector_load %arg7[%swap3A_301] {strides = array<i32>} : memref<20480xf32, #tpu.memory_space<vmem>>, vector<16xf32>,
      %swap3A_303 = vector.shape_cast %swap3A_302 : vector<16xf32> to vector<16xf32>
      %swap3A_304 = vector.shape_cast %get3A_250 : vector<16xf32> to vector<16xf32>
      tpu.vector_store %arg7[%swap3A_301], %swap3A_304 {strides = array<i32>} : memref<20480xf32, #tpu.memory_space<vmem>>, vector<16xf32>,
      %swap3A_305 = arith.index_cast %add3A_254 : i32 to index
      %swap3A_306 = tpu.vector_load %arg7[%swap3A_305] {strides = array<i32>} : memref<20480xf32, #tpu.memory_space<vmem>>, vector<16xf32>,
      %swap3A_307 = vector.shape_cast %swap3A_306 : vector<16xf32> to vector<16xf32>
      %swap3A_308 = vector.shape_cast %get3A_258 : vector<16xf32> to vector<16xf32>
      tpu.vector_store %arg7[%swap3A_305], %swap3A_308 {strides = array<i32>} : memref<20480xf32, #tpu.memory_space<vmem>>, vector<16xf32>,
      %swap3A_309 = arith.index_cast %add3A_264 : i32 to index
      %swap3A_310 = tpu.vector_load %arg7[%swap3A_309] {strides = array<i32>} : memref<20480xf32, #tpu.memory_space<vmem>>, vector<16xf32>,
      %swap3A_311 = vector.shape_cast %swap3A_310 : vector<16xf32> to vector<16xf32>
      %swap3A_312 = vector.shape_cast %get3A_268 : vector<16xf32> to vector<16xf32>
      tpu.vector_store %arg7[%swap3A_309], %swap3A_312 {strides = array<i32>} : memref<20480xf32, #tpu.memory_space<vmem>>, vector<16xf32>,
      %swap3A_313 = arith.index_cast %add3A_272 : i32 to index
      %swap3A_314 = tpu.vector_load %arg7[%swap3A_313] {strides = array<i32>} : memref<20480xf32, #tpu.memory_space<vmem>>, vector<16xf32>,
      %swap3A_315 = vector.shape_cast %swap3A_314 : vector<16xf32> to vector<16xf32>
      %swap3A_316 = vector.shape_cast %get3A_276 : vector<16xf32> to vector<16xf32>
      tpu.vector_store %arg7[%swap3A_313], %swap3A_316 {strides = array<i32>} : memref<20480xf32, #tpu.memory_space<vmem>>, vector<16xf32>,
      %swap3A_317 = arith.index_cast %add3A_280 : i32 to index
      %swap3A_318 = tpu.vector_load %arg7[%swap3A_317] {strides = array<i32>} : memref<20480xf32, #tpu.memory_space<vmem>>, vector<16xf32>,
      %swap3A_319 = vector.shape_cast %swap3A_318 : vector<16xf32> to vector<16xf32>
      %swap3A_320 = vector.shape_cast %get3A_284 : vector<16xf32> to vector<16xf32>
      tpu.vector_store %arg7[%swap3A_317], %swap3A_320 {strides = array<i32>} : memref<20480xf32, #tpu.memory_space<vmem>>, vector<16xf32>,
      %swap3A_321 = arith.index_cast %add3A_288 : i32 to index
      %swap3A_322 = tpu.vector_load %arg7[%swap3A_321] {strides = array<i32>} : memref<20480xf32, #tpu.memory_space<vmem>>, vector<16xf32>,
      %swap3A_323 = vector.shape_cast %swap3A_322 : vector<16xf32> to vector<16xf32>
      %swap3A_324 = vector.shape_cast %get3A_292 : vector<16xf32> to vector<16xf32>
      tpu.vector_store %arg7[%swap3A_321], %swap3A_324 {strides = array<i32>} : memref<20480xf32, #tpu.memory_space<vmem>>, vector<16xf32>,
      %add3A_325 = arith.constant 4 : i32
      %add3A_326 = arith.addi %mul3A_126, %add3A_325 : i32
      %mul3A_327 = arith.constant 64 : i32
      %mul3A_328 = arith.muli %add3A_326, %mul3A_327 : i32
      %add3A_329 = arith.constant 0 : i32
      %add3A_330 = arith.addi %mul3A_328, %add3A_329 : i32
      %get3A_331 = arith.index_cast %add3A_326 : i32 to index
      %get3A_332 = arith.constant 0 : index
      %get3A_333 = tpu.vector_load %arg5[%get3A_331, %get3A_332] {strides = array<i32>} : memref<320x64xf32, #tpu.memory_space<vmem>>, vector<1x16xf32>,
      %get3A_334 = vector.shape_cast %get3A_333 : vector<1x16xf32> to vector<16xf32>
      %mul3A_335 = arith.constant 64 : i32
      %mul3A_336 = arith.muli %add3A_326, %mul3A_335 : i32
      %add3A_337 = arith.constant 16 : i32
      %add3A_338 = arith.addi %mul3A_336, %add3A_337 : i32
      %get3A_339 = arith.index_cast %add3A_326 : i32 to index
      %get3A_340 = arith.constant 16 : index
      %get3A_341 = tpu.vector_load %arg5[%get3A_339, %get3A_340] {strides = array<i32>} : memref<320x64xf32, #tpu.memory_space<vmem>>, vector<1x16xf32>,
      %get3A_342 = vector.shape_cast %get3A_341 : vector<1x16xf32> to vector<16xf32>
      %mul3A_343 = arith.constant 64 : i32
      %mul3A_344 = arith.muli %add3A_326, %mul3A_343 : i32
      %add3A_345 = arith.constant 32 : i32
      %add3A_346 = arith.addi %mul3A_344, %add3A_345 : i32
      %get3A_347 = arith.index_cast %add3A_326 : i32 to index
      %get3A_348 = arith.constant 32 : index
      %get3A_349 = tpu.vector_load %arg5[%get3A_347, %get3A_348] {strides = array<i32>} : memref<320x64xf32, #tpu.memory_space<vmem>>, vector<1x16xf32>,
      %get3A_350 = vector.shape_cast %get3A_349 : vector<1x16xf32> to vector<16xf32>
      %mul3A_351 = arith.constant 64 : i32
      %mul3A_352 = arith.muli %add3A_326, %mul3A_351 : i32
      %add3A_353 = arith.constant 48 : i32
      %add3A_354 = arith.addi %mul3A_352, %add3A_353 : i32
      %get3A_355 = arith.index_cast %add3A_326 : i32 to index
      %get3A_356 = arith.constant 48 : index
      %get3A_357 = tpu.vector_load %arg5[%get3A_355, %get3A_356] {strides = array<i32>} : memref<320x64xf32, #tpu.memory_space<vmem>>, vector<1x16xf32>,
      %get3A_358 = vector.shape_cast %get3A_357 : vector<1x16xf32> to vector<16xf32>
      %add3A_359 = arith.constant 5 : i32
      %add3A_360 = arith.addi %mul3A_126, %add3A_359 : i32
      %mul3A_361 = arith.constant 64 : i32
      %mul3A_362 = arith.muli %add3A_360, %mul3A_361 : i32
      %add3A_363 = arith.constant 0 : i32
      %add3A_364 = arith.addi %mul3A_362, %add3A_363 : i32
      %get3A_365 = arith.index_cast %add3A_360 : i32 to index
      %get3A_366 = arith.constant 0 : index
      %get3A_367 = tpu.vector_load %arg5[%get3A_365, %get3A_366] {strides = array<i32>} : memref<320x64xf32, #tpu.memory_space<vmem>>, vector<1x16xf32>,
      %get3A_368 = vector.shape_cast %get3A_367 : vector<1x16xf32> to vector<16xf32>
      %mul3A_369 = arith.constant 64 : i32
      %mul3A_370 = arith.muli %add3A_360, %mul3A_369 : i32
      %add3A_371 = arith.constant 16 : i32
      %add3A_372 = arith.addi %mul3A_370, %add3A_371 : i32
      %get3A_373 = arith.index_cast %add3A_360 : i32 to index
      %get3A_374 = arith.constant 16 : index
      %get3A_375 = tpu.vector_load %arg5[%get3A_373, %get3A_374] {strides = array<i32>} : memref<320x64xf32, #tpu.memory_space<vmem>>, vector<1x16xf32>,
      %get3A_376 = vector.shape_cast %get3A_375 : vector<1x16xf32> to vector<16xf32>
      %mul3A_377 = arith.constant 64 : i32
      %mul3A_378 = arith.muli %add3A_360, %mul3A_377 : i32
      %add3A_379 = arith.constant 32 : i32
      %add3A_380 = arith.addi %mul3A_378, %add3A_379 : i32
      %get3A_381 = arith.index_cast %add3A_360 : i32 to index
      %get3A_382 = arith.constant 32 : index
      %get3A_383 = tpu.vector_load %arg5[%get3A_381, %get3A_382] {strides = array<i32>} : memref<320x64xf32, #tpu.memory_space<vmem>>, vector<1x16xf32>,
      %get3A_384 = vector.shape_cast %get3A_383 : vector<1x16xf32> to vector<16xf32>
      %mul3A_385 = arith.constant 64 : i32
      %mul3A_386 = arith.muli %add3A_360, %mul3A_385 : i32
      %add3A_387 = arith.constant 48 : i32
      %add3A_388 = arith.addi %mul3A_386, %add3A_387 : i32
      %get3A_389 = arith.index_cast %add3A_360 : i32 to index
      %get3A_390 = arith.constant 48 : index
      %get3A_391 = tpu.vector_load %arg5[%get3A_389, %get3A_390] {strides = array<i32>} : memref<320x64xf32, #tpu.memory_space<vmem>>, vector<1x16xf32>,
      %get3A_392 = vector.shape_cast %get3A_391 : vector<1x16xf32> to vector<16xf32>
      %swap3A_393 = arith.index_cast %add3A_330 : i32 to index
      %swap3A_394 = tpu.vector_load %arg7[%swap3A_393] {strides = array<i32>} : memref<20480xf32, #tpu.memory_space<vmem>>, vector<16xf32>,
      %swap3A_395 = vector.shape_cast %swap3A_394 : vector<16xf32> to vector<16xf32>
      %swap3A_396 = vector.shape_cast %get3A_334 : vector<16xf32> to vector<16xf32>
      tpu.vector_store %arg7[%swap3A_393], %swap3A_396 {strides = array<i32>} : memref<20480xf32, #tpu.memory_space<vmem>>, vector<16xf32>,
      %swap3A_397 = arith.index_cast %add3A_338 : i32 to index
      %swap3A_398 = tpu.vector_load %arg7[%swap3A_397] {strides = array<i32>} : memref<20480xf32, #tpu.memory_space<vmem>>, vector<16xf32>,
      %swap3A_399 = vector.shape_cast %swap3A_398 : vector<16xf32> to vector<16xf32>
      %swap3A_400 = vector.shape_cast %get3A_342 : vector<16xf32> to vector<16xf32>
      tpu.vector_store %arg7[%swap3A_397], %swap3A_400 {strides = array<i32>} : memref<20480xf32, #tpu.memory_space<vmem>>, vector<16xf32>,
      %swap3A_401 = arith.index_cast %add3A_346 : i32 to index
      %swap3A_402 = tpu.vector_load %arg7[%swap3A_401] {strides = array<i32>} : memref<20480xf32, #tpu.memory_space<vmem>>, vector<16xf32>,
      %swap3A_403 = vector.shape_cast %swap3A_402 : vector<16xf32> to vector<16xf32>
      %swap3A_404 = vector.shape_cast %get3A_350 : vector<16xf32> to vector<16xf32>
      tpu.vector_store %arg7[%swap3A_401], %swap3A_404 {strides = array<i32>} : memref<20480xf32, #tpu.memory_space<vmem>>, vector<16xf32>,
      %swap3A_405 = arith.index_cast %add3A_354 : i32 to index
      %swap3A_406 = tpu.vector_load %arg7[%swap3A_405] {strides = array<i32>} : memref<20480xf32, #tpu.memory_space<vmem>>, vector<16xf32>,
      %swap3A_407 = vector.shape_cast %swap3A_406 : vector<16xf32> to vector<16xf32>
      %swap3A_408 = vector.shape_cast %get3A_358 : vector<16xf32> to vector<16xf32>
      tpu.vector_store %arg7[%swap3A_405], %swap3A_408 {strides = array<i32>} : memref<20480xf32, #tpu.memory_space<vmem>>, vector<16xf32>,
      %swap3A_409 = arith.index_cast %add3A_364 : i32 to index
      %swap3A_410 = tpu.vector_load %arg7[%swap3A_409] {strides = array<i32>} : memref<20480xf32, #tpu.memory_space<vmem>>, vector<16xf32>,
      %swap3A_411 = vector.shape_cast %swap3A_410 : vector<16xf32> to vector<16xf32>
      %swap3A_412 = vector.shape_cast %get3A_368 : vector<16xf32> to vector<16xf32>
      tpu.vector_store %arg7[%swap3A_409], %swap3A_412 {strides = array<i32>} : memref<20480xf32, #tpu.memory_space<vmem>>, vector<16xf32>,
      %swap3A_413 = arith.index_cast %add3A_372 : i32 to index
      %swap3A_414 = tpu.vector_load %arg7[%swap3A_413] {strides = array<i32>} : memref<20480xf32, #tpu.memory_space<vmem>>, vector<16xf32>,
      %swap3A_415 = vector.shape_cast %swap3A_414 : vector<16xf32> to vector<16xf32>
      %swap3A_416 = vector.shape_cast %get3A_376 : vector<16xf32> to vector<16xf32>
      tpu.vector_store %arg7[%swap3A_413], %swap3A_416 {strides = array<i32>} : memref<20480xf32, #tpu.memory_space<vmem>>, vector<16xf32>,
      %swap3A_417 = arith.index_cast %add3A_380 : i32 to index
      %swap3A_418 = tpu.vector_load %arg7[%swap3A_417] {strides = array<i32>} : memref<20480xf32, #tpu.memory_space<vmem>>, vector<16xf32>,
      %swap3A_419 = vector.shape_cast %swap3A_418 : vector<16xf32> to vector<16xf32>
      %swap3A_420 = vector.shape_cast %get3A_384 : vector<16xf32> to vector<16xf32>
      tpu.vector_store %arg7[%swap3A_417], %swap3A_420 {strides = array<i32>} : memref<20480xf32, #tpu.memory_space<vmem>>, vector<16xf32>,
      %swap3A_421 = arith.index_cast %add3A_388 : i32 to index
      %swap3A_422 = tpu.vector_load %arg7[%swap3A_421] {strides = array<i32>} : memref<20480xf32, #tpu.memory_space<vmem>>, vector<16xf32>,
      %swap3A_423 = vector.shape_cast %swap3A_422 : vector<16xf32> to vector<16xf32>
      %swap3A_424 = vector.shape_cast %get3A_392 : vector<16xf32> to vector<16xf32>
      tpu.vector_store %arg7[%swap3A_421], %swap3A_424 {strides = array<i32>} : memref<20480xf32, #tpu.memory_space<vmem>>, vector<16xf32>,
      %add3A_425 = arith.constant 6 : i32
      %add3A_426 = arith.addi %mul3A_126, %add3A_425 : i32
      %mul3A_427 = arith.constant 64 : i32
      %mul3A_428 = arith.muli %add3A_426, %mul3A_427 : i32
      %add3A_429 = arith.constant 0 : i32
      %add3A_430 = arith.addi %mul3A_428, %add3A_429 : i32
      %get3A_431 = arith.index_cast %add3A_426 : i32 to index
      %get3A_432 = arith.constant 0 : index
      %get3A_433 = tpu.vector_load %arg5[%get3A_431, %get3A_432] {strides = array<i32>} : memref<320x64xf32, #tpu.memory_space<vmem>>, vector<1x16xf32>,
      %get3A_434 = vector.shape_cast %get3A_433 : vector<1x16xf32> to vector<16xf32>
      %mul3A_435 = arith.constant 64 : i32
      %mul3A_436 = arith.muli %add3A_426, %mul3A_435 : i32
      %add3A_437 = arith.constant 16 : i32
      %add3A_438 = arith.addi %mul3A_436, %add3A_437 : i32
      %get3A_439 = arith.index_cast %add3A_426 : i32 to index
      %get3A_440 = arith.constant 16 : index
      %get3A_441 = tpu.vector_load %arg5[%get3A_439, %get3A_440] {strides = array<i32>} : memref<320x64xf32, #tpu.memory_space<vmem>>, vector<1x16xf32>,
      %get3A_442 = vector.shape_cast %get3A_441 : vector<1x16xf32> to vector<16xf32>
      %mul3A_443 = arith.constant 64 : i32
      %mul3A_444 = arith.muli %add3A_426, %mul3A_443 : i32
      %add3A_445 = arith.constant 32 : i32
      %add3A_446 = arith.addi %mul3A_444, %add3A_445 : i32
      %get3A_447 = arith.index_cast %add3A_426 : i32 to index
      %get3A_448 = arith.constant 32 : index
      %get3A_449 = tpu.vector_load %arg5[%get3A_447, %get3A_448] {strides = array<i32>} : memref<320x64xf32, #tpu.memory_space<vmem>>, vector<1x16xf32>,
      %get3A_450 = vector.shape_cast %get3A_449 : vector<1x16xf32> to vector<16xf32>
      %mul3A_451 = arith.constant 64 : i32
      %mul3A_452 = arith.muli %add3A_426, %mul3A_451 : i32
      %add3A_453 = arith.constant 48 : i32
      %add3A_454 = arith.addi %mul3A_452, %add3A_453 : i32
      %get3A_455 = arith.index_cast %add3A_426 : i32 to index
      %get3A_456 = arith.constant 48 : index
      %get3A_457 = tpu.vector_load %arg5[%get3A_455, %get3A_456] {strides = array<i32>} : memref<320x64xf32, #tpu.memory_space<vmem>>, vector<1x16xf32>,
      %get3A_458 = vector.shape_cast %get3A_457 : vector<1x16xf32> to vector<16xf32>
      %add3A_459 = arith.constant 7 : i32
      %add3A_460 = arith.addi %mul3A_126, %add3A_459 : i32
      %mul3A_461 = arith.constant 64 : i32
      %mul3A_462 = arith.muli %add3A_460, %mul3A_461 : i32
      %add3A_463 = arith.constant 0 : i32
      %add3A_464 = arith.addi %mul3A_462, %add3A_463 : i32
      %get3A_465 = arith.index_cast %add3A_460 : i32 to index
      %get3A_466 = arith.constant 0 : index
      %get3A_467 = tpu.vector_load %arg5[%get3A_465, %get3A_466] {strides = array<i32>} : memref<320x64xf32, #tpu.memory_space<vmem>>, vector<1x16xf32>,
      %get3A_468 = vector.shape_cast %get3A_467 : vector<1x16xf32> to vector<16xf32>
      %mul3A_469 = arith.constant 64 : i32
      %mul3A_470 = arith.muli %add3A_460, %mul3A_469 : i32
      %add3A_471 = arith.constant 16 : i32
      %add3A_472 = arith.addi %mul3A_470, %add3A_471 : i32
      %get3A_473 = arith.index_cast %add3A_460 : i32 to index
      %get3A_474 = arith.constant 16 : index
      %get3A_475 = tpu.vector_load %arg5[%get3A_473, %get3A_474] {strides = array<i32>} : memref<320x64xf32, #tpu.memory_space<vmem>>, vector<1x16xf32>,
      %get3A_476 = vector.shape_cast %get3A_475 : vector<1x16xf32> to vector<16xf32>
      %mul3A_477 = arith.constant 64 : i32
      %mul3A_478 = arith.muli %add3A_460, %mul3A_477 : i32
      %add3A_479 = arith.constant 32 : i32
      %add3A_480 = arith.addi %mul3A_478, %add3A_479 : i32
      %get3A_481 = arith.index_cast %add3A_460 : i32 to index
      %get3A_482 = arith.constant 32 : index
      %get3A_483 = tpu.vector_load %arg5[%get3A_481, %get3A_482] {strides = array<i32>} : memref<320x64xf32, #tpu.memory_space<vmem>>, vector<1x16xf32>,
      %get3A_484 = vector.shape_cast %get3A_483 : vector<1x16xf32> to vector<16xf32>
      %mul3A_485 = arith.constant 64 : i32
      %mul3A_486 = arith.muli %add3A_460, %mul3A_485 : i32
      %add3A_487 = arith.constant 48 : i32
      %add3A_488 = arith.addi %mul3A_486, %add3A_487 : i32
      %get3A_489 = arith.index_cast %add3A_460 : i32 to index
      %get3A_490 = arith.constant 48 : index
      %get3A_491 = tpu.vector_load %arg5[%get3A_489, %get3A_490] {strides = array<i32>} : memref<320x64xf32, #tpu.memory_space<vmem>>, vector<1x16xf32>,
      %get3A_492 = vector.shape_cast %get3A_491 : vector<1x16xf32> to vector<16xf32>
      %swap3A_493 = arith.index_cast %add3A_430 : i32 to index
      %swap3A_494 = tpu.vector_load %arg7[%swap3A_493] {strides = array<i32>} : memref<20480xf32, #tpu.memory_space<vmem>>, vector<16xf32>,
      %swap3A_495 = vector.shape_cast %swap3A_494 : vector<16xf32> to vector<16xf32>
      %swap3A_496 = vector.shape_cast %get3A_434 : vector<16xf32> to vector<16xf32>
      tpu.vector_store %arg7[%swap3A_493], %swap3A_496 {strides = array<i32>} : memref<20480xf32, #tpu.memory_space<vmem>>, vector<16xf32>,
      %swap3A_497 = arith.index_cast %add3A_438 : i32 to index
      %swap3A_498 = tpu.vector_load %arg7[%swap3A_497] {strides = array<i32>} : memref<20480xf32, #tpu.memory_space<vmem>>, vector<16xf32>,
      %swap3A_499 = vector.shape_cast %swap3A_498 : vector<16xf32> to vector<16xf32>
      %swap3A_500 = vector.shape_cast %get3A_442 : vector<16xf32> to vector<16xf32>
      tpu.vector_store %arg7[%swap3A_497], %swap3A_500 {strides = array<i32>} : memref<20480xf32, #tpu.memory_space<vmem>>, vector<16xf32>,
      %swap3A_501 = arith.index_cast %add3A_446 : i32 to index
      %swap3A_502 = tpu.vector_load %arg7[%swap3A_501] {strides = array<i32>} : memref<20480xf32, #tpu.memory_space<vmem>>, vector<16xf32>,
      %swap3A_503 = vector.shape_cast %swap3A_502 : vector<16xf32> to vector<16xf32>
      %swap3A_504 = vector.shape_cast %get3A_450 : vector<16xf32> to vector<16xf32>
      tpu.vector_store %arg7[%swap3A_501], %swap3A_504 {strides = array<i32>} : memref<20480xf32, #tpu.memory_space<vmem>>, vector<16xf32>,
      %swap3A_505 = arith.index_cast %add3A_454 : i32 to index
      %swap3A_506 = tpu.vector_load %arg7[%swap3A_505] {strides = array<i32>} : memref<20480xf32, #tpu.memory_space<vmem>>, vector<16xf32>,
      %swap3A_507 = vector.shape_cast %swap3A_506 : vector<16xf32> to vector<16xf32>
      %swap3A_508 = vector.shape_cast %get3A_458 : vector<16xf32> to vector<16xf32>
      tpu.vector_store %arg7[%swap3A_505], %swap3A_508 {strides = array<i32>} : memref<20480xf32, #tpu.memory_space<vmem>>, vector<16xf32>,
      %swap3A_509 = arith.index_cast %add3A_464 : i32 to index
      %swap3A_510 = tpu.vector_load %arg7[%swap3A_509] {strides = array<i32>} : memref<20480xf32, #tpu.memory_space<vmem>>, vector<16xf32>,
      %swap3A_511 = vector.shape_cast %swap3A_510 : vector<16xf32> to vector<16xf32>
      %swap3A_512 = vector.shape_cast %get3A_468 : vector<16xf32> to vector<16xf32>
      tpu.vector_store %arg7[%swap3A_509], %swap3A_512 {strides = array<i32>} : memref<20480xf32, #tpu.memory_space<vmem>>, vector<16xf32>,
      %swap3A_513 = arith.index_cast %add3A_472 : i32 to index
      %swap3A_514 = tpu.vector_load %arg7[%swap3A_513] {strides = array<i32>} : memref<20480xf32, #tpu.memory_space<vmem>>, vector<16xf32>,
      %swap3A_515 = vector.shape_cast %swap3A_514 : vector<16xf32> to vector<16xf32>
      %swap3A_516 = vector.shape_cast %get3A_476 : vector<16xf32> to vector<16xf32>
      tpu.vector_store %arg7[%swap3A_513], %swap3A_516 {strides = array<i32>} : memref<20480xf32, #tpu.memory_space<vmem>>, vector<16xf32>,
      %swap3A_517 = arith.index_cast %add3A_480 : i32 to index
      %swap3A_518 = tpu.vector_load %arg7[%swap3A_517] {strides = array<i32>} : memref<20480xf32, #tpu.memory_space<vmem>>, vector<16xf32>,
      %swap3A_519 = vector.shape_cast %swap3A_518 : vector<16xf32> to vector<16xf32>
      %swap3A_520 = vector.shape_cast %get3A_484 : vector<16xf32> to vector<16xf32>
      tpu.vector_store %arg7[%swap3A_517], %swap3A_520 {strides = array<i32>} : memref<20480xf32, #tpu.memory_space<vmem>>, vector<16xf32>,
      %swap3A_521 = arith.index_cast %add3A_488 : i32 to index
      %swap3A_522 = tpu.vector_load %arg7[%swap3A_521] {strides = array<i32>} : memref<20480xf32, #tpu.memory_space<vmem>>, vector<16xf32>,
      %swap3A_523 = vector.shape_cast %swap3A_522 : vector<16xf32> to vector<16xf32>
      %swap3A_524 = vector.shape_cast %get3A_492 : vector<16xf32> to vector<16xf32>
      tpu.vector_store %arg7[%swap3A_521], %swap3A_524 {strides = array<i32>} : memref<20480xf32, #tpu.memory_space<vmem>>, vector<16xf32>,
    }
    %scan3A_73 = arith.constant 40 : i32
    %add3A_74 = arith.constant 32 : i32
    %add3A_75 = arith.addi %add3A, %add3A_74 : i32
    %min3A_76 = arith.constant 3124 : i32
    %min3A_77 = arith.minsi %add3A_75, %min3A_76 : i32
    %mul3A_78 = arith.constant 320 : i32
    %mul3A_79 = arith.muli %min3A_77, %mul3A_78 : i32
    %multiple_of3A_80 = tpu.assume_multiple %mul3A_79, 8 : i32
    %mul3A_81 = arith.constant 64 : i32
    %mul3A_82 = arith.muli %multiple_of3A_80, %mul3A_81 : i32
    %dma_start3A_83 = tpu.memref_slice %arg3[%mul3A_82] : memref<64000000xf32, #tpu.memory_space<hbm>> -> memref<20480xf32, #tpu.memory_space<hbm>>
    %dma_start3A_84 = tpu.memref_slice %arg3[%mul3A_82] : memref<64000000xf32, #tpu.memory_space<hbm>> -> memref<20480xf32, #tpu.memory_space<hbm>>
    tpu.enqueue_dma source(%arg7 : memref<20480xf32, #tpu.memory_space<vmem>>) target(%dma_start3A_84 : memref<20480xf32, #tpu.memory_space<hbm>>) target_semaphore(%arg11 : memref<!tpu.dma_semaphore, #tpu.memory_space<semaphore_mem>>)
    %scan3A_85 = arith.constant 0 : i32
    %scan3A_86 = arith.constant 1 : i32
    %scan3A_87 = arith.constant 48 : i32
    %scan3A_88 = arith.addi %scan3A_86, %scan3A_87 : i32
    %scan3A_89 = arith.constant 1 : i32
    scf.for %scan3A_124 = %scan3A_86 to %scan3A_88 step %scan3A_89  : i32 {
      %mul3A_125 = arith.constant 2 : i32
      %mul3A_126 = arith.muli %scan3A_124, %mul3A_125 : i32
      %add3A_127 = arith.constant 0 : i32
      %add3A_128 = arith.addi %mul3A_126, %add3A_127 : i32
      %mul3A_129 = arith.constant 32 : i32
      %mul3A_130 = arith.muli %add3A_128, %mul3A_129 : i32
      %add3A_131 = arith.addi %add3A, %mul3A_130 : i32
      %min3A_132 = arith.constant 3124 : i32
      %min3A_133 = arith.minsi %add3A_131, %min3A_132 : i32
      %mul3A_134 = arith.constant 320 : i32
      %mul3A_135 = arith.muli %min3A_133, %mul3A_134 : i32
      %multiple_of3A_136 = tpu.assume_multiple %mul3A_135, 8 : i32
      %dma_wait3A_137 = arith.constant 0 : i32
      %dma_wait3A_138 = tpu.memref_slice %arg2[%multiple_of3A_136, %dma_wait3A_137] : memref<1000000x64xf32, #tpu.memory_space<hbm>> -> memref<320x64xf32, #tpu.memory_space<hbm>>
      %dma_wait3A_139 = arith.constant 0 : i32
      %dma_wait3A_140 = tpu.memref_slice %arg2[%multiple_of3A_136, %dma_wait3A_139] : memref<1000000x64xf32, #tpu.memory_space<hbm>> -> memref<320x64xf32, #tpu.memory_space<hbm>>
      tpu.wait_dma2 semaphore(%arg8 : memref<!tpu.dma_semaphore, #tpu.memory_space<semaphore_mem>>) src(%dma_wait3A_140 : memref<320x64xf32, #tpu.memory_space<hbm>>) dst(%arg4 : memref<320x64xf32, #tpu.memory_space<vmem>>)
      %add3A_141 = arith.constant 1 : i32
      %add3A_142 = arith.addi %add3A_128, %add3A_141 : i32
      %mul3A_143 = arith.constant 32 : i32
      %mul3A_144 = arith.muli %add3A_142, %mul3A_143 : i32
      %add3A_145 = arith.addi %add3A, %mul3A_144 : i32
      %min3A_146 = arith.constant 3124 : i32
      %min3A_147 = arith.minsi %add3A_145, %min3A_146 : i32
      %mul3A_148 = arith.constant 320 : i32
      %mul3A_149 = arith.muli %min3A_147, %mul3A_148 : i32
      %multiple_of3A_150 = tpu.assume_multiple %mul3A_149, 8 : i32
      %dma_start3A_151 = arith.constant 0 : i32
      %dma_start3A_152 = tpu.memref_slice %arg2[%multiple_of3A_150, %dma_start3A_151] : memref<1000000x64xf32, #tpu.memory_space<hbm>> -> memref<320x64xf32, #tpu.memory_space<hbm>>
      %dma_start3A_153 = arith.constant 0 : i32
      %dma_start3A_154 = tpu.memref_slice %arg2[%multiple_of3A_150, %dma_start3A_153] : memref<1000000x64xf32, #tpu.memory_space<hbm>> -> memref<320x64xf32, #tpu.memory_space<hbm>>
      tpu.enqueue_dma source(%dma_start3A_154 : memref<320x64xf32, #tpu.memory_space<hbm>>) target(%arg5 : memref<320x64xf32, #tpu.memory_space<vmem>>) target_semaphore(%arg9 : memref<!tpu.dma_semaphore, #tpu.memory_space<semaphore_mem>>)
      %sub3A = arith.constant 2 : i32
      %sub3A_155 = arith.subi %add3A_128, %sub3A : i32
      %mul3A_156 = arith.constant 32 : i32
      %mul3A_157 = arith.muli %sub3A_155, %mul3A_156 : i32
      %add3A_158 = arith.addi %add3A, %mul3A_157 : i32
      %min3A_159 = arith.constant 3124 : i32
      %min3A_160 = arith.minsi %add3A_158, %min3A_159 : i32
      %mul3A_161 = arith.constant 320 : i32
      %mul3A_162 = arith.muli %min3A_160, %mul3A_161 : i32
      %multiple_of3A_163 = tpu.assume_multiple %mul3A_162, 8 : i32
      %mul3A_164 = arith.constant 64 : i32
      %mul3A_165 = arith.muli %multiple_of3A_163, %mul3A_164 : i32
      %dma_wait3A_166 = tpu.memref_slice %arg3[%mul3A_165] : memref<64000000xf32, #tpu.memory_space<hbm>> -> memref<20480xf32, #tpu.memory_space<hbm>>
      %dma_wait3A_167 = tpu.memref_slice %arg3[%mul3A_165] : memref<64000000xf32, #tpu.memory_space<hbm>> -> memref<20480xf32, #tpu.memory_space<hbm>>
      tpu.wait_dma2 semaphore(%arg10 : memref<!tpu.dma_semaphore, #tpu.memory_space<semaphore_mem>>) src(%arg6 : memref<20480xf32, #tpu.memory_space<vmem>>) dst(%dma_wait3A_167 : memref<20480xf32, #tpu.memory_space<hbm>>)
      %scan3A_168 = arith.constant 0 : i32
      %scan3A_169 = arith.constant 0 : i32
      %scan3A_170 = arith.constant 40 : i32
      %scan3A_171 = arith.addi %scan3A_169, %scan3A_170 : i32
      %scan3A_172 = arith.constant 1 : i32
      scf.for %scan3A_248 = %scan3A_169 to %scan3A_171 step %scan3A_172  : i32 {
        %mul3A_249 = arith.constant 8 : i32
        %mul3A_250 = arith.muli %scan3A_248, %mul3A_249 : i32
        %add3A_251 = arith.constant 0 : i32
        %add3A_252 = arith.addi %mul3A_250, %add3A_251 : i32
        %mul3A_253 = arith.constant 64 : i32
        %mul3A_254 = arith.muli %add3A_252, %mul3A_253 : i32
        %add3A_255 = arith.constant 0 : i32
        %add3A_256 = arith.addi %mul3A_254, %add3A_255 : i32
        %get3A = arith.index_cast %add3A_252 : i32 to index
        %get3A_257 = arith.constant 0 : index
        %get3A_258 = tpu.vector_load %arg4[%get3A, %get3A_257] {strides = array<i32>} : memref<320x64xf32, #tpu.memory_space<vmem>>, vector<1x16xf32>,
        %get3A_259 = vector.shape_cast %get3A_258 : vector<1x16xf32> to vector<16xf32>
        %mul3A_260 = arith.constant 64 : i32
        %mul3A_261 = arith.muli %add3A_252, %mul3A_260 : i32
        %add3A_262 = arith.constant 16 : i32
        %add3A_263 = arith.addi %mul3A_261, %add3A_262 : i32
        %get3A_264 = arith.index_cast %add3A_252 : i32 to index
        %get3A_265 = arith.constant 16 : index
        %get3A_266 = tpu.vector_load %arg4[%get3A_264, %get3A_265] {strides = array<i32>} : memref<320x64xf32, #tpu.memory_space<vmem>>, vector<1x16xf32>,
        %get3A_267 = vector.shape_cast %get3A_266 : vector<1x16xf32> to vector<16xf32>
        %mul3A_268 = arith.constant 64 : i32
        %mul3A_269 = arith.muli %add3A_252, %mul3A_268 : i32
        %add3A_270 = arith.constant 32 : i32
        %add3A_271 = arith.addi %mul3A_269, %add3A_270 : i32
        %get3A_272 = arith.index_cast %add3A_252 : i32 to index
        %get3A_273 = arith.constant 32 : index
        %get3A_274 = tpu.vector_load %arg4[%get3A_272, %get3A_273] {strides = array<i32>} : memref<320x64xf32, #tpu.memory_space<vmem>>, vector<1x16xf32>,
        %get3A_275 = vector.shape_cast %get3A_274 : vector<1x16xf32> to vector<16xf32>
        %mul3A_276 = arith.constant 64 : i32
        %mul3A_277 = arith.muli %add3A_252, %mul3A_276 : i32
        %add3A_278 = arith.constant 48 : i32
        %add3A_279 = arith.addi %mul3A_277, %add3A_278 : i32
        %get3A_280 = arith.index_cast %add3A_252 : i32 to index
        %get3A_281 = arith.constant 48 : index
        %get3A_282 = tpu.vector_load %arg4[%get3A_280, %get3A_281] {strides = array<i32>} : memref<320x64xf32, #tpu.memory_space<vmem>>, vector<1x16xf32>,
        %get3A_283 = vector.shape_cast %get3A_282 : vector<1x16xf32> to vector<16xf32>
        %add3A_284 = arith.constant 1 : i32
        %add3A_285 = arith.addi %mul3A_250, %add3A_284 : i32
        %mul3A_286 = arith.constant 64 : i32
        %mul3A_287 = arith.muli %add3A_285, %mul3A_286 : i32
        %add3A_288 = arith.constant 0 : i32
        %add3A_289 = arith.addi %mul3A_287, %add3A_288 : i32
        %get3A_290 = arith.index_cast %add3A_285 : i32 to index
        %get3A_291 = arith.constant 0 : index
        %get3A_292 = tpu.vector_load %arg4[%get3A_290, %get3A_291] {strides = array<i32>} : memref<320x64xf32, #tpu.memory_space<vmem>>, vector<1x16xf32>,
        %get3A_293 = vector.shape_cast %get3A_292 : vector<1x16xf32> to vector<16xf32>
        %mul3A_294 = arith.constant 64 : i32
        %mul3A_295 = arith.muli %add3A_285, %mul3A_294 : i32
        %add3A_296 = arith.constant 16 : i32
        %add3A_297 = arith.addi %mul3A_295, %add3A_296 : i32
        %get3A_298 = arith.index_cast %add3A_285 : i32 to index
        %get3A_299 = arith.constant 16 : index
        %get3A_300 = tpu.vector_load %arg4[%get3A_298, %get3A_299] {strides = array<i32>} : memref<320x64xf32, #tpu.memory_space<vmem>>, vector<1x16xf32>,
        %get3A_301 = vector.shape_cast %get3A_300 : vector<1x16xf32> to vector<16xf32>
        %mul3A_302 = arith.constant 64 : i32
        %mul3A_303 = arith.muli %add3A_285, %mul3A_302 : i32
        %add3A_304 = arith.constant 32 : i32
        %add3A_305 = arith.addi %mul3A_303, %add3A_304 : i32
        %get3A_306 = arith.index_cast %add3A_285 : i32 to index
        %get3A_307 = arith.constant 32 : index
        %get3A_308 = tpu.vector_load %arg4[%get3A_306, %get3A_307] {strides = array<i32>} : memref<320x64xf32, #tpu.memory_space<vmem>>, vector<1x16xf32>,
        %get3A_309 = vector.shape_cast %get3A_308 : vector<1x16xf32> to vector<16xf32>
        %mul3A_310 = arith.constant 64 : i32
        %mul3A_311 = arith.muli %add3A_285, %mul3A_310 : i32
        %add3A_312 = arith.constant 48 : i32
        %add3A_313 = arith.addi %mul3A_311, %add3A_312 : i32
        %get3A_314 = arith.index_cast %add3A_285 : i32 to index
        %get3A_315 = arith.constant 48 : index
        %get3A_316 = tpu.vector_load %arg4[%get3A_314, %get3A_315] {strides = array<i32>} : memref<320x64xf32, #tpu.memory_space<vmem>>, vector<1x16xf32>,
        %get3A_317 = vector.shape_cast %get3A_316 : vector<1x16xf32> to vector<16xf32>
        %swap3A = arith.index_cast %add3A_256 : i32 to index
        %swap3A_318 = tpu.vector_load %arg6[%swap3A] {strides = array<i32>} : memref<20480xf32, #tpu.memory_space<vmem>>, vector<16xf32>,
        %swap3A_319 = vector.shape_cast %swap3A_318 : vector<16xf32> to vector<16xf32>
        %swap3A_320 = vector.shape_cast %get3A_259 : vector<16xf32> to vector<16xf32>
        tpu.vector_store %arg6[%swap3A], %swap3A_320 {strides = array<i32>} : memref<20480xf32, #tpu.memory_space<vmem>>, vector<16xf32>,
        %swap3A_321 = arith.index_cast %add3A_263 : i32 to index
        %swap3A_322 = tpu.vector_load %arg6[%swap3A_321] {strides = array<i32>} : memref<20480xf32, #tpu.memory_space<vmem>>, vector<16xf32>,
        %swap3A_323 = vector.shape_cast %swap3A_322 : vector<16xf32> to vector<16xf32>
        %swap3A_324 = vector.shape_cast %get3A_267 : vector<16xf32> to vector<16xf32>
        tpu.vector_store %arg6[%swap3A_321], %swap3A_324 {strides = array<i32>} : memref<20480xf32, #tpu.memory_space<vmem>>, vector<16xf32>,
        %swap3A_325 = arith.index_cast %add3A_271 : i32 to index
        %swap3A_326 = tpu.vector_load %arg6[%swap3A_325] {strides = array<i32>} : memref<20480xf32, #tpu.memory_space<vmem>>, vector<16xf32>,
        %swap3A_327 = vector.shape_cast %swap3A_326 : vector<16xf32> to vector<16xf32>
        %swap3A_328 = vector.shape_cast %get3A_275 : vector<16xf32> to vector<16xf32>
        tpu.vector_store %arg6[%swap3A_325], %swap3A_328 {strides = array<i32>} : memref<20480xf32, #tpu.memory_space<vmem>>, vector<16xf32>,
        %swap3A_329 = arith.index_cast %add3A_279 : i32 to index
        %swap3A_330 = tpu.vector_load %arg6[%swap3A_329] {strides = array<i32>} : memref<20480xf32, #tpu.memory_space<vmem>>, vector<16xf32>,
        %swap3A_331 = vector.shape_cast %swap3A_330 : vector<16xf32> to vector<16xf32>
        %swap3A_332 = vector.shape_cast %get3A_283 : vector<16xf32> to vector<16xf32>
        tpu.vector_store %arg6[%swap3A_329], %swap3A_332 {strides = array<i32>} : memref<20480xf32, #tpu.memory_space<vmem>>, vector<16xf32>,
        %swap3A_333 = arith.index_cast %add3A_289 : i32 to index
        %swap3A_334 = tpu.vector_load %arg6[%swap3A_333] {strides = array<i32>} : memref<20480xf32, #tpu.memory_space<vmem>>, vector<16xf32>,
        %swap3A_335 = vector.shape_cast %swap3A_334 : vector<16xf32> to vector<16xf32>
        %swap3A_336 = vector.shape_cast %get3A_293 : vector<16xf32> to vector<16xf32>
        tpu.vector_store %arg6[%swap3A_333], %swap3A_336 {strides = array<i32>} : memref<20480xf32, #tpu.memory_space<vmem>>, vector<16xf32>,
        %swap3A_337 = arith.index_cast %add3A_297 : i32 to index
        %swap3A_338 = tpu.vector_load %arg6[%swap3A_337] {strides = array<i32>} : memref<20480xf32, #tpu.memory_space<vmem>>, vector<16xf32>,
        %swap3A_339 = vector.shape_cast %swap3A_338 : vector<16xf32> to vector<16xf32>
        %swap3A_340 = vector.shape_cast %get3A_301 : vector<16xf32> to vector<16xf32>
        tpu.vector_store %arg6[%swap3A_337], %swap3A_340 {strides = array<i32>} : memref<20480xf32, #tpu.memory_space<vmem>>, vector<16xf32>,
        %swap3A_341 = arith.index_cast %add3A_305 : i32 to index
        %swap3A_342 = tpu.vector_load %arg6[%swap3A_341] {strides = array<i32>} : memref<20480xf32, #tpu.memory_space<vmem>>, vector<16xf32>,
        %swap3A_343 = vector.shape_cast %swap3A_342 : vector<16xf32> to vector<16xf32>
        %swap3A_344 = vector.shape_cast %get3A_309 : vector<16xf32> to vector<16xf32>
        tpu.vector_store %arg6[%swap3A_341], %swap3A_344 {strides = array<i32>} : memref<20480xf32, #tpu.memory_space<vmem>>, vector<16xf32>,
        %swap3A_345 = arith.index_cast %add3A_313 : i32 to index
        %swap3A_346 = tpu.vector_load %arg6[%swap3A_345] {strides = array<i32>} : memref<20480xf32, #tpu.memory_space<vmem>>, vector<16xf32>,
        %swap3A_347 = vector.shape_cast %swap3A_346 : vector<16xf32> to vector<16xf32>
        %swap3A_348 = vector.shape_cast %get3A_317 : vector<16xf32> to vector<16xf32>
        tpu.vector_store %arg6[%swap3A_345], %swap3A_348 {strides = array<i32>} : memref<20480xf32, #tpu.memory_space<vmem>>, vector<16xf32>,
        %add3A_349 = arith.constant 2 : i32
        %add3A_350 = arith.addi %mul3A_250, %add3A_349 : i32
        %mul3A_351 = arith.constant 64 : i32
        %mul3A_352 = arith.muli %add3A_350, %mul3A_351 : i32
        %add3A_353 = arith.constant 0 : i32
        %add3A_354 = arith.addi %mul3A_352, %add3A_353 : i32
        %get3A_355 = arith.index_cast %add3A_350 : i32 to index
        %get3A_356 = arith.constant 0 : index
        %get3A_357 = tpu.vector_load %arg4[%get3A_355, %get3A_356] {strides = array<i32>} : memref<320x64xf32, #tpu.memory_space<vmem>>, vector<1x16xf32>,
        %get3A_358 = vector.shape_cast %get3A_357 : vector<1x16xf32> to vector<16xf32>
        %mul3A_359 = arith.constant 64 : i32
        %mul3A_360 = arith.muli %add3A_350, %mul3A_359 : i32
        %add3A_361 = arith.constant 16 : i32
        %add3A_362 = arith.addi %mul3A_360, %add3A_361 : i32
        %get3A_363 = arith.index_cast %add3A_350 : i32 to index
        %get3A_364 = arith.constant 16 : index
        %get3A_365 = tpu.vector_load %arg4[%get3A_363, %get3A_364] {strides = array<i32>} : memref<320x64xf32, #tpu.memory_space<vmem>>, vector<1x16xf32>,
        %get3A_366 = vector.shape_cast %get3A_365 : vector<1x16xf32> to vector<16xf32>
        %mul3A_367 = arith.constant 64 : i32
        %mul3A_368 = arith.muli %add3A_350, %mul3A_367 : i32
        %add3A_369 = arith.constant 32 : i32
        %add3A_370 = arith.addi %mul3A_368, %add3A_369 : i32
        %get3A_371 = arith.index_cast %add3A_350 : i32 to index
        %get3A_372 = arith.constant 32 : index
        %get3A_373 = tpu.vector_load %arg4[%get3A_371, %get3A_372] {strides = array<i32>} : memref<320x64xf32, #tpu.memory_space<vmem>>, vector<1x16xf32>,
        %get3A_374 = vector.shape_cast %get3A_373 : vector<1x16xf32> to vector<16xf32>
        %mul3A_375 = arith.constant 64 : i32
        %mul3A_376 = arith.muli %add3A_350, %mul3A_375 : i32
        %add3A_377 = arith.constant 48 : i32
        %add3A_378 = arith.addi %mul3A_376, %add3A_377 : i32
        %get3A_379 = arith.index_cast %add3A_350 : i32 to index
        %get3A_380 = arith.constant 48 : index
        %get3A_381 = tpu.vector_load %arg4[%get3A_379, %get3A_380] {strides = array<i32>} : memref<320x64xf32, #tpu.memory_space<vmem>>, vector<1x16xf32>,
        %get3A_382 = vector.shape_cast %get3A_381 : vector<1x16xf32> to vector<16xf32>
        %add3A_383 = arith.constant 3 : i32
        %add3A_384 = arith.addi %mul3A_250, %add3A_383 : i32
        %mul3A_385 = arith.constant 64 : i32
        %mul3A_386 = arith.muli %add3A_384, %mul3A_385 : i32
        %add3A_387 = arith.constant 0 : i32
        %add3A_388 = arith.addi %mul3A_386, %add3A_387 : i32
        %get3A_389 = arith.index_cast %add3A_384 : i32 to index
        %get3A_390 = arith.constant 0 : index
        %get3A_391 = tpu.vector_load %arg4[%get3A_389, %get3A_390] {strides = array<i32>} : memref<320x64xf32, #tpu.memory_space<vmem>>, vector<1x16xf32>,
        %get3A_392 = vector.shape_cast %get3A_391 : vector<1x16xf32> to vector<16xf32>
        %mul3A_393 = arith.constant 64 : i32
        %mul3A_394 = arith.muli %add3A_384, %mul3A_393 : i32
        %add3A_395 = arith.constant 16 : i32
        %add3A_396 = arith.addi %mul3A_394, %add3A_395 : i32
        %get3A_397 = arith.index_cast %add3A_384 : i32 to index
        %get3A_398 = arith.constant 16 : index
        %get3A_399 = tpu.vector_load %arg4[%get3A_397, %get3A_398] {strides = array<i32>} : memref<320x64xf32, #tpu.memory_space<vmem>>, vector<1x16xf32>,
        %get3A_400 = vector.shape_cast %get3A_399 : vector<1x16xf32> to vector<16xf32>
        %mul3A_401 = arith.constant 64 : i32
        %mul3A_402 = arith.muli %add3A_384, %mul3A_401 : i32
        %add3A_403 = arith.constant 32 : i32
        %add3A_404 = arith.addi %mul3A_402, %add3A_403 : i32
        %get3A_405 = arith.index_cast %add3A_384 : i32 to index
        %get3A_406 = arith.constant 32 : index
        %get3A_407 = tpu.vector_load %arg4[%get3A_405, %get3A_406] {strides = array<i32>} : memref<320x64xf32, #tpu.memory_space<vmem>>, vector<1x16xf32>,
        %get3A_408 = vector.shape_cast %get3A_407 : vector<1x16xf32> to vector<16xf32>
        %mul3A_409 = arith.constant 64 : i32
        %mul3A_410 = arith.muli %add3A_384, %mul3A_409 : i32
        %add3A_411 = arith.constant 48 : i32
        %add3A_412 = arith.addi %mul3A_410, %add3A_411 : i32
        %get3A_413 = arith.index_cast %add3A_384 : i32 to index
        %get3A_414 = arith.constant 48 : index
        %get3A_415 = tpu.vector_load %arg4[%get3A_413, %get3A_414] {strides = array<i32>} : memref<320x64xf32, #tpu.memory_space<vmem>>, vector<1x16xf32>,
        %get3A_416 = vector.shape_cast %get3A_415 : vector<1x16xf32> to vector<16xf32>
        %swap3A_417 = arith.index_cast %add3A_354 : i32 to index
        %swap3A_418 = tpu.vector_load %arg6[%swap3A_417] {strides = array<i32>} : memref<20480xf32, #tpu.memory_space<vmem>>, vector<16xf32>,
        %swap3A_419 = vector.shape_cast %swap3A_418 : vector<16xf32> to vector<16xf32>
        %swap3A_420 = vector.shape_cast %get3A_358 : vector<16xf32> to vector<16xf32>
        tpu.vector_store %arg6[%swap3A_417], %swap3A_420 {strides = array<i32>} : memref<20480xf32, #tpu.memory_space<vmem>>, vector<16xf32>,
        %swap3A_421 = arith.index_cast %add3A_362 : i32 to index
        %swap3A_422 = tpu.vector_load %arg6[%swap3A_421] {strides = array<i32>} : memref<20480xf32, #tpu.memory_space<vmem>>, vector<16xf32>,
        %swap3A_423 = vector.shape_cast %swap3A_422 : vector<16xf32> to vector<16xf32>
        %swap3A_424 = vector.shape_cast %get3A_366 : vector<16xf32> to vector<16xf32>
        tpu.vector_store %arg6[%swap3A_421], %swap3A_424 {strides = array<i32>} : memref<20480xf32, #tpu.memory_space<vmem>>, vector<16xf32>,
        %swap3A_425 = arith.index_cast %add3A_370 : i32 to index
        %swap3A_426 = tpu.vector_load %arg6[%swap3A_425] {strides = array<i32>} : memref<20480xf32, #tpu.memory_space<vmem>>, vector<16xf32>,
        %swap3A_427 = vector.shape_cast %swap3A_426 : vector<16xf32> to vector<16xf32>
        %swap3A_428 = vector.shape_cast %get3A_374 : vector<16xf32> to vector<16xf32>
        tpu.vector_store %arg6[%swap3A_425], %swap3A_428 {strides = array<i32>} : memref<20480xf32, #tpu.memory_space<vmem>>, vector<16xf32>,
        %swap3A_429 = arith.index_cast %add3A_378 : i32 to index
        %swap3A_430 = tpu.vector_load %arg6[%swap3A_429] {strides = array<i32>} : memref<20480xf32, #tpu.memory_space<vmem>>, vector<16xf32>,
        %swap3A_431 = vector.shape_cast %swap3A_430 : vector<16xf32> to vector<16xf32>
        %swap3A_432 = vector.shape_cast %get3A_382 : vector<16xf32> to vector<16xf32>
        tpu.vector_store %arg6[%swap3A_429], %swap3A_432 {strides = array<i32>} : memref<20480xf32, #tpu.memory_space<vmem>>, vector<16xf32>,
        %swap3A_433 = arith.index_cast %add3A_388 : i32 to index
        %swap3A_434 = tpu.vector_load %arg6[%swap3A_433] {strides = array<i32>} : memref<20480xf32, #tpu.memory_space<vmem>>, vector<16xf32>,
        %swap3A_435 = vector.shape_cast %swap3A_434 : vector<16xf32> to vector<16xf32>
        %swap3A_436 = vector.shape_cast %get3A_392 : vector<16xf32> to vector<16xf32>
        tpu.vector_store %arg6[%swap3A_433], %swap3A_436 {strides = array<i32>} : memref<20480xf32, #tpu.memory_space<vmem>>, vector<16xf32>,
        %swap3A_437 = arith.index_cast %add3A_396 : i32 to index
        %swap3A_438 = tpu.vector_load %arg6[%swap3A_437] {strides = array<i32>} : memref<20480xf32, #tpu.memory_space<vmem>>, vector<16xf32>,
        %swap3A_439 = vector.shape_cast %swap3A_438 : vector<16xf32> to vector<16xf32>
        %swap3A_440 = vector.shape_cast %get3A_400 : vector<16xf32> to vector<16xf32>
        tpu.vector_store %arg6[%swap3A_437], %swap3A_440 {strides = array<i32>} : memref<20480xf32, #tpu.memory_space<vmem>>, vector<16xf32>,
        %swap3A_441 = arith.index_cast %add3A_404 : i32 to index
        %swap3A_442 = tpu.vector_load %arg6[%swap3A_441] {strides = array<i32>} : memref<20480xf32, #tpu.memory_space<vmem>>, vector<16xf32>,
        %swap3A_443 = vector.shape_cast %swap3A_442 : vector<16xf32> to vector<16xf32>
        %swap3A_444 = vector.shape_cast %get3A_408 : vector<16xf32> to vector<16xf32>
        tpu.vector_store %arg6[%swap3A_441], %swap3A_444 {strides = array<i32>} : memref<20480xf32, #tpu.memory_space<vmem>>, vector<16xf32>,
        %swap3A_445 = arith.index_cast %add3A_412 : i32 to index
        %swap3A_446 = tpu.vector_load %arg6[%swap3A_445] {strides = array<i32>} : memref<20480xf32, #tpu.memory_space<vmem>>, vector<16xf32>,
        %swap3A_447 = vector.shape_cast %swap3A_446 : vector<16xf32> to vector<16xf32>
        %swap3A_448 = vector.shape_cast %get3A_416 : vector<16xf32> to vector<16xf32>
        tpu.vector_store %arg6[%swap3A_445], %swap3A_448 {strides = array<i32>} : memref<20480xf32, #tpu.memory_space<vmem>>, vector<16xf32>,
        %add3A_449 = arith.constant 4 : i32
        %add3A_450 = arith.addi %mul3A_250, %add3A_449 : i32
        %mul3A_451 = arith.constant 64 : i32
        %mul3A_452 = arith.muli %add3A_450, %mul3A_451 : i32
        %add3A_453 = arith.constant 0 : i32
        %add3A_454 = arith.addi %mul3A_452, %add3A_453 : i32
        %get3A_455 = arith.index_cast %add3A_450 : i32 to index
        %get3A_456 = arith.constant 0 : index
        %get3A_457 = tpu.vector_load %arg4[%get3A_455, %get3A_456] {strides = array<i32>} : memref<320x64xf32, #tpu.memory_space<vmem>>, vector<1x16xf32>,
        %get3A_458 = vector.shape_cast %get3A_457 : vector<1x16xf32> to vector<16xf32>
        %mul3A_459 = arith.constant 64 : i32
        %mul3A_460 = arith.muli %add3A_450, %mul3A_459 : i32
        %add3A_461 = arith.constant 16 : i32
        %add3A_462 = arith.addi %mul3A_460, %add3A_461 : i32
        %get3A_463 = arith.index_cast %add3A_450 : i32 to index
        %get3A_464 = arith.constant 16 : index
        %get3A_465 = tpu.vector_load %arg4[%get3A_463, %get3A_464] {strides = array<i32>} : memref<320x64xf32, #tpu.memory_space<vmem>>, vector<1x16xf32>,
        %get3A_466 = vector.shape_cast %get3A_465 : vector<1x16xf32> to vector<16xf32>
        %mul3A_467 = arith.constant 64 : i32
        %mul3A_468 = arith.muli %add3A_450, %mul3A_467 : i32
        %add3A_469 = arith.constant 32 : i32
        %add3A_470 = arith.addi %mul3A_468, %add3A_469 : i32
        %get3A_471 = arith.index_cast %add3A_450 : i32 to index
        %get3A_472 = arith.constant 32 : index
        %get3A_473 = tpu.vector_load %arg4[%get3A_471, %get3A_472] {strides = array<i32>} : memref<320x64xf32, #tpu.memory_space<vmem>>, vector<1x16xf32>,
        %get3A_474 = vector.shape_cast %get3A_473 : vector<1x16xf32> to vector<16xf32>
        %mul3A_475 = arith.constant 64 : i32
        %mul3A_476 = arith.muli %add3A_450, %mul3A_475 : i32
        %add3A_477 = arith.constant 48 : i32
        %add3A_478 = arith.addi %mul3A_476, %add3A_477 : i32
        %get3A_479 = arith.index_cast %add3A_450 : i32 to index
        %get3A_480 = arith.constant 48 : index
        %get3A_481 = tpu.vector_load %arg4[%get3A_479, %get3A_480] {strides = array<i32>} : memref<320x64xf32, #tpu.memory_space<vmem>>, vector<1x16xf32>,
        %get3A_482 = vector.shape_cast %get3A_481 : vector<1x16xf32> to vector<16xf32>
        %add3A_483 = arith.constant 5 : i32
        %add3A_484 = arith.addi %mul3A_250, %add3A_483 : i32
        %mul3A_485 = arith.constant 64 : i32
        %mul3A_486 = arith.muli %add3A_484, %mul3A_485 : i32
        %add3A_487 = arith.constant 0 : i32
        %add3A_488 = arith.addi %mul3A_486, %add3A_487 : i32
        %get3A_489 = arith.index_cast %add3A_484 : i32 to index
        %get3A_490 = arith.constant 0 : index
        %get3A_491 = tpu.vector_load %arg4[%get3A_489, %get3A_490] {strides = array<i32>} : memref<320x64xf32, #tpu.memory_space<vmem>>, vector<1x16xf32>,
        %get3A_492 = vector.shape_cast %get3A_491 : vector<1x16xf32> to vector<16xf32>
        %mul3A_493 = arith.constant 64 : i32
        %mul3A_494 = arith.muli %add3A_484, %mul3A_493 : i32
        %add3A_495 = arith.constant 16 : i32
        %add3A_496 = arith.addi %mul3A_494, %add3A_495 : i32
        %get3A_497 = arith.index_cast %add3A_484 : i32 to index
        %get3A_498 = arith.constant 16 : index
        %get3A_499 = tpu.vector_load %arg4[%get3A_497, %get3A_498] {strides = array<i32>} : memref<320x64xf32, #tpu.memory_space<vmem>>, vector<1x16xf32>,
        %get3A_500 = vector.shape_cast %get3A_499 : vector<1x16xf32> to vector<16xf32>
        %mul3A_501 = arith.constant 64 : i32
        %mul3A_502 = arith.muli %add3A_484, %mul3A_501 : i32
        %add3A_503 = arith.constant 32 : i32
        %add3A_504 = arith.addi %mul3A_502, %add3A_503 : i32
        %get3A_505 = arith.index_cast %add3A_484 : i32 to index
        %get3A_506 = arith.constant 32 : index
        %get3A_507 = tpu.vector_load %arg4[%get3A_505, %get3A_506] {strides = array<i32>} : memref<320x64xf32, #tpu.memory_space<vmem>>, vector<1x16xf32>,
        %get3A_508 = vector.shape_cast %get3A_507 : vector<1x16xf32> to vector<16xf32>
        %mul3A_509 = arith.constant 64 : i32
        %mul3A_510 = arith.muli %add3A_484, %mul3A_509 : i32
        %add3A_511 = arith.constant 48 : i32
        %add3A_512 = arith.addi %mul3A_510, %add3A_511 : i32
        %get3A_513 = arith.index_cast %add3A_484 : i32 to index
        %get3A_514 = arith.constant 48 : index
        %get3A_515 = tpu.vector_load %arg4[%get3A_513, %get3A_514] {strides = array<i32>} : memref<320x64xf32, #tpu.memory_space<vmem>>, vector<1x16xf32>,
        %get3A_516 = vector.shape_cast %get3A_515 : vector<1x16xf32> to vector<16xf32>
        %swap3A_517 = arith.index_cast %add3A_454 : i32 to index
        %swap3A_518 = tpu.vector_load %arg6[%swap3A_517] {strides = array<i32>} : memref<20480xf32, #tpu.memory_space<vmem>>, vector<16xf32>,
        %swap3A_519 = vector.shape_cast %swap3A_518 : vector<16xf32> to vector<16xf32>
        %swap3A_520 = vector.shape_cast %get3A_458 : vector<16xf32> to vector<16xf32>
        tpu.vector_store %arg6[%swap3A_517], %swap3A_520 {strides = array<i32>} : memref<20480xf32, #tpu.memory_space<vmem>>, vector<16xf32>,
        %swap3A_521 = arith.index_cast %add3A_462 : i32 to index
        %swap3A_522 = tpu.vector_load %arg6[%swap3A_521] {strides = array<i32>} : memref<20480xf32, #tpu.memory_space<vmem>>, vector<16xf32>,
        %swap3A_523 = vector.shape_cast %swap3A_522 : vector<16xf32> to vector<16xf32>
        %swap3A_524 = vector.shape_cast %get3A_466 : vector<16xf32> to vector<16xf32>
        tpu.vector_store %arg6[%swap3A_521], %swap3A_524 {strides = array<i32>} : memref<20480xf32, #tpu.memory_space<vmem>>, vector<16xf32>,
        %swap3A_525 = arith.index_cast %add3A_470 : i32 to index
        %swap3A_526 = tpu.vector_load %arg6[%swap3A_525] {strides = array<i32>} : memref<20480xf32, #tpu.memory_space<vmem>>, vector<16xf32>,
        %swap3A_527 = vector.shape_cast %swap3A_526 : vector<16xf32> to vector<16xf32>
        %swap3A_528 = vector.shape_cast %get3A_474 : vector<16xf32> to vector<16xf32>
        tpu.vector_store %arg6[%swap3A_525], %swap3A_528 {strides = array<i32>} : memref<20480xf32, #tpu.memory_space<vmem>>, vector<16xf32>,
        %swap3A_529 = arith.index_cast %add3A_478 : i32 to index
        %swap3A_530 = tpu.vector_load %arg6[%swap3A_529] {strides = array<i32>} : memref<20480xf32, #tpu.memory_space<vmem>>, vector<16xf32>,
        %swap3A_531 = vector.shape_cast %swap3A_530 : vector<16xf32> to vector<16xf32>
        %swap3A_532 = vector.shape_cast %get3A_482 : vector<16xf32> to vector<16xf32>
        tpu.vector_store %arg6[%swap3A_529], %swap3A_532 {strides = array<i32>} : memref<20480xf32, #tpu.memory_space<vmem>>, vector<16xf32>,
        %swap3A_533 = arith.index_cast %add3A_488 : i32 to index
        %swap3A_534 = tpu.vector_load %arg6[%swap3A_533] {strides = array<i32>} : memref<20480xf32, #tpu.memory_space<vmem>>, vector<16xf32>,
        %swap3A_535 = vector.shape_cast %swap3A_534 : vector<16xf32> to vector<16xf32>
        %swap3A_536 = vector.shape_cast %get3A_492 : vector<16xf32> to vector<16xf32>
        tpu.vector_store %arg6[%swap3A_533], %swap3A_536 {strides = array<i32>} : memref<20480xf32, #tpu.memory_space<vmem>>, vector<16xf32>,
        %swap3A_537 = arith.index_cast %add3A_496 : i32 to index
        %swap3A_538 = tpu.vector_load %arg6[%swap3A_537] {strides = array<i32>} : memref<20480xf32, #tpu.memory_space<vmem>>, vector<16xf32>,
        %swap3A_539 = vector.shape_cast %swap3A_538 : vector<16xf32> to vector<16xf32>
        %swap3A_540 = vector.shape_cast %get3A_500 : vector<16xf32> to vector<16xf32>
        tpu.vector_store %arg6[%swap3A_537], %swap3A_540 {strides = array<i32>} : memref<20480xf32, #tpu.memory_space<vmem>>, vector<16xf32>,
        %swap3A_541 = arith.index_cast %add3A_504 : i32 to index
        %swap3A_542 = tpu.vector_load %arg6[%swap3A_541] {strides = array<i32>} : memref<20480xf32, #tpu.memory_space<vmem>>, vector<16xf32>,
        %swap3A_543 = vector.shape_cast %swap3A_542 : vector<16xf32> to vector<16xf32>
        %swap3A_544 = vector.shape_cast %get3A_508 : vector<16xf32> to vector<16xf32>
        tpu.vector_store %arg6[%swap3A_541], %swap3A_544 {strides = array<i32>} : memref<20480xf32, #tpu.memory_space<vmem>>, vector<16xf32>,
        %swap3A_545 = arith.index_cast %add3A_512 : i32 to index
        %swap3A_546 = tpu.vector_load %arg6[%swap3A_545] {strides = array<i32>} : memref<20480xf32, #tpu.memory_space<vmem>>, vector<16xf32>,
        %swap3A_547 = vector.shape_cast %swap3A_546 : vector<16xf32> to vector<16xf32>
        %swap3A_548 = vector.shape_cast %get3A_516 : vector<16xf32> to vector<16xf32>
        tpu.vector_store %arg6[%swap3A_545], %swap3A_548 {strides = array<i32>} : memref<20480xf32, #tpu.memory_space<vmem>>, vector<16xf32>,
        %add3A_549 = arith.constant 6 : i32
        %add3A_550 = arith.addi %mul3A_250, %add3A_549 : i32
        %mul3A_551 = arith.constant 64 : i32
        %mul3A_552 = arith.muli %add3A_550, %mul3A_551 : i32
        %add3A_553 = arith.constant 0 : i32
        %add3A_554 = arith.addi %mul3A_552, %add3A_553 : i32
        %get3A_555 = arith.index_cast %add3A_550 : i32 to index
        %get3A_556 = arith.constant 0 : index
        %get3A_557 = tpu.vector_load %arg4[%get3A_555, %get3A_556] {strides = array<i32>} : memref<320x64xf32, #tpu.memory_space<vmem>>, vector<1x16xf32>,
        %get3A_558 = vector.shape_cast %get3A_557 : vector<1x16xf32> to vector<16xf32>
        %mul3A_559 = arith.constant 64 : i32
        %mul3A_560 = arith.muli %add3A_550, %mul3A_559 : i32
        %add3A_561 = arith.constant 16 : i32
        %add3A_562 = arith.addi %mul3A_560, %add3A_561 : i32
        %get3A_563 = arith.index_cast %add3A_550 : i32 to index
        %get3A_564 = arith.constant 16 : index
        %get3A_565 = tpu.vector_load %arg4[%get3A_563, %get3A_564] {strides = array<i32>} : memref<320x64xf32, #tpu.memory_space<vmem>>, vector<1x16xf32>,
        %get3A_566 = vector.shape_cast %get3A_565 : vector<1x16xf32> to vector<16xf32>
        %mul3A_567 = arith.constant 64 : i32
        %mul3A_568 = arith.muli %add3A_550, %mul3A_567 : i32
        %add3A_569 = arith.constant 32 : i32
        %add3A_570 = arith.addi %mul3A_568, %add3A_569 : i32
        %get3A_571 = arith.index_cast %add3A_550 : i32 to index
        %get3A_572 = arith.constant 32 : index
        %get3A_573 = tpu.vector_load %arg4[%get3A_571, %get3A_572] {strides = array<i32>} : memref<320x64xf32, #tpu.memory_space<vmem>>, vector<1x16xf32>,
        %get3A_574 = vector.shape_cast %get3A_573 : vector<1x16xf32> to vector<16xf32>
        %mul3A_575 = arith.constant 64 : i32
        %mul3A_576 = arith.muli %add3A_550, %mul3A_575 : i32
        %add3A_577 = arith.constant 48 : i32
        %add3A_578 = arith.addi %mul3A_576, %add3A_577 : i32
        %get3A_579 = arith.index_cast %add3A_550 : i32 to index
        %get3A_580 = arith.constant 48 : index
        %get3A_581 = tpu.vector_load %arg4[%get3A_579, %get3A_580] {strides = array<i32>} : memref<320x64xf32, #tpu.memory_space<vmem>>, vector<1x16xf32>,
        %get3A_582 = vector.shape_cast %get3A_581 : vector<1x16xf32> to vector<16xf32>
        %add3A_583 = arith.constant 7 : i32
        %add3A_584 = arith.addi %mul3A_250, %add3A_583 : i32
        %mul3A_585 = arith.constant 64 : i32
        %mul3A_586 = arith.muli %add3A_584, %mul3A_585 : i32
        %add3A_587 = arith.constant 0 : i32
        %add3A_588 = arith.addi %mul3A_586, %add3A_587 : i32
        %get3A_589 = arith.index_cast %add3A_584 : i32 to index
        %get3A_590 = arith.constant 0 : index
        %get3A_591 = tpu.vector_load %arg4[%get3A_589, %get3A_590] {strides = array<i32>} : memref<320x64xf32, #tpu.memory_space<vmem>>, vector<1x16xf32>,
        %get3A_592 = vector.shape_cast %get3A_591 : vector<1x16xf32> to vector<16xf32>
        %mul3A_593 = arith.constant 64 : i32
        %mul3A_594 = arith.muli %add3A_584, %mul3A_593 : i32
        %add3A_595 = arith.constant 16 : i32
        %add3A_596 = arith.addi %mul3A_594, %add3A_595 : i32
        %get3A_597 = arith.index_cast %add3A_584 : i32 to index
        %get3A_598 = arith.constant 16 : index
        %get3A_599 = tpu.vector_load %arg4[%get3A_597, %get3A_598] {strides = array<i32>} : memref<320x64xf32, #tpu.memory_space<vmem>>, vector<1x16xf32>,
        %get3A_600 = vector.shape_cast %get3A_599 : vector<1x16xf32> to vector<16xf32>
        %mul3A_601 = arith.constant 64 : i32
        %mul3A_602 = arith.muli %add3A_584, %mul3A_601 : i32
        %add3A_603 = arith.constant 32 : i32
        %add3A_604 = arith.addi %mul3A_602, %add3A_603 : i32
        %get3A_605 = arith.index_cast %add3A_584 : i32 to index
        %get3A_606 = arith.constant 32 : index
        %get3A_607 = tpu.vector_load %arg4[%get3A_605, %get3A_606] {strides = array<i32>} : memref<320x64xf32, #tpu.memory_space<vmem>>, vector<1x16xf32>,
        %get3A_608 = vector.shape_cast %get3A_607 : vector<1x16xf32> to vector<16xf32>
        %mul3A_609 = arith.constant 64 : i32
        %mul3A_610 = arith.muli %add3A_584, %mul3A_609 : i32
        %add3A_611 = arith.constant 48 : i32
        %add3A_612 = arith.addi %mul3A_610, %add3A_611 : i32
        %get3A_613 = arith.index_cast %add3A_584 : i32 to index
        %get3A_614 = arith.constant 48 : index
        %get3A_615 = tpu.vector_load %arg4[%get3A_613, %get3A_614] {strides = array<i32>} : memref<320x64xf32, #tpu.memory_space<vmem>>, vector<1x16xf32>,
        %get3A_616 = vector.shape_cast %get3A_615 : vector<1x16xf32> to vector<16xf32>
        %swap3A_617 = arith.index_cast %add3A_554 : i32 to index
        %swap3A_618 = tpu.vector_load %arg6[%swap3A_617] {strides = array<i32>} : memref<20480xf32, #tpu.memory_space<vmem>>, vector<16xf32>,
        %swap3A_619 = vector.shape_cast %swap3A_618 : vector<16xf32> to vector<16xf32>
        %swap3A_620 = vector.shape_cast %get3A_558 : vector<16xf32> to vector<16xf32>
        tpu.vector_store %arg6[%swap3A_617], %swap3A_620 {strides = array<i32>} : memref<20480xf32, #tpu.memory_space<vmem>>, vector<16xf32>,
        %swap3A_621 = arith.index_cast %add3A_562 : i32 to index
        %swap3A_622 = tpu.vector_load %arg6[%swap3A_621] {strides = array<i32>} : memref<20480xf32, #tpu.memory_space<vmem>>, vector<16xf32>,
        %swap3A_623 = vector.shape_cast %swap3A_622 : vector<16xf32> to vector<16xf32>
        %swap3A_624 = vector.shape_cast %get3A_566 : vector<16xf32> to vector<16xf32>
        tpu.vector_store %arg6[%swap3A_621], %swap3A_624 {strides = array<i32>} : memref<20480xf32, #tpu.memory_space<vmem>>, vector<16xf32>,
        %swap3A_625 = arith.index_cast %add3A_570 : i32 to index
        %swap3A_626 = tpu.vector_load %arg6[%swap3A_625] {strides = array<i32>} : memref<20480xf32, #tpu.memory_space<vmem>>, vector<16xf32>,
        %swap3A_627 = vector.shape_cast %swap3A_626 : vector<16xf32> to vector<16xf32>
        %swap3A_628 = vector.shape_cast %get3A_574 : vector<16xf32> to vector<16xf32>
        tpu.vector_store %arg6[%swap3A_625], %swap3A_628 {strides = array<i32>} : memref<20480xf32, #tpu.memory_space<vmem>>, vector<16xf32>,
        %swap3A_629 = arith.index_cast %add3A_578 : i32 to index
        %swap3A_630 = tpu.vector_load %arg6[%swap3A_629] {strides = array<i32>} : memref<20480xf32, #tpu.memory_space<vmem>>, vector<16xf32>,
        %swap3A_631 = vector.shape_cast %swap3A_630 : vector<16xf32> to vector<16xf32>
        %swap3A_632 = vector.shape_cast %get3A_582 : vector<16xf32> to vector<16xf32>
        tpu.vector_store %arg6[%swap3A_629], %swap3A_632 {strides = array<i32>} : memref<20480xf32, #tpu.memory_space<vmem>>, vector<16xf32>,
        %swap3A_633 = arith.index_cast %add3A_588 : i32 to index
        %swap3A_634 = tpu.vector_load %arg6[%swap3A_633] {strides = array<i32>} : memref<20480xf32, #tpu.memory_space<vmem>>, vector<16xf32>,
        %swap3A_635 = vector.shape_cast %swap3A_634 : vector<16xf32> to vector<16xf32>
        %swap3A_636 = vector.shape_cast %get3A_592 : vector<16xf32> to vector<16xf32>
        tpu.vector_store %arg6[%swap3A_633], %swap3A_636 {strides = array<i32>} : memref<20480xf32, #tpu.memory_space<vmem>>, vector<16xf32>,
        %swap3A_637 = arith.index_cast %add3A_596 : i32 to index
        %swap3A_638 = tpu.vector_load %arg6[%swap3A_637] {strides = array<i32>} : memref<20480xf32, #tpu.memory_space<vmem>>, vector<16xf32>,
        %swap3A_639 = vector.shape_cast %swap3A_638 : vector<16xf32> to vector<16xf32>
        %swap3A_640 = vector.shape_cast %get3A_600 : vector<16xf32> to vector<16xf32>
        tpu.vector_store %arg6[%swap3A_637], %swap3A_640 {strides = array<i32>} : memref<20480xf32, #tpu.memory_space<vmem>>, vector<16xf32>,
        %swap3A_641 = arith.index_cast %add3A_604 : i32 to index
        %swap3A_642 = tpu.vector_load %arg6[%swap3A_641] {strides = array<i32>} : memref<20480xf32, #tpu.memory_space<vmem>>, vector<16xf32>,
        %swap3A_643 = vector.shape_cast %swap3A_642 : vector<16xf32> to vector<16xf32>
        %swap3A_644 = vector.shape_cast %get3A_608 : vector<16xf32> to vector<16xf32>
        tpu.vector_store %arg6[%swap3A_641], %swap3A_644 {strides = array<i32>} : memref<20480xf32, #tpu.memory_space<vmem>>, vector<16xf32>,
        %swap3A_645 = arith.index_cast %add3A_612 : i32 to index
        %swap3A_646 = tpu.vector_load %arg6[%swap3A_645] {strides = array<i32>} : memref<20480xf32, #tpu.memory_space<vmem>>, vector<16xf32>,
        %swap3A_647 = vector.shape_cast %swap3A_646 : vector<16xf32> to vector<16xf32>
        %swap3A_648 = vector.shape_cast %get3A_616 : vector<16xf32> to vector<16xf32>
        tpu.vector_store %arg6[%swap3A_645], %swap3A_648 {strides = array<i32>} : memref<20480xf32, #tpu.memory_space<vmem>>, vector<16xf32>,
      }
      %scan3A_173 = arith.constant 40 : i32
      %mul3A_174 = arith.constant 32 : i32
      %mul3A_175 = arith.muli %add3A_128, %mul3A_174 : i32
      %add3A_176 = arith.addi %add3A, %mul3A_175 : i32
      %min3A_177 = arith.constant 3124 : i32
      %min3A_178 = arith.minsi %add3A_176, %min3A_177 : i32
      %mul3A_179 = arith.constant 320 : i32
      %mul3A_180 = arith.muli %min3A_178, %mul3A_179 : i32
      %multiple_of3A_181 = tpu.assume_multiple %mul3A_180, 8 : i32
      %mul3A_182 = arith.constant 64 : i32
      %mul3A_183 = arith.muli %multiple_of3A_181, %mul3A_182 : i32
      %dma_start3A_184 = tpu.memref_slice %arg3[%mul3A_183] : memref<64000000xf32, #tpu.memory_space<hbm>> -> memref<20480xf32, #tpu.memory_space<hbm>>
      %dma_start3A_185 = tpu.memref_slice %arg3[%mul3A_183] : memref<64000000xf32, #tpu.memory_space<hbm>> -> memref<20480xf32, #tpu.memory_space<hbm>>
      tpu.enqueue_dma source(%arg6 : memref<20480xf32, #tpu.memory_space<vmem>>) target(%dma_start3A_185 : memref<20480xf32, #tpu.memory_space<hbm>>) target_semaphore(%arg10 : memref<!tpu.dma_semaphore, #tpu.memory_space<semaphore_mem>>)
      %mul3A_186 = arith.constant 2 : i32
      %mul3A_187 = arith.muli %scan3A_124, %mul3A_186 : i32
      %add3A_188 = arith.constant 1 : i32
      %add3A_189 = arith.addi %mul3A_187, %add3A_188 : i32
      %mul3A_190 = arith.constant 32 : i32
      %mul3A_191 = arith.muli %add3A_189, %mul3A_190 : i32
      %add3A_192 = arith.addi %add3A, %mul3A_191 : i32
      %min3A_193 = arith.constant 3124 : i32
      %min3A_194 = arith.minsi %add3A_192, %min3A_193 : i32
      %mul3A_195 = arith.constant 320 : i32
      %mul3A_196 = arith.muli %min3A_194, %mul3A_195 : i32
      %multiple_of3A_197 = tpu.assume_multiple %mul3A_196, 8 : i32
      %dma_wait3A_198 = arith.constant 0 : i32
      %dma_wait3A_199 = tpu.memref_slice %arg2[%multiple_of3A_197, %dma_wait3A_198] : memref<1000000x64xf32, #tpu.memory_space<hbm>> -> memref<320x64xf32, #tpu.memory_space<hbm>>
      %dma_wait3A_200 = arith.constant 0 : i32
      %dma_wait3A_201 = tpu.memref_slice %arg2[%multiple_of3A_197, %dma_wait3A_200] : memref<1000000x64xf32, #tpu.memory_space<hbm>> -> memref<320x64xf32, #tpu.memory_space<hbm>>
      tpu.wait_dma2 semaphore(%arg9 : memref<!tpu.dma_semaphore, #tpu.memory_space<semaphore_mem>>) src(%dma_wait3A_201 : memref<320x64xf32, #tpu.memory_space<hbm>>) dst(%arg5 : memref<320x64xf32, #tpu.memory_space<vmem>>)
      %add3A_202 = arith.constant 1 : i32
      %add3A_203 = arith.addi %add3A_189, %add3A_202 : i32
      %mul3A_204 = arith.constant 32 : i32
      %mul3A_205 = arith.muli %add3A_203, %mul3A_204 : i32
      %add3A_206 = arith.addi %add3A, %mul3A_205 : i32
      %min3A_207 = arith.constant 3124 : i32
      %min3A_208 = arith.minsi %add3A_206, %min3A_207 : i32
      %mul3A_209 = arith.constant 320 : i32
      %mul3A_210 = arith.muli %min3A_208, %mul3A_209 : i32
      %multiple_of3A_211 = tpu.assume_multiple %mul3A_210, 8 : i32
      %dma_start3A_212 = arith.constant 0 : i32
      %dma_start3A_213 = tpu.memref_slice %arg2[%multiple_of3A_211, %dma_start3A_212] : memref<1000000x64xf32, #tpu.memory_space<hbm>> -> memref<320x64xf32, #tpu.memory_space<hbm>>
      %dma_start3A_214 = arith.constant 0 : i32
      %dma_start3A_215 = tpu.memref_slice %arg2[%multiple_of3A_211, %dma_start3A_214] : memref<1000000x64xf32, #tpu.memory_space<hbm>> -> memref<320x64xf32, #tpu.memory_space<hbm>>
      tpu.enqueue_dma source(%dma_start3A_215 : memref<320x64xf32, #tpu.memory_space<hbm>>) target(%arg4 : memref<320x64xf32, #tpu.memory_space<vmem>>) target_semaphore(%arg8 : memref<!tpu.dma_semaphore, #tpu.memory_space<semaphore_mem>>)
      %sub3A_216 = arith.constant 2 : i32
      %sub3A_217 = arith.subi %add3A_189, %sub3A_216 : i32
      %mul3A_218 = arith.constant 32 : i32
      %mul3A_219 = arith.muli %sub3A_217, %mul3A_218 : i32
      %add3A_220 = arith.addi %add3A, %mul3A_219 : i32
      %min3A_221 = arith.constant 3124 : i32
      %min3A_222 = arith.minsi %add3A_220, %min3A_221 : i32
      %mul3A_223 = arith.constant 320 : i32
      %mul3A_224 = arith.muli %min3A_222, %mul3A_223 : i32
      %multiple_of3A_225 = tpu.assume_multiple %mul3A_224, 8 : i32
      %mul3A_226 = arith.constant 64 : i32
      %mul3A_227 = arith.muli %multiple_of3A_225, %mul3A_226 : i32
      %dma_wait3A_228 = tpu.memref_slice %arg3[%mul3A_227] : memref<64000000xf32, #tpu.memory_space<hbm>> -> memref<20480xf32, #tpu.memory_space<hbm>>
      %dma_wait3A_229 = tpu.memref_slice %arg3[%mul3A_227] : memref<64000000xf32, #tpu.memory_space<hbm>> -> memref<20480xf32, #tpu.memory_space<hbm>>
      tpu.wait_dma2 semaphore(%arg11 : memref<!tpu.dma_semaphore, #tpu.memory_space<semaphore_mem>>) src(%arg7 : memref<20480xf32, #tpu.memory_space<vmem>>) dst(%dma_wait3A_229 : memref<20480xf32, #tpu.memory_space<hbm>>)
      %scan3A_230 = arith.constant 0 : i32
      %scan3A_231 = arith.constant 0 : i32
      %scan3A_232 = arith.constant 40 : i32
      %scan3A_233 = arith.addi %scan3A_231, %scan3A_232 : i32
      %scan3A_234 = arith.constant 1 : i32
      scf.for %scan3A_248 = %scan3A_231 to %scan3A_233 step %scan3A_234  : i32 {
        %mul3A_249 = arith.constant 8 : i32
        %mul3A_250 = arith.muli %scan3A_248, %mul3A_249 : i32
        %add3A_251 = arith.constant 0 : i32
        %add3A_252 = arith.addi %mul3A_250, %add3A_251 : i32
        %mul3A_253 = arith.constant 64 : i32
        %mul3A_254 = arith.muli %add3A_252, %mul3A_253 : i32
        %add3A_255 = arith.constant 0 : i32
        %add3A_256 = arith.addi %mul3A_254, %add3A_255 : i32
        %get3A = arith.index_cast %add3A_252 : i32 to index
        %get3A_257 = arith.constant 0 : index
        %get3A_258 = tpu.vector_load %arg5[%get3A, %get3A_257] {strides = array<i32>} : memref<320x64xf32, #tpu.memory_space<vmem>>, vector<1x16xf32>,
        %get3A_259 = vector.shape_cast %get3A_258 : vector<1x16xf32> to vector<16xf32>
        %mul3A_260 = arith.constant 64 : i32
        %mul3A_261 = arith.muli %add3A_252, %mul3A_260 : i32
        %add3A_262 = arith.constant 16 : i32
        %add3A_263 = arith.addi %mul3A_261, %add3A_262 : i32
        %get3A_264 = arith.index_cast %add3A_252 : i32 to index
        %get3A_265 = arith.constant 16 : index
        %get3A_266 = tpu.vector_load %arg5[%get3A_264, %get3A_265] {strides = array<i32>} : memref<320x64xf32, #tpu.memory_space<vmem>>, vector<1x16xf32>,
        %get3A_267 = vector.shape_cast %get3A_266 : vector<1x16xf32> to vector<16xf32>
        %mul3A_268 = arith.constant 64 : i32
        %mul3A_269 = arith.muli %add3A_252, %mul3A_268 : i32
        %add3A_270 = arith.constant 32 : i32
        %add3A_271 = arith.addi %mul3A_269, %add3A_270 : i32
        %get3A_272 = arith.index_cast %add3A_252 : i32 to index
        %get3A_273 = arith.constant 32 : index
        %get3A_274 = tpu.vector_load %arg5[%get3A_272, %get3A_273] {strides = array<i32>} : memref<320x64xf32, #tpu.memory_space<vmem>>, vector<1x16xf32>,
        %get3A_275 = vector.shape_cast %get3A_274 : vector<1x16xf32> to vector<16xf32>
        %mul3A_276 = arith.constant 64 : i32
        %mul3A_277 = arith.muli %add3A_252, %mul3A_276 : i32
        %add3A_278 = arith.constant 48 : i32
        %add3A_279 = arith.addi %mul3A_277, %add3A_278 : i32
        %get3A_280 = arith.index_cast %add3A_252 : i32 to index
        %get3A_281 = arith.constant 48 : index
        %get3A_282 = tpu.vector_load %arg5[%get3A_280, %get3A_281] {strides = array<i32>} : memref<320x64xf32, #tpu.memory_space<vmem>>, vector<1x16xf32>,
        %get3A_283 = vector.shape_cast %get3A_282 : vector<1x16xf32> to vector<16xf32>
        %add3A_284 = arith.constant 1 : i32
        %add3A_285 = arith.addi %mul3A_250, %add3A_284 : i32
        %mul3A_286 = arith.constant 64 : i32
        %mul3A_287 = arith.muli %add3A_285, %mul3A_286 : i32
        %add3A_288 = arith.constant 0 : i32
        %add3A_289 = arith.addi %mul3A_287, %add3A_288 : i32
        %get3A_290 = arith.index_cast %add3A_285 : i32 to index
        %get3A_291 = arith.constant 0 : index
        %get3A_292 = tpu.vector_load %arg5[%get3A_290, %get3A_291] {strides = array<i32>} : memref<320x64xf32, #tpu.memory_space<vmem>>, vector<1x16xf32>,
        %get3A_293 = vector.shape_cast %get3A_292 : vector<1x16xf32> to vector<16xf32>
        %mul3A_294 = arith.constant 64 : i32
        %mul3A_295 = arith.muli %add3A_285, %mul3A_294 : i32
        %add3A_296 = arith.constant 16 : i32
        %add3A_297 = arith.addi %mul3A_295, %add3A_296 : i32
        %get3A_298 = arith.index_cast %add3A_285 : i32 to index
        %get3A_299 = arith.constant 16 : index
        %get3A_300 = tpu.vector_load %arg5[%get3A_298, %get3A_299] {strides = array<i32>} : memref<320x64xf32, #tpu.memory_space<vmem>>, vector<1x16xf32>,
        %get3A_301 = vector.shape_cast %get3A_300 : vector<1x16xf32> to vector<16xf32>
        %mul3A_302 = arith.constant 64 : i32
        %mul3A_303 = arith.muli %add3A_285, %mul3A_302 : i32
        %add3A_304 = arith.constant 32 : i32
        %add3A_305 = arith.addi %mul3A_303, %add3A_304 : i32
        %get3A_306 = arith.index_cast %add3A_285 : i32 to index
        %get3A_307 = arith.constant 32 : index
        %get3A_308 = tpu.vector_load %arg5[%get3A_306, %get3A_307] {strides = array<i32>} : memref<320x64xf32, #tpu.memory_space<vmem>>, vector<1x16xf32>,
        %get3A_309 = vector.shape_cast %get3A_308 : vector<1x16xf32> to vector<16xf32>
        %mul3A_310 = arith.constant 64 : i32
        %mul3A_311 = arith.muli %add3A_285, %mul3A_310 : i32
        %add3A_312 = arith.constant 48 : i32
        %add3A_313 = arith.addi %mul3A_311, %add3A_312 : i32
        %get3A_314 = arith.index_cast %add3A_285 : i32 to index
        %get3A_315 = arith.constant 48 : index
        %get3A_316 = tpu.vector_load %arg5[%get3A_314, %get3A_315] {strides = array<i32>} : memref<320x64xf32, #tpu.memory_space<vmem>>, vector<1x16xf32>,
        %get3A_317 = vector.shape_cast %get3A_316 : vector<1x16xf32> to vector<16xf32>
        %swap3A = arith.index_cast %add3A_256 : i32 to index
        %swap3A_318 = tpu.vector_load %arg7[%swap3A] {strides = array<i32>} : memref<20480xf32, #tpu.memory_space<vmem>>, vector<16xf32>,
        %swap3A_319 = vector.shape_cast %swap3A_318 : vector<16xf32> to vector<16xf32>
        %swap3A_320 = vector.shape_cast %get3A_259 : vector<16xf32> to vector<16xf32>
        tpu.vector_store %arg7[%swap3A], %swap3A_320 {strides = array<i32>} : memref<20480xf32, #tpu.memory_space<vmem>>, vector<16xf32>,
        %swap3A_321 = arith.index_cast %add3A_263 : i32 to index
        %swap3A_322 = tpu.vector_load %arg7[%swap3A_321] {strides = array<i32>} : memref<20480xf32, #tpu.memory_space<vmem>>, vector<16xf32>,
        %swap3A_323 = vector.shape_cast %swap3A_322 : vector<16xf32> to vector<16xf32>
        %swap3A_324 = vector.shape_cast %get3A_267 : vector<16xf32> to vector<16xf32>
        tpu.vector_store %arg7[%swap3A_321], %swap3A_324 {strides = array<i32>} : memref<20480xf32, #tpu.memory_space<vmem>>, vector<16xf32>,
        %swap3A_325 = arith.index_cast %add3A_271 : i32 to index
        %swap3A_326 = tpu.vector_load %arg7[%swap3A_325] {strides = array<i32>} : memref<20480xf32, #tpu.memory_space<vmem>>, vector<16xf32>,
        %swap3A_327 = vector.shape_cast %swap3A_326 : vector<16xf32> to vector<16xf32>
        %swap3A_328 = vector.shape_cast %get3A_275 : vector<16xf32> to vector<16xf32>
        tpu.vector_store %arg7[%swap3A_325], %swap3A_328 {strides = array<i32>} : memref<20480xf32, #tpu.memory_space<vmem>>, vector<16xf32>,
        %swap3A_329 = arith.index_cast %add3A_279 : i32 to index
        %swap3A_330 = tpu.vector_load %arg7[%swap3A_329] {strides = array<i32>} : memref<20480xf32, #tpu.memory_space<vmem>>, vector<16xf32>,
        %swap3A_331 = vector.shape_cast %swap3A_330 : vector<16xf32> to vector<16xf32>
        %swap3A_332 = vector.shape_cast %get3A_283 : vector<16xf32> to vector<16xf32>
        tpu.vector_store %arg7[%swap3A_329], %swap3A_332 {strides = array<i32>} : memref<20480xf32, #tpu.memory_space<vmem>>, vector<16xf32>,
        %swap3A_333 = arith.index_cast %add3A_289 : i32 to index
        %swap3A_334 = tpu.vector_load %arg7[%swap3A_333] {strides = array<i32>} : memref<20480xf32, #tpu.memory_space<vmem>>, vector<16xf32>,
        %swap3A_335 = vector.shape_cast %swap3A_334 : vector<16xf32> to vector<16xf32>
        %swap3A_336 = vector.shape_cast %get3A_293 : vector<16xf32> to vector<16xf32>
        tpu.vector_store %arg7[%swap3A_333], %swap3A_336 {strides = array<i32>} : memref<20480xf32, #tpu.memory_space<vmem>>, vector<16xf32>,
        %swap3A_337 = arith.index_cast %add3A_297 : i32 to index
        %swap3A_338 = tpu.vector_load %arg7[%swap3A_337] {strides = array<i32>} : memref<20480xf32, #tpu.memory_space<vmem>>, vector<16xf32>,
        %swap3A_339 = vector.shape_cast %swap3A_338 : vector<16xf32> to vector<16xf32>
        %swap3A_340 = vector.shape_cast %get3A_301 : vector<16xf32> to vector<16xf32>
        tpu.vector_store %arg7[%swap3A_337], %swap3A_340 {strides = array<i32>} : memref<20480xf32, #tpu.memory_space<vmem>>, vector<16xf32>,
        %swap3A_341 = arith.index_cast %add3A_305 : i32 to index
        %swap3A_342 = tpu.vector_load %arg7[%swap3A_341] {strides = array<i32>} : memref<20480xf32, #tpu.memory_space<vmem>>, vector<16xf32>,
        %swap3A_343 = vector.shape_cast %swap3A_342 : vector<16xf32> to vector<16xf32>
        %swap3A_344 = vector.shape_cast %get3A_309 : vector<16xf32> to vector<16xf32>
        tpu.vector_store %arg7[%swap3A_341], %swap3A_344 {strides = array<i32>} : memref<20480xf32, #tpu.memory_space<vmem>>, vector<16xf32>,
        %swap3A_345 = arith.index_cast %add3A_313 : i32 to index
        %swap3A_346 = tpu.vector_load %arg7[%swap3A_345] {strides = array<i32>} : memref<20480xf32, #tpu.memory_space<vmem>>, vector<16xf32>,
        %swap3A_347 = vector.shape_cast %swap3A_346 : vector<16xf32> to vector<16xf32>
        %swap3A_348 = vector.shape_cast %get3A_317 : vector<16xf32> to vector<16xf32>
        tpu.vector_store %arg7[%swap3A_345], %swap3A_348 {strides = array<i32>} : memref<20480xf32, #tpu.memory_space<vmem>>, vector<16xf32>,
        %add3A_349 = arith.constant 2 : i32
        %add3A_350 = arith.addi %mul3A_250, %add3A_349 : i32
        %mul3A_351 = arith.constant 64 : i32
        %mul3A_352 = arith.muli %add3A_350, %mul3A_351 : i32
        %add3A_353 = arith.constant 0 : i32
        %add3A_354 = arith.addi %mul3A_352, %add3A_353 : i32
        %get3A_355 = arith.index_cast %add3A_350 : i32 to index
        %get3A_356 = arith.constant 0 : index
        %get3A_357 = tpu.vector_load %arg5[%get3A_355, %get3A_356] {strides = array<i32>} : memref<320x64xf32, #tpu.memory_space<vmem>>, vector<1x16xf32>,
        %get3A_358 = vector.shape_cast %get3A_357 : vector<1x16xf32> to vector<16xf32>
        %mul3A_359 = arith.constant 64 : i32
        %mul3A_360 = arith.muli %add3A_350, %mul3A_359 : i32
        %add3A_361 = arith.constant 16 : i32
        %add3A_362 = arith.addi %mul3A_360, %add3A_361 : i32
        %get3A_363 = arith.index_cast %add3A_350 : i32 to index
        %get3A_364 = arith.constant 16 : index
        %get3A_365 = tpu.vector_load %arg5[%get3A_363, %get3A_364] {strides = array<i32>} : memref<320x64xf32, #tpu.memory_space<vmem>>, vector<1x16xf32>,
        %get3A_366 = vector.shape_cast %get3A_365 : vector<1x16xf32> to vector<16xf32>
        %mul3A_367 = arith.constant 64 : i32
        %mul3A_368 = arith.muli %add3A_350, %mul3A_367 : i32
        %add3A_369 = arith.constant 32 : i32
        %add3A_370 = arith.addi %mul3A_368, %add3A_369 : i32
        %get3A_371 = arith.index_cast %add3A_350 : i32 to index
        %get3A_372 = arith.constant 32 : index
        %get3A_373 = tpu.vector_load %arg5[%get3A_371, %get3A_372] {strides = array<i32>} : memref<320x64xf32, #tpu.memory_space<vmem>>, vector<1x16xf32>,
        %get3A_374 = vector.shape_cast %get3A_373 : vector<1x16xf32> to vector<16xf32>
        %mul3A_375 = arith.constant 64 : i32
        %mul3A_376 = arith.muli %add3A_350, %mul3A_375 : i32
        %add3A_377 = arith.constant 48 : i32
        %add3A_378 = arith.addi %mul3A_376, %add3A_377 : i32
        %get3A_379 = arith.index_cast %add3A_350 : i32 to index
        %get3A_380 = arith.constant 48 : index
        %get3A_381 = tpu.vector_load %arg5[%get3A_379, %get3A_380] {strides = array<i32>} : memref<320x64xf32, #tpu.memory_space<vmem>>, vector<1x16xf32>,
        %get3A_382 = vector.shape_cast %get3A_381 : vector<1x16xf32> to vector<16xf32>
        %add3A_383 = arith.constant 3 : i32
        %add3A_384 = arith.addi %mul3A_250, %add3A_383 : i32
        %mul3A_385 = arith.constant 64 : i32
        %mul3A_386 = arith.muli %add3A_384, %mul3A_385 : i32
        %add3A_387 = arith.constant 0 : i32
        %add3A_388 = arith.addi %mul3A_386, %add3A_387 : i32
        %get3A_389 = arith.index_cast %add3A_384 : i32 to index
        %get3A_390 = arith.constant 0 : index
        %get3A_391 = tpu.vector_load %arg5[%get3A_389, %get3A_390] {strides = array<i32>} : memref<320x64xf32, #tpu.memory_space<vmem>>, vector<1x16xf32>,
        %get3A_392 = vector.shape_cast %get3A_391 : vector<1x16xf32> to vector<16xf32>
        %mul3A_393 = arith.constant 64 : i32
        %mul3A_394 = arith.muli %add3A_384, %mul3A_393 : i32
        %add3A_395 = arith.constant 16 : i32
        %add3A_396 = arith.addi %mul3A_394, %add3A_395 : i32
        %get3A_397 = arith.index_cast %add3A_384 : i32 to index
        %get3A_398 = arith.constant 16 : index
        %get3A_399 = tpu.vector_load %arg5[%get3A_397, %get3A_398] {strides = array<i32>} : memref<320x64xf32, #tpu.memory_space<vmem>>, vector<1x16xf32>,
        %get3A_400 = vector.shape_cast %get3A_399 : vector<1x16xf32> to vector<16xf32>
        %mul3A_401 = arith.constant 64 : i32
        %mul3A_402 = arith.muli %add3A_384, %mul3A_401 : i32
        %add3A_403 = arith.constant 32 : i32
        %add3A_404 = arith.addi %mul3A_402, %add3A_403 : i32
        %get3A_405 = arith.index_cast %add3A_384 : i32 to index
        %get3A_406 = arith.constant 32 : index
        %get3A_407 = tpu.vector_load %arg5[%get3A_405, %get3A_406] {strides = array<i32>} : memref<320x64xf32, #tpu.memory_space<vmem>>, vector<1x16xf32>,
        %get3A_408 = vector.shape_cast %get3A_407 : vector<1x16xf32> to vector<16xf32>
        %mul3A_409 = arith.constant 64 : i32
        %mul3A_410 = arith.muli %add3A_384, %mul3A_409 : i32
        %add3A_411 = arith.constant 48 : i32
        %add3A_412 = arith.addi %mul3A_410, %add3A_411 : i32
        %get3A_413 = arith.index_cast %add3A_384 : i32 to index
        %get3A_414 = arith.constant 48 : index
        %get3A_415 = tpu.vector_load %arg5[%get3A_413, %get3A_414] {strides = array<i32>} : memref<320x64xf32, #tpu.memory_space<vmem>>, vector<1x16xf32>,
        %get3A_416 = vector.shape_cast %get3A_415 : vector<1x16xf32> to vector<16xf32>
        %swap3A_417 = arith.index_cast %add3A_354 : i32 to index
        %swap3A_418 = tpu.vector_load %arg7[%swap3A_417] {strides = array<i32>} : memref<20480xf32, #tpu.memory_space<vmem>>, vector<16xf32>,
        %swap3A_419 = vector.shape_cast %swap3A_418 : vector<16xf32> to vector<16xf32>
        %swap3A_420 = vector.shape_cast %get3A_358 : vector<16xf32> to vector<16xf32>
        tpu.vector_store %arg7[%swap3A_417], %swap3A_420 {strides = array<i32>} : memref<20480xf32, #tpu.memory_space<vmem>>, vector<16xf32>,
        %swap3A_421 = arith.index_cast %add3A_362 : i32 to index
        %swap3A_422 = tpu.vector_load %arg7[%swap3A_421] {strides = array<i32>} : memref<20480xf32, #tpu.memory_space<vmem>>, vector<16xf32>,
        %swap3A_423 = vector.shape_cast %swap3A_422 : vector<16xf32> to vector<16xf32>
        %swap3A_424 = vector.shape_cast %get3A_366 : vector<16xf32> to vector<16xf32>
        tpu.vector_store %arg7[%swap3A_421], %swap3A_424 {strides = array<i32>} : memref<20480xf32, #tpu.memory_space<vmem>>, vector<16xf32>,
        %swap3A_425 = arith.index_cast %add3A_370 : i32 to index
        %swap3A_426 = tpu.vector_load %arg7[%swap3A_425] {strides = array<i32>} : memref<20480xf32, #tpu.memory_space<vmem>>, vector<16xf32>,
        %swap3A_427 = vector.shape_cast %swap3A_426 : vector<16xf32> to vector<16xf32>
        %swap3A_428 = vector.shape_cast %get3A_374 : vector<16xf32> to vector<16xf32>
        tpu.vector_store %arg7[%swap3A_425], %swap3A_428 {strides = array<i32>} : memref<20480xf32, #tpu.memory_space<vmem>>, vector<16xf32>,
        %swap3A_429 = arith.index_cast %add3A_378 : i32 to index
        %swap3A_430 = tpu.vector_load %arg7[%swap3A_429] {strides = array<i32>} : memref<20480xf32, #tpu.memory_space<vmem>>, vector<16xf32>,
        %swap3A_431 = vector.shape_cast %swap3A_430 : vector<16xf32> to vector<16xf32>
        %swap3A_432 = vector.shape_cast %get3A_382 : vector<16xf32> to vector<16xf32>
        tpu.vector_store %arg7[%swap3A_429], %swap3A_432 {strides = array<i32>} : memref<20480xf32, #tpu.memory_space<vmem>>, vector<16xf32>,
        %swap3A_433 = arith.index_cast %add3A_388 : i32 to index
        %swap3A_434 = tpu.vector_load %arg7[%swap3A_433] {strides = array<i32>} : memref<20480xf32, #tpu.memory_space<vmem>>, vector<16xf32>,
        %swap3A_435 = vector.shape_cast %swap3A_434 : vector<16xf32> to vector<16xf32>
        %swap3A_436 = vector.shape_cast %get3A_392 : vector<16xf32> to vector<16xf32>
        tpu.vector_store %arg7[%swap3A_433], %swap3A_436 {strides = array<i32>} : memref<20480xf32, #tpu.memory_space<vmem>>, vector<16xf32>,
        %swap3A_437 = arith.index_cast %add3A_396 : i32 to index
        %swap3A_438 = tpu.vector_load %arg7[%swap3A_437] {strides = array<i32>} : memref<20480xf32, #tpu.memory_space<vmem>>, vector<16xf32>,
        %swap3A_439 = vector.shape_cast %swap3A_438 : vector<16xf32> to vector<16xf32>
        %swap3A_440 = vector.shape_cast %get3A_400 : vector<16xf32> to vector<16xf32>
        tpu.vector_store %arg7[%swap3A_437], %swap3A_440 {strides = array<i32>} : memref<20480xf32, #tpu.memory_space<vmem>>, vector<16xf32>,
        %swap3A_441 = arith.index_cast %add3A_404 : i32 to index
        %swap3A_442 = tpu.vector_load %arg7[%swap3A_441] {strides = array<i32>} : memref<20480xf32, #tpu.memory_space<vmem>>, vector<16xf32>,
        %swap3A_443 = vector.shape_cast %swap3A_442 : vector<16xf32> to vector<16xf32>
        %swap3A_444 = vector.shape_cast %get3A_408 : vector<16xf32> to vector<16xf32>
        tpu.vector_store %arg7[%swap3A_441], %swap3A_444 {strides = array<i32>} : memref<20480xf32, #tpu.memory_space<vmem>>, vector<16xf32>,
        %swap3A_445 = arith.index_cast %add3A_412 : i32 to index
        %swap3A_446 = tpu.vector_load %arg7[%swap3A_445] {strides = array<i32>} : memref<20480xf32, #tpu.memory_space<vmem>>, vector<16xf32>,
        %swap3A_447 = vector.shape_cast %swap3A_446 : vector<16xf32> to vector<16xf32>
        %swap3A_448 = vector.shape_cast %get3A_416 : vector<16xf32> to vector<16xf32>
        tpu.vector_store %arg7[%swap3A_445], %swap3A_448 {strides = array<i32>} : memref<20480xf32, #tpu.memory_space<vmem>>, vector<16xf32>,
        %add3A_449 = arith.constant 4 : i32
        %add3A_450 = arith.addi %mul3A_250, %add3A_449 : i32
        %mul3A_451 = arith.constant 64 : i32
        %mul3A_452 = arith.muli %add3A_450, %mul3A_451 : i32
        %add3A_453 = arith.constant 0 : i32
        %add3A_454 = arith.addi %mul3A_452, %add3A_453 : i32
        %get3A_455 = arith.index_cast %add3A_450 : i32 to index
        %get3A_456 = arith.constant 0 : index
        %get3A_457 = tpu.vector_load %arg5[%get3A_455, %get3A_456] {strides = array<i32>} : memref<320x64xf32, #tpu.memory_space<vmem>>, vector<1x16xf32>,
        %get3A_458 = vector.shape_cast %get3A_457 : vector<1x16xf32> to vector<16xf32>
        %mul3A_459 = arith.constant 64 : i32
        %mul3A_460 = arith.muli %add3A_450, %mul3A_459 : i32
        %add3A_461 = arith.constant 16 : i32
        %add3A_462 = arith.addi %mul3A_460, %add3A_461 : i32
        %get3A_463 = arith.index_cast %add3A_450 : i32 to index
        %get3A_464 = arith.constant 16 : index
        %get3A_465 = tpu.vector_load %arg5[%get3A_463, %get3A_464] {strides = array<i32>} : memref<320x64xf32, #tpu.memory_space<vmem>>, vector<1x16xf32>,
        %get3A_466 = vector.shape_cast %get3A_465 : vector<1x16xf32> to vector<16xf32>
        %mul3A_467 = arith.constant 64 : i32
        %mul3A_468 = arith.muli %add3A_450, %mul3A_467 : i32
        %add3A_469 = arith.constant 32 : i32
        %add3A_470 = arith.addi %mul3A_468, %add3A_469 : i32
        %get3A_471 = arith.index_cast %add3A_450 : i32 to index
        %get3A_472 = arith.constant 32 : index
        %get3A_473 = tpu.vector_load %arg5[%get3A_471, %get3A_472] {strides = array<i32>} : memref<320x64xf32, #tpu.memory_space<vmem>>, vector<1x16xf32>,
        %get3A_474 = vector.shape_cast %get3A_473 : vector<1x16xf32> to vector<16xf32>
        %mul3A_475 = arith.constant 64 : i32
        %mul3A_476 = arith.muli %add3A_450, %mul3A_475 : i32
        %add3A_477 = arith.constant 48 : i32
        %add3A_478 = arith.addi %mul3A_476, %add3A_477 : i32
        %get3A_479 = arith.index_cast %add3A_450 : i32 to index
        %get3A_480 = arith.constant 48 : index
        %get3A_481 = tpu.vector_load %arg5[%get3A_479, %get3A_480] {strides = array<i32>} : memref<320x64xf32, #tpu.memory_space<vmem>>, vector<1x16xf32>,
        %get3A_482 = vector.shape_cast %get3A_481 : vector<1x16xf32> to vector<16xf32>
        %add3A_483 = arith.constant 5 : i32
        %add3A_484 = arith.addi %mul3A_250, %add3A_483 : i32
        %mul3A_485 = arith.constant 64 : i32
        %mul3A_486 = arith.muli %add3A_484, %mul3A_485 : i32
        %add3A_487 = arith.constant 0 : i32
        %add3A_488 = arith.addi %mul3A_486, %add3A_487 : i32
        %get3A_489 = arith.index_cast %add3A_484 : i32 to index
        %get3A_490 = arith.constant 0 : index
        %get3A_491 = tpu.vector_load %arg5[%get3A_489, %get3A_490] {strides = array<i32>} : memref<320x64xf32, #tpu.memory_space<vmem>>, vector<1x16xf32>,
        %get3A_492 = vector.shape_cast %get3A_491 : vector<1x16xf32> to vector<16xf32>
        %mul3A_493 = arith.constant 64 : i32
        %mul3A_494 = arith.muli %add3A_484, %mul3A_493 : i32
        %add3A_495 = arith.constant 16 : i32
        %add3A_496 = arith.addi %mul3A_494, %add3A_495 : i32
        %get3A_497 = arith.index_cast %add3A_484 : i32 to index
        %get3A_498 = arith.constant 16 : index
        %get3A_499 = tpu.vector_load %arg5[%get3A_497, %get3A_498] {strides = array<i32>} : memref<320x64xf32, #tpu.memory_space<vmem>>, vector<1x16xf32>,
        %get3A_500 = vector.shape_cast %get3A_499 : vector<1x16xf32> to vector<16xf32>
        %mul3A_501 = arith.constant 64 : i32
        %mul3A_502 = arith.muli %add3A_484, %mul3A_501 : i32
        %add3A_503 = arith.constant 32 : i32
        %add3A_504 = arith.addi %mul3A_502, %add3A_503 : i32
        %get3A_505 = arith.index_cast %add3A_484 : i32 to index
        %get3A_506 = arith.constant 32 : index
        %get3A_507 = tpu.vector_load %arg5[%get3A_505, %get3A_506] {strides = array<i32>} : memref<320x64xf32, #tpu.memory_space<vmem>>, vector<1x16xf32>,
        %get3A_508 = vector.shape_cast %get3A_507 : vector<1x16xf32> to vector<16xf32>
        %mul3A_509 = arith.constant 64 : i32
        %mul3A_510 = arith.muli %add3A_484, %mul3A_509 : i32
        %add3A_511 = arith.constant 48 : i32
        %add3A_512 = arith.addi %mul3A_510, %add3A_511 : i32
        %get3A_513 = arith.index_cast %add3A_484 : i32 to index
        %get3A_514 = arith.constant 48 : index
        %get3A_515 = tpu.vector_load %arg5[%get3A_513, %get3A_514] {strides = array<i32>} : memref<320x64xf32, #tpu.memory_space<vmem>>, vector<1x16xf32>,
        %get3A_516 = vector.shape_cast %get3A_515 : vector<1x16xf32> to vector<16xf32>
        %swap3A_517 = arith.index_cast %add3A_454 : i32 to index
        %swap3A_518 = tpu.vector_load %arg7[%swap3A_517] {strides = array<i32>} : memref<20480xf32, #tpu.memory_space<vmem>>, vector<16xf32>,
        %swap3A_519 = vector.shape_cast %swap3A_518 : vector<16xf32> to vector<16xf32>
        %swap3A_520 = vector.shape_cast %get3A_458 : vector<16xf32> to vector<16xf32>
        tpu.vector_store %arg7[%swap3A_517], %swap3A_520 {strides = array<i32>} : memref<20480xf32, #tpu.memory_space<vmem>>, vector<16xf32>,
        %swap3A_521 = arith.index_cast %add3A_462 : i32 to index
        %swap3A_522 = tpu.vector_load %arg7[%swap3A_521] {strides = array<i32>} : memref<20480xf32, #tpu.memory_space<vmem>>, vector<16xf32>,
        %swap3A_523 = vector.shape_cast %swap3A_522 : vector<16xf32> to vector<16xf32>
        %swap3A_524 = vector.shape_cast %get3A_466 : vector<16xf32> to vector<16xf32>
        tpu.vector_store %arg7[%swap3A_521], %swap3A_524 {strides = array<i32>} : memref<20480xf32, #tpu.memory_space<vmem>>, vector<16xf32>,
        %swap3A_525 = arith.index_cast %add3A_470 : i32 to index
        %swap3A_526 = tpu.vector_load %arg7[%swap3A_525] {strides = array<i32>} : memref<20480xf32, #tpu.memory_space<vmem>>, vector<16xf32>,
        %swap3A_527 = vector.shape_cast %swap3A_526 : vector<16xf32> to vector<16xf32>
        %swap3A_528 = vector.shape_cast %get3A_474 : vector<16xf32> to vector<16xf32>
        tpu.vector_store %arg7[%swap3A_525], %swap3A_528 {strides = array<i32>} : memref<20480xf32, #tpu.memory_space<vmem>>, vector<16xf32>,
        %swap3A_529 = arith.index_cast %add3A_478 : i32 to index
        %swap3A_530 = tpu.vector_load %arg7[%swap3A_529] {strides = array<i32>} : memref<20480xf32, #tpu.memory_space<vmem>>, vector<16xf32>,
        %swap3A_531 = vector.shape_cast %swap3A_530 : vector<16xf32> to vector<16xf32>
        %swap3A_532 = vector.shape_cast %get3A_482 : vector<16xf32> to vector<16xf32>
        tpu.vector_store %arg7[%swap3A_529], %swap3A_532 {strides = array<i32>} : memref<20480xf32, #tpu.memory_space<vmem>>, vector<16xf32>,
        %swap3A_533 = arith.index_cast %add3A_488 : i32 to index
        %swap3A_534 = tpu.vector_load %arg7[%swap3A_533] {strides = array<i32>} : memref<20480xf32, #tpu.memory_space<vmem>>, vector<16xf32>,
        %swap3A_535 = vector.shape_cast %swap3A_534 : vector<16xf32> to vector<16xf32>
        %swap3A_536 = vector.shape_cast %get3A_492 : vector<16xf32> to vector<16xf32>
        tpu.vector_store %arg7[%swap3A_533], %swap3A_536 {strides = array<i32>} : memref<20480xf32, #tpu.memory_space<vmem>>, vector<16xf32>,
        %swap3A_537 = arith.index_cast %add3A_496 : i32 to index
        %swap3A_538 = tpu.vector_load %arg7[%swap3A_537] {strides = array<i32>} : memref<20480xf32, #tpu.memory_space<vmem>>, vector<16xf32>,
        %swap3A_539 = vector.shape_cast %swap3A_538 : vector<16xf32> to vector<16xf32>
        %swap3A_540 = vector.shape_cast %get3A_500 : vector<16xf32> to vector<16xf32>
        tpu.vector_store %arg7[%swap3A_537], %swap3A_540 {strides = array<i32>} : memref<20480xf32, #tpu.memory_space<vmem>>, vector<16xf32>,
        %swap3A_541 = arith.index_cast %add3A_504 : i32 to index
        %swap3A_542 = tpu.vector_load %arg7[%swap3A_541] {strides = array<i32>} : memref<20480xf32, #tpu.memory_space<vmem>>, vector<16xf32>,
        %swap3A_543 = vector.shape_cast %swap3A_542 : vector<16xf32> to vector<16xf32>
        %swap3A_544 = vector.shape_cast %get3A_508 : vector<16xf32> to vector<16xf32>
        tpu.vector_store %arg7[%swap3A_541], %swap3A_544 {strides = array<i32>} : memref<20480xf32, #tpu.memory_space<vmem>>, vector<16xf32>,
        %swap3A_545 = arith.index_cast %add3A_512 : i32 to index
        %swap3A_546 = tpu.vector_load %arg7[%swap3A_545] {strides = array<i32>} : memref<20480xf32, #tpu.memory_space<vmem>>, vector<16xf32>,
        %swap3A_547 = vector.shape_cast %swap3A_546 : vector<16xf32> to vector<16xf32>
        %swap3A_548 = vector.shape_cast %get3A_516 : vector<16xf32> to vector<16xf32>
        tpu.vector_store %arg7[%swap3A_545], %swap3A_548 {strides = array<i32>} : memref<20480xf32, #tpu.memory_space<vmem>>, vector<16xf32>,
        %add3A_549 = arith.constant 6 : i32
        %add3A_550 = arith.addi %mul3A_250, %add3A_549 : i32
        %mul3A_551 = arith.constant 64 : i32
        %mul3A_552 = arith.muli %add3A_550, %mul3A_551 : i32
        %add3A_553 = arith.constant 0 : i32
        %add3A_554 = arith.addi %mul3A_552, %add3A_553 : i32
        %get3A_555 = arith.index_cast %add3A_550 : i32 to index
        %get3A_556 = arith.constant 0 : index
        %get3A_557 = tpu.vector_load %arg5[%get3A_555, %get3A_556] {strides = array<i32>} : memref<320x64xf32, #tpu.memory_space<vmem>>, vector<1x16xf32>,
        %get3A_558 = vector.shape_cast %get3A_557 : vector<1x16xf32> to vector<16xf32>
        %mul3A_559 = arith.constant 64 : i32
        %mul3A_560 = arith.muli %add3A_550, %mul3A_559 : i32
        %add3A_561 = arith.constant 16 : i32
        %add3A_562 = arith.addi %mul3A_560, %add3A_561 : i32
        %get3A_563 = arith.index_cast %add3A_550 : i32 to index
        %get3A_564 = arith.constant 16 : index
        %get3A_565 = tpu.vector_load %arg5[%get3A_563, %get3A_564] {strides = array<i32>} : memref<320x64xf32, #tpu.memory_space<vmem>>, vector<1x16xf32>,
        %get3A_566 = vector.shape_cast %get3A_565 : vector<1x16xf32> to vector<16xf32>
        %mul3A_567 = arith.constant 64 : i32
        %mul3A_568 = arith.muli %add3A_550, %mul3A_567 : i32
        %add3A_569 = arith.constant 32 : i32
        %add3A_570 = arith.addi %mul3A_568, %add3A_569 : i32
        %get3A_571 = arith.index_cast %add3A_550 : i32 to index
        %get3A_572 = arith.constant 32 : index
        %get3A_573 = tpu.vector_load %arg5[%get3A_571, %get3A_572] {strides = array<i32>} : memref<320x64xf32, #tpu.memory_space<vmem>>, vector<1x16xf32>,
        %get3A_574 = vector.shape_cast %get3A_573 : vector<1x16xf32> to vector<16xf32>
        %mul3A_575 = arith.constant 64 : i32
        %mul3A_576 = arith.muli %add3A_550, %mul3A_575 : i32
        %add3A_577 = arith.constant 48 : i32
        %add3A_578 = arith.addi %mul3A_576, %add3A_577 : i32
        %get3A_579 = arith.index_cast %add3A_550 : i32 to index
        %get3A_580 = arith.constant 48 : index
        %get3A_581 = tpu.vector_load %arg5[%get3A_579, %get3A_580] {strides = array<i32>} : memref<320x64xf32, #tpu.memory_space<vmem>>, vector<1x16xf32>,
        %get3A_582 = vector.shape_cast %get3A_581 : vector<1x16xf32> to vector<16xf32>
        %add3A_583 = arith.constant 7 : i32
        %add3A_584 = arith.addi %mul3A_250, %add3A_583 : i32
        %mul3A_585 = arith.constant 64 : i32
        %mul3A_586 = arith.muli %add3A_584, %mul3A_585 : i32
        %add3A_587 = arith.constant 0 : i32
        %add3A_588 = arith.addi %mul3A_586, %add3A_587 : i32
        %get3A_589 = arith.index_cast %add3A_584 : i32 to index
        %get3A_590 = arith.constant 0 : index
        %get3A_591 = tpu.vector_load %arg5[%get3A_589, %get3A_590] {strides = array<i32>} : memref<320x64xf32, #tpu.memory_space<vmem>>, vector<1x16xf32>,
        %get3A_592 = vector.shape_cast %get3A_591 : vector<1x16xf32> to vector<16xf32>
        %mul3A_593 = arith.constant 64 : i32
        %mul3A_594 = arith.muli %add3A_584, %mul3A_593 : i32
        %add3A_595 = arith.constant 16 : i32
        %add3A_596 = arith.addi %mul3A_594, %add3A_595 : i32
        %get3A_597 = arith.index_cast %add3A_584 : i32 to index
        %get3A_598 = arith.constant 16 : index
        %get3A_599 = tpu.vector_load %arg5[%get3A_597, %get3A_598] {strides = array<i32>} : memref<320x64xf32, #tpu.memory_space<vmem>>, vector<1x16xf32>,
        %get3A_600 = vector.shape_cast %get3A_599 : vector<1x16xf32> to vector<16xf32>
        %mul3A_601 = arith.constant 64 : i32
        %mul3A_602 = arith.muli %add3A_584, %mul3A_601 : i32
        %add3A_603 = arith.constant 32 : i32
        %add3A_604 = arith.addi %mul3A_602, %add3A_603 : i32
        %get3A_605 = arith.index_cast %add3A_584 : i32 to index
        %get3A_606 = arith.constant 32 : index
        %get3A_607 = tpu.vector_load %arg5[%get3A_605, %get3A_606] {strides = array<i32>} : memref<320x64xf32, #tpu.memory_space<vmem>>, vector<1x16xf32>,
        %get3A_608 = vector.shape_cast %get3A_607 : vector<1x16xf32> to vector<16xf32>
        %mul3A_609 = arith.constant 64 : i32
        %mul3A_610 = arith.muli %add3A_584, %mul3A_609 : i32
        %add3A_611 = arith.constant 48 : i32
        %add3A_612 = arith.addi %mul3A_610, %add3A_611 : i32
        %get3A_613 = arith.index_cast %add3A_584 : i32 to index
        %get3A_614 = arith.constant 48 : index
        %get3A_615 = tpu.vector_load %arg5[%get3A_613, %get3A_614] {strides = array<i32>} : memref<320x64xf32, #tpu.memory_space<vmem>>, vector<1x16xf32>,
        %get3A_616 = vector.shape_cast %get3A_615 : vector<1x16xf32> to vector<16xf32>
        %swap3A_617 = arith.index_cast %add3A_554 : i32 to index
        %swap3A_618 = tpu.vector_load %arg7[%swap3A_617] {strides = array<i32>} : memref<20480xf32, #tpu.memory_space<vmem>>, vector<16xf32>,
        %swap3A_619 = vector.shape_cast %swap3A_618 : vector<16xf32> to vector<16xf32>
        %swap3A_620 = vector.shape_cast %get3A_558 : vector<16xf32> to vector<16xf32>
        tpu.vector_store %arg7[%swap3A_617], %swap3A_620 {strides = array<i32>} : memref<20480xf32, #tpu.memory_space<vmem>>, vector<16xf32>,
        %swap3A_621 = arith.index_cast %add3A_562 : i32 to index
        %swap3A_622 = tpu.vector_load %arg7[%swap3A_621] {strides = array<i32>} : memref<20480xf32, #tpu.memory_space<vmem>>, vector<16xf32>,
        %swap3A_623 = vector.shape_cast %swap3A_622 : vector<16xf32> to vector<16xf32>
        %swap3A_624 = vector.shape_cast %get3A_566 : vector<16xf32> to vector<16xf32>
        tpu.vector_store %arg7[%swap3A_621], %swap3A_624 {strides = array<i32>} : memref<20480xf32, #tpu.memory_space<vmem>>, vector<16xf32>,
        %swap3A_625 = arith.index_cast %add3A_570 : i32 to index
        %swap3A_626 = tpu.vector_load %arg7[%swap3A_625] {strides = array<i32>} : memref<20480xf32, #tpu.memory_space<vmem>>, vector<16xf32>,
        %swap3A_627 = vector.shape_cast %swap3A_626 : vector<16xf32> to vector<16xf32>
        %swap3A_628 = vector.shape_cast %get3A_574 : vector<16xf32> to vector<16xf32>
        tpu.vector_store %arg7[%swap3A_625], %swap3A_628 {strides = array<i32>} : memref<20480xf32, #tpu.memory_space<vmem>>, vector<16xf32>,
        %swap3A_629 = arith.index_cast %add3A_578 : i32 to index
        %swap3A_630 = tpu.vector_load %arg7[%swap3A_629] {strides = array<i32>} : memref<20480xf32, #tpu.memory_space<vmem>>, vector<16xf32>,
        %swap3A_631 = vector.shape_cast %swap3A_630 : vector<16xf32> to vector<16xf32>
        %swap3A_632 = vector.shape_cast %get3A_582 : vector<16xf32> to vector<16xf32>
        tpu.vector_store %arg7[%swap3A_629], %swap3A_632 {strides = array<i32>} : memref<20480xf32, #tpu.memory_space<vmem>>, vector<16xf32>,
        %swap3A_633 = arith.index_cast %add3A_588 : i32 to index
        %swap3A_634 = tpu.vector_load %arg7[%swap3A_633] {strides = array<i32>} : memref<20480xf32, #tpu.memory_space<vmem>>, vector<16xf32>,
        %swap3A_635 = vector.shape_cast %swap3A_634 : vector<16xf32> to vector<16xf32>
        %swap3A_636 = vector.shape_cast %get3A_592 : vector<16xf32> to vector<16xf32>
        tpu.vector_store %arg7[%swap3A_633], %swap3A_636 {strides = array<i32>} : memref<20480xf32, #tpu.memory_space<vmem>>, vector<16xf32>,
        %swap3A_637 = arith.index_cast %add3A_596 : i32 to index
        %swap3A_638 = tpu.vector_load %arg7[%swap3A_637] {strides = array<i32>} : memref<20480xf32, #tpu.memory_space<vmem>>, vector<16xf32>,
        %swap3A_639 = vector.shape_cast %swap3A_638 : vector<16xf32> to vector<16xf32>
        %swap3A_640 = vector.shape_cast %get3A_600 : vector<16xf32> to vector<16xf32>
        tpu.vector_store %arg7[%swap3A_637], %swap3A_640 {strides = array<i32>} : memref<20480xf32, #tpu.memory_space<vmem>>, vector<16xf32>,
        %swap3A_641 = arith.index_cast %add3A_604 : i32 to index
        %swap3A_642 = tpu.vector_load %arg7[%swap3A_641] {strides = array<i32>} : memref<20480xf32, #tpu.memory_space<vmem>>, vector<16xf32>,
        %swap3A_643 = vector.shape_cast %swap3A_642 : vector<16xf32> to vector<16xf32>
        %swap3A_644 = vector.shape_cast %get3A_608 : vector<16xf32> to vector<16xf32>
        tpu.vector_store %arg7[%swap3A_641], %swap3A_644 {strides = array<i32>} : memref<20480xf32, #tpu.memory_space<vmem>>, vector<16xf32>,
        %swap3A_645 = arith.index_cast %add3A_612 : i32 to index
        %swap3A_646 = tpu.vector_load %arg7[%swap3A_645] {strides = array<i32>} : memref<20480xf32, #tpu.memory_space<vmem>>, vector<16xf32>,
        %swap3A_647 = vector.shape_cast %swap3A_646 : vector<16xf32> to vector<16xf32>
        %swap3A_648 = vector.shape_cast %get3A_616 : vector<16xf32> to vector<16xf32>
        tpu.vector_store %arg7[%swap3A_645], %swap3A_648 {strides = array<i32>} : memref<20480xf32, #tpu.memory_space<vmem>>, vector<16xf32>,
      }
      %scan3A_235 = arith.constant 40 : i32
      %mul3A_236 = arith.constant 32 : i32
      %mul3A_237 = arith.muli %add3A_189, %mul3A_236 : i32
      %add3A_238 = arith.addi %add3A, %mul3A_237 : i32
      %min3A_239 = arith.constant 3124 : i32
      %min3A_240 = arith.minsi %add3A_238, %min3A_239 : i32
      %mul3A_241 = arith.constant 320 : i32
      %mul3A_242 = arith.muli %min3A_240, %mul3A_241 : i32
      %multiple_of3A_243 = tpu.assume_multiple %mul3A_242, 8 : i32
      %mul3A_244 = arith.constant 64 : i32
      %mul3A_245 = arith.muli %multiple_of3A_243, %mul3A_244 : i32
      %dma_start3A_246 = tpu.memref_slice %arg3[%mul3A_245] : memref<64000000xf32, #tpu.memory_space<hbm>> -> memref<20480xf32, #tpu.memory_space<hbm>>
      %dma_start3A_247 = tpu.memref_slice %arg3[%mul3A_245] : memref<64000000xf32, #tpu.memory_space<hbm>> -> memref<20480xf32, #tpu.memory_space<hbm>>
      tpu.enqueue_dma source(%arg7 : memref<20480xf32, #tpu.memory_space<vmem>>) target(%dma_start3A_247 : memref<20480xf32, #tpu.memory_space<hbm>>) target_semaphore(%arg11 : memref<!tpu.dma_semaphore, #tpu.memory_space<semaphore_mem>>)
    }
    %scan3A_90 = arith.constant 48 : i32
    %add3A_91 = arith.constant 3072 : i32
    %add3A_92 = arith.addi %add3A, %add3A_91 : i32
    %min3A_93 = arith.constant 3124 : i32
    %min3A_94 = arith.minsi %add3A_92, %min3A_93 : i32
    %mul3A_95 = arith.constant 320 : i32
    %mul3A_96 = arith.muli %min3A_94, %mul3A_95 : i32
    %multiple_of3A_97 = tpu.assume_multiple %mul3A_96, 8 : i32
    %mul3A_98 = arith.constant 64 : i32
    %mul3A_99 = arith.muli %multiple_of3A_97, %mul3A_98 : i32
    %dma_wait3A_100 = tpu.memref_slice %arg3[%mul3A_99] : memref<64000000xf32, #tpu.memory_space<hbm>> -> memref<20480xf32, #tpu.memory_space<hbm>>
    %dma_wait3A_101 = tpu.memref_slice %arg3[%mul3A_99] : memref<64000000xf32, #tpu.memory_space<hbm>> -> memref<20480xf32, #tpu.memory_space<hbm>>
    tpu.wait_dma2 semaphore(%arg10 : memref<!tpu.dma_semaphore, #tpu.memory_space<semaphore_mem>>) src(%arg6 : memref<20480xf32, #tpu.memory_space<vmem>>) dst(%dma_wait3A_101 : memref<20480xf32, #tpu.memory_space<hbm>>)
    %add3A_102 = arith.constant 3104 : i32
    %add3A_103 = arith.addi %add3A, %add3A_102 : i32
    %min3A_104 = arith.constant 3124 : i32
    %min3A_105 = arith.minsi %add3A_103, %min3A_104 : i32
    %mul3A_106 = arith.constant 320 : i32
    %mul3A_107 = arith.muli %min3A_105, %mul3A_106 : i32
    %multiple_of3A_108 = tpu.assume_multiple %mul3A_107, 8 : i32
    %mul3A_109 = arith.constant 64 : i32
    %mul3A_110 = arith.muli %multiple_of3A_108, %mul3A_109 : i32
    %dma_wait3A_111 = tpu.memref_slice %arg3[%mul3A_110] : memref<64000000xf32, #tpu.memory_space<hbm>> -> memref<20480xf32, #tpu.memory_space<hbm>>
    %dma_wait3A_112 = tpu.memref_slice %arg3[%mul3A_110] : memref<64000000xf32, #tpu.memory_space<hbm>> -> memref<20480xf32, #tpu.memory_space<hbm>>
    tpu.wait_dma2 semaphore(%arg11 : memref<!tpu.dma_semaphore, #tpu.memory_space<semaphore_mem>>) src(%arg7 : memref<20480xf32, #tpu.memory_space<vmem>>) dst(%dma_wait3A_112 : memref<20480xf32, #tpu.memory_space<hbm>>)
    %add3A_113 = arith.constant 3136 : i32
    %add3A_114 = arith.addi %add3A, %add3A_113 : i32
    %min3A_115 = arith.constant 3124 : i32
    %min3A_116 = arith.minsi %add3A_114, %min3A_115 : i32
    %mul3A_117 = arith.constant 320 : i32
    %mul3A_118 = arith.muli %min3A_116, %mul3A_117 : i32
    %multiple_of3A_119 = tpu.assume_multiple %mul3A_118, 8 : i32
    %dma_wait3A_120 = arith.constant 0 : i32
    %dma_wait3A_121 = tpu.memref_slice %arg2[%multiple_of3A_119, %dma_wait3A_120] : memref<1000000x64xf32, #tpu.memory_space<hbm>> -> memref<320x64xf32, #tpu.memory_space<hbm>>
    %dma_wait3A_122 = arith.constant 0 : i32
    %dma_wait3A_123 = tpu.memref_slice %arg2[%multiple_of3A_119, %dma_wait3A_122] : memref<1000000x64xf32, #tpu.memory_space<hbm>> -> memref<320x64xf32, #tpu.memory_space<hbm>>
    tpu.wait_dma2 semaphore(%arg8 : memref<!tpu.dma_semaphore, #tpu.memory_space<semaphore_mem>>) src(%dma_wait3A_123 : memref<320x64xf32, #tpu.memory_space<hbm>>) dst(%arg4 : memref<320x64xf32, #tpu.memory_space<vmem>>)
    return
  }
}

</mosaic_0001>

<sc_bundles>
// kernel: kernel.4.cloned.1.call-start
scs
__scs_entry_jumppad:
0x0: {  	(pc) =	sbr.rel $0x88, $3  }
0x1: {  	(tag) =	ssettag $0x0;
	lr =	simm.s32 $0x1  }
0x2: {  	[smem:$0x3F9F] =	sst lr;
	_ =	strace $0xD0000000  }
0x3: {  	_ = 	snop  }
0x4: {  	_ = 	snop  }
0x5: {  	_ = 	snop  }
0x6: {  	_ = 	snop  }
0x7: {  	_ = 	snop  }
__scs_overlays_trampoline_lowered:
0x8: {  	[smem:$0x3FAE] =	sst s0  }
0x9: {  	[smem:$0x3FAF] =	sst s1  }
0xa: {  	[smem:$0x3FB0] =	sst s2  }
0xb: {  	[smem:$0x3FB1] =	sst s3  }
0xc: {  	[smem:$0x3FB2] =	sst s4  }
0xd: {  	[smem:$0x3FB3] =	sst s5  }
0xe: {  	[smem:$0x3FB4] =	sst s6  }
0xf: {  	[smem:$0x3FB5] =	sst s7  }
0x10: {  	[smem:$0x3FB6] =	sst s8  }
0x11: {  	[smem:$0x3FB7] =	sst s9;
	s0 =	simm.s32 @!p0 $0x0  }
0x12: {  	s1 =	sld [smem:$0x3F9D];
	s0 =	simm.s32 @p0 $0x1  }
0x13: {  	[smem:$0x3FB8] =	sst s0;
	s0 =	simm.s32 @!p1 $0x0  }
0x14: {  	s2 =	sld [smem:$0x3F9C];
	s0 =	simm.s32 @p1 $0x1  }
0x15: {  	[smem:$0x3FB9] =	sst s0;
	s0 =	simm.s32 @!p2 $0x0  }
0x16: {  	s3 =	sld [smem:$0x3FDB];
	s0 =	simm.s32 @p2 $0x1  }
0x17: {  	s4 =	simm.s32 $0x1BF5;
	[smem:$0x3FBB] =	sst s0  }
0x18: {  	s0 =	sld [smem:$0x3F9E];
	_ =	swait.ge [sflag:s4], $0x0  }
0x19: {  	s7 =	sld [smem:$0x3F9F]  }
0x1a: {  	s8 =	sadd.s32 $0xFFFFE003, lr  }
0x1b: {  	s9 =	sadd.s32 $0xFFFFFEF7, lr;
	s5 =	simm.s32 $0xFFFFFFFF;
	p2 =	slt.u32 s8, $0xFFFFF086  }
0x1c: {  	p1 =	slt.u32 s9, $0xF7A;
	s5 =	simm.s32 @!p2 $0x0  }
0x1d: {  	s5 =	simm.s32 @p1 $0x1;
	p0 =	seq.s32 s7, s2  }
0x1e: {  	s7 =	smul.u32 @!p0 $0xF7A, s2;
	p2 =	seq.s32 @!p0 s5, $0x0  }
0x1f: {  	s9 =	smul.u32 $0xF7A, s1;
	s8 =	simm.s32 @!p0 $0x1BF5;
	p2 =	por !p2, p0  }
0x20: {  	[sflag:s8] =	ssyncset.s32 @!p0 $0xFFFFF086;
	s6 =	sadd.s32 @!p0 s3, s7;
	s7 =	simm.s32 @!p0 $0x108  }
0x21: {  	s3 =	sadd.s32 s3, s9;
	s6 =	sadd.s32 @!p0 $0x88, s6;
	s7 =	simm.s32 @p2 $0x1082  }
0x22: {  	[simem:s7], [sflag:s8] =	dma.local @!p0 [hbm:s6], $0xF7A  }
0x23: {  	s9 =	sor.u32 $0xD0000000, s2;
	s6 =	simm.s32 $0x108;
	_ =	swait.ge @!p0 [sflag:s8], $0x0  }
0x24: {  	s3 =	sadd.s32 $0x88, s3;
	s6 =	simm.s32 @!p1 $0x1082;
	[sflag:s4] =	ssyncset.s32 $0xFFFFF086  }
0x25: {  	[simem:s6], [sflag:s4] =	dma.local [hbm:s3], $0xF7A  }
0x26: {  	[smem:$0x3F9F] =	sst s1;
	(tag) =	ssettag s2;
	_ =	strace s9  }
0x27: {  	s1 =	sld [smem:$0x3FAF]  }
0x28: {  	s2 =	sld [smem:$0x3FB0]  }
0x29: {  	s4 =	sld [smem:$0x3FB2]  }
0x2a: {  	p0 =	seq.s32 s5, $0x0;
	s5 =	sld [smem:$0x3FB3]  }
0x2b: {  	s6 =	sld [smem:$0x3FB4]  }
0x2c: {  	s7 =	sld [smem:$0x3FB5]  }
0x2d: {  	s3 =	simm.s32 $0x108;
	s8 =	sld [smem:$0x3FB6]  }
0x2e: {  	s3 =	simm.s32 @!p0 $0x1082;
	s9 =	sld [smem:$0x3FB7]  }
0x2f: {  	lr =	sadd.s32 s0, s3;
	s0 =	sld [smem:$0x3FAE]  }
0x30: {  	s3 =	sld [smem:$0x3FB1]  }
0x31: {  	[smem:$0x3FBA] =	sst s10  }
0x32: {  	s10 =	sld [smem:$0x3FB8];
	_ =	sdelay $0x3  }
0x33: {  	p0 =	seq.s32 s10, $0x1;
	s10 =	sld [smem:$0x3FBA];
	_ =	sdelay $0x3  }
0x34: {  	[smem:$0x3FBA] =	sst s10  }
0x35: {  	s10 =	sld [smem:$0x3FB9];
	_ =	sdelay $0x3  }
0x36: {  	p1 =	seq.s32 s10, $0x1;
	s10 =	sld [smem:$0x3FBA];
	_ =	sdelay $0x3  }
0x37: {  	[smem:$0x3FBA] =	sst s10  }
0x38: {  	s10 =	sld [smem:$0x3FBB]  }
0x39: {  	_ = 	snop;
	(pc) =	sbr.ind lr, $3  }
0x3a: {  	_ = 	snop  }
0x3b: {  	_ = 	snop  }
0x3c: {  	p2 =	seq.s32 s10, $0x1;
	s10 =	sld [smem:$0x3FBA]  }
0x3d: {  	_ =	shalt  }
0x3e: {  	_ =	shalt  }
0x3f: {  	_ =	shalt  }
0x40: {  	_ =	shalt  }
0x41: {  	_ =	shalt  }
0x42: {  	_ =	shalt  }
0x43: {  	_ =	shalt  }
0x44: {  	_ =	shalt  }
0x45: {  	_ =	shalt  }
0x46: {  	_ =	shalt  }
0x47: {  	_ =	shalt  }
0x48: {  	_ =	shalt  }
0x49: {  	_ =	shalt  }
0x4a: {  	_ =	shalt  }
0x4b: {  	_ =	shalt  }
0x4c: {  	_ =	shalt  }
0x4d: {  	_ =	shalt  }
0x4e: {  	_ =	shalt  }
0x4f: {  	_ =	shalt  }
0x50: {  	_ =	shalt  }
0x51: {  	_ =	shalt  }
0x52: {  	_ =	shalt  }
0x53: {  	_ =	shalt  }
0x54: {  	_ =	shalt  }
0x55: {  	_ =	shalt  }
0x56: {  	_ =	shalt  }
0x57: {  	_ =	shalt  }
0x58: {  	_ =	shalt  }
0x59: {  	_ =	shalt  }
0x5a: {  	_ =	shalt  }
0x5b: {  	_ =	shalt  }
0x5c: {  	_ =	shalt  }
0x5d: {  	_ =	shalt  }
0x5e: {  	_ =	shalt  }
0x5f: {  	_ =	shalt  }
0x60: {  	_ =	shalt  }
0x61: {  	_ =	shalt  }
0x62: {  	_ =	shalt  }
0x63: {  	_ =	shalt  }
0x64: {  	_ =	shalt  }
0x65: {  	_ =	shalt  }
0x66: {  	_ =	shalt  }
0x67: {  	_ =	shalt  }
0x68: {  	_ =	shalt  }
0x69: {  	_ =	shalt  }
0x6a: {  	_ =	shalt  }
0x6b: {  	_ =	shalt  }
0x6c: {  	_ =	shalt  }
0x6d: {  	_ =	shalt  }
0x6e: {  	_ =	shalt  }
0x6f: {  	_ =	shalt  }
0x70: {  	_ =	shalt  }
0x71: {  	_ =	shalt  }
0x72: {  	_ =	shalt  }
0x73: {  	_ =	shalt  }
0x74: {  	_ =	shalt  }
0x75: {  	_ =	shalt  }
0x76: {  	_ =	shalt  }
0x77: {  	_ =	shalt  }
0x78: {  	_ =	shalt  }
0x79: {  	_ =	shalt  }
0x7a: {  	_ =	shalt  }
0x7b: {  	_ =	shalt  }
0x7c: {  	_ =	shalt  }
0x7d: {  	_ =	shalt  }
0x7e: {  	_ =	shalt  }
0x7f: {  	_ =	shalt  }
0x80: {  	_ =	shalt  }
0x81: {  	_ =	shalt  }
0x82: {  	_ =	shalt  }
0x83: {  	_ =	shalt  }
0x84: {  	_ =	shalt  }
0x85: {  	_ =	shalt  }
0x86: {  	_ =	shalt  }
0x87: {  	_ =	shalt  }
.Lfunc_end0:
.L_simem_size_0:
called_computation.1_lowered:
.L_overlay_start_0:
0x88: {  	s2 =	sld [smem:$0x3FD9]  }
0x89: {  	s3 =	sld [smem:$0x3FFE];
	_ =	sdelay $0x1  }
0x8a: {  	s1 =	srdreg.scid  }
0x8b: {  	s0 =	sand.u32 $0x1, s1  }
0x8c: {  	s16 =	sshll.u32 s0, $0xA;
	s2 =	sadd.s32 s3, s2  }
0x8d: {  	s2 =	sadd.s32 s2, s16  }
0x8e: {  	[smem:$0x3FC6] =	sst s2  }
0x8f: {  	_ = 	snop  }
0x90: {  	(tm) =	ssettm $0x1  }
0x91: {  	s17 =	sld [smem:$0x3FFB];
	_ =	sdelay $0x3  }
0x92: {  	_ =	strace s17  }
0x93: {  	s2 =	sld [smem:$0x3FFC];
	_ =	sdelay $0x3  }
0x94: {  	_ =	strace s2  }
0x95: {  	s2 =	sld [smem:$0x3FFD];
	_ =	sdelay $0x3  }
0x96: {  	_ =	strace s2  }
0x97: {  	_ =	strace $0x8FFFFFFF  }
0x98: {  	s18 =	sld [smem:$0x3FDB];
	_ =	sdelay $0x1  }
0x99: {  	s19 =	simm.s32 $_scs_section_size  }
0x9a: {  	s4 =	simm.s32 $_size__tile_overlayer_lowered;
	s5 =	simm.s32 $_tile_overlayer_lowered  }
0x9b: {  	s22 =	simm.s32 $0x1BFF;
	s21 =	sshll.u32 s5, $0x1;
	s2 =	sadd.s32 s19, s18  }
0x9c: {  	s6 =	simm.s32 $0x0;
	s20 =	sshll.u32 s4, $0x1;
	s4 =	sadd.s32 s21, s2  }
0x9d: {  	[timem:s6], [sflag:s22] =	dma.local [hbm:s4], s20  }
0x9e: {  	_ =	swait.ge [sflag:s22], s20  }
0x9f: {  	s3 =	ssub.s32 $0x0, s20;
	[sflag:s22] =	ssyncset.done $0x0  }
0xa0: {  	[sflag:s22] =	ssyncadd.s32 s3;
	_ =	sdelay $0x1  }
0xa1: {  	s23 =	simm.s32 $0x1B8B  }
0xa2: {  	_ =	swait.ge [sflag:s23], $0x1  }
0xa3: {  	[sflag:s23] =	ssyncset.done $0x0  }
0xa4: {  	s25 =	simm.s32 $0x1B8E;
	s24 =	sld [smem:$0x3FFE];
	[sflag:s23] =	ssyncadd.s32 $0xFFFFFFFF  }
0xa5: {  	s26 =	simm.s32 $execute0_lowered;
	[smem:$0x3FD2] =	sst s25  }
0xa6: {  	s4 =	sshll.u32 s26, $0x1;
	_ =	strace $0x80000046;
	[dreg:$0x1] =	wrdreg $0xFFFFFFFF  }
0xa7: {  	s28 =	simm.s32 $_size_execute0_lowered;
	s2 =	sadd.s32 s2, s4;
	[dreg:$0x0] =	wrdreg $0x0  }
0xa8: {  	s4 =	sshll.u32 s28, $0x1;
	[dreg:$0x2] =	wrdreg s2  }
0xa9: {  	[dreg:$0x3] =	wrdreg s4  }
0xaa: {  	[dreg:$0x4] =	wrdreg $0xC0  }
0xab: {  	_ =	task [dreg:s6], $0x5FFFF  }
0xac: {  	[dreg:$0x1] =	wrdreg $0xFFFFFFFF  }
0xad: {  	[dreg:$0x0] =	wrdreg $0x60  }
0xae: {  	[dreg:$0x2] =	wrdreg s24  }
0xaf: {  	[dreg:$0x3] =	wrdreg $0x9  }
0xb0: {  	_ =	task.clear_ibuf [dreg:s6], $0x4FFFF;
	_ =	strace $0x90000046  }
0xb1: {  	s29 =	simm.s32 $0x9;
	_ =	strace $0x80000048  }
0xb2: {  	_ =	swait.ge [sflag:s29], $0x1  }
0xb3: {  	[sflag:s29] =	ssyncadd.s32 $0xFFFFFFFF  }
0xb4: {  	_ =	strace $0x90000048  }
0xb5: {  	_ =	sfence  }
0xb6: {  	s30 =	sld [smem:$0x0];
	_ =	sdelay $0x2  }
0xb7: {  	s31 =	sshll.u32 s1, $0xD;
	s1 =	sshrl.u32 s1, $0x2  }
0xb8: {  	s3 =	sand.u32 $0x4000, s31;
	s1 =	sadd.s32 s1, s30  }
0xb9: {  	s0 =	sor.u32 s3, s0;
	s1 =	sshll.u32 s1, $0x11  }
0xba: {  	s0 =	sor.u32 s1, s0  }
0xbb: {  	s0 =	sadd.s32 $0x8F2B, s0  }
0xbc: {  	[sflag:s0] =	ssyncadd.remote.s32 $0x1  }
0xbd: {  	_ =	sfence.sel $0xFFFF  }
0xbe: {  	[dreg:$0x0] =	wrdreg $0xFFFFFFFF;
	(pc) =	sbr.abs _section_cstart, $3  }
0xbf: {  	[dreg:$0x1] =	wrdreg $0xFFFFFFFF  }
0xc0: {  	_ =	task.clear_ibuf [dreg:s6], $0x2FFFF;
	_ =	strace $0x9FFFFFFF  }
0xc1: {  	(tm) =	ssettm $0x7FFFFFFF  }
tec
execute0_lowered:
.L_overlay_start_1:
0x0: {  	(tag) =	ssettag $0x1  }
0x1: {  	s1 =	srdreg.scid;
	s0 =	stileid.u32  }
0x2: {  	s5 =	rddreg [dreg:$0x0];
	s2 =	simm.s32 $0x0;
	s13 =	simm.s32 $0x1  }
0x3: {  	s14 =	simm.s32 $0xA000;
	s15 =	simm.s32 $0x14000;
	s16 =	simm.s32 $0x2  }
0x4: {  	s17 =	simm.s32 $0x19000;
	s4 =	sand.u32 $0x1, s1;
	s3 =	sshll.u32 s0, $0x1  }
0x5: {  	s18 =	simm.s32 $0x3;
	s19 =	simm.s32 $0x4;
	s3 =	sor.u32 s4, s3  }
0x6: {  	s20 =	simm.s32 $0x0;
	[smem:$0x7FF] =	sst s2;
	s6 =	smul.u32 $0x1400, s3  }
0x7: {  	s1 =	rddreg [dreg:$0x1];
	_ =	strace $0x80000047;
	s11 =	smul.u32 $0xA000, s3  }
0x8: {  	s8 =	ssub.s32 $0x2, s4;
	s7 =	sor.u32 $0x20, s3;
	s28 =	smul.u32 $0xA00, s3  }
0x9: {  	s4 =	sadd.s32 $0xE00, s5;
	s10 =	sshrl.u32 s8, $0x1;
	s9 =	smul.u32 $0x1400, s7  }
0xa: {  	s5 =	sadd.s32 $0xF43200, s5;
	s12 =	ssub.s32 s8, s10;
	s30 =	smul.u32 $0xA00, s7  }
0xb: {  	s6 =	sadd.s32 s4, s6;
	s29 =	sshrl.u32 s11, $0x3;
	s8 =	sadd.s32 s5, s28  }
0xc: {  	s11 =	sor.u32 $0x40, s3;
	s12 =	smax.u32 s12, $0x1;
	s31 =	sadd.s32 s4, s29  }
0xd: {  	s7 =	sadd.s32 s4, s9;
	s10 =	sadd.s32 s5, s30;
	s9 =	sadd.s32 $0x50000, s31  }
.LBB2_1:
0xe: {  	[tilespmem:s2], [sflag:$0x1] =	stream.linear.gather [hbm4b:s6+s2], $0xA000, $0x38;
	[tilespmem:$0x1E000] =	vst v63  }
0xf: {  	_ =	swait.ge [sflag:s13], $0xA000  }
0x10: {  	s21 =	simm.s32 $0x1C0;
	[sflag:s13] =	ssyncset.done $0x0  }
0x11: {  	s22 =	simm.s32 $0x200;
	s23 =	simm.s32 $0x14100;
	[sflag:s13] =	ssyncadd.s32 $0xFFFF6000  }
0x12: {  	[tilespmem:s14], [sflag:$0x2] =	stream.linear.gather [hbm4b:s7+s2], $0xA000, $0x38;
	[tilespmem:$0x1E000] =	vst v63  }
.LBB2_2:
0x13: {  	v0 =	vld [tilespmem:s22+$0xFFFFFE00]  }
0x14: {  	v1 =	vld [tilespmem:s22+$0xFFFFFE10]  }
0x15: {  	v2 =	vld [tilespmem:s22+$0xFFFFFE20]  }
0x16: {  	v3 =	vld [tilespmem:s22+$0xFFFFFE30]  }
0x17: {  	v4 =	vld [tilespmem:s22+$0xFFFFFE80]  }
0x18: {  	v5 =	vld [tilespmem:s22+$0xFFFFFE90]  }
0x19: {  	v6 =	vld [tilespmem:s22+$0xFFFFFEA0]  }
0x1a: {  	v7 =	vld [tilespmem:s22+$0xFFFFFEB0];
	[tilespmem:s23+$0xFFFFFF00] =	vst v0  }
0x1b: {  	[tilespmem:s23+$0xFFFFFF10] =	vst v1  }
0x1c: {  	[tilespmem:s23+$0xFFFFFF20] =	vst v2  }
0x1d: {  	s24 =	sadd.s32 $0xFFFFFE80, s21;
	[tilespmem:s23+$0xFFFFFF30] =	vst v3  }
0x1e: {  	s25 =	sor.u32 $0x50, s24;
	[tilespmem:s23+$0xFFFFFF40] =	vst v4  }
0x1f: {  	s26 =	sor.u32 $0x60, s24;
	[tilespmem:s25+$0x14000] =	vst v5  }
0x20: {  	s24 =	sor.u32 $0x70, s24;
	[tilespmem:s26+$0x14000] =	vst v6  }
0x21: {  	[tilespmem:s24+$0x14000] =	vst v7  }
0x22: {  	v0 =	vld [tilespmem:s22+$0xFFFFFF00]  }
0x23: {  	v1 =	vld [tilespmem:s22+$0xFFFFFF10]  }
0x24: {  	v2 =	vld [tilespmem:s22+$0xFFFFFF20]  }
0x25: {  	v3 =	vld [tilespmem:s22+$0xFFFFFF30]  }
0x26: {  	v4 =	vld [tilespmem:s22+$0xFFFFFF80]  }
0x27: {  	v5 =	vld [tilespmem:s22+$0xFFFFFF90]  }
0x28: {  	v6 =	vld [tilespmem:s22+$0xFFFFFFA0]  }
0x29: {  	v7 =	vld [tilespmem:s22+$0xFFFFFFB0];
	[tilespmem:s23+$0xFFFFFF80] =	vst v0  }
0x2a: {  	[tilespmem:s23+$0xFFFFFF90] =	vst v1  }
0x2b: {  	[tilespmem:s23+$0xFFFFFFA0] =	vst v2  }
0x2c: {  	s28 =	sadd.s32 $0xFFFFFF00, s21;
	[tilespmem:s23+$0xFFFFFFB0] =	vst v3  }
0x2d: {  	s29 =	sor.u32 $0x50, s28;
	[tilespmem:s23+$0xFFFFFFC0] =	vst v4  }
0x2e: {  	s30 =	sor.u32 $0x60, s28;
	[tilespmem:s29+$0x14000] =	vst v5  }
0x2f: {  	s24 =	sor.u32 $0x70, s28;
	[tilespmem:s30+$0x14000] =	vst v6  }
0x30: {  	[tilespmem:s24+$0x14000] =	vst v7  }
0x31: {  	v0 =	vld [tilespmem:s22+$0x0]  }
0x32: {  	v1 =	vld [tilespmem:s22+$0x10]  }
0x33: {  	v2 =	vld [tilespmem:s22+$0x20]  }
0x34: {  	v3 =	vld [tilespmem:s22+$0x30]  }
0x35: {  	v4 =	vld [tilespmem:s22+$0x80]  }
0x36: {  	v5 =	vld [tilespmem:s22+$0x90]  }
0x37: {  	v6 =	vld [tilespmem:s22+$0xA0]  }
0x38: {  	v7 =	vld [tilespmem:s22+$0xB0];
	[tilespmem:s23+$0x0] =	vst v0  }
0x39: {  	[tilespmem:s23+$0x10] =	vst v1  }
0x3a: {  	[tilespmem:s23+$0x20] =	vst v2  }
0x3b: {  	s31 =	sadd.s32 $0xFFFFFF80, s21;
	[tilespmem:s23+$0x30] =	vst v3  }
0x3c: {  	s26 =	sor.u32 $0x50, s31;
	[tilespmem:s23+$0x40] =	vst v4  }
0x3d: {  	s28 =	sor.u32 $0x60, s31;
	[tilespmem:s26+$0x14000] =	vst v5  }
0x3e: {  	s24 =	sor.u32 $0x70, s31;
	[tilespmem:s28+$0x14000] =	vst v6  }
0x3f: {  	[tilespmem:s24+$0x14000] =	vst v7  }
0x40: {  	v0 =	vld [tilespmem:s22+$0x100]  }
0x41: {  	v1 =	vld [tilespmem:s22+$0x110]  }
0x42: {  	v2 =	vld [tilespmem:s22+$0x120]  }
0x43: {  	v3 =	vld [tilespmem:s22+$0x130]  }
0x44: {  	v4 =	vld [tilespmem:s22+$0x180]  }
0x45: {  	v5 =	vld [tilespmem:s22+$0x190]  }
0x46: {  	v6 =	vld [tilespmem:s22+$0x1A0]  }
0x47: {  	v7 =	vld [tilespmem:s22+$0x1B0];
	[tilespmem:s23+$0x80] =	vst v0  }
0x48: {  	[tilespmem:s23+$0x90] =	vst v1  }
0x49: {  	p0 =	sne.s32 s21, $0x4FC0;
	[tilespmem:s23+$0xA0] =	vst v2  }
.Ltmp0:
0x4a: {  	[tilespmem:s23+$0xB0] =	vst v3;
	(pc) =	sbr.rel @p0 .LBB2_2-.Ltmp0, $4  }
0x4b: {  	s29 =	sor.u32 $0x50, s21;
	[tilespmem:s23+$0xC0] =	vst v4  }
0x4c: {  	s30 =	sor.u32 $0x60, s21;
	[tilespmem:s29+$0x14000] =	vst v5  }
0x4d: {  	s31 =	sor.u32 $0x70, s21;
	[tilespmem:s30+$0x14000] =	vst v6  }
0x4e: {  	s21 =	sadd.s32 $0x200, s21;
	s22 =	sadd.s32 $0x400, s22;
	s23 =	sadd.s32 $0x200, s23;
	[tilespmem:s31+$0x14000] =	vst v7  }
0x4f: {  	[hbm4b:s8+s2] =	stream.linear.scatter [tilespmem:s15], [sflag:$0x3], $0x5000, $0x38;
	[tilespmem:$0x1E000] =	vst v63  }
0x50: {  	_ =	swait.ge [sflag:s16], $0xA000  }
0x51: {  	s21 =	simm.s32 $0x1C0;
	[sflag:s16] =	ssyncset.done $0x0  }
0x52: {  	s22 =	simm.s32 $0xA200;
	s23 =	simm.s32 $0x19100;
	[sflag:s16] =	ssyncadd.s32 $0xFFFF6000  }
0x53: {  	[tilespmem:s2], [sflag:$0x1] =	stream.linear.gather [hbm4b:s9+s2], $0xA000, $0x38;
	[tilespmem:$0x1E000] =	vst v63  }
.LBB2_4:
0x54: {  	v0 =	vld [tilespmem:s22+$0xFFFFFE00]  }
0x55: {  	v1 =	vld [tilespmem:s22+$0xFFFFFE10]  }
0x56: {  	v2 =	vld [tilespmem:s22+$0xFFFFFE20]  }
0x57: {  	v3 =	vld [tilespmem:s22+$0xFFFFFE30]  }
0x58: {  	v4 =	vld [tilespmem:s22+$0xFFFFFE80]  }
0x59: {  	v5 =	vld [tilespmem:s22+$0xFFFFFE90]  }
0x5a: {  	v6 =	vld [tilespmem:s22+$0xFFFFFEA0]  }
0x5b: {  	v7 =	vld [tilespmem:s22+$0xFFFFFEB0];
	[tilespmem:s23+$0xFFFFFF00] =	vst v0  }
0x5c: {  	[tilespmem:s23+$0xFFFFFF10] =	vst v1  }
0x5d: {  	[tilespmem:s23+$0xFFFFFF20] =	vst v2  }
0x5e: {  	s24 =	sadd.s32 $0xFFFFFE80, s21;
	[tilespmem:s23+$0xFFFFFF30] =	vst v3  }
0x5f: {  	s25 =	sor.u32 $0x50, s24;
	[tilespmem:s23+$0xFFFFFF40] =	vst v4  }
0x60: {  	s26 =	sor.u32 $0x60, s24;
	[tilespmem:s25+$0x19000] =	vst v5  }
0x61: {  	s24 =	sor.u32 $0x70, s24;
	[tilespmem:s26+$0x19000] =	vst v6  }
0x62: {  	[tilespmem:s24+$0x19000] =	vst v7  }
0x63: {  	v0 =	vld [tilespmem:s22+$0xFFFFFF00]  }
0x64: {  	v1 =	vld [tilespmem:s22+$0xFFFFFF10]  }
0x65: {  	v2 =	vld [tilespmem:s22+$0xFFFFFF20]  }
0x66: {  	v3 =	vld [tilespmem:s22+$0xFFFFFF30]  }
0x67: {  	v4 =	vld [tilespmem:s22+$0xFFFFFF80]  }
0x68: {  	v5 =	vld [tilespmem:s22+$0xFFFFFF90]  }
0x69: {  	v6 =	vld [tilespmem:s22+$0xFFFFFFA0]  }
0x6a: {  	v7 =	vld [tilespmem:s22+$0xFFFFFFB0];
	[tilespmem:s23+$0xFFFFFF80] =	vst v0  }
0x6b: {  	[tilespmem:s23+$0xFFFFFF90] =	vst v1  }
0x6c: {  	[tilespmem:s23+$0xFFFFFFA0] =	vst v2  }
0x6d: {  	s28 =	sadd.s32 $0xFFFFFF00, s21;
	[tilespmem:s23+$0xFFFFFFB0] =	vst v3  }
0x6e: {  	s29 =	sor.u32 $0x50, s28;
	[tilespmem:s23+$0xFFFFFFC0] =	vst v4  }
0x6f: {  	s30 =	sor.u32 $0x60, s28;
	[tilespmem:s29+$0x19000] =	vst v5  }
0x70: {  	s24 =	sor.u32 $0x70, s28;
	[tilespmem:s30+$0x19000] =	vst v6  }
0x71: {  	[tilespmem:s24+$0x19000] =	vst v7  }
0x72: {  	v0 =	vld [tilespmem:s22+$0x0]  }
0x73: {  	v1 =	vld [tilespmem:s22+$0x10]  }
0x74: {  	v2 =	vld [tilespmem:s22+$0x20]  }
0x75: {  	v3 =	vld [tilespmem:s22+$0x30]  }
0x76: {  	v4 =	vld [tilespmem:s22+$0x80]  }
0x77: {  	v5 =	vld [tilespmem:s22+$0x90]  }
0x78: {  	v6 =	vld [tilespmem:s22+$0xA0]  }
0x79: {  	v7 =	vld [tilespmem:s22+$0xB0];
	[tilespmem:s23+$0x0] =	vst v0  }
0x7a: {  	[tilespmem:s23+$0x10] =	vst v1  }
0x7b: {  	[tilespmem:s23+$0x20] =	vst v2  }
0x7c: {  	s31 =	sadd.s32 $0xFFFFFF80, s21;
	[tilespmem:s23+$0x30] =	vst v3  }
0x7d: {  	s26 =	sor.u32 $0x50, s31;
	[tilespmem:s23+$0x40] =	vst v4  }
0x7e: {  	s28 =	sor.u32 $0x60, s31;
	[tilespmem:s26+$0x19000] =	vst v5  }
0x7f: {  	s24 =	sor.u32 $0x70, s31;
	[tilespmem:s28+$0x19000] =	vst v6  }
0x80: {  	[tilespmem:s24+$0x19000] =	vst v7  }
0x81: {  	v0 =	vld [tilespmem:s22+$0x100]  }
0x82: {  	v1 =	vld [tilespmem:s22+$0x110]  }
0x83: {  	v2 =	vld [tilespmem:s22+$0x120]  }
0x84: {  	v3 =	vld [tilespmem:s22+$0x130]  }
0x85: {  	v4 =	vld [tilespmem:s22+$0x180]  }
0x86: {  	v5 =	vld [tilespmem:s22+$0x190]  }
0x87: {  	v6 =	vld [tilespmem:s22+$0x1A0]  }
0x88: {  	v7 =	vld [tilespmem:s22+$0x1B0];
	[tilespmem:s23+$0x80] =	vst v0  }
0x89: {  	[tilespmem:s23+$0x90] =	vst v1  }
0x8a: {  	p0 =	sne.s32 s21, $0x4FC0;
	[tilespmem:s23+$0xA0] =	vst v2  }
.Ltmp1:
0x8b: {  	[tilespmem:s23+$0xB0] =	vst v3;
	(pc) =	sbr.rel @p0 .LBB2_4-.Ltmp1, $4  }
0x8c: {  	s29 =	sor.u32 $0x50, s21;
	[tilespmem:s23+$0xC0] =	vst v4  }
0x8d: {  	s30 =	sor.u32 $0x60, s21;
	[tilespmem:s29+$0x19000] =	vst v5  }
0x8e: {  	s31 =	sor.u32 $0x70, s21;
	[tilespmem:s30+$0x19000] =	vst v6  }
0x8f: {  	s21 =	sadd.s32 $0x200, s21;
	s22 =	sadd.s32 $0x400, s22;
	s23 =	sadd.s32 $0x200, s23;
	[tilespmem:s31+$0x19000] =	vst v7  }
0x90: {  	[hbm4b:s10+s2] =	stream.linear.scatter [tilespmem:s17], [sflag:$0x4], $0x5000, $0x38;
	[tilespmem:$0x1E000] =	vst v63  }
0x91: {  	s21 =	simm.s32 $0x1  }
.LBB2_6:
0x92: {  	s23 =	sshll.u32 s21, $0x6  }
0x93: {  	s24 =	sor.u32 s23, s3  }
0x94: {  	s22 =	sor.u32 $0x20, s24  }
0x95: {  	s22 =	smin.u32 s22, $0xC34  }
0x96: {  	_ =	swait.ge [sflag:s13], $0xA000;
	s25 =	smul.u32 $0x1400, s22  }
0x97: {  	[sflag:s13] =	ssyncset.done $0x0  }
0x98: {  	[sflag:s13] =	ssyncadd.s32 $0xFFFF6000;
	s25 =	sadd.s32 s4, s25  }
0x99: {  	[tilespmem:s14], [sflag:$0x2] =	stream.linear.gather [hbm4b:s25+s2], $0xA000, $0x38;
	[tilespmem:$0x1E000] =	vst v63  }
0x9a: {  	_ =	swait.ge [sflag:s18], $0x5000  }
0x9b: {  	s26 =	simm.s32 $0x200;
	[sflag:s18] =	ssyncset.done $0x0  }
0x9c: {  	s28 =	simm.s32 $0x14100;
	s25 =	simm.s32 $0x1C0;
	[sflag:s18] =	ssyncadd.s32 $0xFFFFB000  }
.LBB2_7:
0x9d: {  	v0 =	vld [tilespmem:s26+$0xFFFFFE00]  }
0x9e: {  	v1 =	vld [tilespmem:s26+$0xFFFFFE10]  }
0x9f: {  	v2 =	vld [tilespmem:s26+$0xFFFFFE20]  }
0xa0: {  	v3 =	vld [tilespmem:s26+$0xFFFFFE30]  }
0xa1: {  	v4 =	vld [tilespmem:s26+$0xFFFFFE80]  }
0xa2: {  	v5 =	vld [tilespmem:s26+$0xFFFFFE90]  }
0xa3: {  	v6 =	vld [tilespmem:s26+$0xFFFFFEA0]  }
0xa4: {  	v7 =	vld [tilespmem:s26+$0xFFFFFEB0];
	[tilespmem:s28+$0xFFFFFF00] =	vst v0  }
0xa5: {  	[tilespmem:s28+$0xFFFFFF10] =	vst v1  }
0xa6: {  	[tilespmem:s28+$0xFFFFFF20] =	vst v2  }
0xa7: {  	s29 =	sadd.s32 $0xFFFFFE80, s25;
	[tilespmem:s28+$0xFFFFFF30] =	vst v3  }
0xa8: {  	s30 =	sor.u32 $0x50, s29;
	[tilespmem:s28+$0xFFFFFF40] =	vst v4  }
0xa9: {  	s31 =	sor.u32 $0x60, s29;
	[tilespmem:s30+$0x14000] =	vst v5  }
0xaa: {  	s29 =	sor.u32 $0x70, s29;
	[tilespmem:s31+$0x14000] =	vst v6  }
0xab: {  	[tilespmem:s29+$0x14000] =	vst v7  }
0xac: {  	v0 =	vld [tilespmem:s26+$0xFFFFFF00]  }
0xad: {  	v1 =	vld [tilespmem:s26+$0xFFFFFF10]  }
0xae: {  	v2 =	vld [tilespmem:s26+$0xFFFFFF20]  }
0xaf: {  	v3 =	vld [tilespmem:s26+$0xFFFFFF30]  }
0xb0: {  	v4 =	vld [tilespmem:s26+$0xFFFFFF80]  }
0xb1: {  	v5 =	vld [tilespmem:s26+$0xFFFFFF90]  }
0xb2: {  	v6 =	vld [tilespmem:s26+$0xFFFFFFA0]  }
0xb3: {  	v7 =	vld [tilespmem:s26+$0xFFFFFFB0];
	[tilespmem:s28+$0xFFFFFF80] =	vst v0  }
0xb4: {  	[tilespmem:s28+$0xFFFFFF90] =	vst v1  }
0xb5: {  	[tilespmem:s28+$0xFFFFFFA0] =	vst v2  }
0xb6: {  	s29 =	sadd.s32 $0xFFFFFF00, s25;
	[tilespmem:s28+$0xFFFFFFB0] =	vst v3  }
0xb7: {  	s31 =	sor.u32 $0x50, s29;
	[tilespmem:s28+$0xFFFFFFC0] =	vst v4  }
0xb8: {  	[tilespmem:s31+$0x14000] =	vst v5;
	s31 =	sor.u32 $0x60, s29  }
0xb9: {  	s29 =	sor.u32 $0x70, s29;
	[tilespmem:s31+$0x14000] =	vst v6  }
0xba: {  	[tilespmem:s29+$0x14000] =	vst v7  }
0xbb: {  	v0 =	vld [tilespmem:s26+$0x0]  }
0xbc: {  	v1 =	vld [tilespmem:s26+$0x10]  }
0xbd: {  	v2 =	vld [tilespmem:s26+$0x20]  }
0xbe: {  	v3 =	vld [tilespmem:s26+$0x30]  }
0xbf: {  	v4 =	vld [tilespmem:s26+$0x80]  }
0xc0: {  	v5 =	vld [tilespmem:s26+$0x90]  }
0xc1: {  	v6 =	vld [tilespmem:s26+$0xA0]  }
0xc2: {  	v7 =	vld [tilespmem:s26+$0xB0];
	[tilespmem:s28+$0x0] =	vst v0  }
0xc3: {  	[tilespmem:s28+$0x10] =	vst v1  }
0xc4: {  	[tilespmem:s28+$0x20] =	vst v2  }
0xc5: {  	s29 =	sadd.s32 $0xFFFFFF80, s25;
	[tilespmem:s28+$0x30] =	vst v3  }
0xc6: {  	s31 =	sor.u32 $0x50, s29;
	[tilespmem:s28+$0x40] =	vst v4  }
0xc7: {  	[tilespmem:s31+$0x14000] =	vst v5;
	s31 =	sor.u32 $0x60, s29  }
0xc8: {  	s29 =	sor.u32 $0x70, s29;
	[tilespmem:s31+$0x14000] =	vst v6  }
0xc9: {  	[tilespmem:s29+$0x14000] =	vst v7  }
0xca: {  	v0 =	vld [tilespmem:s26+$0x100]  }
0xcb: {  	v1 =	vld [tilespmem:s26+$0x110]  }
0xcc: {  	v2 =	vld [tilespmem:s26+$0x120]  }
0xcd: {  	v3 =	vld [tilespmem:s26+$0x130]  }
0xce: {  	v4 =	vld [tilespmem:s26+$0x180]  }
0xcf: {  	v5 =	vld [tilespmem:s26+$0x190]  }
0xd0: {  	v6 =	vld [tilespmem:s26+$0x1A0]  }
0xd1: {  	v7 =	vld [tilespmem:s26+$0x1B0];
	[tilespmem:s28+$0x80] =	vst v0  }
0xd2: {  	[tilespmem:s28+$0x90] =	vst v1  }
0xd3: {  	p0 =	sne.s32 s25, $0x4FC0;
	[tilespmem:s28+$0xA0] =	vst v2  }
.Ltmp2:
0xd4: {  	[tilespmem:s28+$0xB0] =	vst v3;
	(pc) =	sbr.rel @p0 .LBB2_7-.Ltmp2, $4  }
0xd5: {  	s31 =	sor.u32 $0x50, s25;
	[tilespmem:s28+$0xC0] =	vst v4  }
0xd6: {  	s30 =	sor.u32 $0x60, s25;
	[tilespmem:s31+$0x14000] =	vst v5  }
0xd7: {  	s31 =	sor.u32 $0x70, s25;
	[tilespmem:s30+$0x14000] =	vst v6  }
0xd8: {  	s26 =	sadd.s32 $0x400, s26;
	s28 =	sadd.s32 $0x200, s28;
	s25 =	sadd.s32 $0x200, s25;
	[tilespmem:s31+$0x14000] =	vst v7  }
0xd9: {  	s24 =	smul.u32 $0xA00, s24  }
0xda: {  	s23 =	sadd.s32 s11, s23  }
0xdb: {  	s23 =	smin.u32 s23, $0xC34;
	s24 =	sadd.s32 s5, s24  }
0xdc: {  	[hbm4b:s24+s2] =	stream.linear.scatter [tilespmem:s15], [sflag:$0x3], $0x5000, $0x38;
	[tilespmem:$0x1E000] =	vst v63  }
0xdd: {  	s23 =	smul.u32 $0x1400, s23;
	_ =	swait.ge [sflag:s16], $0xA000  }
0xde: {  	[sflag:s16] =	ssyncset.done $0x0  }
0xdf: {  	s23 =	sadd.s32 s4, s23;
	[sflag:s16] =	ssyncadd.s32 $0xFFFF6000  }
0xe0: {  	[tilespmem:s2], [sflag:$0x1] =	stream.linear.gather [hbm4b:s23+s2], $0xA000, $0x38;
	[tilespmem:$0x1E000] =	vst v63  }
0xe1: {  	_ =	swait.ge [sflag:s19], $0x5000  }
0xe2: {  	s25 =	simm.s32 $0x19100;
	[sflag:s19] =	ssyncset.done $0x0  }
0xe3: {  	s24 =	simm.s32 $0xA200;
	s23 =	simm.s32 $0x1C0;
	[sflag:s19] =	ssyncadd.s32 $0xFFFFB000  }
.LBB2_9:
0xe4: {  	v0 =	vld [tilespmem:s24+$0xFFFFFE00]  }
0xe5: {  	v1 =	vld [tilespmem:s24+$0xFFFFFE10]  }
0xe6: {  	v2 =	vld [tilespmem:s24+$0xFFFFFE20]  }
0xe7: {  	v3 =	vld [tilespmem:s24+$0xFFFFFE30]  }
0xe8: {  	v4 =	vld [tilespmem:s24+$0xFFFFFE80]  }
0xe9: {  	v5 =	vld [tilespmem:s24+$0xFFFFFE90]  }
0xea: {  	v6 =	vld [tilespmem:s24+$0xFFFFFEA0]  }
0xeb: {  	v7 =	vld [tilespmem:s24+$0xFFFFFEB0];
	[tilespmem:s25+$0xFFFFFF00] =	vst v0  }
0xec: {  	[tilespmem:s25+$0xFFFFFF10] =	vst v1  }
0xed: {  	[tilespmem:s25+$0xFFFFFF20] =	vst v2  }
0xee: {  	s26 =	sadd.s32 $0xFFFFFE80, s23;
	[tilespmem:s25+$0xFFFFFF30] =	vst v3  }
0xef: {  	s28 =	sor.u32 $0x50, s26;
	[tilespmem:s25+$0xFFFFFF40] =	vst v4  }
0xf0: {  	s31 =	sor.u32 $0x60, s26;
	[tilespmem:s28+$0x19000] =	vst v5  }
0xf1: {  	s26 =	sor.u32 $0x70, s26;
	[tilespmem:s31+$0x19000] =	vst v6  }
0xf2: {  	[tilespmem:s26+$0x19000] =	vst v7  }
0xf3: {  	v0 =	vld [tilespmem:s24+$0xFFFFFF00]  }
0xf4: {  	v1 =	vld [tilespmem:s24+$0xFFFFFF10]  }
0xf5: {  	v2 =	vld [tilespmem:s24+$0xFFFFFF20]  }
0xf6: {  	v3 =	vld [tilespmem:s24+$0xFFFFFF30]  }
0xf7: {  	v4 =	vld [tilespmem:s24+$0xFFFFFF80]  }
0xf8: {  	v5 =	vld [tilespmem:s24+$0xFFFFFF90]  }
0xf9: {  	v6 =	vld [tilespmem:s24+$0xFFFFFFA0]  }
0xfa: {  	v7 =	vld [tilespmem:s24+$0xFFFFFFB0];
	[tilespmem:s25+$0xFFFFFF80] =	vst v0  }
0xfb: {  	[tilespmem:s25+$0xFFFFFF90] =	vst v1  }
0xfc: {  	[tilespmem:s25+$0xFFFFFFA0] =	vst v2  }
0xfd: {  	s29 =	sadd.s32 $0xFFFFFF00, s23;
	[tilespmem:s25+$0xFFFFFFB0] =	vst v3  }
0xfe: {  	s30 =	sor.u32 $0x50, s29;
	[tilespmem:s25+$0xFFFFFFC0] =	vst v4  }
0xff: {  	s31 =	sor.u32 $0x60, s29;
	[tilespmem:s30+$0x19000] =	vst v5  }
0x100: {  	s26 =	sor.u32 $0x70, s29;
	[tilespmem:s31+$0x19000] =	vst v6  }
0x101: {  	[tilespmem:s26+$0x19000] =	vst v7  }
0x102: {  	v0 =	vld [tilespmem:s24+$0x0]  }
0x103: {  	v1 =	vld [tilespmem:s24+$0x10]  }
0x104: {  	v2 =	vld [tilespmem:s24+$0x20]  }
0x105: {  	v3 =	vld [tilespmem:s24+$0x30]  }
0x106: {  	v4 =	vld [tilespmem:s24+$0x80]  }
0x107: {  	v5 =	vld [tilespmem:s24+$0x90]  }
0x108: {  	v6 =	vld [tilespmem:s24+$0xA0]  }
0x109: {  	v7 =	vld [tilespmem:s24+$0xB0];
	[tilespmem:s25+$0x0] =	vst v0  }
0x10a: {  	[tilespmem:s25+$0x10] =	vst v1  }
0x10b: {  	[tilespmem:s25+$0x20] =	vst v2  }
0x10c: {  	s29 =	sadd.s32 $0xFFFFFF80, s23;
	[tilespmem:s25+$0x30] =	vst v3  }
0x10d: {  	s30 =	sor.u32 $0x50, s29;
	[tilespmem:s25+$0x40] =	vst v4  }
0x10e: {  	s31 =	sor.u32 $0x60, s29;
	[tilespmem:s30+$0x19000] =	vst v5  }
0x10f: {  	s26 =	sor.u32 $0x70, s29;
	[tilespmem:s31+$0x19000] =	vst v6  }
0x110: {  	[tilespmem:s26+$0x19000] =	vst v7  }
0x111: {  	v0 =	vld [tilespmem:s24+$0x100]  }
0x112: {  	v1 =	vld [tilespmem:s24+$0x110]  }
0x113: {  	v2 =	vld [tilespmem:s24+$0x120]  }
0x114: {  	v3 =	vld [tilespmem:s24+$0x130]  }
0x115: {  	v4 =	vld [tilespmem:s24+$0x180]  }
0x116: {  	v5 =	vld [tilespmem:s24+$0x190]  }
0x117: {  	v6 =	vld [tilespmem:s24+$0x1A0]  }
0x118: {  	v7 =	vld [tilespmem:s24+$0x1B0];
	[tilespmem:s25+$0x80] =	vst v0  }
0x119: {  	[tilespmem:s25+$0x90] =	vst v1  }
0x11a: {  	p0 =	sne.s32 s23, $0x4FC0;
	[tilespmem:s25+$0xA0] =	vst v2  }
.Ltmp3:
0x11b: {  	[tilespmem:s25+$0xB0] =	vst v3;
	(pc) =	sbr.rel @p0 .LBB2_9-.Ltmp3, $4  }
0x11c: {  	s29 =	sor.u32 $0x50, s23;
	[tilespmem:s25+$0xC0] =	vst v4  }
0x11d: {  	s30 =	sor.u32 $0x60, s23;
	[tilespmem:s29+$0x19000] =	vst v5  }
0x11e: {  	s31 =	sor.u32 $0x70, s23;
	[tilespmem:s30+$0x19000] =	vst v6  }
0x11f: {  	s23 =	sadd.s32 $0x200, s23;
	s24 =	sadd.s32 $0x400, s24;
	s25 =	sadd.s32 $0x200, s25;
	[tilespmem:s31+$0x19000] =	vst v7  }
0x120: {  	s21 =	sadd.s32 $0x1, s21  }
0x121: {  	p0 =	sne.s32 s21, $0x31  }
.Ltmp4:
0x122: {  	_ = 	snop;
	(pc) =	sbr.rel @p0 .LBB2_6-.Ltmp4, $3  }
0x123: {  	s22 =	smul.u32 $0xA00, s22;
	_ =	sdelay $0x1  }
0x124: {  	s22 =	sadd.s32 s5, s22  }
0x125: {  	[hbm4b:s22+s2] =	stream.linear.scatter [tilespmem:s17], [sflag:$0x4], $0x5000, $0x38;
	[tilespmem:$0x1E000] =	vst v63  }
0x126: {  	_ =	swait.ge [sflag:s18], $0x5000  }
0x127: {  	[sflag:s18] =	ssyncset.done $0x0  }
0x128: {  	s20 =	sadd.s32 $0x1, s20;
	[sflag:s18] =	ssyncadd.s32 $0xFFFFB000  }
0x129: {  	p0 =	sne.s32 s20, s12;
	_ =	swait.ge [sflag:s19], $0x5000  }
.Ltmp5:
0x12a: {  	[sflag:s19] =	ssyncset.done $0x0;
	(pc) =	sbr.rel @p0 .LBB2_1-.Ltmp5, $4  }
0x12b: {  	[sflag:s19] =	ssyncadd.s32 $0xFFFFB000  }
0x12c: {  	_ =	swait.ge [sflag:s13], $0xA000  }
0x12d: {  	[sflag:s13] =	ssyncset.done $0x0  }
0x12e: {  	[sflag:s13] =	ssyncadd.s32 $0xFFFF6000  }
0x12f: {  	_ =	sfence.sel $0x180000  }
0x130: {  	[bflag:$0x0] =	sbarrier.arrive $0xFFFF  }
0x131: {  	p0 =	sne.s32 s0, $0x0;
	_ =	strace $0x90000047  }
0x132: {  	s0 =	sadd.s32 @!p0 $0x100000, s1;
	[bflag:$0x2] =	sbarrier.arrive $0xFFFF  }
0x133: {  	[sflag:s0] =	ssyncadd.tile.s32 @!p0 $0x1;
	_ =	shalt  }
.Lfunc_end2:
_tile_overlayer_lowered:
.L_overlay_start_2:
0x134: {  	(tag) =	ssettag $0x2  }
0x135: {  	s0 =	rddreg [dreg:$0x0];
	s2 =	stileid.u32  }
0x136: {  	s1 =	rddreg [dreg:$0x1];
	p0 =	sne.s32 s2, $0x0  }
0x137: {  	s3 =	rddreg [dreg:$0x2];
	[bflag:$0x3] =	sbarrier.arrive $0xFFFF;
	s2 =	simm.s32 @!p0 $0x1C05  }
0x138: {  	[timem:s3], [sflag:s2] =	dma.local @!p0 [hbm:s0], s1  }
0x139: {  	s0 =	simm.s32 @!p0 $0x5  }
0x13a: {  	_ =	swait.ge @!p0 [sflag:s0], s1  }
0x13b: {  	s1 =	ssub.s32 @!p0 $0x0, s1;
	[sflag:s0] =	ssyncset.done @!p0 $0x0  }
0x13c: {  	[sflag:s0] =	ssyncadd.s32 @!p0 s1  }
0x13d: {  	[bflag:$0x3] =	sbarrier.arrive $0xFFFF  }
0x13e: {  	_ =	shalt  }

// kernel: kernel.7.cloned.1.call-start
scs
__scs_entry_jumppad:
0x0: {  	(pc) =	sbr.rel $0x88, $3  }
0x1: {  	(tag) =	ssettag $0x0;
	lr =	simm.s32 $0x1  }
0x2: {  	[smem:$0x3F9F] =	sst lr;
	_ =	strace $0xD0000000  }
0x3: {  	_ = 	snop  }
0x4: {  	_ = 	snop  }
0x5: {  	_ = 	snop  }
0x6: {  	_ = 	snop  }
0x7: {  	_ = 	snop  }
__scs_overlays_trampoline_lowered:
0x8: {  	[smem:$0x3FAE] =	sst s0  }
0x9: {  	[smem:$0x3FAF] =	sst s1  }
0xa: {  	[smem:$0x3FB0] =	sst s2  }
0xb: {  	[smem:$0x3FB1] =	sst s3  }
0xc: {  	[smem:$0x3FB2] =	sst s4  }
0xd: {  	[smem:$0x3FB3] =	sst s5  }
0xe: {  	[smem:$0x3FB4] =	sst s6  }
0xf: {  	[smem:$0x3FB5] =	sst s7  }
0x10: {  	[smem:$0x3FB6] =	sst s8  }
0x11: {  	[smem:$0x3FB7] =	sst s9;
	s0 =	simm.s32 @!p0 $0x0  }
0x12: {  	s1 =	sld [smem:$0x3F9D];
	s0 =	simm.s32 @p0 $0x1  }
0x13: {  	[smem:$0x3FB8] =	sst s0;
	s0 =	simm.s32 @!p1 $0x0  }
0x14: {  	s2 =	sld [smem:$0x3F9C];
	s0 =	simm.s32 @p1 $0x1  }
0x15: {  	[smem:$0x3FB9] =	sst s0;
	s0 =	simm.s32 @!p2 $0x0  }
0x16: {  	s3 =	sld [smem:$0x3FDB];
	s0 =	simm.s32 @p2 $0x1  }
0x17: {  	s4 =	simm.s32 $0x1BF5;
	[smem:$0x3FBB] =	sst s0  }
0x18: {  	s0 =	sld [smem:$0x3F9E];
	_ =	swait.ge [sflag:s4], $0x0  }
0x19: {  	s7 =	sld [smem:$0x3F9F]  }
0x1a: {  	s8 =	sadd.s32 $0xFFFFE003, lr  }
0x1b: {  	s9 =	sadd.s32 $0xFFFFFEF7, lr;
	s5 =	simm.s32 $0xFFFFFFFF;
	p2 =	slt.u32 s8, $0xFFFFF086  }
0x1c: {  	p1 =	slt.u32 s9, $0xF7A;
	s5 =	simm.s32 @!p2 $0x0  }
0x1d: {  	s5 =	simm.s32 @p1 $0x1;
	p0 =	seq.s32 s7, s2  }
0x1e: {  	s7 =	smul.u32 @!p0 $0xF7A, s2;
	p2 =	seq.s32 @!p0 s5, $0x0  }
0x1f: {  	s9 =	smul.u32 $0xF7A, s1;
	s8 =	simm.s32 @!p0 $0x1BF5;
	p2 =	por !p2, p0  }
0x20: {  	[sflag:s8] =	ssyncset.s32 @!p0 $0xFFFFF086;
	s6 =	sadd.s32 @!p0 s3, s7;
	s7 =	simm.s32 @!p0 $0x108  }
0x21: {  	s3 =	sadd.s32 s3, s9;
	s6 =	sadd.s32 @!p0 $0x88, s6;
	s7 =	simm.s32 @p2 $0x1082  }
0x22: {  	[simem:s7], [sflag:s8] =	dma.local @!p0 [hbm:s6], $0xF7A  }
0x23: {  	s9 =	sor.u32 $0xD0000000, s2;
	s6 =	simm.s32 $0x108;
	_ =	swait.ge @!p0 [sflag:s8], $0x0  }
0x24: {  	s3 =	sadd.s32 $0x88, s3;
	s6 =	simm.s32 @!p1 $0x1082;
	[sflag:s4] =	ssyncset.s32 $0xFFFFF086  }
0x25: {  	[simem:s6], [sflag:s4] =	dma.local [hbm:s3], $0xF7A  }
0x26: {  	[smem:$0x3F9F] =	sst s1;
	(tag) =	ssettag s2;
	_ =	strace s9  }
0x27: {  	s1 =	sld [smem:$0x3FAF]  }
0x28: {  	s2 =	sld [smem:$0x3FB0]  }
0x29: {  	s4 =	sld [smem:$0x3FB2]  }
0x2a: {  	p0 =	seq.s32 s5, $0x0;
	s5 =	sld [smem:$0x3FB3]  }
0x2b: {  	s6 =	sld [smem:$0x3FB4]  }
0x2c: {  	s7 =	sld [smem:$0x3FB5]  }
0x2d: {  	s3 =	simm.s32 $0x108;
	s8 =	sld [smem:$0x3FB6]  }
0x2e: {  	s3 =	simm.s32 @!p0 $0x1082;
	s9 =	sld [smem:$0x3FB7]  }
0x2f: {  	lr =	sadd.s32 s0, s3;
	s0 =	sld [smem:$0x3FAE]  }
0x30: {  	s3 =	sld [smem:$0x3FB1]  }
0x31: {  	[smem:$0x3FBA] =	sst s10  }
0x32: {  	s10 =	sld [smem:$0x3FB8];
	_ =	sdelay $0x3  }
0x33: {  	p0 =	seq.s32 s10, $0x1;
	s10 =	sld [smem:$0x3FBA];
	_ =	sdelay $0x3  }
0x34: {  	[smem:$0x3FBA] =	sst s10  }
0x35: {  	s10 =	sld [smem:$0x3FB9];
	_ =	sdelay $0x3  }
0x36: {  	p1 =	seq.s32 s10, $0x1;
	s10 =	sld [smem:$0x3FBA];
	_ =	sdelay $0x3  }
0x37: {  	[smem:$0x3FBA] =	sst s10  }
0x38: {  	s10 =	sld [smem:$0x3FBB]  }
0x39: {  	_ = 	snop;
	(pc) =	sbr.ind lr, $3  }
0x3a: {  	_ = 	snop  }
0x3b: {  	_ = 	snop  }
0x3c: {  	p2 =	seq.s32 s10, $0x1;
	s10 =	sld [smem:$0x3FBA]  }
0x3d: {  	_ =	shalt  }
0x3e: {  	_ =	shalt  }
0x3f: {  	_ =	shalt  }
0x40: {  	_ =	shalt  }
0x41: {  	_ =	shalt  }
0x42: {  	_ =	shalt  }
0x43: {  	_ =	shalt  }
0x44: {  	_ =	shalt  }
0x45: {  	_ =	shalt  }
0x46: {  	_ =	shalt  }
0x47: {  	_ =	shalt  }
0x48: {  	_ =	shalt  }
0x49: {  	_ =	shalt  }
0x4a: {  	_ =	shalt  }
0x4b: {  	_ =	shalt  }
0x4c: {  	_ =	shalt  }
0x4d: {  	_ =	shalt  }
0x4e: {  	_ =	shalt  }
0x4f: {  	_ =	shalt  }
0x50: {  	_ =	shalt  }
0x51: {  	_ =	shalt  }
0x52: {  	_ =	shalt  }
0x53: {  	_ =	shalt  }
0x54: {  	_ =	shalt  }
0x55: {  	_ =	shalt  }
0x56: {  	_ =	shalt  }
0x57: {  	_ =	shalt  }
0x58: {  	_ =	shalt  }
0x59: {  	_ =	shalt  }
0x5a: {  	_ =	shalt  }
0x5b: {  	_ =	shalt  }
0x5c: {  	_ =	shalt  }
0x5d: {  	_ =	shalt  }
0x5e: {  	_ =	shalt  }
0x5f: {  	_ =	shalt  }
0x60: {  	_ =	shalt  }
0x61: {  	_ =	shalt  }
0x62: {  	_ =	shalt  }
0x63: {  	_ =	shalt  }
0x64: {  	_ =	shalt  }
0x65: {  	_ =	shalt  }
0x66: {  	_ =	shalt  }
0x67: {  	_ =	shalt  }
0x68: {  	_ =	shalt  }
0x69: {  	_ =	shalt  }
0x6a: {  	_ =	shalt  }
0x6b: {  	_ =	shalt  }
0x6c: {  	_ =	shalt  }
0x6d: {  	_ =	shalt  }
0x6e: {  	_ =	shalt  }
0x6f: {  	_ =	shalt  }
0x70: {  	_ =	shalt  }
0x71: {  	_ =	shalt  }
0x72: {  	_ =	shalt  }
0x73: {  	_ =	shalt  }
0x74: {  	_ =	shalt  }
0x75: {  	_ =	shalt  }
0x76: {  	_ =	shalt  }
0x77: {  	_ =	shalt  }
0x78: {  	_ =	shalt  }
0x79: {  	_ =	shalt  }
0x7a: {  	_ =	shalt  }
0x7b: {  	_ =	shalt  }
0x7c: {  	_ =	shalt  }
0x7d: {  	_ =	shalt  }
0x7e: {  	_ =	shalt  }
0x7f: {  	_ =	shalt  }
0x80: {  	_ =	shalt  }
0x81: {  	_ =	shalt  }
0x82: {  	_ =	shalt  }
0x83: {  	_ =	shalt  }
0x84: {  	_ =	shalt  }
0x85: {  	_ =	shalt  }
0x86: {  	_ =	shalt  }
0x87: {  	_ =	shalt  }
.Lfunc_end0:
.L_simem_size_0:
called_computation.2_lowered:
.L_overlay_start_0:
0x88: {  	s2 =	sld [smem:$0x3FD9]  }
0x89: {  	s3 =	sld [smem:$0x3FFE];
	_ =	sdelay $0x1  }
0x8a: {  	s1 =	srdreg.scid  }
0x8b: {  	s0 =	sand.u32 $0x1, s1  }
0x8c: {  	s17 =	sshll.u32 s0, $0xA;
	s2 =	sadd.s32 s3, s2  }
0x8d: {  	s2 =	sadd.s32 s2, s17  }
0x8e: {  	[smem:$0x3FC6] =	sst s2  }
0x8f: {  	_ = 	snop  }
0x90: {  	s2 =	sld [smem:$0x3FD0];
	(tm) =	ssettm $0x1  }
0x91: {  	s18 =	sld [smem:$0x3FFB];
	_ =	sdelay $0x3  }
0x92: {  	_ =	strace s18  }
0x93: {  	s3 =	sld [smem:$0x3FFC];
	_ =	sdelay $0x3  }
0x94: {  	_ =	strace s3  }
0x95: {  	s3 =	sld [smem:$0x3FFD];
	_ =	sdelay $0x3  }
0x96: {  	_ =	strace s3  }
0x97: {  	_ =	strace $0x8FFFFFFF  }
0x98: {  	s19 =	sld [smem:$0x3FDB];
	_ =	sdelay $0x1  }
0x99: {  	s4 =	simm.s32 $_scs_section_size  }
0x9a: {  	s5 =	simm.s32 $_size__tile_overlayer_lowered;
	s6 =	simm.s32 $_tile_overlayer_lowered  }
0x9b: {  	s22 =	simm.s32 $0x1BFF;
	s21 =	sshll.u32 s6, $0x1;
	s3 =	sadd.s32 s4, s19  }
0x9c: {  	s7 =	simm.s32 $0x0;
	s20 =	sshll.u32 s5, $0x1;
	s5 =	sadd.s32 s21, s3  }
0x9d: {  	[timem:s7], [sflag:s22] =	dma.local [hbm:s5], s20  }
0x9e: {  	_ =	swait.ge [sflag:s22], s20  }
0x9f: {  	s4 =	ssub.s32 $0x0, s20;
	[sflag:s22] =	ssyncset.done $0x0  }
0xa0: {  	[sflag:s22] =	ssyncadd.s32 s4;
	_ =	sdelay $0x1  }
0xa1: {  	s23 =	simm.s32 $0x1B8B  }
0xa2: {  	_ =	swait.ge [sflag:s23], $0x1  }
0xa3: {  	[sflag:s23] =	ssyncset.done $0x0  }
0xa4: {  	s25 =	simm.s32 $0x1B8E;
	s24 =	sld [smem:$0x3FFE];
	[sflag:s23] =	ssyncadd.s32 $0xFFFFFFFF  }
0xa5: {  	s26 =	simm.s32 $execute0_lowered;
	[smem:$0x3FD2] =	sst s25  }
0xa6: {  	s5 =	sshll.u32 s26, $0x1;
	_ =	strace $0x80000049;
	[dreg:$0x1] =	wrdreg $0xFFFFFFFF  }
0xa7: {  	s28 =	simm.s32 $_size_execute0_lowered;
	s3 =	sadd.s32 s3, s5;
	[dreg:$0x0] =	wrdreg $0x0  }
0xa8: {  	s5 =	sshll.u32 s28, $0x1;
	[dreg:$0x2] =	wrdreg s3  }
0xa9: {  	[dreg:$0x3] =	wrdreg s5  }
0xaa: {  	[dreg:$0x4] =	wrdreg $0xC0  }
0xab: {  	_ =	task [dreg:s7], $0x5FFFF  }
0xac: {  	[dreg:$0x1] =	wrdreg $0xFFFFFFFF  }
0xad: {  	[dreg:$0x0] =	wrdreg $0x60  }
0xae: {  	[dreg:$0x2] =	wrdreg s24  }
0xaf: {  	[dreg:$0x3] =	wrdreg s2  }
0xb0: {  	[dreg:$0x4] =	wrdreg $0x9  }
0xb1: {  	_ =	task.clear_ibuf [dreg:s7], $0x5FFFF;
	_ =	strace $0x90000049  }
0xb2: {  	s29 =	simm.s32 $0x9;
	_ =	strace $0x8000004B  }
0xb3: {  	_ =	swait.ge [sflag:s29], $0x1  }
0xb4: {  	[sflag:s29] =	ssyncadd.s32 $0xFFFFFFFF  }
0xb5: {  	_ =	strace $0x9000004B  }
0xb6: {  	_ =	sfence  }
0xb7: {  	s30 =	sld [smem:$0x0];
	_ =	sdelay $0x2  }
0xb8: {  	s31 =	sshll.u32 s1, $0xD;
	s1 =	sshrl.u32 s1, $0x2  }
0xb9: {  	s3 =	sand.u32 $0x4000, s31;
	s1 =	sadd.s32 s1, s30  }
0xba: {  	s0 =	sor.u32 s3, s0;
	s1 =	sshll.u32 s1, $0x11  }
0xbb: {  	s0 =	sor.u32 s1, s0  }
0xbc: {  	s0 =	sadd.s32 $0x8F2B, s0  }
0xbd: {  	[sflag:s0] =	ssyncadd.remote.s32 $0x1  }
0xbe: {  	_ =	sfence.sel $0xFFFF  }
0xbf: {  	[dreg:$0x0] =	wrdreg $0xFFFFFFFF;
	(pc) =	sbr.abs _section_cstart, $3  }
0xc0: {  	[dreg:$0x1] =	wrdreg $0xFFFFFFFF  }
0xc1: {  	_ =	task.clear_ibuf [dreg:s7], $0x2FFFF;
	_ =	strace $0x9FFFFFFF  }
0xc2: {  	(tm) =	ssettm $0x7FFFFFFF  }
0xc3: {  	_ =	shalt  }
tec
execute0_lowered:
.L_overlay_start_1:
0x0: {  	(tag) =	ssettag $0x1  }
0x1: {  	s0 =	srdreg.scid;
	s1 =	rddreg [dreg:$0x0]  }
0x2: {  	s10 =	stileid.u32;
	s4 =	rddreg [dreg:$0x1];
	s2 =	simm.s32 $0x0  }
0x3: {  	s11 =	simm.s32 $0x32;
	s13 =	simm.s32 $0x2C80;
	s14 =	simm.s32 $0xE0  }
0x4: {  	s15 =	simm.s32 $0x3900;
	s16 =	simm.s32 $0x118;
	s12 =	simm.s32 $0x6B00  }
0x5: {  	s28 =	simm.s32 $0x3;
	s29 =	simm.s32 $0x5;
	s30 =	simm.s32 $0x4  }
0x6: {  	s31 =	simm.s32 $0x6;
	s0 =	sand.u32 $0x1, s0;
	s3 =	sshll.u32 s10, $0xA  }
0x7: {  	[smem:$0x7FF] =	sst s2;
	s9 =	sadd.s32 $0x16E4400, s1;
	s21 =	smul.u32 $0x1C00, s10  }
0x8: {  	s24 =	smul.u32 $0x64000, s10;
	s10 =	simm.s32 $0x1;
	s5 =	sshll.u32 s0, $0x9  }
0x9: {  	s17 =	ssub.s32 $0x2, s0;
	_ =	strace $0x8000004A;
	s22 =	smul.u32 $0xE00, s0  }
0xa: {  	s0 =	smul.u32 $0x32000, s0;
	s3 =	sor.u32 s5, s3;
	s7 =	sshrl.u32 s17, $0x1  }
0xb: {  	s26 =	sadd.s32 s24, s4;
	s24 =	simm.s32 $0x5E80;
	s6 =	smul.u32 $0x7, s3  }
0xc: {  	s8 =	smul.u32 $0xC80, s3;
	s3 =	sadd.s32 $0xF43200, s1;
	s18 =	ssub.s32 s17, s7  }
0xd: {  	s0 =	sadd.s32 s0, s26;
	s17 =	simm.s32 $0x380;
	s26 =	simm.s32 $0x0  }
0xe: {  	s1 =	smax.u32 s18, $0x1;
	[dreg:$0x9] =	wrdreg s0;
	s18 =	simm.s32 $0x2  }
0xf: {  	s19 =	sadd.s32 s9, s6;
	s20 =	sshrl.u32 s8, $0x3;
	s6 =	sadd.s32 s21, s9  }
0x10: {  	[dreg:$0x8] =	wrdreg s1;
	s8 =	simm.s32 $0x2000;
	s9 =	simm.s32 $0xA8  }
0x11: {  	s21 =	simm.s32 $0x150;
	s1 =	simm.s32 $0x1F8;
	[dreg:$0x4] =	wrdreg s19  }
0x12: {  	s7 =	sadd.s32 $0x70, s19;
	s5 =	sadd.s32 s4, s20;
	s25 =	sadd.s32 s22, s6  }
0x13: {  	s6 =	simm.s32 $0x38;
	s4 =	simm.s32 $0x70;
	s20 =	simm.s32 $0x4580  }
0x14: {  	s22 =	simm.s32 $0x5200;
	s19 =	simm.s32 $0xCF00;
	[dreg:$0x5] =	wrdreg s7  }
0x15: {  	s23 =	sadd.s32 $0x2EE00, s5;
	s5 =	sadd.s32 $0x30700, s5;
	[dreg:$0x3] =	wrdreg s25  }
0x16: {  	s7 =	simm.s32 $0x1380;
	s25 =	simm.s32 $0x1C0;
	[dreg:$0x6] =	wrdreg s23  }
0x17: {  	[dreg:$0x7] =	wrdreg s5;
	s23 =	simm.s32 $0x188;
	s5 =	simm.s32 $0x7780  }
.LBB2_1:
0x18: {  	[dreg:$0xa] =	wrdreg s26  }
0x19: {  	s0 =	rddreg [dreg:$0x4]  }
0x1a: {  	[tilespmem:s2], [sflag:$0x1] =	stream.linear.gather [hbm4b:s0+s2], $0x380, $0x38;
	[tilespmem:$0x19700] =	vst v63  }
0x1b: {  	_ =	swait.ge [sflag:s10], $0x380  }
0x1c: {  	[sflag:s10] =	ssyncset.done $0x0  }
0x1d: {  	s26 =	simm.s32 $0x700;
	[sflag:s10] =	ssyncadd.s32 $0xFFFFFC80  }
0x1e: {  	[tilespmem:s26], [sflag:$0x3] =	stream.indirect.gather [hbm4b:s3+s11], $0x40, s2, s11, $0xb8;
	[tilespmem:$0x19700] =	vst v63  }
0x1f: {  	_ = 	snop  }
0x20: {  	[tilespmem:s7], [sflag:$0x3] =	stream.indirect.gather [hbm4b:s3+s11], $0x40, s6, s11, $0xb8;
	[tilespmem:$0x19700] =	vst v63  }
0x21: {  	_ = 	snop  }
0x22: {  	[tilespmem:s8], [sflag:$0x3] =	stream.indirect.gather [hbm4b:s3+s11], $0x40, s4, s11, $0xb8;
	[tilespmem:$0x19700] =	vst v63  }
0x23: {  	_ = 	snop  }
0x24: {  	[tilespmem:s13], [sflag:$0x3] =	stream.indirect.gather [hbm4b:s3+s11], $0x40, s9, s11, $0xb8;
	[tilespmem:$0x19700] =	vst v63  }
0x25: {  	_ = 	snop  }
0x26: {  	[tilespmem:s15], [sflag:$0x3] =	stream.indirect.gather [hbm4b:s3+s11], $0x40, s14, s11, $0xb8;
	[tilespmem:$0x19700] =	vst v63  }
0x27: {  	_ = 	snop  }
0x28: {  	[tilespmem:s20], [sflag:$0x3] =	stream.indirect.gather [hbm4b:s3+s11], $0x40, s16, s11, $0xb8;
	[tilespmem:$0x19700] =	vst v63  }
0x29: {  	_ = 	snop  }
0x2a: {  	[tilespmem:s22], [sflag:$0x3] =	stream.indirect.gather [hbm4b:s3+s11], $0x40, s21, s11, $0xb8;
	[tilespmem:$0x19700] =	vst v63  }
0x2b: {  	_ = 	snop  }
0x2c: {  	[tilespmem:s24], [sflag:$0x3] =	stream.indirect.gather [hbm4b:s3+s11], $0x40, s23, s11, $0xb8;
	[tilespmem:$0x19700] =	vst v63  }
0x2d: {  	_ = 	snop  }
0x2e: {  	[tilespmem:s12], [sflag:$0x3] =	stream.indirect.gather [hbm4b:s3+s11], $0x40, s25, s11, $0xb8;
	[tilespmem:$0x19700] =	vst v63  }
0x2f: {  	_ = 	snop  }
0x30: {  	[tilespmem:s5], [sflag:$0x3] =	stream.indirect.gather [hbm4b:s3+s11], $0x40, s1, s11, $0xb8;
	[tilespmem:$0x19700] =	vst v63  }
0x31: {  	s26 =	simm.s32 $0x8400;
	s16 =	simm.s32 $0x230  }
0x32: {  	[tilespmem:s26], [sflag:$0x3] =	stream.indirect.gather [hbm4b:s3+s11], $0x40, s16, s11, $0xb8;
	[tilespmem:$0x19700] =	vst v63  }
0x33: {  	s4 =	simm.s32 $0x268;
	s5 =	simm.s32 $0x9080  }
0x34: {  	[tilespmem:s5], [sflag:$0x3] =	stream.indirect.gather [hbm4b:s3+s11], $0x40, s4, s11, $0xb8;
	[tilespmem:$0x19700] =	vst v63  }
0x35: {  	s6 =	simm.s32 $0x2A0;
	s7 =	simm.s32 $0x9D00  }
0x36: {  	[tilespmem:s7], [sflag:$0x3] =	stream.indirect.gather [hbm4b:s3+s11], $0x40, s6, s11, $0xb8;
	[tilespmem:$0x19700] =	vst v63  }
0x37: {  	s8 =	simm.s32 $0x2D8;
	s9 =	simm.s32 $0xA980  }
0x38: {  	[tilespmem:s9], [sflag:$0x3] =	stream.indirect.gather [hbm4b:s3+s11], $0x40, s8, s11, $0xb8;
	[tilespmem:$0x19700] =	vst v63  }
0x39: {  	s13 =	simm.s32 $0x310;
	s14 =	simm.s32 $0xB600  }
0x3a: {  	[tilespmem:s14], [sflag:$0x3] =	stream.indirect.gather [hbm4b:s3+s11], $0x40, s13, s11, $0xb8;
	[tilespmem:$0x19700] =	vst v63  }
0x3b: {  	s16 =	simm.s32 $0x348;
	s26 =	simm.s32 $0xC280  }
0x3c: {  	[tilespmem:s26], [sflag:$0x3] =	stream.indirect.gather [hbm4b:s3+s11], $0x40, s16, s11, $0xb8;
	[tilespmem:$0x19700] =	vst v63  }
0x3d: {  	s1 =	rddreg [dreg:$0x5]  }
0x3e: {  	[tilespmem:s17], [sflag:$0x2] =	stream.linear.gather [hbm4b:s1+s2], $0x380, $0x38;
	[tilespmem:$0x19700] =	vst v63  }
0x3f: {  	_ =	swait.ge [sflag:s18], $0x380  }
0x40: {  	[sflag:s18] =	ssyncset.done $0x0  }
0x41: {  	[sflag:s18] =	ssyncadd.s32 $0xFFFFFC80  }
0x42: {  	[tilespmem:s19], [sflag:$0x4] =	stream.indirect.gather [hbm4b:s3+s11], $0x40, s17, s11, $0xb8;
	[tilespmem:$0x19700] =	vst v63  }
0x43: {  	s4 =	simm.s32 $0x3B8;
	s5 =	simm.s32 $0xDB80  }
0x44: {  	[tilespmem:s5], [sflag:$0x4] =	stream.indirect.gather [hbm4b:s3+s11], $0x40, s4, s11, $0xb8;
	[tilespmem:$0x19700] =	vst v63  }
0x45: {  	s6 =	simm.s32 $0x3F0;
	s7 =	simm.s32 $0xE800  }
0x46: {  	[tilespmem:s7], [sflag:$0x4] =	stream.indirect.gather [hbm4b:s3+s11], $0x40, s6, s11, $0xb8;
	[tilespmem:$0x19700] =	vst v63  }
0x47: {  	s8 =	simm.s32 $0x428;
	s9 =	simm.s32 $0xF480  }
0x48: {  	[tilespmem:s9], [sflag:$0x4] =	stream.indirect.gather [hbm4b:s3+s11], $0x40, s8, s11, $0xb8;
	[tilespmem:$0x19700] =	vst v63  }
0x49: {  	s13 =	simm.s32 $0x460;
	s14 =	simm.s32 $0x10100  }
0x4a: {  	[tilespmem:s14], [sflag:$0x4] =	stream.indirect.gather [hbm4b:s3+s11], $0x40, s13, s11, $0xb8;
	[tilespmem:$0x19700] =	vst v63  }
0x4b: {  	s16 =	simm.s32 $0x498;
	s26 =	simm.s32 $0x10D80  }
0x4c: {  	[tilespmem:s26], [sflag:$0x4] =	stream.indirect.gather [hbm4b:s3+s11], $0x40, s16, s11, $0xb8;
	[tilespmem:$0x19700] =	vst v63  }
0x4d: {  	s4 =	simm.s32 $0x4D0;
	s5 =	simm.s32 $0x11A00  }
0x4e: {  	[tilespmem:s5], [sflag:$0x4] =	stream.indirect.gather [hbm4b:s3+s11], $0x40, s4, s11, $0xb8;
	[tilespmem:$0x19700] =	vst v63  }
0x4f: {  	s6 =	simm.s32 $0x508;
	s7 =	simm.s32 $0x12680  }
0x50: {  	[tilespmem:s7], [sflag:$0x4] =	stream.indirect.gather [hbm4b:s3+s11], $0x40, s6, s11, $0xb8;
	[tilespmem:$0x19700] =	vst v63  }
0x51: {  	s8 =	simm.s32 $0x540;
	s9 =	simm.s32 $0x13300  }
0x52: {  	[tilespmem:s9], [sflag:$0x4] =	stream.indirect.gather [hbm4b:s3+s11], $0x40, s8, s11, $0xb8;
	[tilespmem:$0x19700] =	vst v63  }
0x53: {  	s13 =	simm.s32 $0x578;
	s14 =	simm.s32 $0x13F80  }
0x54: {  	[tilespmem:s14], [sflag:$0x4] =	stream.indirect.gather [hbm4b:s3+s11], $0x40, s13, s11, $0xb8;
	[tilespmem:$0x19700] =	vst v63  }
0x55: {  	s16 =	simm.s32 $0x5B0;
	s26 =	simm.s32 $0x14C00  }
0x56: {  	[tilespmem:s26], [sflag:$0x4] =	stream.indirect.gather [hbm4b:s3+s11], $0x40, s16, s11, $0xb8;
	[tilespmem:$0x19700] =	vst v63  }
0x57: {  	s4 =	simm.s32 $0x5E8;
	s5 =	simm.s32 $0x15880  }
0x58: {  	[tilespmem:s5], [sflag:$0x4] =	stream.indirect.gather [hbm4b:s3+s11], $0x40, s4, s11, $0xb8;
	[tilespmem:$0x19700] =	vst v63  }
0x59: {  	s6 =	simm.s32 $0x620;
	s7 =	simm.s32 $0x16500  }
0x5a: {  	[tilespmem:s7], [sflag:$0x4] =	stream.indirect.gather [hbm4b:s3+s11], $0x40, s6, s11, $0xb8;
	[tilespmem:$0x19700] =	vst v63  }
0x5b: {  	s8 =	simm.s32 $0x658;
	s9 =	simm.s32 $0x17180  }
0x5c: {  	[tilespmem:s9], [sflag:$0x4] =	stream.indirect.gather [hbm4b:s3+s11], $0x40, s8, s11, $0xb8;
	[tilespmem:$0x19700] =	vst v63  }
0x5d: {  	s13 =	simm.s32 $0x690;
	s14 =	simm.s32 $0x17E00  }
0x5e: {  	[tilespmem:s14], [sflag:$0x4] =	stream.indirect.gather [hbm4b:s3+s11], $0x40, s13, s11, $0xb8;
	[tilespmem:$0x19700] =	vst v63  }
0x5f: {  	s16 =	simm.s32 $0x6C8;
	s26 =	simm.s32 $0x18A80  }
0x60: {  	[tilespmem:s26], [sflag:$0x4] =	stream.indirect.gather [hbm4b:s3+s11], $0x40, s16, s11, $0xb8;
	[tilespmem:$0x19700] =	vst v63  }
0x61: {  	_ =	swait.ge [sflag:s28], $0xC80  }
0x62: {  	[sflag:s28] =	ssyncset.done $0x0  }
0x63: {  	[sflag:s28] =	ssyncadd.s32 $0xFFFFF380  }
0x64: {  	_ =	swait.ge [sflag:s28], $0xC80  }
0x65: {  	[sflag:s28] =	ssyncset.done $0x0  }
0x66: {  	[sflag:s28] =	ssyncadd.s32 $0xFFFFF380  }
0x67: {  	_ =	swait.ge [sflag:s28], $0xC80  }
0x68: {  	[sflag:s28] =	ssyncset.done $0x0  }
0x69: {  	[sflag:s28] =	ssyncadd.s32 $0xFFFFF380  }
0x6a: {  	_ =	swait.ge [sflag:s28], $0xC80  }
0x6b: {  	[sflag:s28] =	ssyncset.done $0x0  }
0x6c: {  	[sflag:s28] =	ssyncadd.s32 $0xFFFFF380  }
0x6d: {  	_ =	swait.ge [sflag:s28], $0xC80  }
0x6e: {  	[sflag:s28] =	ssyncset.done $0x0  }
0x6f: {  	[sflag:s28] =	ssyncadd.s32 $0xFFFFF380  }
0x70: {  	_ =	swait.ge [sflag:s28], $0xC80  }
0x71: {  	[sflag:s28] =	ssyncset.done $0x0  }
0x72: {  	[sflag:s28] =	ssyncadd.s32 $0xFFFFF380  }
0x73: {  	_ =	swait.ge [sflag:s28], $0xC80  }
0x74: {  	[sflag:s28] =	ssyncset.done $0x0  }
0x75: {  	[sflag:s28] =	ssyncadd.s32 $0xFFFFF380  }
0x76: {  	_ =	swait.ge [sflag:s28], $0xC80  }
0x77: {  	[sflag:s28] =	ssyncset.done $0x0  }
0x78: {  	[sflag:s28] =	ssyncadd.s32 $0xFFFFF380  }
0x79: {  	_ =	swait.ge [sflag:s28], $0xC80  }
0x7a: {  	[sflag:s28] =	ssyncset.done $0x0  }
0x7b: {  	[sflag:s28] =	ssyncadd.s32 $0xFFFFF380  }
0x7c: {  	_ =	swait.ge [sflag:s28], $0xC80  }
0x7d: {  	[sflag:s28] =	ssyncset.done $0x0  }
0x7e: {  	[sflag:s28] =	ssyncadd.s32 $0xFFFFF380  }
0x7f: {  	_ =	swait.ge [sflag:s28], $0xC80  }
0x80: {  	[sflag:s28] =	ssyncset.done $0x0  }
0x81: {  	[sflag:s28] =	ssyncadd.s32 $0xFFFFF380  }
0x82: {  	_ =	swait.ge [sflag:s28], $0xC80  }
0x83: {  	[sflag:s28] =	ssyncset.done $0x0  }
0x84: {  	[sflag:s28] =	ssyncadd.s32 $0xFFFFF380  }
0x85: {  	_ =	swait.ge [sflag:s28], $0xC80  }
0x86: {  	[sflag:s28] =	ssyncset.done $0x0  }
0x87: {  	[sflag:s28] =	ssyncadd.s32 $0xFFFFF380  }
0x88: {  	_ =	swait.ge [sflag:s28], $0xC80  }
0x89: {  	[sflag:s28] =	ssyncset.done $0x0  }
0x8a: {  	[sflag:s28] =	ssyncadd.s32 $0xFFFFF380  }
0x8b: {  	_ =	swait.ge [sflag:s28], $0xC80  }
0x8c: {  	[sflag:s28] =	ssyncset.done $0x0  }
0x8d: {  	[sflag:s28] =	ssyncadd.s32 $0xFFFFF380  }
0x8e: {  	_ =	swait.ge [sflag:s28], $0xC80  }
0x8f: {  	s6 =	simm.s32 $0x700;
	[sflag:s28] =	ssyncset.done $0x0;
	s1 =	rddreg [dreg:$0x3]  }
0x90: {  	s5 =	rddreg [dreg:$0x9];
	[sflag:s28] =	ssyncadd.s32 $0xFFFFF380;
	s0 =	sadd.s32 $0x0, s1  }
0x91: {  	[hbm4b:s5+s2] =	stream.linear.scatter [tilespmem:s6], [sflag:$0x5], $0xC800, $0x38;
	[tilespmem:$0x19700] =	vst v63  }
0x92: {  	s1 =	sadd.s32 $0xE0, s0  }
0x93: {  	[tilespmem:s2], [sflag:$0x1] =	stream.linear.gather [hbm4b:s1+s2], $0x380, $0x38;
	[tilespmem:$0x19700] =	vst v63  }
0x94: {  	_ =	swait.ge [sflag:s10], $0x380  }
0x95: {  	[sflag:s10] =	ssyncset.done $0x0  }
0x96: {  	[sflag:s10] =	ssyncadd.s32 $0xFFFFFC80  }
0x97: {  	_ =	swait.ge [sflag:s29], $0xC800  }
0x98: {  	[sflag:s29] =	ssyncset.done $0x0  }
0x99: {  	[sflag:s29] =	ssyncadd.s32 $0xFFFF3800  }
0x9a: {  	[tilespmem:s6], [sflag:$0x3] =	stream.indirect.gather [hbm4b:s3+s11], $0x40, s2, s11, $0xb8;
	[tilespmem:$0x19700] =	vst v63  }
0x9b: {  	s4 =	simm.s32 $0x1380;
	s7 =	simm.s32 $0x38  }
0x9c: {  	[tilespmem:s4], [sflag:$0x3] =	stream.indirect.gather [hbm4b:s3+s11], $0x40, s7, s11, $0xb8;
	[tilespmem:$0x19700] =	vst v63  }
0x9d: {  	s9 =	simm.s32 $0x2000;
	s8 =	simm.s32 $0x70  }
0x9e: {  	[tilespmem:s9], [sflag:$0x3] =	stream.indirect.gather [hbm4b:s3+s11], $0x40, s8, s11, $0xb8;
	[tilespmem:$0x19700] =	vst v63  }
0x9f: {  	s14 =	simm.s32 $0xA8;
	s16 =	simm.s32 $0x2C80  }
0xa0: {  	[tilespmem:s16], [sflag:$0x3] =	stream.indirect.gather [hbm4b:s3+s11], $0x40, s14, s11, $0xb8;
	[tilespmem:$0x19700] =	vst v63  }
0xa1: {  	s13 =	simm.s32 $0xE0  }
0xa2: {  	[tilespmem:s15], [sflag:$0x3] =	stream.indirect.gather [hbm4b:s3+s11], $0x40, s13, s11, $0xb8;
	[tilespmem:$0x19700] =	vst v63  }
0xa3: {  	s26 =	simm.s32 $0x118  }
0xa4: {  	[tilespmem:s20], [sflag:$0x3] =	stream.indirect.gather [hbm4b:s3+s11], $0x40, s26, s11, $0xb8;
	[tilespmem:$0x19700] =	vst v63  }
0xa5: {  	_ = 	snop  }
0xa6: {  	[tilespmem:s22], [sflag:$0x3] =	stream.indirect.gather [hbm4b:s3+s11], $0x40, s21, s11, $0xb8;
	[tilespmem:$0x19700] =	vst v63  }
0xa7: {  	_ = 	snop  }
0xa8: {  	[tilespmem:s24], [sflag:$0x3] =	stream.indirect.gather [hbm4b:s3+s11], $0x40, s23, s11, $0xb8;
	[tilespmem:$0x19700] =	vst v63  }
0xa9: {  	_ = 	snop  }
0xaa: {  	[tilespmem:s12], [sflag:$0x3] =	stream.indirect.gather [hbm4b:s3+s11], $0x40, s25, s11, $0xb8;
	[tilespmem:$0x19700] =	vst v63  }
0xab: {  	s16 =	simm.s32 $0x7780;
	s20 =	simm.s32 $0x1F8  }
0xac: {  	[tilespmem:s16], [sflag:$0x3] =	stream.indirect.gather [hbm4b:s3+s11], $0x40, s20, s11, $0xb8;
	[tilespmem:$0x19700] =	vst v63  }
0xad: {  	s21 =	simm.s32 $0x230;
	s22 =	simm.s32 $0x8400  }
0xae: {  	[tilespmem:s22], [sflag:$0x3] =	stream.indirect.gather [hbm4b:s3+s11], $0x40, s21, s11, $0xb8;
	[tilespmem:$0x19700] =	vst v63  }
0xaf: {  	s23 =	simm.s32 $0x268;
	s24 =	simm.s32 $0x9080  }
0xb0: {  	[tilespmem:s24], [sflag:$0x3] =	stream.indirect.gather [hbm4b:s3+s11], $0x40, s23, s11, $0xb8;
	[tilespmem:$0x19700] =	vst v63  }
0xb1: {  	s26 =	simm.s32 $0x9D00;
	s25 =	simm.s32 $0x2A0  }
0xb2: {  	[tilespmem:s26], [sflag:$0x3] =	stream.indirect.gather [hbm4b:s3+s11], $0x40, s25, s11, $0xb8;
	[tilespmem:$0x19700] =	vst v63  }
0xb3: {  	s6 =	simm.s32 $0xA980;
	s4 =	simm.s32 $0x2D8  }
0xb4: {  	[tilespmem:s6], [sflag:$0x3] =	stream.indirect.gather [hbm4b:s3+s11], $0x40, s4, s11, $0xb8;
	[tilespmem:$0x19700] =	vst v63  }
0xb5: {  	s7 =	simm.s32 $0x310;
	s8 =	simm.s32 $0xB600  }
0xb6: {  	[tilespmem:s8], [sflag:$0x3] =	stream.indirect.gather [hbm4b:s3+s11], $0x40, s7, s11, $0xb8;
	[tilespmem:$0x19700] =	vst v63  }
0xb7: {  	s9 =	simm.s32 $0x348;
	s12 =	simm.s32 $0xC280  }
0xb8: {  	[tilespmem:s12], [sflag:$0x3] =	stream.indirect.gather [hbm4b:s3+s11], $0x40, s9, s11, $0xb8;
	[tilespmem:$0x19700] =	vst v63  }
0xb9: {  	_ =	swait.ge [sflag:s30], $0xC80  }
0xba: {  	[sflag:s30] =	ssyncset.done $0x0  }
0xbb: {  	[sflag:s30] =	ssyncadd.s32 $0xFFFFF380  }
0xbc: {  	_ =	swait.ge [sflag:s30], $0xC80  }
0xbd: {  	[sflag:s30] =	ssyncset.done $0x0  }
0xbe: {  	[sflag:s30] =	ssyncadd.s32 $0xFFFFF380  }
0xbf: {  	_ =	swait.ge [sflag:s30], $0xC80  }
0xc0: {  	[sflag:s30] =	ssyncset.done $0x0  }
0xc1: {  	[sflag:s30] =	ssyncadd.s32 $0xFFFFF380  }
0xc2: {  	_ =	swait.ge [sflag:s30], $0xC80  }
0xc3: {  	[sflag:s30] =	ssyncset.done $0x0  }
0xc4: {  	[sflag:s30] =	ssyncadd.s32 $0xFFFFF380  }
0xc5: {  	_ =	swait.ge [sflag:s30], $0xC80  }
0xc6: {  	[sflag:s30] =	ssyncset.done $0x0  }
0xc7: {  	[sflag:s30] =	ssyncadd.s32 $0xFFFFF380  }
0xc8: {  	_ =	swait.ge [sflag:s30], $0xC80  }
0xc9: {  	[sflag:s30] =	ssyncset.done $0x0  }
0xca: {  	[sflag:s30] =	ssyncadd.s32 $0xFFFFF380  }
0xcb: {  	_ =	swait.ge [sflag:s30], $0xC80  }
0xcc: {  	[sflag:s30] =	ssyncset.done $0x0  }
0xcd: {  	[sflag:s30] =	ssyncadd.s32 $0xFFFFF380  }
0xce: {  	_ =	swait.ge [sflag:s30], $0xC80  }
0xcf: {  	[sflag:s30] =	ssyncset.done $0x0  }
0xd0: {  	[sflag:s30] =	ssyncadd.s32 $0xFFFFF380  }
0xd1: {  	_ =	swait.ge [sflag:s30], $0xC80  }
0xd2: {  	[sflag:s30] =	ssyncset.done $0x0  }
0xd3: {  	[sflag:s30] =	ssyncadd.s32 $0xFFFFF380  }
0xd4: {  	_ =	swait.ge [sflag:s30], $0xC80  }
0xd5: {  	[sflag:s30] =	ssyncset.done $0x0  }
0xd6: {  	[sflag:s30] =	ssyncadd.s32 $0xFFFFF380  }
0xd7: {  	_ =	swait.ge [sflag:s30], $0xC80  }
0xd8: {  	[sflag:s30] =	ssyncset.done $0x0  }
0xd9: {  	[sflag:s30] =	ssyncadd.s32 $0xFFFFF380  }
0xda: {  	_ =	swait.ge [sflag:s30], $0xC80  }
0xdb: {  	[sflag:s30] =	ssyncset.done $0x0  }
0xdc: {  	[sflag:s30] =	ssyncadd.s32 $0xFFFFF380  }
0xdd: {  	_ =	swait.ge [sflag:s30], $0xC80  }
0xde: {  	[sflag:s30] =	ssyncset.done $0x0  }
0xdf: {  	[sflag:s30] =	ssyncadd.s32 $0xFFFFF380  }
0xe0: {  	_ =	swait.ge [sflag:s30], $0xC80  }
0xe1: {  	[sflag:s30] =	ssyncset.done $0x0  }
0xe2: {  	[sflag:s30] =	ssyncadd.s32 $0xFFFFF380  }
0xe3: {  	_ =	swait.ge [sflag:s30], $0xC80  }
0xe4: {  	[sflag:s30] =	ssyncset.done $0x0  }
0xe5: {  	[sflag:s30] =	ssyncadd.s32 $0xFFFFF380  }
0xe6: {  	_ =	swait.ge [sflag:s30], $0xC80  }
0xe7: {  	[sflag:s30] =	ssyncset.done $0x0  }
0xe8: {  	s13 =	sadd.s32 $0x1900, s5;
	[sflag:s30] =	ssyncadd.s32 $0xFFFFF380  }
0xe9: {  	[hbm4b:s13+s2] =	stream.linear.scatter [tilespmem:s19], [sflag:$0x6], $0xC800, $0x38;
	[tilespmem:$0x19700] =	vst v63  }
0xea: {  	s0 =	sadd.s32 $0x150, s0  }
0xeb: {  	[tilespmem:s17], [sflag:$0x2] =	stream.linear.gather [hbm4b:s0+s2], $0x380, $0x38;
	[tilespmem:$0x19700] =	vst v63  }
0xec: {  	_ =	swait.ge [sflag:s18], $0x380  }
0xed: {  	[sflag:s18] =	ssyncset.done $0x0  }
0xee: {  	[sflag:s18] =	ssyncadd.s32 $0xFFFFFC80  }
0xef: {  	_ =	swait.ge [sflag:s31], $0xC800  }
0xf0: {  	[sflag:s31] =	ssyncset.done $0x0  }
0xf1: {  	[sflag:s31] =	ssyncadd.s32 $0xFFFF3800  }
0xf2: {  	[tilespmem:s19], [sflag:$0x4] =	stream.indirect.gather [hbm4b:s3+s11], $0x40, s17, s11, $0xb8;
	[tilespmem:$0x19700] =	vst v63  }
0xf3: {  	s14 =	simm.s32 $0x3B8;
	s15 =	simm.s32 $0xDB80  }
0xf4: {  	[tilespmem:s15], [sflag:$0x4] =	stream.indirect.gather [hbm4b:s3+s11], $0x40, s14, s11, $0xb8;
	[tilespmem:$0x19700] =	vst v63  }
0xf5: {  	s1 =	simm.s32 $0x4D0;
	s16 =	simm.s32 $0x3F0;
	s20 =	simm.s32 $0xE800  }
0xf6: {  	[tilespmem:s20], [sflag:$0x4] =	stream.indirect.gather [hbm4b:s3+s11], $0x40, s16, s11, $0xb8;
	[tilespmem:$0x19700] =	vst v63  }
0xf7: {  	s21 =	simm.s32 $0x428;
	s22 =	simm.s32 $0xF480;
	s23 =	simm.s32 $0x460  }
0xf8: {  	[tilespmem:s22], [sflag:$0x4] =	stream.indirect.gather [hbm4b:s3+s11], $0x40, s21, s11, $0xb8;
	[tilespmem:$0x19700] =	vst v63  }
0xf9: {  	s24 =	simm.s32 $0x10100;
	s25 =	simm.s32 $0x498;
	s26 =	simm.s32 $0x10D80  }
0xfa: {  	[tilespmem:s24], [sflag:$0x4] =	stream.indirect.gather [hbm4b:s3+s11], $0x40, s23, s11, $0xb8;
	[tilespmem:$0x19700] =	vst v63  }
0xfb: {  	s4 =	simm.s32 $0x11A00;
	s6 =	simm.s32 $0x508;
	s7 =	simm.s32 $0x12680  }
0xfc: {  	[tilespmem:s26], [sflag:$0x4] =	stream.indirect.gather [hbm4b:s3+s11], $0x40, s25, s11, $0xb8;
	[tilespmem:$0x19700] =	vst v63  }
0xfd: {  	s8 =	simm.s32 $0x540;
	s9 =	simm.s32 $0x13300;
	s12 =	simm.s32 $0x578  }
0xfe: {  	[tilespmem:s4], [sflag:$0x4] =	stream.indirect.gather [hbm4b:s3+s11], $0x40, s1, s11, $0xb8;
	[tilespmem:$0x19700] =	vst v63  }
0xff: {  	s13 =	simm.s32 $0x13F80;
	s0 =	smov.u32 s5;
	s14 =	simm.s32 $0x5B0  }
0x100: {  	[tilespmem:s7], [sflag:$0x4] =	stream.indirect.gather [hbm4b:s3+s11], $0x40, s6, s11, $0xb8;
	[tilespmem:$0x19700] =	vst v63  }
0x101: {  	s15 =	simm.s32 $0x14C00;
	s16 =	simm.s32 $0x5E8;
	s20 =	simm.s32 $0x15880  }
0x102: {  	[tilespmem:s9], [sflag:$0x4] =	stream.indirect.gather [hbm4b:s3+s11], $0x40, s8, s11, $0xb8;
	[tilespmem:$0x19700] =	vst v63  }
0x103: {  	s21 =	simm.s32 $0x620;
	s22 =	simm.s32 $0x16500;
	s23 =	simm.s32 $0x658  }
0x104: {  	[tilespmem:s13], [sflag:$0x4] =	stream.indirect.gather [hbm4b:s3+s11], $0x40, s12, s11, $0xb8;
	[tilespmem:$0x19700] =	vst v63  }
0x105: {  	s24 =	simm.s32 $0x17180;
	s25 =	simm.s32 $0x690;
	s26 =	simm.s32 $0x17E00  }
0x106: {  	[tilespmem:s15], [sflag:$0x4] =	stream.indirect.gather [hbm4b:s3+s11], $0x40, s14, s11, $0xb8;
	[tilespmem:$0x19700] =	vst v63  }
0x107: {  	s1 =	simm.s32 $0xE0;
	s7 =	simm.s32 $0x38;
	s9 =	simm.s32 $0x2000  }
0x108: {  	[tilespmem:s20], [sflag:$0x4] =	stream.indirect.gather [hbm4b:s3+s11], $0x40, s16, s11, $0xb8;
	[tilespmem:$0x19700] =	vst v63  }
0x109: {  	s12 =	simm.s32 $0x6B00;
	s13 =	simm.s32 $0xA8;
	s15 =	simm.s32 $0xE0  }
0x10a: {  	[tilespmem:s22], [sflag:$0x4] =	stream.indirect.gather [hbm4b:s3+s11], $0x40, s21, s11, $0xb8;
	[tilespmem:$0x19700] =	vst v63  }
0x10b: {  	s14 =	simm.s32 $0x2C80;
	s20 =	simm.s32 $0x118;
	s16 =	simm.s32 $0x3900  }
0x10c: {  	[tilespmem:s24], [sflag:$0x4] =	stream.indirect.gather [hbm4b:s3+s11], $0x40, s23, s11, $0xb8;
	[tilespmem:$0x19700] =	vst v63  }
0x10d: {  	s22 =	simm.s32 $0x150;
	s21 =	simm.s32 $0x4580;
	s24 =	simm.s32 $0x188  }
0x10e: {  	[tilespmem:s26], [sflag:$0x4] =	stream.indirect.gather [hbm4b:s3+s11], $0x40, s25, s11, $0xb8;
	[tilespmem:$0x19700] =	vst v63  }
0x10f: {  	s23 =	simm.s32 $0x5200;
	s26 =	simm.s32 $0x1C0;
	s25 =	simm.s32 $0x5E80  }
.LBB2_2:
0x110: {  	s4 =	simm.s32 $0x6C8;
	s6 =	simm.s32 $0x18A80  }
0x111: {  	[tilespmem:s6], [sflag:$0x4] =	stream.indirect.gather [hbm4b:s3+s11], $0x40, s4, s11, $0xb8;
	[tilespmem:$0x19700] =	vst v63  }
0x112: {  	_ =	swait.ge [sflag:s28], $0xC80  }
0x113: {  	[sflag:s28] =	ssyncset.done $0x0  }
0x114: {  	[sflag:s28] =	ssyncadd.s32 $0xFFFFF380  }
0x115: {  	_ =	swait.ge [sflag:s28], $0xC80  }
0x116: {  	[sflag:s28] =	ssyncset.done $0x0  }
0x117: {  	[sflag:s28] =	ssyncadd.s32 $0xFFFFF380  }
0x118: {  	_ =	swait.ge [sflag:s28], $0xC80  }
0x119: {  	[sflag:s28] =	ssyncset.done $0x0  }
0x11a: {  	[sflag:s28] =	ssyncadd.s32 $0xFFFFF380  }
0x11b: {  	_ =	swait.ge [sflag:s28], $0xC80  }
0x11c: {  	[sflag:s28] =	ssyncset.done $0x0  }
0x11d: {  	[sflag:s28] =	ssyncadd.s32 $0xFFFFF380  }
0x11e: {  	_ =	swait.ge [sflag:s28], $0xC80  }
0x11f: {  	[sflag:s28] =	ssyncset.done $0x0  }
0x120: {  	[sflag:s28] =	ssyncadd.s32 $0xFFFFF380  }
0x121: {  	_ =	swait.ge [sflag:s28], $0xC80  }
0x122: {  	[sflag:s28] =	ssyncset.done $0x0  }
0x123: {  	[sflag:s28] =	ssyncadd.s32 $0xFFFFF380  }
0x124: {  	_ =	swait.ge [sflag:s28], $0xC80  }
0x125: {  	[sflag:s28] =	ssyncset.done $0x0  }
0x126: {  	[sflag:s28] =	ssyncadd.s32 $0xFFFFF380  }
0x127: {  	_ =	swait.ge [sflag:s28], $0xC80  }
0x128: {  	[sflag:s28] =	ssyncset.done $0x0  }
0x129: {  	[sflag:s28] =	ssyncadd.s32 $0xFFFFF380  }
0x12a: {  	_ =	swait.ge [sflag:s28], $0xC80  }
0x12b: {  	[sflag:s28] =	ssyncset.done $0x0  }
0x12c: {  	[sflag:s28] =	ssyncadd.s32 $0xFFFFF380  }
0x12d: {  	_ =	swait.ge [sflag:s28], $0xC80  }
0x12e: {  	[sflag:s28] =	ssyncset.done $0x0  }
0x12f: {  	[sflag:s28] =	ssyncadd.s32 $0xFFFFF380  }
0x130: {  	_ =	swait.ge [sflag:s28], $0xC80  }
0x131: {  	[sflag:s28] =	ssyncset.done $0x0  }
0x132: {  	[sflag:s28] =	ssyncadd.s32 $0xFFFFF380  }
0x133: {  	_ =	swait.ge [sflag:s28], $0xC80  }
0x134: {  	[sflag:s28] =	ssyncset.done $0x0  }
0x135: {  	[sflag:s28] =	ssyncadd.s32 $0xFFFFF380  }
0x136: {  	_ =	swait.ge [sflag:s28], $0xC80  }
0x137: {  	[sflag:s28] =	ssyncset.done $0x0  }
0x138: {  	[sflag:s28] =	ssyncadd.s32 $0xFFFFF380  }
0x139: {  	_ =	swait.ge [sflag:s28], $0xC80  }
0x13a: {  	[sflag:s28] =	ssyncset.done $0x0  }
0x13b: {  	[sflag:s28] =	ssyncadd.s32 $0xFFFFF380  }
0x13c: {  	_ =	swait.ge [sflag:s28], $0xC80  }
0x13d: {  	[sflag:s28] =	ssyncset.done $0x0  }
0x13e: {  	[sflag:s28] =	ssyncadd.s32 $0xFFFFF380  }
0x13f: {  	s0 =	sadd.s32 $0x3200, s0;
	_ =	swait.ge [sflag:s28], $0xC80  }
0x140: {  	s5 =	smov.u32 s1;
	[sflag:s28] =	ssyncset.done $0x0;
	s8 =	rddreg [dreg:$0x3]  }
0x141: {  	s4 =	simm.s32 $0x700;
	[sflag:s28] =	ssyncadd.s32 $0xFFFFF380;
	s5 =	sadd.s32 s5, s8  }
0x142: {  	[hbm4b:s0+s2] =	stream.linear.scatter [tilespmem:s4], [sflag:$0x5], $0xC800, $0x38;
	[tilespmem:$0x19700] =	vst v63  }
0x143: {  	s6 =	sadd.s32 $0xE0, s5  }
0x144: {  	[tilespmem:s2], [sflag:$0x1] =	stream.linear.gather [hbm4b:s6+s2], $0x380, $0x38;
	[tilespmem:$0x19700] =	vst v63  }
0x145: {  	_ =	swait.ge [sflag:s10], $0x380  }
0x146: {  	[sflag:s10] =	ssyncset.done $0x0  }
0x147: {  	[sflag:s10] =	ssyncadd.s32 $0xFFFFFC80  }
0x148: {  	_ =	swait.ge [sflag:s29], $0xC800  }
0x149: {  	[sflag:s29] =	ssyncset.done $0x0  }
0x14a: {  	[sflag:s29] =	ssyncadd.s32 $0xFFFF3800  }
0x14b: {  	[tilespmem:s4], [sflag:$0x3] =	stream.indirect.gather [hbm4b:s3+s11], $0x40, s2, s11, $0xb8;
	[tilespmem:$0x19700] =	vst v63  }
0x14c: {  	s6 =	simm.s32 $0x1380  }
0x14d: {  	[tilespmem:s6], [sflag:$0x3] =	stream.indirect.gather [hbm4b:s3+s11], $0x40, s7, s11, $0xb8;
	[tilespmem:$0x19700] =	vst v63  }
0x14e: {  	s6 =	simm.s32 $0x70  }
0x14f: {  	[tilespmem:s9], [sflag:$0x3] =	stream.indirect.gather [hbm4b:s3+s11], $0x40, s6, s11, $0xb8;
	[tilespmem:$0x19700] =	vst v63  }
0x150: {  	_ = 	snop  }
0x151: {  	[tilespmem:s14], [sflag:$0x3] =	stream.indirect.gather [hbm4b:s3+s11], $0x40, s13, s11, $0xb8;
	[tilespmem:$0x19700] =	vst v63  }
0x152: {  	_ = 	snop  }
0x153: {  	[tilespmem:s16], [sflag:$0x3] =	stream.indirect.gather [hbm4b:s3+s11], $0x40, s15, s11, $0xb8;
	[tilespmem:$0x19700] =	vst v63  }
0x154: {  	_ = 	snop  }
0x155: {  	[tilespmem:s21], [sflag:$0x3] =	stream.indirect.gather [hbm4b:s3+s11], $0x40, s20, s11, $0xb8;
	[tilespmem:$0x19700] =	vst v63  }
0x156: {  	_ = 	snop  }
0x157: {  	[tilespmem:s23], [sflag:$0x3] =	stream.indirect.gather [hbm4b:s3+s11], $0x40, s22, s11, $0xb8;
	[tilespmem:$0x19700] =	vst v63  }
0x158: {  	_ = 	snop  }
0x159: {  	[tilespmem:s25], [sflag:$0x3] =	stream.indirect.gather [hbm4b:s3+s11], $0x40, s24, s11, $0xb8;
	[tilespmem:$0x19700] =	vst v63  }
0x15a: {  	_ = 	snop  }
0x15b: {  	[tilespmem:s12], [sflag:$0x3] =	stream.indirect.gather [hbm4b:s3+s11], $0x40, s26, s11, $0xb8;
	[tilespmem:$0x19700] =	vst v63  }
0x15c: {  	s4 =	simm.s32 $0x7780;
	s6 =	simm.s32 $0x1F8  }
0x15d: {  	[tilespmem:s4], [sflag:$0x3] =	stream.indirect.gather [hbm4b:s3+s11], $0x40, s6, s11, $0xb8;
	[tilespmem:$0x19700] =	vst v63  }
0x15e: {  	s4 =	simm.s32 $0x230;
	s6 =	simm.s32 $0x8400  }
0x15f: {  	[tilespmem:s6], [sflag:$0x3] =	stream.indirect.gather [hbm4b:s3+s11], $0x40, s4, s11, $0xb8;
	[tilespmem:$0x19700] =	vst v63  }
0x160: {  	s4 =	simm.s32 $0x268;
	s6 =	simm.s32 $0x9080  }
0x161: {  	[tilespmem:s6], [sflag:$0x3] =	stream.indirect.gather [hbm4b:s3+s11], $0x40, s4, s11, $0xb8;
	[tilespmem:$0x19700] =	vst v63  }
0x162: {  	s4 =	simm.s32 $0x2A0;
	s6 =	simm.s32 $0x9D00  }
0x163: {  	[tilespmem:s6], [sflag:$0x3] =	stream.indirect.gather [hbm4b:s3+s11], $0x40, s4, s11, $0xb8;
	[tilespmem:$0x19700] =	vst v63  }
0x164: {  	s4 =	simm.s32 $0x2D8;
	s6 =	simm.s32 $0xA980  }
0x165: {  	[tilespmem:s6], [sflag:$0x3] =	stream.indirect.gather [hbm4b:s3+s11], $0x40, s4, s11, $0xb8;
	[tilespmem:$0x19700] =	vst v63  }
0x166: {  	s4 =	simm.s32 $0x310;
	s6 =	simm.s32 $0xB600  }
0x167: {  	[tilespmem:s6], [sflag:$0x3] =	stream.indirect.gather [hbm4b:s3+s11], $0x40, s4, s11, $0xb8;
	[tilespmem:$0x19700] =	vst v63  }
0x168: {  	s4 =	simm.s32 $0x348;
	s6 =	simm.s32 $0xC280  }
0x169: {  	[tilespmem:s6], [sflag:$0x3] =	stream.indirect.gather [hbm4b:s3+s11], $0x40, s4, s11, $0xb8;
	[tilespmem:$0x19700] =	vst v63  }
0x16a: {  	_ =	swait.ge [sflag:s30], $0xC80  }
0x16b: {  	[sflag:s30] =	ssyncset.done $0x0  }
0x16c: {  	[sflag:s30] =	ssyncadd.s32 $0xFFFFF380  }
0x16d: {  	_ =	swait.ge [sflag:s30], $0xC80  }
0x16e: {  	[sflag:s30] =	ssyncset.done $0x0  }
0x16f: {  	[sflag:s30] =	ssyncadd.s32 $0xFFFFF380  }
0x170: {  	_ =	swait.ge [sflag:s30], $0xC80  }
0x171: {  	[sflag:s30] =	ssyncset.done $0x0  }
0x172: {  	[sflag:s30] =	ssyncadd.s32 $0xFFFFF380  }
0x173: {  	_ =	swait.ge [sflag:s30], $0xC80  }
0x174: {  	[sflag:s30] =	ssyncset.done $0x0  }
0x175: {  	[sflag:s30] =	ssyncadd.s32 $0xFFFFF380  }
0x176: {  	_ =	swait.ge [sflag:s30], $0xC80  }
0x177: {  	[sflag:s30] =	ssyncset.done $0x0  }
0x178: {  	[sflag:s30] =	ssyncadd.s32 $0xFFFFF380  }
0x179: {  	_ =	swait.ge [sflag:s30], $0xC80  }
0x17a: {  	[sflag:s30] =	ssyncset.done $0x0  }
0x17b: {  	[sflag:s30] =	ssyncadd.s32 $0xFFFFF380  }
0x17c: {  	_ =	swait.ge [sflag:s30], $0xC80  }
0x17d: {  	[sflag:s30] =	ssyncset.done $0x0  }
0x17e: {  	[sflag:s30] =	ssyncadd.s32 $0xFFFFF380  }
0x17f: {  	_ =	swait.ge [sflag:s30], $0xC80  }
0x180: {  	[sflag:s30] =	ssyncset.done $0x0  }
0x181: {  	[sflag:s30] =	ssyncadd.s32 $0xFFFFF380  }
0x182: {  	_ =	swait.ge [sflag:s30], $0xC80  }
0x183: {  	[sflag:s30] =	ssyncset.done $0x0  }
0x184: {  	[sflag:s30] =	ssyncadd.s32 $0xFFFFF380  }
0x185: {  	_ =	swait.ge [sflag:s30], $0xC80  }
0x186: {  	[sflag:s30] =	ssyncset.done $0x0  }
0x187: {  	[sflag:s30] =	ssyncadd.s32 $0xFFFFF380  }
0x188: {  	_ =	swait.ge [sflag:s30], $0xC80  }
0x189: {  	[sflag:s30] =	ssyncset.done $0x0  }
0x18a: {  	[sflag:s30] =	ssyncadd.s32 $0xFFFFF380  }
0x18b: {  	_ =	swait.ge [sflag:s30], $0xC80  }
0x18c: {  	[sflag:s30] =	ssyncset.done $0x0  }
0x18d: {  	[sflag:s30] =	ssyncadd.s32 $0xFFFFF380  }
0x18e: {  	_ =	swait.ge [sflag:s30], $0xC80  }
0x18f: {  	[sflag:s30] =	ssyncset.done $0x0  }
0x190: {  	[sflag:s30] =	ssyncadd.s32 $0xFFFFF380  }
0x191: {  	_ =	swait.ge [sflag:s30], $0xC80  }
0x192: {  	[sflag:s30] =	ssyncset.done $0x0  }
0x193: {  	[sflag:s30] =	ssyncadd.s32 $0xFFFFF380  }
0x194: {  	_ =	swait.ge [sflag:s30], $0xC80  }
0x195: {  	[sflag:s30] =	ssyncset.done $0x0  }
0x196: {  	[sflag:s30] =	ssyncadd.s32 $0xFFFFF380  }
0x197: {  	_ =	swait.ge [sflag:s30], $0xC80  }
0x198: {  	[sflag:s30] =	ssyncset.done $0x0  }
0x199: {  	s4 =	sadd.s32 $0x1900, s0;
	[sflag:s30] =	ssyncadd.s32 $0xFFFFF380  }
0x19a: {  	[hbm4b:s4+s2] =	stream.linear.scatter [tilespmem:s19], [sflag:$0x6], $0xC800, $0x38;
	[tilespmem:$0x19700] =	vst v63  }
0x19b: {  	s5 =	sadd.s32 $0x150, s5  }
0x19c: {  	[tilespmem:s17], [sflag:$0x2] =	stream.linear.gather [hbm4b:s5+s2], $0x380, $0x38;
	[tilespmem:$0x19700] =	vst v63  }
0x19d: {  	_ =	swait.ge [sflag:s18], $0x380  }
0x19e: {  	[sflag:s18] =	ssyncset.done $0x0  }
0x19f: {  	[sflag:s18] =	ssyncadd.s32 $0xFFFFFC80  }
0x1a0: {  	_ =	swait.ge [sflag:s31], $0xC800  }
0x1a1: {  	[sflag:s31] =	ssyncset.done $0x0  }
0x1a2: {  	[sflag:s31] =	ssyncadd.s32 $0xFFFF3800  }
0x1a3: {  	[tilespmem:s19], [sflag:$0x4] =	stream.indirect.gather [hbm4b:s3+s11], $0x40, s17, s11, $0xb8;
	[tilespmem:$0x19700] =	vst v63  }
0x1a4: {  	s6 =	simm.s32 $0xDB80;
	s5 =	simm.s32 $0x3B8  }
0x1a5: {  	[tilespmem:s6], [sflag:$0x4] =	stream.indirect.gather [hbm4b:s3+s11], $0x40, s5, s11, $0xb8;
	[tilespmem:$0x19700] =	vst v63  }
0x1a6: {  	s5 =	simm.s32 $0x3F0;
	s6 =	simm.s32 $0xE800  }
0x1a7: {  	[tilespmem:s6], [sflag:$0x4] =	stream.indirect.gather [hbm4b:s3+s11], $0x40, s5, s11, $0xb8;
	[tilespmem:$0x19700] =	vst v63  }
0x1a8: {  	s5 =	simm.s32 $0x428;
	s6 =	simm.s32 $0xF480  }
0x1a9: {  	[tilespmem:s6], [sflag:$0x4] =	stream.indirect.gather [hbm4b:s3+s11], $0x40, s5, s11, $0xb8;
	[tilespmem:$0x19700] =	vst v63  }
0x1aa: {  	s5 =	simm.s32 $0x460;
	s6 =	simm.s32 $0x10100  }
0x1ab: {  	[tilespmem:s6], [sflag:$0x4] =	stream.indirect.gather [hbm4b:s3+s11], $0x40, s5, s11, $0xb8;
	[tilespmem:$0x19700] =	vst v63  }
0x1ac: {  	s5 =	simm.s32 $0x498;
	s6 =	simm.s32 $0x10D80  }
0x1ad: {  	[tilespmem:s6], [sflag:$0x4] =	stream.indirect.gather [hbm4b:s3+s11], $0x40, s5, s11, $0xb8;
	[tilespmem:$0x19700] =	vst v63  }
0x1ae: {  	s5 =	simm.s32 $0x4D0;
	s6 =	simm.s32 $0x11A00  }
0x1af: {  	[tilespmem:s6], [sflag:$0x4] =	stream.indirect.gather [hbm4b:s3+s11], $0x40, s5, s11, $0xb8;
	[tilespmem:$0x19700] =	vst v63  }
0x1b0: {  	s5 =	simm.s32 $0x508;
	s6 =	simm.s32 $0x12680  }
0x1b1: {  	[tilespmem:s6], [sflag:$0x4] =	stream.indirect.gather [hbm4b:s3+s11], $0x40, s5, s11, $0xb8;
	[tilespmem:$0x19700] =	vst v63  }
0x1b2: {  	s5 =	simm.s32 $0x540;
	s6 =	simm.s32 $0x13300  }
0x1b3: {  	[tilespmem:s6], [sflag:$0x4] =	stream.indirect.gather [hbm4b:s3+s11], $0x40, s5, s11, $0xb8;
	[tilespmem:$0x19700] =	vst v63  }
0x1b4: {  	s5 =	simm.s32 $0x578;
	s6 =	simm.s32 $0x13F80  }
0x1b5: {  	[tilespmem:s6], [sflag:$0x4] =	stream.indirect.gather [hbm4b:s3+s11], $0x40, s5, s11, $0xb8;
	[tilespmem:$0x19700] =	vst v63  }
0x1b6: {  	s5 =	simm.s32 $0x5B0;
	s6 =	simm.s32 $0x14C00  }
0x1b7: {  	[tilespmem:s6], [sflag:$0x4] =	stream.indirect.gather [hbm4b:s3+s11], $0x40, s5, s11, $0xb8;
	[tilespmem:$0x19700] =	vst v63  }
0x1b8: {  	s5 =	simm.s32 $0x5E8;
	s6 =	simm.s32 $0x15880  }
0x1b9: {  	[tilespmem:s6], [sflag:$0x4] =	stream.indirect.gather [hbm4b:s3+s11], $0x40, s5, s11, $0xb8;
	[tilespmem:$0x19700] =	vst v63  }
0x1ba: {  	p0 =	sne.s32 s1, $0xC40;
	s5 =	simm.s32 $0x620;
	s6 =	simm.s32 $0x16500  }
0x1bb: {  	[tilespmem:s6], [sflag:$0x4] =	stream.indirect.gather [hbm4b:s3+s11], $0x40, s5, s11, $0xb8;
	[tilespmem:$0x19700] =	vst v63  }
.Ltmp0:
0x1bc: {  	_ = 	snop;
	(pc) =	sbr.rel @p0 .LBB2_2-.Ltmp0, $4  }
0x1bd: {  	s1 =	sadd.s32 $0xE0, s1;
	s5 =	simm.s32 $0x658;
	s6 =	simm.s32 $0x17180  }
0x1be: {  	[tilespmem:s6], [sflag:$0x4] =	stream.indirect.gather [hbm4b:s3+s11], $0x40, s5, s11, $0xb8;
	[tilespmem:$0x19700] =	vst v63  }
0x1bf: {  	s8 =	simm.s32 $0x700;
	s5 =	simm.s32 $0x690;
	s6 =	simm.s32 $0x17E00  }
0x1c0: {  	[tilespmem:s6], [sflag:$0x4] =	stream.indirect.gather [hbm4b:s3+s11], $0x40, s5, s11, $0xb8;
	[tilespmem:$0x19700] =	vst v63  }
0x1c1: {  	s0 =	simm.s32 $0x6C8;
	s1 =	simm.s32 $0x18A80  }
0x1c2: {  	[tilespmem:s1], [sflag:$0x4] =	stream.indirect.gather [hbm4b:s3+s11], $0x40, s0, s11, $0xb8;
	[tilespmem:$0x19700] =	vst v63  }
0x1c3: {  	_ =	swait.ge [sflag:s28], $0xC80  }
0x1c4: {  	[sflag:s28] =	ssyncset.done $0x0  }
0x1c5: {  	[sflag:s28] =	ssyncadd.s32 $0xFFFFF380  }
0x1c6: {  	_ =	swait.ge [sflag:s28], $0xC80  }
0x1c7: {  	[sflag:s28] =	ssyncset.done $0x0  }
0x1c8: {  	[sflag:s28] =	ssyncadd.s32 $0xFFFFF380  }
0x1c9: {  	_ =	swait.ge [sflag:s28], $0xC80  }
0x1ca: {  	[sflag:s28] =	ssyncset.done $0x0  }
0x1cb: {  	[sflag:s28] =	ssyncadd.s32 $0xFFFFF380  }
0x1cc: {  	_ =	swait.ge [sflag:s28], $0xC80  }
0x1cd: {  	[sflag:s28] =	ssyncset.done $0x0  }
0x1ce: {  	[sflag:s28] =	ssyncadd.s32 $0xFFFFF380  }
0x1cf: {  	_ =	swait.ge [sflag:s28], $0xC80  }
0x1d0: {  	[sflag:s28] =	ssyncset.done $0x0  }
0x1d1: {  	[sflag:s28] =	ssyncadd.s32 $0xFFFFF380  }
0x1d2: {  	_ =	swait.ge [sflag:s28], $0xC80  }
0x1d3: {  	[sflag:s28] =	ssyncset.done $0x0  }
0x1d4: {  	[sflag:s28] =	ssyncadd.s32 $0xFFFFF380  }
0x1d5: {  	_ =	swait.ge [sflag:s28], $0xC80  }
0x1d6: {  	[sflag:s28] =	ssyncset.done $0x0  }
0x1d7: {  	[sflag:s28] =	ssyncadd.s32 $0xFFFFF380  }
0x1d8: {  	_ =	swait.ge [sflag:s28], $0xC80  }
0x1d9: {  	[sflag:s28] =	ssyncset.done $0x0  }
0x1da: {  	[sflag:s28] =	ssyncadd.s32 $0xFFFFF380  }
0x1db: {  	_ =	swait.ge [sflag:s28], $0xC80  }
0x1dc: {  	[sflag:s28] =	ssyncset.done $0x0  }
0x1dd: {  	[sflag:s28] =	ssyncadd.s32 $0xFFFFF380  }
0x1de: {  	_ =	swait.ge [sflag:s28], $0xC80  }
0x1df: {  	[sflag:s28] =	ssyncset.done $0x0  }
0x1e0: {  	[sflag:s28] =	ssyncadd.s32 $0xFFFFF380  }
0x1e1: {  	_ =	swait.ge [sflag:s28], $0xC80  }
0x1e2: {  	[sflag:s28] =	ssyncset.done $0x0  }
0x1e3: {  	[sflag:s28] =	ssyncadd.s32 $0xFFFFF380  }
0x1e4: {  	_ =	swait.ge [sflag:s28], $0xC80  }
0x1e5: {  	[sflag:s28] =	ssyncset.done $0x0  }
0x1e6: {  	[sflag:s28] =	ssyncadd.s32 $0xFFFFF380  }
0x1e7: {  	_ =	swait.ge [sflag:s28], $0xC80  }
0x1e8: {  	[sflag:s28] =	ssyncset.done $0x0  }
0x1e9: {  	[sflag:s28] =	ssyncadd.s32 $0xFFFFF380  }
0x1ea: {  	_ =	swait.ge [sflag:s28], $0xC80  }
0x1eb: {  	[sflag:s28] =	ssyncset.done $0x0  }
0x1ec: {  	[sflag:s28] =	ssyncadd.s32 $0xFFFFF380  }
0x1ed: {  	_ =	swait.ge [sflag:s28], $0xC80  }
0x1ee: {  	[sflag:s28] =	ssyncset.done $0x0  }
0x1ef: {  	[sflag:s28] =	ssyncadd.s32 $0xFFFFF380  }
0x1f0: {  	_ =	swait.ge [sflag:s28], $0xC80  }
0x1f1: {  	[sflag:s28] =	ssyncset.done $0x0  }
0x1f2: {  	s23 =	rddreg [dreg:$0x6];
	[sflag:s28] =	ssyncadd.s32 $0xFFFFF380  }
0x1f3: {  	[hbm4b:s23+s2] =	stream.linear.scatter [tilespmem:s8], [sflag:$0x5], $0xC800, $0x38;
	[tilespmem:$0x19700] =	vst v63  }
0x1f4: {  	_ =	swait.ge [sflag:s29], $0xC800  }
0x1f5: {  	[sflag:s29] =	ssyncset.done $0x0  }
0x1f6: {  	[sflag:s29] =	ssyncadd.s32 $0xFFFF3800  }
0x1f7: {  	_ =	swait.ge [sflag:s30], $0xC80  }
0x1f8: {  	[sflag:s30] =	ssyncset.done $0x0  }
0x1f9: {  	[sflag:s30] =	ssyncadd.s32 $0xFFFFF380  }
0x1fa: {  	_ =	swait.ge [sflag:s30], $0xC80  }
0x1fb: {  	[sflag:s30] =	ssyncset.done $0x0  }
0x1fc: {  	[sflag:s30] =	ssyncadd.s32 $0xFFFFF380  }
0x1fd: {  	_ =	swait.ge [sflag:s30], $0xC80  }
0x1fe: {  	[sflag:s30] =	ssyncset.done $0x0  }
0x1ff: {  	[sflag:s30] =	ssyncadd.s32 $0xFFFFF380  }
0x200: {  	_ =	swait.ge [sflag:s30], $0xC80  }
0x201: {  	[sflag:s30] =	ssyncset.done $0x0  }
0x202: {  	[sflag:s30] =	ssyncadd.s32 $0xFFFFF380  }
0x203: {  	_ =	swait.ge [sflag:s30], $0xC80  }
0x204: {  	[sflag:s30] =	ssyncset.done $0x0  }
0x205: {  	[sflag:s30] =	ssyncadd.s32 $0xFFFFF380  }
0x206: {  	_ =	swait.ge [sflag:s30], $0xC80  }
0x207: {  	[sflag:s30] =	ssyncset.done $0x0  }
0x208: {  	[sflag:s30] =	ssyncadd.s32 $0xFFFFF380  }
0x209: {  	_ =	swait.ge [sflag:s30], $0xC80  }
0x20a: {  	[sflag:s30] =	ssyncset.done $0x0  }
0x20b: {  	[sflag:s30] =	ssyncadd.s32 $0xFFFFF380  }
0x20c: {  	_ =	swait.ge [sflag:s30], $0xC80  }
0x20d: {  	[sflag:s30] =	ssyncset.done $0x0  }
0x20e: {  	[sflag:s30] =	ssyncadd.s32 $0xFFFFF380  }
0x20f: {  	_ =	swait.ge [sflag:s30], $0xC80  }
0x210: {  	[sflag:s30] =	ssyncset.done $0x0  }
0x211: {  	[sflag:s30] =	ssyncadd.s32 $0xFFFFF380  }
0x212: {  	_ =	swait.ge [sflag:s30], $0xC80  }
0x213: {  	[sflag:s30] =	ssyncset.done $0x0  }
0x214: {  	[sflag:s30] =	ssyncadd.s32 $0xFFFFF380  }
0x215: {  	_ =	swait.ge [sflag:s30], $0xC80  }
0x216: {  	[sflag:s30] =	ssyncset.done $0x0  }
0x217: {  	[sflag:s30] =	ssyncadd.s32 $0xFFFFF380  }
0x218: {  	_ =	swait.ge [sflag:s30], $0xC80  }
0x219: {  	[sflag:s30] =	ssyncset.done $0x0  }
0x21a: {  	[sflag:s30] =	ssyncadd.s32 $0xFFFFF380  }
0x21b: {  	_ =	swait.ge [sflag:s30], $0xC80  }
0x21c: {  	[sflag:s30] =	ssyncset.done $0x0  }
0x21d: {  	[sflag:s30] =	ssyncadd.s32 $0xFFFFF380  }
0x21e: {  	_ =	swait.ge [sflag:s30], $0xC80  }
0x21f: {  	[sflag:s30] =	ssyncset.done $0x0  }
0x220: {  	[sflag:s30] =	ssyncadd.s32 $0xFFFFF380  }
0x221: {  	_ =	swait.ge [sflag:s30], $0xC80  }
0x222: {  	[sflag:s30] =	ssyncset.done $0x0  }
0x223: {  	[sflag:s30] =	ssyncadd.s32 $0xFFFFF380  }
0x224: {  	_ =	swait.ge [sflag:s30], $0xC80  }
0x225: {  	[sflag:s30] =	ssyncset.done $0x0  }
0x226: {  	s24 =	rddreg [dreg:$0x7];
	[sflag:s30] =	ssyncadd.s32 $0xFFFFF380  }
0x227: {  	[hbm4b:s24+s2] =	stream.linear.scatter [tilespmem:s19], [sflag:$0x6], $0xC800, $0x38;
	[tilespmem:$0x19700] =	vst v63  }
0x228: {  	s6 =	simm.s32 $0x38;
	_ =	swait.ge [sflag:s31], $0xC800  }
0x229: {  	s7 =	simm.s32 $0x1380;
	s4 =	simm.s32 $0x70;
	s26 =	rddreg [dreg:$0xa]  }
0x22a: {  	s9 =	simm.s32 $0xA8;
	s25 =	rddreg [dreg:$0x8];
	s26 =	sadd.s32 $0x1, s26  }
0x22b: {  	s13 =	simm.s32 $0x2C80;
	s14 =	simm.s32 $0xE0;
	p0 =	sne.s32 s26, s25  }
.Ltmp1:
0x22c: {  	s15 =	simm.s32 $0x3900;
	s16 =	simm.s32 $0x118;
	(pc) =	sbr.rel @p0 .LBB2_1-.Ltmp1, $4  }
0x22d: {  	s20 =	simm.s32 $0x4580;
	s21 =	simm.s32 $0x150;
	s22 =	simm.s32 $0x5200  }
0x22e: {  	s12 =	simm.s32 $0x6B00;
	s5 =	simm.s32 $0x7780;
	s1 =	simm.s32 $0x1F8  }
0x22f: {  	s8 =	simm.s32 $0x2000;
	s23 =	simm.s32 $0x188;
	[sflag:s31] =	ssyncset.done $0x0  }
0x230: {  	s24 =	simm.s32 $0x5E80;
	[sflag:s31] =	ssyncadd.s32 $0xFFFF3800;
	s25 =	simm.s32 $0x1C0  }
0x231: {  	_ =	sfence.sel $0x180000  }
0x232: {  	[bflag:$0x0] =	sbarrier.arrive $0xFFFF  }
0x233: {  	_ =	strace $0x9000004A  }
0x234: {  	s0 =	stileid.u32;
	[bflag:$0x2] =	sbarrier.arrive $0xFFFF  }
0x235: {  	p0 =	sne.s32 s0, $0x0;
	s0 =	rddreg [dreg:$0x2]  }
0x236: {  	s0 =	sadd.s32 @!p0 $0x100000, s0  }
0x237: {  	[sflag:s0] =	ssyncadd.tile.s32 @!p0 $0x1;
	_ =	shalt  }
.Lfunc_end2:
_tile_overlayer_lowered:
.L_overlay_start_2:
0x238: {  	(tag) =	ssettag $0x2  }
0x239: {  	s0 =	rddreg [dreg:$0x0];
	s2 =	stileid.u32  }
0x23a: {  	s1 =	rddreg [dreg:$0x1];
	p0 =	sne.s32 s2, $0x0  }
0x23b: {  	s3 =	rddreg [dreg:$0x2];
	[bflag:$0x3] =	sbarrier.arrive $0xFFFF;
	s2 =	simm.s32 @!p0 $0x1C07  }
0x23c: {  	[timem:s3], [sflag:s2] =	dma.local @!p0 [hbm:s0], s1  }
0x23d: {  	s0 =	simm.s32 @!p0 $0x7  }
0x23e: {  	_ =	swait.ge @!p0 [sflag:s0], s1  }
0x23f: {  	s1 =	ssub.s32 @!p0 $0x0, s1;
	[sflag:s0] =	ssyncset.done @!p0 $0x0  }
0x240: {  	[sflag:s0] =	ssyncadd.s32 @!p0 s1  }
0x241: {  	[bflag:$0x3] =	sbarrier.arrive $0xFFFF  }
0x242: {  	_ =	shalt  }

// kernel: sparse-core-data-format-call.cloned.1.call-start
scs
called_computation_lowered:
.L_overlay_start_0:
0x0: {  	s2 =	sld [smem:$0x3FD9]  }
0x1: {  	s3 =	sld [smem:$0x3FFE];
	_ =	sdelay $0x1  }
0x2: {  	s1 =	srdreg.scid  }
0x3: {  	s0 =	sand.u32 $0x1, s1  }
0x4: {  	s18 =	sshll.u32 s0, $0xA;
	s2 =	sadd.s32 s3, s2  }
0x5: {  	s2 =	sadd.s32 s2, s18  }
0x6: {  	[smem:$0x3FC6] =	sst s2  }
0x7: {  	_ = 	snop  }
0x8: {  	s2 =	sld [smem:$0x3FD0];
	(tm) =	ssettm $0x1  }
0x9: {  	s19 =	sld [smem:$0x3FFB];
	_ =	sdelay $0x3  }
0xa: {  	_ =	strace s19  }
0xb: {  	s3 =	sld [smem:$0x3FFC];
	_ =	sdelay $0x3  }
0xc: {  	_ =	strace s3  }
0xd: {  	s3 =	sld [smem:$0x3FFD];
	_ =	sdelay $0x3  }
0xe: {  	_ =	strace s3  }
0xf: {  	_ =	strace $0x8FFFFFFF  }
0x10: {  	s20 =	sld [smem:$0x3FDB];
	_ =	sdelay $0x1  }
0x11: {  	s4 =	simm.s32 $_scs_section_size  }
0x12: {  	s5 =	simm.s32 $_size__tile_overlayer_lowered;
	s6 =	simm.s32 $_tile_overlayer_lowered  }
0x13: {  	s23 =	simm.s32 $0x1BFF;
	s22 =	sshll.u32 s6, $0x1;
	s3 =	sadd.s32 s4, s20  }
0x14: {  	s7 =	simm.s32 $0x0;
	s21 =	sshll.u32 s5, $0x1;
	s5 =	sadd.s32 s22, s3  }
0x15: {  	[timem:s7], [sflag:s23] =	dma.local [hbm:s5], s21  }
0x16: {  	_ =	swait.ge [sflag:s23], s21  }
0x17: {  	s4 =	ssub.s32 $0x0, s21;
	[sflag:s23] =	ssyncset.done $0x0  }
0x18: {  	[sflag:s23] =	ssyncadd.s32 s4;
	_ =	sdelay $0x1  }
0x19: {  	s24 =	simm.s32 $0x1B8B  }
0x1a: {  	_ =	swait.ge [sflag:s24], $0x1  }
0x1b: {  	[sflag:s24] =	ssyncset.done $0x0  }
0x1c: {  	s26 =	simm.s32 $0x1B8E;
	s25 =	sld [smem:$0x3FFE];
	[sflag:s24] =	ssyncadd.s32 $0xFFFFFFFF  }
0x1d: {  	s27 =	simm.s32 $execute0_lowered;
	[smem:$0x3FD2] =	sst s26  }
0x1e: {  	s5 =	sshll.u32 s27, $0x1;
	_ =	strace $0x8000004C;
	[dreg:$0x1] =	wrdreg $0xFFFFFFFF  }
0x1f: {  	s28 =	simm.s32 $_size_execute0_lowered;
	s3 =	sadd.s32 s3, s5;
	[dreg:$0x0] =	wrdreg $0x0  }
0x20: {  	s5 =	sshll.u32 s28, $0x1;
	[dreg:$0x2] =	wrdreg s3  }
0x21: {  	[dreg:$0x3] =	wrdreg s5  }
0x22: {  	[dreg:$0x4] =	wrdreg $0xC0  }
0x23: {  	_ =	task [dreg:s7], $0x5FFFF  }
0x24: {  	[dreg:$0x1] =	wrdreg $0xFFFFFFFF  }
0x25: {  	[dreg:$0x0] =	wrdreg $0x60  }
0x26: {  	[dreg:$0x2] =	wrdreg s25  }
0x27: {  	[dreg:$0x3] =	wrdreg s2  }
0x28: {  	[dreg:$0x4] =	wrdreg $0x9  }
0x29: {  	_ =	task.clear_ibuf [dreg:s7], $0x5FFFF;
	_ =	strace $0x9000004C  }
0x2a: {  	s29 =	simm.s32 $0x9;
	_ =	strace $0x8000004E  }
0x2b: {  	_ =	swait.ge [sflag:s29], $0x1  }
0x2c: {  	[sflag:s29] =	ssyncadd.s32 $0xFFFFFFFF  }
0x2d: {  	_ =	strace $0x9000004E  }
0x2e: {  	_ =	sfence  }
0x2f: {  	s30 =	sld [smem:$0x0];
	_ =	sdelay $0x2  }
0x30: {  	s31 =	sshll.u32 s1, $0xD;
	s1 =	sshrl.u32 s1, $0x2  }
0x31: {  	s3 =	sand.u32 $0x4000, s31;
	s1 =	sadd.s32 s1, s30  }
0x32: {  	s0 =	sor.u32 s3, s0;
	s1 =	sshll.u32 s1, $0x11  }
0x33: {  	s0 =	sor.u32 s1, s0  }
0x34: {  	s0 =	sadd.s32 $0x8F2B, s0  }
0x35: {  	[sflag:s0] =	ssyncadd.remote.s32 $0x1  }
0x36: {  	_ =	sfence.sel $0xFFFF  }
0x37: {  	[dreg:$0x0] =	wrdreg $0xFFFFFFFF;
	(pc) =	sbr.abs _section_cstart, $3  }
0x38: {  	[dreg:$0x1] =	wrdreg $0xFFFFFFFF  }
0x39: {  	_ =	task.clear_ibuf [dreg:s7], $0x2FFFF;
	_ =	strace $0x9FFFFFFF  }
0x3a: {  	(tm) =	ssettm $0x7FFFFFFF  }
0x3b: {  	_ =	shalt  }
tec
execute0_lowered:
.L_overlay_start_1:
0x0: {  	(tag) =	ssettag $0x1  }
0x1: {  	s0 =	srdreg.scid  }
0x2: {  	s1 =	sshll.u32 s0, $0x4  }
0x3: {  	s0 =	stileid.u32;
	s1 =	sand.u32 $0x10, s1  }
0x4: {  	s1 =	sor.u32 s0, s1  }
0x5: {  	s6 =	rddreg [dreg:$0x0];
	s4 =	simm.s32 $0x1;
	s2 =	sshll.u32 s1, $0x7  }
0x6: {  	s7 =	simm.s32 $0x2;
	s12 =	simm.s32 $0x0;
	s1 =	ssub.s32 $0x4000, s2  }
0x7: {  	s8 =	simm.s32 $0x20000;
	s13 =	simm.s32 $0x0;
	s3 =	sand.u32 $0xF80, s1  }
0x8: {  	s9 =	simm.s32 $0x0;
	s5 =	sshrl.u32 s1, $0xC;
	p0 =	sne.s32 s3, $0x0  }
.Ltmp0:
0x9: {  	s1 =	rddreg [dreg:$0x2];
	s4 =	simm.s32 @!p0 $0x0;
	(pc) =	sbr.rel .LBB1_1-.Ltmp0, $4  }
0xa: {  	s11 =	simm.s32 $0x0;
	s3 =	rddreg [dreg:$0x1];
	s5 =	sadd.s32 s4, s5  }
0xb: {  	_ =	strace $0x8000004D;
	s4 =	simm.s32 $0x1;
	s5 =	smul.u32 $0x32, s5  }
0xc: {  	s6 =	sadd.s32 $0xE00, s6;
	s10 =	smov.u32 s2;
	[sflag:s4] =	ssyncpa.u1 $0x0  }
0xd: {  	p0 =	por $0x0, $0x0;
	[sflag:s7] =	ssyncpa.u1 $0x0;
	s7 =	sor.u32 $0x1, s5  }
.LBB1_4:
0xe: {  	s16 =	sshll.u32 s13, $0x3;
	s17 =	sand.u32 $0x78, s13  }
0xf: {  	s30 =	sand.u32 $0x1F800, s13;
	s12 =	sshll.u32 s12, $0x11;
	s16 =	sand.u32 $0x3C00, s16  }
0x10: {  	[tilespmem:s15+$0x810 ss:$0x81] =	vst.msk $0xffff, v2;
	s31 =	sand.u32 $0x7, s13;
	s16 =	sor.u32 s17, s16;
	s17 =	sadd.s32 s3, s30  }
0x11: {  	[tilespmem:s15+$0x1020 ss:$0x81] =	vst.msk $0xffff, v0;
	s13 =	sshll.u32 s31, $0x12;
	s12 =	sadd.s32 s12, s17;
	s16 =	sshrl.u32 s16, $0x3  }
0x12: {  	[tilespmem:s15+$0x0 ss:$0x81] =	vst.msk $0xffff, v1;
	s13 =	sor.u32 $0x400, s13;
	s12 =	sadd.s32 s16, s12  }
0x13: {  	[hbm4b:s12+s13] =	stream.strided.scatter [tilespmem:s14], [sflag:$0x2], $0x2000, s8, s13, $0x20;
	[tilespmem:$0x8080] =	vst v63  }
.LBB1_5:
0x14: {  	s14 =	sadd.s32 $0x1, s9  }
0x15: {  	s12 =	sadd.s32 $0x1000, s10;
	s16 =	smov.u32 s10;
	p2 =	sgt.s32 s14, $0x31  }
0x16: {  	s16 =	smov.u32 @p2 s12  }
0x17: {  	s14 =	simm.s32 @p2 $0x0;
	p2 =	sgt.s32 s16, $0x3FFF  }
0x18: {  	s16 =	smov.u32 @p2 s2;
	p2 =	sne.s32 s11, s7  }
.Ltmp1:
0x19: {  	p1 =	slt.u32 s11, $0x2;
	(pc) =	sbr.rel @!p2 .LBB1_6-.Ltmp1, $4  }
0x1a: {  	s15 =	simm.s32 @!p1 $0x2  }
0x1b: {  	s13 =	smov.u32 s10;
	p0 =	por !p0, !p0;
	_ =	swait.ge @!p1 [sflag:s15], $0x2000  }
0x1c: {  	s12 =	smov.u32 s9;
	[sflag:s15] =	ssyncset.done @!p1 $0x0;
	s9 =	smov.u32 s14  }
0x1d: {  	s11 =	sadd.s32 $0x1, s11;
	[sflag:s15] =	ssyncadd.s32 @!p1 $0xFFFFE000;
	s10 =	smov.u32 s16  }
.LBB1_1:
0x1e: {  	p1 =	sge.u32 s11, s5  }
0x1f: {  	s14 =	sand.u32 @!p1 $0x1FFFFFF, s9  }
0x20: {  	s15 =	smulhi.u32 @!p1 $0x4924925, s14;
	_ =	sdelay $0x1  }
0x21: {  	s15 =	smul.u32 @!p1 $0x38, s15  }
0x22: {  	s16 =	sxor.u32 @!p1 $0xFFFFFFFF, s11;
	s17 =	smul.u32 @!p1 $0x380, s10  }
0x23: {  	s31 =	sadd.s32 $0xFFFFFFFF, s11;
	s16 =	sshll.u32 @!p1 s16, $0xD;
	s14 =	ssub.s32 @!p1 s14, s15  }
0x24: {  	s15 =	sand.u32 @!p1 $0x2000, s16;
	s16 =	sadd.s32 @!p1 s6, s17;
	s14 =	sshll.u32 @!p1 s14, $0x4  }
0x25: {  	s17 =	simm.s32 @!p1 $0x1C00;
	s14 =	sadd.s32 @!p1 s14, s16;
	s16 =	simm.s32 @!p1 $0x40  }
0x26: {  	[tilespmem:s15], [sflag:$0x1] =	stream.strided.gather @!p1 [hbm4b:s14+s16], $0x2000, s17, s16, $0x38;
	[tilespmem:$0x8080] =	vst v63  }
0x27: {  	p1 =	sge.u32 s31, s5  }
.Ltmp2:
0x28: {  	_ = 	snop;
	(pc) =	sbr.rel @p1 .LBB1_5-.Ltmp2, $1  }
0x29: {  	_ =	sdelay $0x3  }
0x2a: {  	s14 =	simm.s32 $0x1  }
0x2b: {  	_ =	swait.ge [sflag:s4], $0x2000;
	s14 =	simm.s32 @!p0 $0x0  }
0x2c: {  	[sflag:s4] =	ssyncset.done $0x0;
	s15 =	sshll.u32 s14, $0xD  }
0x2d: {  	[sflag:s4] =	ssyncadd.s32 $0xFFFFE000;
	s18 =	sor.u32 $0x20, s15  }
0x2e: {  	s14 =	smul.u32 $0x8100, s14;
	v3 =	vld [tilespmem:s18+$0x10]  }
0x2f: {  	s30 =	sand.u32 $0x1, s11;
	v2 =	vld [tilespmem:s18+$0xFFFFFFF0]  }
0x30: {  	s15 =	smul.u32 $0x8100, s30;
	s14 =	sshrl.u32 s14, $0x2;
	v0 =	vld [tilespmem:s18+$0x0]  }
0x31: {  	v1 =	vld [tilespmem:s18+$0xFFFFFFE0];
	s16 =	sor.u32 $0x4000, s14  }
0x32: {  	s31 =	sshrl.u32 s15, $0x2;
	s15 =	sadd.s32 $0x0, s16  }
0x33: {  	s17 =	simm.s32 $0x4;
	s18 =	sadd.s32 $0x40, s18;
	s14 =	sor.u32 $0x4000, s31;
	[tilespmem:s15+$0x1830 ss:$0x81] =	vst.msk $0xffff, v3  }
.LBB1_3:
0x34: {  	v3 =	vld [tilespmem:s18+$0x10];
	p1 =	sne.s32 s17, $0x1FC;
	[tilespmem:s15+$0x810 ss:$0x81] =	vst.msk $0xffff, v2;
	s19 =	smov.u32 s17;
	s17 =	sadd.s32 $0x4, s17  }
.Ltmp3:
0x35: {  	v2 =	vld [tilespmem:s18+$0xFFFFFFF0];
	[tilespmem:s15+$0x1020 ss:$0x81] =	vst.msk $0xffff, v0;
	(pc) =	sbr.rel @p1 .LBB1_3-.Ltmp3, $4  }
0x36: {  	v0 =	vld [tilespmem:s18+$0x0];
	[tilespmem:s15+$0x0 ss:$0x81] =	vst.msk $0xffff, v1  }
0x37: {  	s15 =	sshra.s32 s19, $0x2;
	v1 =	vld [tilespmem:s18+$0xFFFFFFE0]  }
0x38: {  	s15 =	sadd.s32 s15, s16  }
0x39: {  	s18 =	sadd.s32 $0x40, s18;
	[tilespmem:s15+$0x1830 ss:$0x81] =	vst.msk $0xffff, v3  }
.Ltmp4:
0x3a: {  	_ = 	snop;
	(pc) =	sbr.rel .LBB1_4-.Ltmp4, $1  }
0x3b: {  	_ =	sdelay $0x3  }
.LBB1_6:
0x3c: {  	_ =	sfence.sel $0x180000  }
0x3d: {  	s2 =	simm.s32 $0x1;
	[bflag:$0x0] =	sbarrier.arrive $0xFFFF  }
0x3e: {  	s31 =	simm.s32 $0x2;
	[sflag:s2] =	ssyncpa.u1 $0x1  }
0x3f: {  	[sflag:s31] =	ssyncpa.u1 $0x1  }
0x40: {  	p0 =	sne.s32 s0, $0x0;
	_ =	strace $0x9000004D  }
0x41: {  	s0 =	sadd.s32 @!p0 $0x100000, s1;
	[bflag:$0x2] =	sbarrier.arrive $0xFFFF  }
0x42: {  	[sflag:s0] =	ssyncadd.tile.s32 @!p0 $0x1;
	_ =	shalt  }
.Lfunc_end1:
_tile_overlayer_lowered:
.L_overlay_start_2:
0x43: {  	(tag) =	ssettag $0x2  }
0x44: {  	s0 =	rddreg [dreg:$0x0];
	s2 =	stileid.u32  }
0x45: {  	s1 =	rddreg [dreg:$0x1];
	p0 =	sne.s32 s2, $0x0  }
0x46: {  	s3 =	rddreg [dreg:$0x2];
	[bflag:$0x3] =	sbarrier.arrive $0xFFFF;
	s2 =	simm.s32 @!p0 $0x1C01  }
0x47: {  	[timem:s3], [sflag:s2] =	dma.local @!p0 [hbm:s0], s1  }
0x48: {  	s0 =	simm.s32 @!p0 $0x1  }
0x49: {  	_ =	swait.ge @!p0 [sflag:s0], s1  }
0x4a: {  	s1 =	ssub.s32 @!p0 $0x0, s1;
	[sflag:s0] =	ssyncset.done @!p0 $0x0  }
0x4b: {  	[sflag:s0] =	ssyncadd.s32 @!p0 s1  }
0x4c: {  	[bflag:$0x3] =	sbarrier.arrive $0xFFFF  }
0x4d: {  	_ =	shalt  }

</sc_bundles>
